<compile_context>
chip_gen: v7x
topology: tpu7x:2x2x1
jax: 0.10.2.dev20260603
libtpu: 0.0.44.dev20260713+nightly
codegen_flags: <defaults>
</compile_context>

<pallas_src>
import functools
import math

import jax
import jax.numpy as jnp
from jax import lax
from jax.experimental import pallas as pl
from jax.experimental.pallas import tpu as pltpu
from jax.experimental.pallas import tpu_sc as plsc

NC = 2
NS = 16
NW = NC * NS
BLK = 128

f32 = jnp.float32
i32 = jnp.int32


def _mesh():
    return plsc.VectorSubcoreMesh(
        core_axis_name="c", subcore_axis_name="s", num_cores=NC, num_subcores=NS
    )


_SC_PARAMS = pltpu.CompilerParams(use_tc_tiling_on_sc=False)


def _make_hist(n_pad, nbf, nb0):
    rpt = n_pad // NS
    nb1 = nbf - nb0

    @functools.partial(
        pl.kernel,
        out_type=[
            jax.ShapeDtypeStruct((NC, n_pad, 16), f32),
            jax.ShapeDtypeStruct((NC, n_pad, 16), f32),
        ],
        mesh=_mesh(),
        scratch_types=[
            pltpu.VMEM((max(nb0, nbf - nb0), BLK), i32),
            pltpu.VMEM((max(nb0, nbf - nb0), BLK), i32),
            pltpu.VMEM((BLK, 16), f32),
            pltpu.VMEM_SHARED((n_pad, 16), f32),
            pltpu.VMEM_SHARED((n_pad, 16), f32),
            pltpu.SemaphoreType.DMA,
            pltpu.SemaphoreType.DMA,
        ],
        compiler_params=_SC_PARAMS,
    )
    def hist(src_hbm, dst_hbm, ones_hbm, zeros_hbm, hs_hbm, hd_hbm,
             src_v, dst_v, ones_v, acc_s, acc_d, sem_s, sem_d):
        cid = lax.axis_index("c")
        sid = lax.axis_index("s")
        base = sid * rpt
        c0 = cid == 0

        def _idx_copies(lo, cnt):
            return (
                pltpu.make_async_copy(src_hbm.at[sid, pl.ds(lo, cnt)],
                                      src_v.at[pl.ds(0, cnt)], sem_s),
                pltpu.make_async_copy(dst_hbm.at[sid, pl.ds(lo, cnt)],
                                      dst_v.at[pl.ds(0, cnt)], sem_d),
            )

        @pl.when(c0)
        def _():
            for cp in _idx_copies(0, nb0):
                cp.start()

        @pl.when(jnp.logical_not(c0))
        def _():
            for cp in _idx_copies(nb0, nb1):
                cp.start()

        pltpu.sync_copy(ones_hbm, ones_v)
        pltpu.sync_copy(zeros_hbm, acc_s.at[pl.ds(base, rpt)])
        pltpu.sync_copy(zeros_hbm, acc_d.at[pl.ds(base, rpt)])

        @pl.when(c0)
        def _():
            for cp in _idx_copies(0, nb0):
                cp.wait()

        @pl.when(jnp.logical_not(c0))
        def _():
            for cp in _idx_copies(nb0, nb1):
                cp.wait()

        plsc.subcore_barrier()
        count = jnp.where(c0, nb0, nb1)

        @pl.loop(0, count)
        def _(blk):
            pltpu.async_copy(ones_v, acc_s.at[src_v.at[blk]], sem_s, add=True)
            pltpu.async_copy(ones_v, acc_d.at[dst_v.at[blk]], sem_d, add=True)
            pltpu.make_async_copy(ones_v, acc_s.at[src_v.at[blk]], sem_s).wait()
            pltpu.make_async_copy(ones_v, acc_d.at[dst_v.at[blk]], sem_d).wait()

        plsc.subcore_barrier()
        pltpu.sync_copy(acc_s.at[pl.ds(base, rpt)], hs_hbm.at[cid, pl.ds(base, rpt)])
        pltpu.sync_copy(acc_d.at[pl.ds(base, rpt)], hd_hbm.at[cid, pl.ds(base, rpt)])

    return hist


NBUF = 4


def _ring_loop(start, count, tbl_hbm, src_v, dst_v, rows_v, acc, sems, nbuf):
    for j in range(nbuf):
        pltpu.async_copy(tbl_hbm.at[src_v.at[start + j]], rows_v.at[j], sems[j])

    @pl.loop(0, count, step=nbuf)
    def _(b):
        for j in range(nbuf):
            blk = start + b + j
            pltpu.make_async_copy(
                tbl_hbm.at[src_v.at[blk]], rows_v.at[j], sems[j]
            ).wait()
            pltpu.sync_copy(rows_v.at[j], acc.at[dst_v.at[blk]], add=True)

            @pl.when(b + j + nbuf < count)
            def _():
                pltpu.async_copy(tbl_hbm.at[src_v.at[blk + nbuf]], rows_v.at[j],
                                 sems[j])


RING = 5
LOOK = 3


def _make_agg_feat(n_pad, d, nb):
    rpt = n_pad // NS

    @functools.partial(
        pl.kernel,
        out_type=jax.ShapeDtypeStruct((NC, n_pad, d), f32),
        mesh=_mesh(),
        scratch_types=[
            pltpu.VMEM((nb, BLK), i32),
            pltpu.VMEM((nb, BLK), i32),
            pltpu.VMEM((RING, BLK, d), f32),
            pltpu.VMEM_SHARED((n_pad, d), f32),
        ] + [pltpu.SemaphoreType.DMA] * (2 * RING),
        compiler_params=_SC_PARAMS,
    )
    def agg(src_hbm, dst_hbm, tbl_hbm, zeros_hbm, out_hbm,
            src_v, dst_v, rows_v, acc, *sems):
        gsems, ssems = sems[:RING], sems[RING:]
        cid = lax.axis_index("c")
        sid = lax.axis_index("s")
        base = sid * rpt
        cp_s = pltpu.async_copy(src_hbm.at[cid, sid], src_v, gsems[0])
        cp_d = pltpu.async_copy(dst_hbm.at[sid], dst_v, gsems[1])
        pltpu.sync_copy(zeros_hbm, acc.at[pl.ds(base, rpt)])
        cp_s.wait()
        cp_d.wait()
        plsc.subcore_barrier()

        for j in range(LOOK):
            pltpu.async_copy(tbl_hbm.at[src_v.at[j]], rows_v.at[j], gsems[j])

        @pl.loop(0, nb, step=RING)
        def _(b):
            for j in range(RING):
                blk = b + j
                jj = (j + LOOK) % RING
                pltpu.make_async_copy(
                    tbl_hbm.at[src_v.at[blk]], rows_v.at[j], gsems[j]
                ).wait()
                pltpu.async_copy(rows_v.at[j], acc.at[dst_v.at[blk]],
                                 ssems[j], add=True)
                ahead = blk + LOOK

                @pl.when(ahead < nb)
                def _():
                    @pl.when(ahead >= RING)
                    def _():
                        pltpu.make_async_copy(
                            rows_v.at[jj], acc.at[dst_v.at[ahead - RING]],
                            ssems[jj],
                        ).wait()

                    pltpu.async_copy(tbl_hbm.at[src_v.at[ahead]],
                                     rows_v.at[jj], gsems[jj])

        for j in range(RING):
            pltpu.make_async_copy(
                rows_v.at[j], acc.at[dst_v.at[nb - RING + j]], ssems[j]
            ).wait()

        plsc.subcore_barrier()
        pltpu.sync_copy(acc.at[pl.ds(base, rpt)], out_hbm.at[cid, pl.ds(base, rpt)])

    return agg


def _make_agg_edge(n_pad, d, nbf, nb0, nbuf=8):
    rpt = n_pad // NS
    nb1 = nbf - nb0
    nmax = max(nb0, nb1)

    @functools.partial(
        pl.kernel,
        out_type=jax.ShapeDtypeStruct((NC, n_pad, d), f32),
        mesh=_mesh(),
        scratch_types=[
            pltpu.VMEM((nmax, BLK), i32),
            pltpu.VMEM((nmax, BLK), i32),
            pltpu.VMEM((nbuf, BLK, d), f32),
            pltpu.VMEM_SHARED((n_pad, d), f32),
        ] + [pltpu.SemaphoreType.DMA] * nbuf,
        compiler_params=_SC_PARAMS,
    )
    def agg(src_hbm, dst_hbm, tbl_hbm, zeros_hbm, out_hbm,
            src_v, dst_v, rows_v, acc, *sems):
        cid = lax.axis_index("c")
        sid = lax.axis_index("s")
        base = sid * rpt
        c0 = cid == 0

        def _idx_copies(lo, cnt):
            return (
                pltpu.make_async_copy(src_hbm.at[sid, pl.ds(lo, cnt)],
                                      src_v.at[pl.ds(0, cnt)], sems[0]),
                pltpu.make_async_copy(dst_hbm.at[sid, pl.ds(lo, cnt)],
                                      dst_v.at[pl.ds(0, cnt)], sems[1]),
            )

        @pl.when(c0)
        def _():
            for cp in _idx_copies(0, nb0):
                cp.start()

        @pl.when(jnp.logical_not(c0))
        def _():
            for cp in _idx_copies(nb0, nb1):
                cp.start()

        pltpu.sync_copy(zeros_hbm, acc.at[pl.ds(base, rpt)])

        @pl.when(c0)
        def _():
            for cp in _idx_copies(0, nb0):
                cp.wait()

        @pl.when(jnp.logical_not(c0))
        def _():
            for cp in _idx_copies(nb0, nb1):
                cp.wait()

        plsc.subcore_barrier()
        count = jnp.where(c0, nb0, nb1)
        _ring_loop(0, count, tbl_hbm, src_v, dst_v, rows_v, acc, sems, nbuf)
        plsc.subcore_barrier()
        pltpu.sync_copy(acc.at[pl.ds(base, rpt)], out_hbm.at[cid, pl.ds(base, rpt)])

    return agg


def _tc_feat(x_ref, w_ref, hs_ref, o_ref):
    hs = hs_ref[...]
    deg = 1.0 + hs[0, :, 0] + hs[1, :, 0]
    xw = jnp.dot(x_ref[...], w_ref[...][0], preferred_element_type=f32,
                 precision=lax.Precision.HIGHEST)
    o_ref[...] = xw * lax.rsqrt(deg)[:, None]


def _make_tc_mid():
    def _tc_mid(a_ref, h1a_ref, h1b_ref, hs_ref, hd_ref, b1_ref, w2_ref, o_ref):
        a = a_ref[...]
        h1 = jnp.concatenate([h1a_ref[...], h1b_ref[...]], axis=1)
        agg = jnp.concatenate([a[0], a[1]], axis=1) + h1
        hd = hd_ref[...]
        deg_in = 1.0 + hd[0, :, 0] + hd[1, :, 0]
        y = jnp.maximum(agg * lax.rsqrt(deg_in)[:, None] + b1_ref[...], 0.0)
        s = jnp.sum(y * w2_ref[...], axis=1)
        hs = hs_ref[...]
        deg_out = 1.0 + hs[0, :, 0] + hs[1, :, 0]
        h2 = s * lax.rsqrt(deg_out)
        col = lax.broadcasted_iota(i32, o_ref.shape, 1)
        o_ref[...] = jnp.where(col == 0, h2[:, None], 0.0)

    return _tc_mid


def _make_tc_out(n):
    def _tc_out(a2_ref, h2p_ref, hd_ref, b2_ref, o_ref):
        a2 = a2_ref[...]
        s = a2[0, :, 0] + a2[1, :, 0] + h2p_ref[...][:, 0]
        hd = hd_ref[...]
        deg_in = 1.0 + hd[0, :, 0] + hd[1, :, 0]
        o_ref[...] = (s * lax.rsqrt(deg_in))[:n, None] + b2_ref[...]

    return _tc_out


def kernel(in_feat, edge_index, W1, b1, W2, b2):
    n, d_in = in_feat.shape
    d_h = W1.shape[1]
    e = edge_index.shape[1]

    n_pad = pl.cdiv(n, BLK) * BLK
    unit = math.lcm(NW * NBUF * BLK, NS * RING * BLK)
    e_pad = pl.cdiv(e, unit) * unit
    trash = n_pad - 1

    nbf = e_pad // (NS * BLK)
    dh = d_h // NC

    src = edge_index[0].astype(i32)
    dst = edge_index[1].astype(i32)
    fill = jnp.full((e_pad - e,), trash, i32)
    src_f = jnp.concatenate([src, fill])
    dst_f = jnp.concatenate([dst, fill])
    src16 = src_f.reshape(NS, nbf, BLK)
    src_feat = jnp.stack([src16, src16 + n_pad])
    dst16 = dst_f.reshape(NS, nbf, BLK)

    x_pad = jnp.pad(in_feat, ((0, n_pad - n), (0, 0)))
    ones16 = jnp.ones((BLK, 16), f32)
    zeros16 = jnp.zeros((n_pad // NS, 16), f32)
    zeros_dh = jnp.zeros((n_pad // NS, dh), f32)

    nb0h = ((int(nbf * 0.55) + 1) // 2) * 2
    hs, hd = _make_hist(n_pad, nbf, nb0h)(src16, dst16, ones16, zeros16)

    RB = n_pad // 8
    nrb = n_pad // RB
    h1s = pl.pallas_call(
        _tc_feat,
        grid=(NC, nrb),
        in_specs=[
            pl.BlockSpec((RB, d_in), lambda c, i: (i, 0)),
            pl.BlockSpec((1, d_in, dh), lambda c, i: (c, 0, 0)),
            pl.BlockSpec((NC, RB, 16), lambda c, i: (0, i, 0)),
        ],
        out_specs=pl.BlockSpec((RB, dh), lambda c, i: (c * nrb + i, 0)),
        out_shape=jax.ShapeDtypeStruct((NC * n_pad, dh), f32),
    )(x_pad, jnp.stack([W1[:, :dh], W1[:, dh:]]), hs)

    agg1 = _make_agg_feat(n_pad, dh, nbf)(src_feat, dst16, h1s, zeros_dh)

    h2p = pl.pallas_call(
        _make_tc_mid(),
        grid=(nrb,),
        in_specs=[
            pl.BlockSpec((NC, RB, dh), lambda i: (0, i, 0)),
            pl.BlockSpec((RB, dh), lambda i: (i, 0)),
            pl.BlockSpec((RB, dh), lambda i: (nrb + i, 0)),
            pl.BlockSpec((NC, RB, 16), lambda i: (0, i, 0)),
            pl.BlockSpec((NC, RB, 16), lambda i: (0, i, 0)),
            pl.BlockSpec((1, d_h), lambda i: (0, 0)),
            pl.BlockSpec((1, d_h), lambda i: (0, 0)),
        ],
        out_specs=pl.BlockSpec((RB, 16), lambda i: (i, 0)),
        out_shape=jax.ShapeDtypeStruct((n_pad, 16), f32),
    )(agg1, h1s, h1s, hs, hd, b1.reshape(1, d_h), W2.reshape(1, d_h))

    nb0 = (int(nbf * 0.70) // NBUF) * NBUF
    agg2 = _make_agg_edge(n_pad, 16, nbf, nb0)(src16, dst16, h2p, zeros16)

    out = pl.pallas_call(
        _make_tc_out(n), out_shape=jax.ShapeDtypeStruct((n, 1), f32),
    )(agg2, h2p, hd, b2.reshape(1, 1))
    return out

# --- scband reference (transcript-rebuilt; emitter-appended) ---
"""Pipeline reference for scband-gcn-463856468204 (READ-ONLY COPY).

The authoritative reference and input builder live on the scoring server;
editing this copy changes nothing except your own understanding.
"""

import jax, jax.numpy as jnp
import numpy as np

N = 10000
E = 320000
D_IN = 128
D_H = 128


def setup_inputs(seed: int = 0) -> dict:
    key = jax.random.key(seed)
    k1, k2, k3, k4, k5, k6 = jax.random.split(key, 6)
    in_feat = jax.random.normal(k1, (N, D_IN), dtype=jnp.float32)
    edge_index = jax.random.randint(k2, (2, E), 0, N, dtype=jnp.int64)
    # GraphConv layer 1: in_feats -> h_feats, with weight and bias (DGL default)
    W1 = jax.random.normal(k3, (D_IN, D_H), dtype=jnp.float32) * (1.0 / np.sqrt(D_IN))
    b1 = jnp.zeros((D_H,), dtype=jnp.float32)
    # GraphConv layer 2: h_feats -> 1
    W2 = jax.random.normal(k4, (D_H, 1), dtype=jnp.float32) * (1.0 / np.sqrt(D_H))
    b2 = jnp.zeros((1,), dtype=jnp.float32)
    return {"in_feat": in_feat, "edge_index": edge_index, "W1": W1, "b1": b1, "W2": W2, "b2": b2}


def _gcn_layer(x, src, dst, W, b, n):
    # DGL GraphConv with norm='both':
    # out = D_dst^{-1/2} * A^T * (D_src^{-1/2} * x) @ W + b
    ones = jnp.ones(src.shape[0], dtype=x.dtype)
    deg_out = jax.ops.segment_sum(ones, src, num_segments=n)
    deg_in = jax.ops.segment_sum(ones, dst, num_segments=n)
    norm_src = jnp.where(deg_out > 0, jax.lax.rsqrt(jnp.maximum(deg_out, 1.0)), 0.0)
    norm_dst = jnp.where(deg_in > 0, jax.lax.rsqrt(jnp.maximum(deg_in, 1.0)), 0.0)
    h = x * norm_src[:, None]
    h = h @ W
    agg = jax.ops.segment_sum(h[src], dst, num_segments=n)
    return agg * norm_dst[:, None] + b


def reference(in_feat, edge_index, W1, b1, W2, b2):
    n = in_feat.shape[0]
    # dgl.add_self_loop(g)
    loops = jnp.arange(n, dtype=edge_index.dtype)
    src = jnp.concatenate([edge_index[0], loops])
    dst = jnp.concatenate([edge_index[1], loops])
    h = _gcn_layer(in_feat, src, dst, W1, b1, n)
    h = jax.nn.relu(h)
    out = _gcn_layer(h, src, dst, W2, b2, n)
    return out

if __name__ == "__main__":
    import jax
    _d = setup_inputs()
    print(jax.jit(kernel)(*tuple(_d.values())))

</pallas_src>

<mosaic_0001>
#map = affine_map<(d0, d1) -> (0, 0, 0)>
#map1 = affine_map<(d0, d1) -> (0, 0)>
module attributes {stable_mosaic.version = 14 : i64} {
  func.func @hist(%arg0: i32, %arg1: i32, %arg2: memref<16x160x128xi32, #tpu.memory_space<hbm>>, %arg3: memref<16x160x128xi32, #tpu.memory_space<hbm>>, %arg4: memref<128x16xf32, #tpu.memory_space<hbm>>, %arg5: memref<632x16xf32, #tpu.memory_space<hbm>>, %arg6: memref<2x10112x16xf32, #tpu.memory_space<hbm>>, %arg7: memref<2x10112x16xf32, #tpu.memory_space<hbm>>, %arg8: memref<88x128xi32, #tpu.memory_space<vmem>>, %arg9: memref<88x128xi32, #tpu.memory_space<vmem>>, %arg10: memref<128x16xf32, #tpu.memory_space<vmem>>, %arg11: memref<10112x16xf32, #tpu.memory_space<vmem_shared>>, %arg12: memref<10112x16xf32, #tpu.memory_space<vmem_shared>>, %arg13: memref<!tpu.dma_semaphore, #tpu.memory_space<semaphore_mem>>, %arg14: memref<!tpu.dma_semaphore, #tpu.memory_space<semaphore_mem>>) attributes {dimension_semantics = [#tpu.dimension_semantics<core_parallel>, #tpu.dimension_semantics<subcore_parallel>], iteration_bounds = array<i64: 2, 16>, scalar_prefetch = 0 : i64, scratch_operands = 7 : i64, tpu.core_type = #tpu.core_type<sc_vector_subcore>, window_params = [{transform_indices = #map}, {transform_indices = #map}, {transform_indices = #map1}, {transform_indices = #map1}, {transform_indices = #map}, {transform_indices = #map}]} {
    %mul3A = arith.constant 632 : i32
    %mul3A_0 = arith.muli %arg1, %mul3A : i32
    %eq3A = arith.constant 0 : i32
    %eq3A_1 = arith.cmpi eq, %arg0, %eq3A : i32
    %convert_element_type3A = arith.extui %eq3A_1 : i1 to i32
    %cond3A = arith.constant 0 : i32
    %cond3A_2 = arith.cmpi ne, %convert_element_type3A, %cond3A : i32
    scf.if %cond3A_2 {
      %dma_start3A = arith.constant 0 : i32
      %dma_start3A_32 = arith.constant 0 : i32
      %dma_start3A_33 = tpu.memref_slice %arg8[%dma_start3A, %dma_start3A_32] : memref<88x128xi32, #tpu.memory_space<vmem>> -> memref<88x128xi32, #tpu.memory_space<vmem>>
      %dma_start3A_34 = arith.constant 0 : i32
      %dma_start3A_35 = arith.constant 0 : i32
      %dma_start3A_36 = tpu.memref_slice %arg2[%arg1, %dma_start3A_34, %dma_start3A_35] : memref<16x160x128xi32, #tpu.memory_space<hbm>> -> memref<1x88x128xi32, #tpu.memory_space<hbm>>
      %dma_start3A_37 = tpu.memref_squeeze %dma_start3A_36 : memref<1x88x128xi32, #tpu.memory_space<hbm>> -> memref<88x128xi32, #tpu.memory_space<hbm>>
      %dma_start3A_38 = arith.constant 0 : i32
      %dma_start3A_39 = arith.constant 0 : i32
      %dma_start3A_40 = tpu.memref_slice %arg8[%dma_start3A_38, %dma_start3A_39] : memref<88x128xi32, #tpu.memory_space<vmem>> -> memref<88x128xi32, #tpu.memory_space<vmem>>
      %dma_start3A_41 = arith.constant 0 : i32
      %dma_start3A_42 = arith.constant 0 : i32
      %dma_start3A_43 = tpu.memref_slice %arg2[%arg1, %dma_start3A_41, %dma_start3A_42] : memref<16x160x128xi32, #tpu.memory_space<hbm>> -> memref<1x88x128xi32, #tpu.memory_space<hbm>>
      %dma_start3A_44 = tpu.memref_squeeze %dma_start3A_43 : memref<1x88x128xi32, #tpu.memory_space<hbm>> -> memref<88x128xi32, #tpu.memory_space<hbm>>
      tpu.enqueue_dma source(%dma_start3A_44 : memref<88x128xi32, #tpu.memory_space<hbm>>) target(%dma_start3A_40 : memref<88x128xi32, #tpu.memory_space<vmem>>) target_semaphore(%arg13 : memref<!tpu.dma_semaphore, #tpu.memory_space<semaphore_mem>>)
      %dma_start3A_45 = arith.constant 0 : i32
      %dma_start3A_46 = arith.constant 0 : i32
      %dma_start3A_47 = tpu.memref_slice %arg9[%dma_start3A_45, %dma_start3A_46] : memref<88x128xi32, #tpu.memory_space<vmem>> -> memref<88x128xi32, #tpu.memory_space<vmem>>
      %dma_start3A_48 = arith.constant 0 : i32
      %dma_start3A_49 = arith.constant 0 : i32
      %dma_start3A_50 = tpu.memref_slice %arg3[%arg1, %dma_start3A_48, %dma_start3A_49] : memref<16x160x128xi32, #tpu.memory_space<hbm>> -> memref<1x88x128xi32, #tpu.memory_space<hbm>>
      %dma_start3A_51 = tpu.memref_squeeze %dma_start3A_50 : memref<1x88x128xi32, #tpu.memory_space<hbm>> -> memref<88x128xi32, #tpu.memory_space<hbm>>
      %dma_start3A_52 = arith.constant 0 : i32
      %dma_start3A_53 = arith.constant 0 : i32
      %dma_start3A_54 = tpu.memref_slice %arg9[%dma_start3A_52, %dma_start3A_53] : memref<88x128xi32, #tpu.memory_space<vmem>> -> memref<88x128xi32, #tpu.memory_space<vmem>>
      %dma_start3A_55 = arith.constant 0 : i32
      %dma_start3A_56 = arith.constant 0 : i32
      %dma_start3A_57 = tpu.memref_slice %arg3[%arg1, %dma_start3A_55, %dma_start3A_56] : memref<16x160x128xi32, #tpu.memory_space<hbm>> -> memref<1x88x128xi32, #tpu.memory_space<hbm>>
      %dma_start3A_58 = tpu.memref_squeeze %dma_start3A_57 : memref<1x88x128xi32, #tpu.memory_space<hbm>> -> memref<88x128xi32, #tpu.memory_space<hbm>>
      tpu.enqueue_dma source(%dma_start3A_58 : memref<88x128xi32, #tpu.memory_space<hbm>>) target(%dma_start3A_54 : memref<88x128xi32, #tpu.memory_space<vmem>>) target_semaphore(%arg14 : memref<!tpu.dma_semaphore, #tpu.memory_space<semaphore_mem>>)
    } else {
    }
    %not3A = arith.constant true
    %not3A_3 = arith.xori %eq3A_1, %not3A : i1
    %convert_element_type3A_4 = arith.extui %not3A_3 : i1 to i32
    %cond3A_5 = arith.constant 0 : i32
    %cond3A_6 = arith.cmpi ne, %convert_element_type3A_4, %cond3A_5 : i32
    scf.if %cond3A_6 {
      %dma_start3A = arith.constant 0 : i32
      %dma_start3A_32 = arith.constant 0 : i32
      %dma_start3A_33 = tpu.memref_slice %arg8[%dma_start3A, %dma_start3A_32] : memref<88x128xi32, #tpu.memory_space<vmem>> -> memref<72x128xi32, #tpu.memory_space<vmem>>
      %dma_start3A_34 = arith.constant 88 : i32
      %dma_start3A_35 = arith.constant 0 : i32
      %dma_start3A_36 = tpu.memref_slice %arg2[%arg1, %dma_start3A_34, %dma_start3A_35] : memref<16x160x128xi32, #tpu.memory_space<hbm>> -> memref<1x72x128xi32, #tpu.memory_space<hbm>>
      %dma_start3A_37 = tpu.memref_squeeze %dma_start3A_36 : memref<1x72x128xi32, #tpu.memory_space<hbm>> -> memref<72x128xi32, #tpu.memory_space<hbm>>
      %dma_start3A_38 = arith.constant 0 : i32
      %dma_start3A_39 = arith.constant 0 : i32
      %dma_start3A_40 = tpu.memref_slice %arg8[%dma_start3A_38, %dma_start3A_39] : memref<88x128xi32, #tpu.memory_space<vmem>> -> memref<72x128xi32, #tpu.memory_space<vmem>>
      %dma_start3A_41 = arith.constant 88 : i32
      %dma_start3A_42 = arith.constant 0 : i32
      %dma_start3A_43 = tpu.memref_slice %arg2[%arg1, %dma_start3A_41, %dma_start3A_42] : memref<16x160x128xi32, #tpu.memory_space<hbm>> -> memref<1x72x128xi32, #tpu.memory_space<hbm>>
      %dma_start3A_44 = tpu.memref_squeeze %dma_start3A_43 : memref<1x72x128xi32, #tpu.memory_space<hbm>> -> memref<72x128xi32, #tpu.memory_space<hbm>>
      tpu.enqueue_dma source(%dma_start3A_44 : memref<72x128xi32, #tpu.memory_space<hbm>>) target(%dma_start3A_40 : memref<72x128xi32, #tpu.memory_space<vmem>>) target_semaphore(%arg13 : memref<!tpu.dma_semaphore, #tpu.memory_space<semaphore_mem>>)
      %dma_start3A_45 = arith.constant 0 : i32
      %dma_start3A_46 = arith.constant 0 : i32
      %dma_start3A_47 = tpu.memref_slice %arg9[%dma_start3A_45, %dma_start3A_46] : memref<88x128xi32, #tpu.memory_space<vmem>> -> memref<72x128xi32, #tpu.memory_space<vmem>>
      %dma_start3A_48 = arith.constant 88 : i32
      %dma_start3A_49 = arith.constant 0 : i32
      %dma_start3A_50 = tpu.memref_slice %arg3[%arg1, %dma_start3A_48, %dma_start3A_49] : memref<16x160x128xi32, #tpu.memory_space<hbm>> -> memref<1x72x128xi32, #tpu.memory_space<hbm>>
      %dma_start3A_51 = tpu.memref_squeeze %dma_start3A_50 : memref<1x72x128xi32, #tpu.memory_space<hbm>> -> memref<72x128xi32, #tpu.memory_space<hbm>>
      %dma_start3A_52 = arith.constant 0 : i32
      %dma_start3A_53 = arith.constant 0 : i32
      %dma_start3A_54 = tpu.memref_slice %arg9[%dma_start3A_52, %dma_start3A_53] : memref<88x128xi32, #tpu.memory_space<vmem>> -> memref<72x128xi32, #tpu.memory_space<vmem>>
      %dma_start3A_55 = arith.constant 88 : i32
      %dma_start3A_56 = arith.constant 0 : i32
      %dma_start3A_57 = tpu.memref_slice %arg3[%arg1, %dma_start3A_55, %dma_start3A_56] : memref<16x160x128xi32, #tpu.memory_space<hbm>> -> memref<1x72x128xi32, #tpu.memory_space<hbm>>
      %dma_start3A_58 = tpu.memref_squeeze %dma_start3A_57 : memref<1x72x128xi32, #tpu.memory_space<hbm>> -> memref<72x128xi32, #tpu.memory_space<hbm>>
      tpu.enqueue_dma source(%dma_start3A_58 : memref<72x128xi32, #tpu.memory_space<hbm>>) target(%dma_start3A_54 : memref<72x128xi32, #tpu.memory_space<vmem>>) target_semaphore(%arg14 : memref<!tpu.dma_semaphore, #tpu.memory_space<semaphore_mem>>)
    } else {
    }
    "tpu.region"() ({
      %run_scoped3A = tpu.sem_alloc : memref<!tpu.dma_semaphore, #tpu.memory_space<semaphore_mem>>
      tpu.enqueue_dma source(%arg4 : memref<128x16xf32, #tpu.memory_space<hbm>>) target(%arg10 : memref<128x16xf32, #tpu.memory_space<vmem>>) target_semaphore(%run_scoped3A : memref<!tpu.dma_semaphore, #tpu.memory_space<semaphore_mem>>)
      tpu.wait_dma2 semaphore(%run_scoped3A : memref<!tpu.dma_semaphore, #tpu.memory_space<semaphore_mem>>) src(%arg4 : memref<128x16xf32, #tpu.memory_space<hbm>>) dst(%arg10 : memref<128x16xf32, #tpu.memory_space<vmem>>)
      tpu.yield
    }) : () -> ()
    "tpu.region"() ({
      %run_scoped3A = tpu.sem_alloc : memref<!tpu.dma_semaphore, #tpu.memory_space<semaphore_mem>>
      %dma_start3A = arith.constant 0 : i32
      %dma_start3A_32 = tpu.memref_slice %arg11[%mul3A_0, %dma_start3A] : memref<10112x16xf32, #tpu.memory_space<vmem_shared>> -> memref<632x16xf32, #tpu.memory_space<vmem_shared>>
      tpu.enqueue_dma source(%arg5 : memref<632x16xf32, #tpu.memory_space<hbm>>) target(%dma_start3A_32 : memref<632x16xf32, #tpu.memory_space<vmem_shared>>) target_semaphore(%run_scoped3A : memref<!tpu.dma_semaphore, #tpu.memory_space<semaphore_mem>>)
      %dma_wait3A = arith.constant 0 : i32
      %dma_wait3A_33 = tpu.memref_slice %arg11[%mul3A_0, %dma_wait3A] : memref<10112x16xf32, #tpu.memory_space<vmem_shared>> -> memref<632x16xf32, #tpu.memory_space<vmem_shared>>
      tpu.wait_dma2 semaphore(%run_scoped3A : memref<!tpu.dma_semaphore, #tpu.memory_space<semaphore_mem>>) src(%arg5 : memref<632x16xf32, #tpu.memory_space<hbm>>) dst(%dma_wait3A_33 : memref<632x16xf32, #tpu.memory_space<vmem_shared>>)
      tpu.yield
    }) : () -> ()
    "tpu.region"() ({
      %run_scoped3A = tpu.sem_alloc : memref<!tpu.dma_semaphore, #tpu.memory_space<semaphore_mem>>
      %dma_start3A = arith.constant 0 : i32
      %dma_start3A_32 = tpu.memref_slice %arg12[%mul3A_0, %dma_start3A] : memref<10112x16xf32, #tpu.memory_space<vmem_shared>> -> memref<632x16xf32, #tpu.memory_space<vmem_shared>>
      tpu.enqueue_dma source(%arg5 : memref<632x16xf32, #tpu.memory_space<hbm>>) target(%dma_start3A_32 : memref<632x16xf32, #tpu.memory_space<vmem_shared>>) target_semaphore(%run_scoped3A : memref<!tpu.dma_semaphore, #tpu.memory_space<semaphore_mem>>)
      %dma_wait3A = arith.constant 0 : i32
      %dma_wait3A_33 = tpu.memref_slice %arg12[%mul3A_0, %dma_wait3A] : memref<10112x16xf32, #tpu.memory_space<vmem_shared>> -> memref<632x16xf32, #tpu.memory_space<vmem_shared>>
      tpu.wait_dma2 semaphore(%run_scoped3A : memref<!tpu.dma_semaphore, #tpu.memory_space<semaphore_mem>>) src(%arg5 : memref<632x16xf32, #tpu.memory_space<hbm>>) dst(%dma_wait3A_33 : memref<632x16xf32, #tpu.memory_space<vmem_shared>>)
      tpu.yield
    }) : () -> ()
    %convert_element_type3A_7 = arith.extui %eq3A_1 : i1 to i32
    %cond3A_8 = arith.constant 0 : i32
    %cond3A_9 = arith.cmpi ne, %convert_element_type3A_7, %cond3A_8 : i32
    scf.if %cond3A_9 {
      %dma_wait3A = arith.constant 0 : i32
      %dma_wait3A_32 = arith.constant 0 : i32
      %dma_wait3A_33 = tpu.memref_slice %arg8[%dma_wait3A, %dma_wait3A_32] : memref<88x128xi32, #tpu.memory_space<vmem>> -> memref<88x128xi32, #tpu.memory_space<vmem>>
      %dma_wait3A_34 = arith.constant 0 : i32
      %dma_wait3A_35 = arith.constant 0 : i32
      %dma_wait3A_36 = tpu.memref_slice %arg2[%arg1, %dma_wait3A_34, %dma_wait3A_35] : memref<16x160x128xi32, #tpu.memory_space<hbm>> -> memref<1x88x128xi32, #tpu.memory_space<hbm>>
      %dma_wait3A_37 = tpu.memref_squeeze %dma_wait3A_36 : memref<1x88x128xi32, #tpu.memory_space<hbm>> -> memref<88x128xi32, #tpu.memory_space<hbm>>
      %dma_wait3A_38 = arith.constant 0 : i32
      %dma_wait3A_39 = arith.constant 0 : i32
      %dma_wait3A_40 = tpu.memref_slice %arg8[%dma_wait3A_38, %dma_wait3A_39] : memref<88x128xi32, #tpu.memory_space<vmem>> -> memref<88x128xi32, #tpu.memory_space<vmem>>
      %dma_wait3A_41 = arith.constant 0 : i32
      %dma_wait3A_42 = arith.constant 0 : i32
      %dma_wait3A_43 = tpu.memref_slice %arg2[%arg1, %dma_wait3A_41, %dma_wait3A_42] : memref<16x160x128xi32, #tpu.memory_space<hbm>> -> memref<1x88x128xi32, #tpu.memory_space<hbm>>
      %dma_wait3A_44 = tpu.memref_squeeze %dma_wait3A_43 : memref<1x88x128xi32, #tpu.memory_space<hbm>> -> memref<88x128xi32, #tpu.memory_space<hbm>>
      tpu.wait_dma2 semaphore(%arg13 : memref<!tpu.dma_semaphore, #tpu.memory_space<semaphore_mem>>) src(%dma_wait3A_44 : memref<88x128xi32, #tpu.memory_space<hbm>>) dst(%dma_wait3A_40 : memref<88x128xi32, #tpu.memory_space<vmem>>)
      %dma_wait3A_45 = arith.constant 0 : i32
      %dma_wait3A_46 = arith.constant 0 : i32
      %dma_wait3A_47 = tpu.memref_slice %arg9[%dma_wait3A_45, %dma_wait3A_46] : memref<88x128xi32, #tpu.memory_space<vmem>> -> memref<88x128xi32, #tpu.memory_space<vmem>>
      %dma_wait3A_48 = arith.constant 0 : i32
      %dma_wait3A_49 = arith.constant 0 : i32
      %dma_wait3A_50 = tpu.memref_slice %arg3[%arg1, %dma_wait3A_48, %dma_wait3A_49] : memref<16x160x128xi32, #tpu.memory_space<hbm>> -> memref<1x88x128xi32, #tpu.memory_space<hbm>>
      %dma_wait3A_51 = tpu.memref_squeeze %dma_wait3A_50 : memref<1x88x128xi32, #tpu.memory_space<hbm>> -> memref<88x128xi32, #tpu.memory_space<hbm>>
      %dma_wait3A_52 = arith.constant 0 : i32
      %dma_wait3A_53 = arith.constant 0 : i32
      %dma_wait3A_54 = tpu.memref_slice %arg9[%dma_wait3A_52, %dma_wait3A_53] : memref<88x128xi32, #tpu.memory_space<vmem>> -> memref<88x128xi32, #tpu.memory_space<vmem>>
      %dma_wait3A_55 = arith.constant 0 : i32
      %dma_wait3A_56 = arith.constant 0 : i32
      %dma_wait3A_57 = tpu.memref_slice %arg3[%arg1, %dma_wait3A_55, %dma_wait3A_56] : memref<16x160x128xi32, #tpu.memory_space<hbm>> -> memref<1x88x128xi32, #tpu.memory_space<hbm>>
      %dma_wait3A_58 = tpu.memref_squeeze %dma_wait3A_57 : memref<1x88x128xi32, #tpu.memory_space<hbm>> -> memref<88x128xi32, #tpu.memory_space<hbm>>
      tpu.wait_dma2 semaphore(%arg14 : memref<!tpu.dma_semaphore, #tpu.memory_space<semaphore_mem>>) src(%dma_wait3A_58 : memref<88x128xi32, #tpu.memory_space<hbm>>) dst(%dma_wait3A_54 : memref<88x128xi32, #tpu.memory_space<vmem>>)
    } else {
    }
    %not3A_10 = arith.constant true
    %not3A_11 = arith.xori %eq3A_1, %not3A_10 : i1
    %convert_element_type3A_12 = arith.extui %not3A_11 : i1 to i32
    %cond3A_13 = arith.constant 0 : i32
    %cond3A_14 = arith.cmpi ne, %convert_element_type3A_12, %cond3A_13 : i32
    scf.if %cond3A_14 {
      %dma_wait3A = arith.constant 0 : i32
      %dma_wait3A_32 = arith.constant 0 : i32
      %dma_wait3A_33 = tpu.memref_slice %arg8[%dma_wait3A, %dma_wait3A_32] : memref<88x128xi32, #tpu.memory_space<vmem>> -> memref<72x128xi32, #tpu.memory_space<vmem>>
      %dma_wait3A_34 = arith.constant 88 : i32
      %dma_wait3A_35 = arith.constant 0 : i32
      %dma_wait3A_36 = tpu.memref_slice %arg2[%arg1, %dma_wait3A_34, %dma_wait3A_35] : memref<16x160x128xi32, #tpu.memory_space<hbm>> -> memref<1x72x128xi32, #tpu.memory_space<hbm>>
      %dma_wait3A_37 = tpu.memref_squeeze %dma_wait3A_36 : memref<1x72x128xi32, #tpu.memory_space<hbm>> -> memref<72x128xi32, #tpu.memory_space<hbm>>
      %dma_wait3A_38 = arith.constant 0 : i32
      %dma_wait3A_39 = arith.constant 0 : i32
      %dma_wait3A_40 = tpu.memref_slice %arg8[%dma_wait3A_38, %dma_wait3A_39] : memref<88x128xi32, #tpu.memory_space<vmem>> -> memref<72x128xi32, #tpu.memory_space<vmem>>
      %dma_wait3A_41 = arith.constant 88 : i32
      %dma_wait3A_42 = arith.constant 0 : i32
      %dma_wait3A_43 = tpu.memref_slice %arg2[%arg1, %dma_wait3A_41, %dma_wait3A_42] : memref<16x160x128xi32, #tpu.memory_space<hbm>> -> memref<1x72x128xi32, #tpu.memory_space<hbm>>
      %dma_wait3A_44 = tpu.memref_squeeze %dma_wait3A_43 : memref<1x72x128xi32, #tpu.memory_space<hbm>> -> memref<72x128xi32, #tpu.memory_space<hbm>>
      tpu.wait_dma2 semaphore(%arg13 : memref<!tpu.dma_semaphore, #tpu.memory_space<semaphore_mem>>) src(%dma_wait3A_44 : memref<72x128xi32, #tpu.memory_space<hbm>>) dst(%dma_wait3A_40 : memref<72x128xi32, #tpu.memory_space<vmem>>)
      %dma_wait3A_45 = arith.constant 0 : i32
      %dma_wait3A_46 = arith.constant 0 : i32
      %dma_wait3A_47 = tpu.memref_slice %arg9[%dma_wait3A_45, %dma_wait3A_46] : memref<88x128xi32, #tpu.memory_space<vmem>> -> memref<72x128xi32, #tpu.memory_space<vmem>>
      %dma_wait3A_48 = arith.constant 88 : i32
      %dma_wait3A_49 = arith.constant 0 : i32
      %dma_wait3A_50 = tpu.memref_slice %arg3[%arg1, %dma_wait3A_48, %dma_wait3A_49] : memref<16x160x128xi32, #tpu.memory_space<hbm>> -> memref<1x72x128xi32, #tpu.memory_space<hbm>>
      %dma_wait3A_51 = tpu.memref_squeeze %dma_wait3A_50 : memref<1x72x128xi32, #tpu.memory_space<hbm>> -> memref<72x128xi32, #tpu.memory_space<hbm>>
      %dma_wait3A_52 = arith.constant 0 : i32
      %dma_wait3A_53 = arith.constant 0 : i32
      %dma_wait3A_54 = tpu.memref_slice %arg9[%dma_wait3A_52, %dma_wait3A_53] : memref<88x128xi32, #tpu.memory_space<vmem>> -> memref<72x128xi32, #tpu.memory_space<vmem>>
      %dma_wait3A_55 = arith.constant 88 : i32
      %dma_wait3A_56 = arith.constant 0 : i32
      %dma_wait3A_57 = tpu.memref_slice %arg3[%arg1, %dma_wait3A_55, %dma_wait3A_56] : memref<16x160x128xi32, #tpu.memory_space<hbm>> -> memref<1x72x128xi32, #tpu.memory_space<hbm>>
      %dma_wait3A_58 = tpu.memref_squeeze %dma_wait3A_57 : memref<1x72x128xi32, #tpu.memory_space<hbm>> -> memref<72x128xi32, #tpu.memory_space<hbm>>
      tpu.wait_dma2 semaphore(%arg14 : memref<!tpu.dma_semaphore, #tpu.memory_space<semaphore_mem>>) src(%dma_wait3A_58 : memref<72x128xi32, #tpu.memory_space<hbm>>) dst(%dma_wait3A_54 : memref<72x128xi32, #tpu.memory_space<vmem>>)
    } else {
    }
    %barrier3A = arith.constant 0 : index
    tpu.barrier barrier_id(%barrier3A)
    %jit3A = arith.constant 88 : i32
    %jit3A_15 = arith.constant 72 : i32
    %select_n3A = arith.select %eq3A_1, %jit3A, %jit3A_15 : i32
    %sub3A = arith.constant 0 : i32
    %sub3A_16 = arith.subi %select_n3A, %sub3A : i32
    %sub3A_17 = arith.constant 1 : i32
    %sub3A_18 = arith.constant 1 : i32
    %sub3A_19 = arith.subi %sub3A_17, %sub3A_18 : i32
    %add3A = arith.addi %sub3A_16, %sub3A_19 : i32
    %div3A = arith.constant 1 : i32
    %div3A_20 = arith.divsi %add3A, %div3A : i32
    %while3A = arith.constant 1 : i32
    %while3A_21 = arith.constant 0 : i32
    %while3A_22 = arith.constant 0 : i32
    %while3A_23 = arith.subi %div3A_20, %while3A_22 : i32
    %while3A_24 = arith.addi %while3A_22, %while3A_23 : i32
    %while3A_25 = arith.constant 1 : i32
    %while3A_26 = arith.divsi %while3A_23, %while3A_25 : i32
    %while3A_27 = arith.muli %while3A_26, %while3A_25 : i32
    %while3A_28 = arith.addi %while3A_22, %while3A_27 : i32
    %while3A_29 = arith.constant 1 : i32
    scf.for %while3A_32 = %while3A_22 to %while3A_28 step %while3A_29  : i32 {
      %mul3A_33 = arith.muli %while3A_32, %while3A : i32
      %add3A_34 = arith.addi %while3A_21, %mul3A_33 : i32
      %dma_start3A = arith.constant 0 : i32
      %dma_start3A_35 = tpu.memref_slice %arg8[%add3A_34, %dma_start3A] : memref<88x128xi32, #tpu.memory_space<vmem>> -> memref<1x128xi32, #tpu.memory_space<vmem>>
      %dma_start3A_36 = tpu.memref_squeeze %dma_start3A_35 : memref<1x128xi32, #tpu.memory_space<vmem>> -> memref<128xi32, #tpu.memory_space<vmem>>
      %dma_start3A_37 = arith.constant 0 : i32
      %dma_start3A_38 = arith.constant 0 : i32
      %dma_start3A_39 = tpu.memref_slice %arg11[%dma_start3A_37, %dma_start3A_38] : memref<10112x16xf32, #tpu.memory_space<vmem_shared>> -> memref<10112x16xf32, #tpu.memory_space<vmem_shared>>
      tpu.enqueue_indirect_dma source(%arg10 : memref<128x16xf32, #tpu.memory_space<vmem>>) target(%dma_start3A_39 : memref<10112x16xf32, #tpu.memory_space<vmem_shared>>) offsets(%dma_start3A_36 : memref<128xi32, #tpu.memory_space<vmem>>) semaphore(%arg13 : memref<!tpu.dma_semaphore, #tpu.memory_space<semaphore_mem>>) {add = true}
      %dma_start3A_40 = arith.constant 0 : i32
      %dma_start3A_41 = tpu.memref_slice %arg9[%add3A_34, %dma_start3A_40] : memref<88x128xi32, #tpu.memory_space<vmem>> -> memref<1x128xi32, #tpu.memory_space<vmem>>
      %dma_start3A_42 = tpu.memref_squeeze %dma_start3A_41 : memref<1x128xi32, #tpu.memory_space<vmem>> -> memref<128xi32, #tpu.memory_space<vmem>>
      %dma_start3A_43 = arith.constant 0 : i32
      %dma_start3A_44 = arith.constant 0 : i32
      %dma_start3A_45 = tpu.memref_slice %arg12[%dma_start3A_43, %dma_start3A_44] : memref<10112x16xf32, #tpu.memory_space<vmem_shared>> -> memref<10112x16xf32, #tpu.memory_space<vmem_shared>>
      tpu.enqueue_indirect_dma source(%arg10 : memref<128x16xf32, #tpu.memory_space<vmem>>) target(%dma_start3A_45 : memref<10112x16xf32, #tpu.memory_space<vmem_shared>>) offsets(%dma_start3A_42 : memref<128xi32, #tpu.memory_space<vmem>>) semaphore(%arg14 : memref<!tpu.dma_semaphore, #tpu.memory_space<semaphore_mem>>) {add = true}
      %dma_wait3A = arith.constant 0 : i32
      %dma_wait3A_46 = tpu.memref_slice %arg8[%add3A_34, %dma_wait3A] : memref<88x128xi32, #tpu.memory_space<vmem>> -> memref<1x128xi32, #tpu.memory_space<vmem>>
      %dma_wait3A_47 = tpu.memref_squeeze %dma_wait3A_46 : memref<1x128xi32, #tpu.memory_space<vmem>> -> memref<128xi32, #tpu.memory_space<vmem>>
      %dma_wait3A_48 = arith.constant 0 : i32
      %dma_wait3A_49 = arith.constant 0 : i32
      %dma_wait3A_50 = tpu.memref_slice %arg11[%dma_wait3A_48, %dma_wait3A_49] : memref<10112x16xf32, #tpu.memory_space<vmem_shared>> -> memref<10112x16xf32, #tpu.memory_space<vmem_shared>>
      tpu.wait_indirect_dma semaphore(%arg13 : memref<!tpu.dma_semaphore, #tpu.memory_space<semaphore_mem>>) src(%arg10 : memref<128x16xf32, #tpu.memory_space<vmem>>) dst(%dma_wait3A_50 : memref<10112x16xf32, #tpu.memory_space<vmem_shared>>)
      %dma_wait3A_51 = arith.constant 0 : i32
      %dma_wait3A_52 = tpu.memref_slice %arg9[%add3A_34, %dma_wait3A_51] : memref<88x128xi32, #tpu.memory_space<vmem>> -> memref<1x128xi32, #tpu.memory_space<vmem>>
      %dma_wait3A_53 = tpu.memref_squeeze %dma_wait3A_52 : memref<1x128xi32, #tpu.memory_space<vmem>> -> memref<128xi32, #tpu.memory_space<vmem>>
      %dma_wait3A_54 = arith.constant 0 : i32
      %dma_wait3A_55 = arith.constant 0 : i32
      %dma_wait3A_56 = tpu.memref_slice %arg12[%dma_wait3A_54, %dma_wait3A_55] : memref<10112x16xf32, #tpu.memory_space<vmem_shared>> -> memref<10112x16xf32, #tpu.memory_space<vmem_shared>>
      tpu.wait_indirect_dma semaphore(%arg14 : memref<!tpu.dma_semaphore, #tpu.memory_space<semaphore_mem>>) src(%arg10 : memref<128x16xf32, #tpu.memory_space<vmem>>) dst(%dma_wait3A_56 : memref<10112x16xf32, #tpu.memory_space<vmem_shared>>)
    }
    %while3A_30 = arith.constant 1 : i32
    scf.for %while3A_32 = %while3A_28 to %while3A_24 step %while3A_30  : i32 {
      %mul3A_33 = arith.muli %while3A_32, %while3A : i32
      %add3A_34 = arith.addi %while3A_21, %mul3A_33 : i32
      %dma_start3A = arith.constant 0 : i32
      %dma_start3A_35 = tpu.memref_slice %arg8[%add3A_34, %dma_start3A] : memref<88x128xi32, #tpu.memory_space<vmem>> -> memref<1x128xi32, #tpu.memory_space<vmem>>
      %dma_start3A_36 = tpu.memref_squeeze %dma_start3A_35 : memref<1x128xi32, #tpu.memory_space<vmem>> -> memref<128xi32, #tpu.memory_space<vmem>>
      %dma_start3A_37 = arith.constant 0 : i32
      %dma_start3A_38 = arith.constant 0 : i32
      %dma_start3A_39 = tpu.memref_slice %arg11[%dma_start3A_37, %dma_start3A_38] : memref<10112x16xf32, #tpu.memory_space<vmem_shared>> -> memref<10112x16xf32, #tpu.memory_space<vmem_shared>>
      tpu.enqueue_indirect_dma source(%arg10 : memref<128x16xf32, #tpu.memory_space<vmem>>) target(%dma_start3A_39 : memref<10112x16xf32, #tpu.memory_space<vmem_shared>>) offsets(%dma_start3A_36 : memref<128xi32, #tpu.memory_space<vmem>>) semaphore(%arg13 : memref<!tpu.dma_semaphore, #tpu.memory_space<semaphore_mem>>) {add = true}
      %dma_start3A_40 = arith.constant 0 : i32
      %dma_start3A_41 = tpu.memref_slice %arg9[%add3A_34, %dma_start3A_40] : memref<88x128xi32, #tpu.memory_space<vmem>> -> memref<1x128xi32, #tpu.memory_space<vmem>>
      %dma_start3A_42 = tpu.memref_squeeze %dma_start3A_41 : memref<1x128xi32, #tpu.memory_space<vmem>> -> memref<128xi32, #tpu.memory_space<vmem>>
      %dma_start3A_43 = arith.constant 0 : i32
      %dma_start3A_44 = arith.constant 0 : i32
      %dma_start3A_45 = tpu.memref_slice %arg12[%dma_start3A_43, %dma_start3A_44] : memref<10112x16xf32, #tpu.memory_space<vmem_shared>> -> memref<10112x16xf32, #tpu.memory_space<vmem_shared>>
      tpu.enqueue_indirect_dma source(%arg10 : memref<128x16xf32, #tpu.memory_space<vmem>>) target(%dma_start3A_45 : memref<10112x16xf32, #tpu.memory_space<vmem_shared>>) offsets(%dma_start3A_42 : memref<128xi32, #tpu.memory_space<vmem>>) semaphore(%arg14 : memref<!tpu.dma_semaphore, #tpu.memory_space<semaphore_mem>>) {add = true}
      %dma_wait3A = arith.constant 0 : i32
      %dma_wait3A_46 = tpu.memref_slice %arg8[%add3A_34, %dma_wait3A] : memref<88x128xi32, #tpu.memory_space<vmem>> -> memref<1x128xi32, #tpu.memory_space<vmem>>
      %dma_wait3A_47 = tpu.memref_squeeze %dma_wait3A_46 : memref<1x128xi32, #tpu.memory_space<vmem>> -> memref<128xi32, #tpu.memory_space<vmem>>
      %dma_wait3A_48 = arith.constant 0 : i32
      %dma_wait3A_49 = arith.constant 0 : i32
      %dma_wait3A_50 = tpu.memref_slice %arg11[%dma_wait3A_48, %dma_wait3A_49] : memref<10112x16xf32, #tpu.memory_space<vmem_shared>> -> memref<10112x16xf32, #tpu.memory_space<vmem_shared>>
      tpu.wait_indirect_dma semaphore(%arg13 : memref<!tpu.dma_semaphore, #tpu.memory_space<semaphore_mem>>) src(%arg10 : memref<128x16xf32, #tpu.memory_space<vmem>>) dst(%dma_wait3A_50 : memref<10112x16xf32, #tpu.memory_space<vmem_shared>>)
      %dma_wait3A_51 = arith.constant 0 : i32
      %dma_wait3A_52 = tpu.memref_slice %arg9[%add3A_34, %dma_wait3A_51] : memref<88x128xi32, #tpu.memory_space<vmem>> -> memref<1x128xi32, #tpu.memory_space<vmem>>
      %dma_wait3A_53 = tpu.memref_squeeze %dma_wait3A_52 : memref<1x128xi32, #tpu.memory_space<vmem>> -> memref<128xi32, #tpu.memory_space<vmem>>
      %dma_wait3A_54 = arith.constant 0 : i32
      %dma_wait3A_55 = arith.constant 0 : i32
      %dma_wait3A_56 = tpu.memref_slice %arg12[%dma_wait3A_54, %dma_wait3A_55] : memref<10112x16xf32, #tpu.memory_space<vmem_shared>> -> memref<10112x16xf32, #tpu.memory_space<vmem_shared>>
      tpu.wait_indirect_dma semaphore(%arg14 : memref<!tpu.dma_semaphore, #tpu.memory_space<semaphore_mem>>) src(%arg10 : memref<128x16xf32, #tpu.memory_space<vmem>>) dst(%dma_wait3A_56 : memref<10112x16xf32, #tpu.memory_space<vmem_shared>>)
    }
    %barrier3A_31 = arith.constant 0 : index
    tpu.barrier barrier_id(%barrier3A_31)
    "tpu.region"() ({
      %run_scoped3A = tpu.sem_alloc : memref<!tpu.dma_semaphore, #tpu.memory_space<semaphore_mem>>
      %dma_start3A = arith.constant 0 : i32
      %dma_start3A_32 = tpu.memref_slice %arg6[%arg0, %mul3A_0, %dma_start3A] : memref<2x10112x16xf32, #tpu.memory_space<hbm>> -> memref<1x632x16xf32, #tpu.memory_space<hbm>>
      %dma_start3A_33 = tpu.memref_squeeze %dma_start3A_32 : memref<1x632x16xf32, #tpu.memory_space<hbm>> -> memref<632x16xf32, #tpu.memory_space<hbm>>
      %dma_start3A_34 = arith.constant 0 : i32
      %dma_start3A_35 = tpu.memref_slice %arg11[%mul3A_0, %dma_start3A_34] : memref<10112x16xf32, #tpu.memory_space<vmem_shared>> -> memref<632x16xf32, #tpu.memory_space<vmem_shared>>
      tpu.enqueue_dma source(%dma_start3A_35 : memref<632x16xf32, #tpu.memory_space<vmem_shared>>) target(%dma_start3A_33 : memref<632x16xf32, #tpu.memory_space<hbm>>) target_semaphore(%run_scoped3A : memref<!tpu.dma_semaphore, #tpu.memory_space<semaphore_mem>>)
      %dma_wait3A = arith.constant 0 : i32
      %dma_wait3A_36 = tpu.memref_slice %arg6[%arg0, %mul3A_0, %dma_wait3A] : memref<2x10112x16xf32, #tpu.memory_space<hbm>> -> memref<1x632x16xf32, #tpu.memory_space<hbm>>
      %dma_wait3A_37 = tpu.memref_squeeze %dma_wait3A_36 : memref<1x632x16xf32, #tpu.memory_space<hbm>> -> memref<632x16xf32, #tpu.memory_space<hbm>>
      %dma_wait3A_38 = arith.constant 0 : i32
      %dma_wait3A_39 = tpu.memref_slice %arg11[%mul3A_0, %dma_wait3A_38] : memref<10112x16xf32, #tpu.memory_space<vmem_shared>> -> memref<632x16xf32, #tpu.memory_space<vmem_shared>>
      tpu.wait_dma2 semaphore(%run_scoped3A : memref<!tpu.dma_semaphore, #tpu.memory_space<semaphore_mem>>) src(%dma_wait3A_39 : memref<632x16xf32, #tpu.memory_space<vmem_shared>>) dst(%dma_wait3A_37 : memref<632x16xf32, #tpu.memory_space<hbm>>)
      tpu.yield
    }) : () -> ()
    "tpu.region"() ({
      %run_scoped3A = tpu.sem_alloc : memref<!tpu.dma_semaphore, #tpu.memory_space<semaphore_mem>>
      %dma_start3A = arith.constant 0 : i32
      %dma_start3A_32 = tpu.memref_slice %arg7[%arg0, %mul3A_0, %dma_start3A] : memref<2x10112x16xf32, #tpu.memory_space<hbm>> -> memref<1x632x16xf32, #tpu.memory_space<hbm>>
      %dma_start3A_33 = tpu.memref_squeeze %dma_start3A_32 : memref<1x632x16xf32, #tpu.memory_space<hbm>> -> memref<632x16xf32, #tpu.memory_space<hbm>>
      %dma_start3A_34 = arith.constant 0 : i32
      %dma_start3A_35 = tpu.memref_slice %arg12[%mul3A_0, %dma_start3A_34] : memref<10112x16xf32, #tpu.memory_space<vmem_shared>> -> memref<632x16xf32, #tpu.memory_space<vmem_shared>>
      tpu.enqueue_dma source(%dma_start3A_35 : memref<632x16xf32, #tpu.memory_space<vmem_shared>>) target(%dma_start3A_33 : memref<632x16xf32, #tpu.memory_space<hbm>>) target_semaphore(%run_scoped3A : memref<!tpu.dma_semaphore, #tpu.memory_space<semaphore_mem>>)
      %dma_wait3A = arith.constant 0 : i32
      %dma_wait3A_36 = tpu.memref_slice %arg7[%arg0, %mul3A_0, %dma_wait3A] : memref<2x10112x16xf32, #tpu.memory_space<hbm>> -> memref<1x632x16xf32, #tpu.memory_space<hbm>>
      %dma_wait3A_37 = tpu.memref_squeeze %dma_wait3A_36 : memref<1x632x16xf32, #tpu.memory_space<hbm>> -> memref<632x16xf32, #tpu.memory_space<hbm>>
      %dma_wait3A_38 = arith.constant 0 : i32
      %dma_wait3A_39 = tpu.memref_slice %arg12[%mul3A_0, %dma_wait3A_38] : memref<10112x16xf32, #tpu.memory_space<vmem_shared>> -> memref<632x16xf32, #tpu.memory_space<vmem_shared>>
      tpu.wait_dma2 semaphore(%run_scoped3A : memref<!tpu.dma_semaphore, #tpu.memory_space<semaphore_mem>>) src(%dma_wait3A_39 : memref<632x16xf32, #tpu.memory_space<vmem_shared>>) dst(%dma_wait3A_37 : memref<632x16xf32, #tpu.memory_space<hbm>>)
      tpu.yield
    }) : () -> ()
    return
  }
}

#map = affine_map<(d0, d1) -> (0, 0, 0, 0)>
#map1 = affine_map<(d0, d1) -> (0, 0, 0)>
#map2 = affine_map<(d0, d1) -> (0, 0)>
module attributes {stable_mosaic.version = 14 : i64} {
  func.func @agg(%arg0: i32, %arg1: i32, %arg2: memref<2x16x160x128xi32, #tpu.memory_space<hbm>>, %arg3: memref<16x160x128xi32, #tpu.memory_space<hbm>>, %arg4: memref<20224x64xf32, #tpu.memory_space<hbm>>, %arg5: memref<632x64xf32, #tpu.memory_space<hbm>>, %arg6: memref<2x10112x64xf32, #tpu.memory_space<hbm>>, %arg7: memref<160x128xi32, #tpu.memory_space<vmem>>, %arg8: memref<160x128xi32, #tpu.memory_space<vmem>>, %arg9: memref<5x128x64xf32, #tpu.memory_space<vmem>>, %arg10: memref<10112x64xf32, #tpu.memory_space<vmem_shared>>, %arg11: memref<!tpu.dma_semaphore, #tpu.memory_space<semaphore_mem>>, %arg12: memref<!tpu.dma_semaphore, #tpu.memory_space<semaphore_mem>>, %arg13: memref<!tpu.dma_semaphore, #tpu.memory_space<semaphore_mem>>, %arg14: memref<!tpu.dma_semaphore, #tpu.memory_space<semaphore_mem>>, %arg15: memref<!tpu.dma_semaphore, #tpu.memory_space<semaphore_mem>>, %arg16: memref<!tpu.dma_semaphore, #tpu.memory_space<semaphore_mem>>, %arg17: memref<!tpu.dma_semaphore, #tpu.memory_space<semaphore_mem>>, %arg18: memref<!tpu.dma_semaphore, #tpu.memory_space<semaphore_mem>>, %arg19: memref<!tpu.dma_semaphore, #tpu.memory_space<semaphore_mem>>, %arg20: memref<!tpu.dma_semaphore, #tpu.memory_space<semaphore_mem>>) attributes {dimension_semantics = [#tpu.dimension_semantics<core_parallel>, #tpu.dimension_semantics<subcore_parallel>], iteration_bounds = array<i64: 2, 16>, scalar_prefetch = 0 : i64, scratch_operands = 14 : i64, tpu.core_type = #tpu.core_type<sc_vector_subcore>, window_params = [{transform_indices = #map}, {transform_indices = #map1}, {transform_indices = #map2}, {transform_indices = #map2}, {transform_indices = #map1}]} {
    %mul3A = arith.constant 632 : i32
    %mul3A_0 = arith.muli %arg1, %mul3A : i32
    %dma_start3A = arith.constant 0 : i32
    %dma_start3A_1 = arith.constant 0 : i32
    %dma_start3A_2 = tpu.memref_slice %arg2[%arg0, %arg1, %dma_start3A, %dma_start3A_1] : memref<2x16x160x128xi32, #tpu.memory_space<hbm>> -> memref<1x1x160x128xi32, #tpu.memory_space<hbm>>
    %dma_start3A_3 = tpu.memref_squeeze %dma_start3A_2 : memref<1x1x160x128xi32, #tpu.memory_space<hbm>> -> memref<160x128xi32, #tpu.memory_space<hbm>>
    %dma_start3A_4 = arith.constant 0 : i32
    %dma_start3A_5 = arith.constant 0 : i32
    %dma_start3A_6 = tpu.memref_slice %arg2[%arg0, %arg1, %dma_start3A_4, %dma_start3A_5] : memref<2x16x160x128xi32, #tpu.memory_space<hbm>> -> memref<1x1x160x128xi32, #tpu.memory_space<hbm>>
    %dma_start3A_7 = tpu.memref_squeeze %dma_start3A_6 : memref<1x1x160x128xi32, #tpu.memory_space<hbm>> -> memref<160x128xi32, #tpu.memory_space<hbm>>
    tpu.enqueue_dma source(%dma_start3A_7 : memref<160x128xi32, #tpu.memory_space<hbm>>) target(%arg7 : memref<160x128xi32, #tpu.memory_space<vmem>>) target_semaphore(%arg11 : memref<!tpu.dma_semaphore, #tpu.memory_space<semaphore_mem>>)
    %dma_start3A_8 = arith.constant 0 : i32
    %dma_start3A_9 = arith.constant 0 : i32
    %dma_start3A_10 = tpu.memref_slice %arg3[%arg1, %dma_start3A_8, %dma_start3A_9] : memref<16x160x128xi32, #tpu.memory_space<hbm>> -> memref<1x160x128xi32, #tpu.memory_space<hbm>>
    %dma_start3A_11 = tpu.memref_squeeze %dma_start3A_10 : memref<1x160x128xi32, #tpu.memory_space<hbm>> -> memref<160x128xi32, #tpu.memory_space<hbm>>
    %dma_start3A_12 = arith.constant 0 : i32
    %dma_start3A_13 = arith.constant 0 : i32
    %dma_start3A_14 = tpu.memref_slice %arg3[%arg1, %dma_start3A_12, %dma_start3A_13] : memref<16x160x128xi32, #tpu.memory_space<hbm>> -> memref<1x160x128xi32, #tpu.memory_space<hbm>>
    %dma_start3A_15 = tpu.memref_squeeze %dma_start3A_14 : memref<1x160x128xi32, #tpu.memory_space<hbm>> -> memref<160x128xi32, #tpu.memory_space<hbm>>
    tpu.enqueue_dma source(%dma_start3A_15 : memref<160x128xi32, #tpu.memory_space<hbm>>) target(%arg8 : memref<160x128xi32, #tpu.memory_space<vmem>>) target_semaphore(%arg12 : memref<!tpu.dma_semaphore, #tpu.memory_space<semaphore_mem>>)
    "tpu.region"() ({
      %run_scoped3A = tpu.sem_alloc : memref<!tpu.dma_semaphore, #tpu.memory_space<semaphore_mem>>
      %dma_start3A_132 = arith.constant 0 : i32
      %dma_start3A_133 = tpu.memref_slice %arg10[%mul3A_0, %dma_start3A_132] : memref<10112x64xf32, #tpu.memory_space<vmem_shared>> -> memref<632x64xf32, #tpu.memory_space<vmem_shared>>
      tpu.enqueue_dma source(%arg5 : memref<632x64xf32, #tpu.memory_space<hbm>>) target(%dma_start3A_133 : memref<632x64xf32, #tpu.memory_space<vmem_shared>>) target_semaphore(%run_scoped3A : memref<!tpu.dma_semaphore, #tpu.memory_space<semaphore_mem>>)
      %dma_wait3A_134 = arith.constant 0 : i32
      %dma_wait3A_135 = tpu.memref_slice %arg10[%mul3A_0, %dma_wait3A_134] : memref<10112x64xf32, #tpu.memory_space<vmem_shared>> -> memref<632x64xf32, #tpu.memory_space<vmem_shared>>
      tpu.wait_dma2 semaphore(%run_scoped3A : memref<!tpu.dma_semaphore, #tpu.memory_space<semaphore_mem>>) src(%arg5 : memref<632x64xf32, #tpu.memory_space<hbm>>) dst(%dma_wait3A_135 : memref<632x64xf32, #tpu.memory_space<vmem_shared>>)
      tpu.yield
    }) : () -> ()
    %dma_wait3A = arith.constant 0 : i32
    %dma_wait3A_16 = arith.constant 0 : i32
    %dma_wait3A_17 = tpu.memref_slice %arg2[%arg0, %arg1, %dma_wait3A, %dma_wait3A_16] : memref<2x16x160x128xi32, #tpu.memory_space<hbm>> -> memref<1x1x160x128xi32, #tpu.memory_space<hbm>>
    %dma_wait3A_18 = tpu.memref_squeeze %dma_wait3A_17 : memref<1x1x160x128xi32, #tpu.memory_space<hbm>> -> memref<160x128xi32, #tpu.memory_space<hbm>>
    %dma_wait3A_19 = arith.constant 0 : i32
    %dma_wait3A_20 = arith.constant 0 : i32
    %dma_wait3A_21 = tpu.memref_slice %arg2[%arg0, %arg1, %dma_wait3A_19, %dma_wait3A_20] : memref<2x16x160x128xi32, #tpu.memory_space<hbm>> -> memref<1x1x160x128xi32, #tpu.memory_space<hbm>>
    %dma_wait3A_22 = tpu.memref_squeeze %dma_wait3A_21 : memref<1x1x160x128xi32, #tpu.memory_space<hbm>> -> memref<160x128xi32, #tpu.memory_space<hbm>>
    tpu.wait_dma2 semaphore(%arg11 : memref<!tpu.dma_semaphore, #tpu.memory_space<semaphore_mem>>) src(%dma_wait3A_22 : memref<160x128xi32, #tpu.memory_space<hbm>>) dst(%arg7 : memref<160x128xi32, #tpu.memory_space<vmem>>)
    %dma_wait3A_23 = arith.constant 0 : i32
    %dma_wait3A_24 = arith.constant 0 : i32
    %dma_wait3A_25 = tpu.memref_slice %arg3[%arg1, %dma_wait3A_23, %dma_wait3A_24] : memref<16x160x128xi32, #tpu.memory_space<hbm>> -> memref<1x160x128xi32, #tpu.memory_space<hbm>>
    %dma_wait3A_26 = tpu.memref_squeeze %dma_wait3A_25 : memref<1x160x128xi32, #tpu.memory_space<hbm>> -> memref<160x128xi32, #tpu.memory_space<hbm>>
    %dma_wait3A_27 = arith.constant 0 : i32
    %dma_wait3A_28 = arith.constant 0 : i32
    %dma_wait3A_29 = tpu.memref_slice %arg3[%arg1, %dma_wait3A_27, %dma_wait3A_28] : memref<16x160x128xi32, #tpu.memory_space<hbm>> -> memref<1x160x128xi32, #tpu.memory_space<hbm>>
    %dma_wait3A_30 = tpu.memref_squeeze %dma_wait3A_29 : memref<1x160x128xi32, #tpu.memory_space<hbm>> -> memref<160x128xi32, #tpu.memory_space<hbm>>
    tpu.wait_dma2 semaphore(%arg12 : memref<!tpu.dma_semaphore, #tpu.memory_space<semaphore_mem>>) src(%dma_wait3A_30 : memref<160x128xi32, #tpu.memory_space<hbm>>) dst(%arg8 : memref<160x128xi32, #tpu.memory_space<vmem>>)
    %barrier3A = arith.constant 0 : index
    tpu.barrier barrier_id(%barrier3A)
    %dma_start3A_31 = arith.constant 0 : i32
    %dma_start3A_32 = arith.constant 0 : i32
    %dma_start3A_33 = arith.constant 0 : i32
    %dma_start3A_34 = arith.constant 0 : i32
    %dma_start3A_35 = tpu.memref_slice %arg9[%dma_start3A_32, %dma_start3A_33, %dma_start3A_34] : memref<5x128x64xf32, #tpu.memory_space<vmem>> -> memref<1x128x64xf32, #tpu.memory_space<vmem>>
    %dma_start3A_36 = tpu.memref_squeeze %dma_start3A_35 : memref<1x128x64xf32, #tpu.memory_space<vmem>> -> memref<128x64xf32, #tpu.memory_space<vmem>>
    %dma_start3A_37 = arith.constant 0 : i32
    %dma_start3A_38 = tpu.memref_slice %arg7[%dma_start3A_31, %dma_start3A_37] : memref<160x128xi32, #tpu.memory_space<vmem>> -> memref<1x128xi32, #tpu.memory_space<vmem>>
    %dma_start3A_39 = tpu.memref_squeeze %dma_start3A_38 : memref<1x128xi32, #tpu.memory_space<vmem>> -> memref<128xi32, #tpu.memory_space<vmem>>
    %dma_start3A_40 = arith.constant 0 : i32
    %dma_start3A_41 = arith.constant 0 : i32
    %dma_start3A_42 = tpu.memref_slice %arg4[%dma_start3A_40, %dma_start3A_41] : memref<20224x64xf32, #tpu.memory_space<hbm>> -> memref<20224x64xf32, #tpu.memory_space<hbm>>
    tpu.enqueue_indirect_dma source(%dma_start3A_42 : memref<20224x64xf32, #tpu.memory_space<hbm>>) target(%dma_start3A_36 : memref<128x64xf32, #tpu.memory_space<vmem>>) offsets(%dma_start3A_39 : memref<128xi32, #tpu.memory_space<vmem>>) semaphore(%arg11 : memref<!tpu.dma_semaphore, #tpu.memory_space<semaphore_mem>>)
    %dma_start3A_43 = arith.constant 1 : i32
    %dma_start3A_44 = arith.constant 1 : i32
    %dma_start3A_45 = arith.constant 0 : i32
    %dma_start3A_46 = arith.constant 0 : i32
    %dma_start3A_47 = tpu.memref_slice %arg9[%dma_start3A_44, %dma_start3A_45, %dma_start3A_46] : memref<5x128x64xf32, #tpu.memory_space<vmem>> -> memref<1x128x64xf32, #tpu.memory_space<vmem>>
    %dma_start3A_48 = tpu.memref_squeeze %dma_start3A_47 : memref<1x128x64xf32, #tpu.memory_space<vmem>> -> memref<128x64xf32, #tpu.memory_space<vmem>>
    %dma_start3A_49 = arith.constant 0 : i32
    %dma_start3A_50 = tpu.memref_slice %arg7[%dma_start3A_43, %dma_start3A_49] : memref<160x128xi32, #tpu.memory_space<vmem>> -> memref<1x128xi32, #tpu.memory_space<vmem>>
    %dma_start3A_51 = tpu.memref_squeeze %dma_start3A_50 : memref<1x128xi32, #tpu.memory_space<vmem>> -> memref<128xi32, #tpu.memory_space<vmem>>
    %dma_start3A_52 = arith.constant 0 : i32
    %dma_start3A_53 = arith.constant 0 : i32
    %dma_start3A_54 = tpu.memref_slice %arg4[%dma_start3A_52, %dma_start3A_53] : memref<20224x64xf32, #tpu.memory_space<hbm>> -> memref<20224x64xf32, #tpu.memory_space<hbm>>
    tpu.enqueue_indirect_dma source(%dma_start3A_54 : memref<20224x64xf32, #tpu.memory_space<hbm>>) target(%dma_start3A_48 : memref<128x64xf32, #tpu.memory_space<vmem>>) offsets(%dma_start3A_51 : memref<128xi32, #tpu.memory_space<vmem>>) semaphore(%arg12 : memref<!tpu.dma_semaphore, #tpu.memory_space<semaphore_mem>>)
    %dma_start3A_55 = arith.constant 2 : i32
    %dma_start3A_56 = arith.constant 2 : i32
    %dma_start3A_57 = arith.constant 0 : i32
    %dma_start3A_58 = arith.constant 0 : i32
    %dma_start3A_59 = tpu.memref_slice %arg9[%dma_start3A_56, %dma_start3A_57, %dma_start3A_58] : memref<5x128x64xf32, #tpu.memory_space<vmem>> -> memref<1x128x64xf32, #tpu.memory_space<vmem>>
    %dma_start3A_60 = tpu.memref_squeeze %dma_start3A_59 : memref<1x128x64xf32, #tpu.memory_space<vmem>> -> memref<128x64xf32, #tpu.memory_space<vmem>>
    %dma_start3A_61 = arith.constant 0 : i32
    %dma_start3A_62 = tpu.memref_slice %arg7[%dma_start3A_55, %dma_start3A_61] : memref<160x128xi32, #tpu.memory_space<vmem>> -> memref<1x128xi32, #tpu.memory_space<vmem>>
    %dma_start3A_63 = tpu.memref_squeeze %dma_start3A_62 : memref<1x128xi32, #tpu.memory_space<vmem>> -> memref<128xi32, #tpu.memory_space<vmem>>
    %dma_start3A_64 = arith.constant 0 : i32
    %dma_start3A_65 = arith.constant 0 : i32
    %dma_start3A_66 = tpu.memref_slice %arg4[%dma_start3A_64, %dma_start3A_65] : memref<20224x64xf32, #tpu.memory_space<hbm>> -> memref<20224x64xf32, #tpu.memory_space<hbm>>
    tpu.enqueue_indirect_dma source(%dma_start3A_66 : memref<20224x64xf32, #tpu.memory_space<hbm>>) target(%dma_start3A_60 : memref<128x64xf32, #tpu.memory_space<vmem>>) offsets(%dma_start3A_63 : memref<128xi32, #tpu.memory_space<vmem>>) semaphore(%arg13 : memref<!tpu.dma_semaphore, #tpu.memory_space<semaphore_mem>>)
    %scan3A = arith.constant 0 : i32
    %scan3A_67 = arith.constant 32 : i32
    %scan3A_68 = arith.addi %scan3A, %scan3A_67 : i32
    %scan3A_69 = arith.constant 1 : i32
    scf.for %scan3A_132 = %scan3A to %scan3A_68 step %scan3A_69  : i32 {
      %mul3A_133 = arith.constant 5 : i32
      %mul3A_134 = arith.muli %scan3A_132, %mul3A_133 : i32
      %add3A = arith.constant 0 : i32
      %add3A_135 = arith.addi %add3A, %mul3A_134 : i32
      %add3A_136 = arith.constant 0 : i32
      %add3A_137 = arith.addi %add3A_135, %add3A_136 : i32
      %dma_wait3A_138 = arith.constant 0 : i32
      %dma_wait3A_139 = arith.constant 0 : i32
      %dma_wait3A_140 = arith.constant 0 : i32
      %dma_wait3A_141 = tpu.memref_slice %arg9[%dma_wait3A_138, %dma_wait3A_139, %dma_wait3A_140] : memref<5x128x64xf32, #tpu.memory_space<vmem>> -> memref<1x128x64xf32, #tpu.memory_space<vmem>>
      %dma_wait3A_142 = tpu.memref_squeeze %dma_wait3A_141 : memref<1x128x64xf32, #tpu.memory_space<vmem>> -> memref<128x64xf32, #tpu.memory_space<vmem>>
      %dma_wait3A_143 = arith.constant 0 : i32
      %dma_wait3A_144 = tpu.memref_slice %arg7[%add3A_137, %dma_wait3A_143] : memref<160x128xi32, #tpu.memory_space<vmem>> -> memref<1x128xi32, #tpu.memory_space<vmem>>
      %dma_wait3A_145 = tpu.memref_squeeze %dma_wait3A_144 : memref<1x128xi32, #tpu.memory_space<vmem>> -> memref<128xi32, #tpu.memory_space<vmem>>
      %dma_wait3A_146 = arith.constant 0 : i32
      %dma_wait3A_147 = arith.constant 0 : i32
      %dma_wait3A_148 = tpu.memref_slice %arg4[%dma_wait3A_146, %dma_wait3A_147] : memref<20224x64xf32, #tpu.memory_space<hbm>> -> memref<20224x64xf32, #tpu.memory_space<hbm>>
      tpu.wait_indirect_dma semaphore(%arg11 : memref<!tpu.dma_semaphore, #tpu.memory_space<semaphore_mem>>) src(%dma_wait3A_148 : memref<20224x64xf32, #tpu.memory_space<hbm>>) dst(%dma_wait3A_142 : memref<128x64xf32, #tpu.memory_space<vmem>>)
      %dma_start3A_149 = arith.constant 0 : i32
      %dma_start3A_150 = arith.constant 0 : i32
      %dma_start3A_151 = arith.constant 0 : i32
      %dma_start3A_152 = tpu.memref_slice %arg9[%dma_start3A_149, %dma_start3A_150, %dma_start3A_151] : memref<5x128x64xf32, #tpu.memory_space<vmem>> -> memref<1x128x64xf32, #tpu.memory_space<vmem>>
      %dma_start3A_153 = tpu.memref_squeeze %dma_start3A_152 : memref<1x128x64xf32, #tpu.memory_space<vmem>> -> memref<128x64xf32, #tpu.memory_space<vmem>>
      %dma_start3A_154 = arith.constant 0 : i32
      %dma_start3A_155 = tpu.memref_slice %arg8[%add3A_137, %dma_start3A_154] : memref<160x128xi32, #tpu.memory_space<vmem>> -> memref<1x128xi32, #tpu.memory_space<vmem>>
      %dma_start3A_156 = tpu.memref_squeeze %dma_start3A_155 : memref<1x128xi32, #tpu.memory_space<vmem>> -> memref<128xi32, #tpu.memory_space<vmem>>
      %dma_start3A_157 = arith.constant 0 : i32
      %dma_start3A_158 = arith.constant 0 : i32
      %dma_start3A_159 = tpu.memref_slice %arg10[%dma_start3A_157, %dma_start3A_158] : memref<10112x64xf32, #tpu.memory_space<vmem_shared>> -> memref<10112x64xf32, #tpu.memory_space<vmem_shared>>
      tpu.enqueue_indirect_dma source(%dma_start3A_153 : memref<128x64xf32, #tpu.memory_space<vmem>>) target(%dma_start3A_159 : memref<10112x64xf32, #tpu.memory_space<vmem_shared>>) offsets(%dma_start3A_156 : memref<128xi32, #tpu.memory_space<vmem>>) semaphore(%arg16 : memref<!tpu.dma_semaphore, #tpu.memory_space<semaphore_mem>>) {add = true}
      %add3A_160 = arith.constant 3 : i32
      %add3A_161 = arith.addi %add3A_137, %add3A_160 : i32
      %lt3A = arith.constant 160 : i32
      %lt3A_162 = arith.cmpi slt, %add3A_161, %lt3A : i32
      %convert_element_type3A = arith.extui %lt3A_162 : i1 to i32
      %cond3A = arith.constant 0 : i32
      %cond3A_163 = arith.cmpi ne, %convert_element_type3A, %cond3A : i32
      scf.if %cond3A_163 {
        %ge3A = arith.constant 5 : i32
        %ge3A_288 = arith.cmpi sge, %add3A_161, %ge3A : i32
        %convert_element_type3A_289 = arith.extui %ge3A_288 : i1 to i32
        %cond3A_290 = arith.constant 0 : i32
        %cond3A_291 = arith.cmpi ne, %convert_element_type3A_289, %cond3A_290 : i32
        scf.if %cond3A_291 {
          %sub3A = arith.constant 5 : i32
          %sub3A_303 = arith.subi %add3A_161, %sub3A : i32
          %dma_wait3A_304 = arith.constant 3 : i32
          %dma_wait3A_305 = arith.constant 0 : i32
          %dma_wait3A_306 = arith.constant 0 : i32
          %dma_wait3A_307 = tpu.memref_slice %arg9[%dma_wait3A_304, %dma_wait3A_305, %dma_wait3A_306] : memref<5x128x64xf32, #tpu.memory_space<vmem>> -> memref<1x128x64xf32, #tpu.memory_space<vmem>>
          %dma_wait3A_308 = tpu.memref_squeeze %dma_wait3A_307 : memref<1x128x64xf32, #tpu.memory_space<vmem>> -> memref<128x64xf32, #tpu.memory_space<vmem>>
          %dma_wait3A_309 = arith.constant 0 : i32
          %dma_wait3A_310 = tpu.memref_slice %arg8[%sub3A_303, %dma_wait3A_309] : memref<160x128xi32, #tpu.memory_space<vmem>> -> memref<1x128xi32, #tpu.memory_space<vmem>>
          %dma_wait3A_311 = tpu.memref_squeeze %dma_wait3A_310 : memref<1x128xi32, #tpu.memory_space<vmem>> -> memref<128xi32, #tpu.memory_space<vmem>>
          %dma_wait3A_312 = arith.constant 0 : i32
          %dma_wait3A_313 = arith.constant 0 : i32
          %dma_wait3A_314 = tpu.memref_slice %arg10[%dma_wait3A_312, %dma_wait3A_313] : memref<10112x64xf32, #tpu.memory_space<vmem_shared>> -> memref<10112x64xf32, #tpu.memory_space<vmem_shared>>
          tpu.wait_indirect_dma semaphore(%arg19 : memref<!tpu.dma_semaphore, #tpu.memory_space<semaphore_mem>>) src(%dma_wait3A_308 : memref<128x64xf32, #tpu.memory_space<vmem>>) dst(%dma_wait3A_314 : memref<10112x64xf32, #tpu.memory_space<vmem_shared>>)
        } else {
        }
        %dma_start3A_292 = arith.constant 3 : i32
        %dma_start3A_293 = arith.constant 0 : i32
        %dma_start3A_294 = arith.constant 0 : i32
        %dma_start3A_295 = tpu.memref_slice %arg9[%dma_start3A_292, %dma_start3A_293, %dma_start3A_294] : memref<5x128x64xf32, #tpu.memory_space<vmem>> -> memref<1x128x64xf32, #tpu.memory_space<vmem>>
        %dma_start3A_296 = tpu.memref_squeeze %dma_start3A_295 : memref<1x128x64xf32, #tpu.memory_space<vmem>> -> memref<128x64xf32, #tpu.memory_space<vmem>>
        %dma_start3A_297 = arith.constant 0 : i32
        %dma_start3A_298 = tpu.memref_slice %arg7[%add3A_161, %dma_start3A_297] : memref<160x128xi32, #tpu.memory_space<vmem>> -> memref<1x128xi32, #tpu.memory_space<vmem>>
        %dma_start3A_299 = tpu.memref_squeeze %dma_start3A_298 : memref<1x128xi32, #tpu.memory_space<vmem>> -> memref<128xi32, #tpu.memory_space<vmem>>
        %dma_start3A_300 = arith.constant 0 : i32
        %dma_start3A_301 = arith.constant 0 : i32
        %dma_start3A_302 = tpu.memref_slice %arg4[%dma_start3A_300, %dma_start3A_301] : memref<20224x64xf32, #tpu.memory_space<hbm>> -> memref<20224x64xf32, #tpu.memory_space<hbm>>
        tpu.enqueue_indirect_dma source(%dma_start3A_302 : memref<20224x64xf32, #tpu.memory_space<hbm>>) target(%dma_start3A_296 : memref<128x64xf32, #tpu.memory_space<vmem>>) offsets(%dma_start3A_299 : memref<128xi32, #tpu.memory_space<vmem>>) semaphore(%arg14 : memref<!tpu.dma_semaphore, #tpu.memory_space<semaphore_mem>>)
      } else {
      }
      %add3A_164 = arith.constant 1 : i32
      %add3A_165 = arith.addi %add3A_135, %add3A_164 : i32
      %dma_wait3A_166 = arith.constant 1 : i32
      %dma_wait3A_167 = arith.constant 0 : i32
      %dma_wait3A_168 = arith.constant 0 : i32
      %dma_wait3A_169 = tpu.memref_slice %arg9[%dma_wait3A_166, %dma_wait3A_167, %dma_wait3A_168] : memref<5x128x64xf32, #tpu.memory_space<vmem>> -> memref<1x128x64xf32, #tpu.memory_space<vmem>>
      %dma_wait3A_170 = tpu.memref_squeeze %dma_wait3A_169 : memref<1x128x64xf32, #tpu.memory_space<vmem>> -> memref<128x64xf32, #tpu.memory_space<vmem>>
      %dma_wait3A_171 = arith.constant 0 : i32
      %dma_wait3A_172 = tpu.memref_slice %arg7[%add3A_165, %dma_wait3A_171] : memref<160x128xi32, #tpu.memory_space<vmem>> -> memref<1x128xi32, #tpu.memory_space<vmem>>
      %dma_wait3A_173 = tpu.memref_squeeze %dma_wait3A_172 : memref<1x128xi32, #tpu.memory_space<vmem>> -> memref<128xi32, #tpu.memory_space<vmem>>
      %dma_wait3A_174 = arith.constant 0 : i32
      %dma_wait3A_175 = arith.constant 0 : i32
      %dma_wait3A_176 = tpu.memref_slice %arg4[%dma_wait3A_174, %dma_wait3A_175] : memref<20224x64xf32, #tpu.memory_space<hbm>> -> memref<20224x64xf32, #tpu.memory_space<hbm>>
      tpu.wait_indirect_dma semaphore(%arg12 : memref<!tpu.dma_semaphore, #tpu.memory_space<semaphore_mem>>) src(%dma_wait3A_176 : memref<20224x64xf32, #tpu.memory_space<hbm>>) dst(%dma_wait3A_170 : memref<128x64xf32, #tpu.memory_space<vmem>>)
      %dma_start3A_177 = arith.constant 1 : i32
      %dma_start3A_178 = arith.constant 0 : i32
      %dma_start3A_179 = arith.constant 0 : i32
      %dma_start3A_180 = tpu.memref_slice %arg9[%dma_start3A_177, %dma_start3A_178, %dma_start3A_179] : memref<5x128x64xf32, #tpu.memory_space<vmem>> -> memref<1x128x64xf32, #tpu.memory_space<vmem>>
      %dma_start3A_181 = tpu.memref_squeeze %dma_start3A_180 : memref<1x128x64xf32, #tpu.memory_space<vmem>> -> memref<128x64xf32, #tpu.memory_space<vmem>>
      %dma_start3A_182 = arith.constant 0 : i32
      %dma_start3A_183 = tpu.memref_slice %arg8[%add3A_165, %dma_start3A_182] : memref<160x128xi32, #tpu.memory_space<vmem>> -> memref<1x128xi32, #tpu.memory_space<vmem>>
      %dma_start3A_184 = tpu.memref_squeeze %dma_start3A_183 : memref<1x128xi32, #tpu.memory_space<vmem>> -> memref<128xi32, #tpu.memory_space<vmem>>
      %dma_start3A_185 = arith.constant 0 : i32
      %dma_start3A_186 = arith.constant 0 : i32
      %dma_start3A_187 = tpu.memref_slice %arg10[%dma_start3A_185, %dma_start3A_186] : memref<10112x64xf32, #tpu.memory_space<vmem_shared>> -> memref<10112x64xf32, #tpu.memory_space<vmem_shared>>
      tpu.enqueue_indirect_dma source(%dma_start3A_181 : memref<128x64xf32, #tpu.memory_space<vmem>>) target(%dma_start3A_187 : memref<10112x64xf32, #tpu.memory_space<vmem_shared>>) offsets(%dma_start3A_184 : memref<128xi32, #tpu.memory_space<vmem>>) semaphore(%arg17 : memref<!tpu.dma_semaphore, #tpu.memory_space<semaphore_mem>>) {add = true}
      %add3A_188 = arith.constant 3 : i32
      %add3A_189 = arith.addi %add3A_165, %add3A_188 : i32
      %lt3A_190 = arith.constant 160 : i32
      %lt3A_191 = arith.cmpi slt, %add3A_189, %lt3A_190 : i32
      %convert_element_type3A_192 = arith.extui %lt3A_191 : i1 to i32
      %cond3A_193 = arith.constant 0 : i32
      %cond3A_194 = arith.cmpi ne, %convert_element_type3A_192, %cond3A_193 : i32
      scf.if %cond3A_194 {
        %ge3A = arith.constant 5 : i32
        %ge3A_288 = arith.cmpi sge, %add3A_189, %ge3A : i32
        %convert_element_type3A_289 = arith.extui %ge3A_288 : i1 to i32
        %cond3A_290 = arith.constant 0 : i32
        %cond3A_291 = arith.cmpi ne, %convert_element_type3A_289, %cond3A_290 : i32
        scf.if %cond3A_291 {
          %sub3A = arith.constant 5 : i32
          %sub3A_303 = arith.subi %add3A_189, %sub3A : i32
          %dma_wait3A_304 = arith.constant 4 : i32
          %dma_wait3A_305 = arith.constant 0 : i32
          %dma_wait3A_306 = arith.constant 0 : i32
          %dma_wait3A_307 = tpu.memref_slice %arg9[%dma_wait3A_304, %dma_wait3A_305, %dma_wait3A_306] : memref<5x128x64xf32, #tpu.memory_space<vmem>> -> memref<1x128x64xf32, #tpu.memory_space<vmem>>
          %dma_wait3A_308 = tpu.memref_squeeze %dma_wait3A_307 : memref<1x128x64xf32, #tpu.memory_space<vmem>> -> memref<128x64xf32, #tpu.memory_space<vmem>>
          %dma_wait3A_309 = arith.constant 0 : i32
          %dma_wait3A_310 = tpu.memref_slice %arg8[%sub3A_303, %dma_wait3A_309] : memref<160x128xi32, #tpu.memory_space<vmem>> -> memref<1x128xi32, #tpu.memory_space<vmem>>
          %dma_wait3A_311 = tpu.memref_squeeze %dma_wait3A_310 : memref<1x128xi32, #tpu.memory_space<vmem>> -> memref<128xi32, #tpu.memory_space<vmem>>
          %dma_wait3A_312 = arith.constant 0 : i32
          %dma_wait3A_313 = arith.constant 0 : i32
          %dma_wait3A_314 = tpu.memref_slice %arg10[%dma_wait3A_312, %dma_wait3A_313] : memref<10112x64xf32, #tpu.memory_space<vmem_shared>> -> memref<10112x64xf32, #tpu.memory_space<vmem_shared>>
          tpu.wait_indirect_dma semaphore(%arg20 : memref<!tpu.dma_semaphore, #tpu.memory_space<semaphore_mem>>) src(%dma_wait3A_308 : memref<128x64xf32, #tpu.memory_space<vmem>>) dst(%dma_wait3A_314 : memref<10112x64xf32, #tpu.memory_space<vmem_shared>>)
        } else {
        }
        %dma_start3A_292 = arith.constant 4 : i32
        %dma_start3A_293 = arith.constant 0 : i32
        %dma_start3A_294 = arith.constant 0 : i32
        %dma_start3A_295 = tpu.memref_slice %arg9[%dma_start3A_292, %dma_start3A_293, %dma_start3A_294] : memref<5x128x64xf32, #tpu.memory_space<vmem>> -> memref<1x128x64xf32, #tpu.memory_space<vmem>>
        %dma_start3A_296 = tpu.memref_squeeze %dma_start3A_295 : memref<1x128x64xf32, #tpu.memory_space<vmem>> -> memref<128x64xf32, #tpu.memory_space<vmem>>
        %dma_start3A_297 = arith.constant 0 : i32
        %dma_start3A_298 = tpu.memref_slice %arg7[%add3A_189, %dma_start3A_297] : memref<160x128xi32, #tpu.memory_space<vmem>> -> memref<1x128xi32, #tpu.memory_space<vmem>>
        %dma_start3A_299 = tpu.memref_squeeze %dma_start3A_298 : memref<1x128xi32, #tpu.memory_space<vmem>> -> memref<128xi32, #tpu.memory_space<vmem>>
        %dma_start3A_300 = arith.constant 0 : i32
        %dma_start3A_301 = arith.constant 0 : i32
        %dma_start3A_302 = tpu.memref_slice %arg4[%dma_start3A_300, %dma_start3A_301] : memref<20224x64xf32, #tpu.memory_space<hbm>> -> memref<20224x64xf32, #tpu.memory_space<hbm>>
        tpu.enqueue_indirect_dma source(%dma_start3A_302 : memref<20224x64xf32, #tpu.memory_space<hbm>>) target(%dma_start3A_296 : memref<128x64xf32, #tpu.memory_space<vmem>>) offsets(%dma_start3A_299 : memref<128xi32, #tpu.memory_space<vmem>>) semaphore(%arg15 : memref<!tpu.dma_semaphore, #tpu.memory_space<semaphore_mem>>)
      } else {
      }
      %add3A_195 = arith.constant 2 : i32
      %add3A_196 = arith.addi %add3A_135, %add3A_195 : i32
      %dma_wait3A_197 = arith.constant 2 : i32
      %dma_wait3A_198 = arith.constant 0 : i32
      %dma_wait3A_199 = arith.constant 0 : i32
      %dma_wait3A_200 = tpu.memref_slice %arg9[%dma_wait3A_197, %dma_wait3A_198, %dma_wait3A_199] : memref<5x128x64xf32, #tpu.memory_space<vmem>> -> memref<1x128x64xf32, #tpu.memory_space<vmem>>
      %dma_wait3A_201 = tpu.memref_squeeze %dma_wait3A_200 : memref<1x128x64xf32, #tpu.memory_space<vmem>> -> memref<128x64xf32, #tpu.memory_space<vmem>>
      %dma_wait3A_202 = arith.constant 0 : i32
      %dma_wait3A_203 = tpu.memref_slice %arg7[%add3A_196, %dma_wait3A_202] : memref<160x128xi32, #tpu.memory_space<vmem>> -> memref<1x128xi32, #tpu.memory_space<vmem>>
      %dma_wait3A_204 = tpu.memref_squeeze %dma_wait3A_203 : memref<1x128xi32, #tpu.memory_space<vmem>> -> memref<128xi32, #tpu.memory_space<vmem>>
      %dma_wait3A_205 = arith.constant 0 : i32
      %dma_wait3A_206 = arith.constant 0 : i32
      %dma_wait3A_207 = tpu.memref_slice %arg4[%dma_wait3A_205, %dma_wait3A_206] : memref<20224x64xf32, #tpu.memory_space<hbm>> -> memref<20224x64xf32, #tpu.memory_space<hbm>>
      tpu.wait_indirect_dma semaphore(%arg13 : memref<!tpu.dma_semaphore, #tpu.memory_space<semaphore_mem>>) src(%dma_wait3A_207 : memref<20224x64xf32, #tpu.memory_space<hbm>>) dst(%dma_wait3A_201 : memref<128x64xf32, #tpu.memory_space<vmem>>)
      %dma_start3A_208 = arith.constant 2 : i32
      %dma_start3A_209 = arith.constant 0 : i32
      %dma_start3A_210 = arith.constant 0 : i32
      %dma_start3A_211 = tpu.memref_slice %arg9[%dma_start3A_208, %dma_start3A_209, %dma_start3A_210] : memref<5x128x64xf32, #tpu.memory_space<vmem>> -> memref<1x128x64xf32, #tpu.memory_space<vmem>>
      %dma_start3A_212 = tpu.memref_squeeze %dma_start3A_211 : memref<1x128x64xf32, #tpu.memory_space<vmem>> -> memref<128x64xf32, #tpu.memory_space<vmem>>
      %dma_start3A_213 = arith.constant 0 : i32
      %dma_start3A_214 = tpu.memref_slice %arg8[%add3A_196, %dma_start3A_213] : memref<160x128xi32, #tpu.memory_space<vmem>> -> memref<1x128xi32, #tpu.memory_space<vmem>>
      %dma_start3A_215 = tpu.memref_squeeze %dma_start3A_214 : memref<1x128xi32, #tpu.memory_space<vmem>> -> memref<128xi32, #tpu.memory_space<vmem>>
      %dma_start3A_216 = arith.constant 0 : i32
      %dma_start3A_217 = arith.constant 0 : i32
      %dma_start3A_218 = tpu.memref_slice %arg10[%dma_start3A_216, %dma_start3A_217] : memref<10112x64xf32, #tpu.memory_space<vmem_shared>> -> memref<10112x64xf32, #tpu.memory_space<vmem_shared>>
      tpu.enqueue_indirect_dma source(%dma_start3A_212 : memref<128x64xf32, #tpu.memory_space<vmem>>) target(%dma_start3A_218 : memref<10112x64xf32, #tpu.memory_space<vmem_shared>>) offsets(%dma_start3A_215 : memref<128xi32, #tpu.memory_space<vmem>>) semaphore(%arg18 : memref<!tpu.dma_semaphore, #tpu.memory_space<semaphore_mem>>) {add = true}
      %add3A_219 = arith.constant 3 : i32
      %add3A_220 = arith.addi %add3A_196, %add3A_219 : i32
      %lt3A_221 = arith.constant 160 : i32
      %lt3A_222 = arith.cmpi slt, %add3A_220, %lt3A_221 : i32
      %convert_element_type3A_223 = arith.extui %lt3A_222 : i1 to i32
      %cond3A_224 = arith.constant 0 : i32
      %cond3A_225 = arith.cmpi ne, %convert_element_type3A_223, %cond3A_224 : i32
      scf.if %cond3A_225 {
        %ge3A = arith.constant 5 : i32
        %ge3A_288 = arith.cmpi sge, %add3A_220, %ge3A : i32
        %convert_element_type3A_289 = arith.extui %ge3A_288 : i1 to i32
        %cond3A_290 = arith.constant 0 : i32
        %cond3A_291 = arith.cmpi ne, %convert_element_type3A_289, %cond3A_290 : i32
        scf.if %cond3A_291 {
          %sub3A = arith.constant 5 : i32
          %sub3A_303 = arith.subi %add3A_220, %sub3A : i32
          %dma_wait3A_304 = arith.constant 0 : i32
          %dma_wait3A_305 = arith.constant 0 : i32
          %dma_wait3A_306 = arith.constant 0 : i32
          %dma_wait3A_307 = tpu.memref_slice %arg9[%dma_wait3A_304, %dma_wait3A_305, %dma_wait3A_306] : memref<5x128x64xf32, #tpu.memory_space<vmem>> -> memref<1x128x64xf32, #tpu.memory_space<vmem>>
          %dma_wait3A_308 = tpu.memref_squeeze %dma_wait3A_307 : memref<1x128x64xf32, #tpu.memory_space<vmem>> -> memref<128x64xf32, #tpu.memory_space<vmem>>
          %dma_wait3A_309 = arith.constant 0 : i32
          %dma_wait3A_310 = tpu.memref_slice %arg8[%sub3A_303, %dma_wait3A_309] : memref<160x128xi32, #tpu.memory_space<vmem>> -> memref<1x128xi32, #tpu.memory_space<vmem>>
          %dma_wait3A_311 = tpu.memref_squeeze %dma_wait3A_310 : memref<1x128xi32, #tpu.memory_space<vmem>> -> memref<128xi32, #tpu.memory_space<vmem>>
          %dma_wait3A_312 = arith.constant 0 : i32
          %dma_wait3A_313 = arith.constant 0 : i32
          %dma_wait3A_314 = tpu.memref_slice %arg10[%dma_wait3A_312, %dma_wait3A_313] : memref<10112x64xf32, #tpu.memory_space<vmem_shared>> -> memref<10112x64xf32, #tpu.memory_space<vmem_shared>>
          tpu.wait_indirect_dma semaphore(%arg16 : memref<!tpu.dma_semaphore, #tpu.memory_space<semaphore_mem>>) src(%dma_wait3A_308 : memref<128x64xf32, #tpu.memory_space<vmem>>) dst(%dma_wait3A_314 : memref<10112x64xf32, #tpu.memory_space<vmem_shared>>)
        } else {
        }
        %dma_start3A_292 = arith.constant 0 : i32
        %dma_start3A_293 = arith.constant 0 : i32
        %dma_start3A_294 = arith.constant 0 : i32
        %dma_start3A_295 = tpu.memref_slice %arg9[%dma_start3A_292, %dma_start3A_293, %dma_start3A_294] : memref<5x128x64xf32, #tpu.memory_space<vmem>> -> memref<1x128x64xf32, #tpu.memory_space<vmem>>
        %dma_start3A_296 = tpu.memref_squeeze %dma_start3A_295 : memref<1x128x64xf32, #tpu.memory_space<vmem>> -> memref<128x64xf32, #tpu.memory_space<vmem>>
        %dma_start3A_297 = arith.constant 0 : i32
        %dma_start3A_298 = tpu.memref_slice %arg7[%add3A_220, %dma_start3A_297] : memref<160x128xi32, #tpu.memory_space<vmem>> -> memref<1x128xi32, #tpu.memory_space<vmem>>
        %dma_start3A_299 = tpu.memref_squeeze %dma_start3A_298 : memref<1x128xi32, #tpu.memory_space<vmem>> -> memref<128xi32, #tpu.memory_space<vmem>>
        %dma_start3A_300 = arith.constant 0 : i32
        %dma_start3A_301 = arith.constant 0 : i32
        %dma_start3A_302 = tpu.memref_slice %arg4[%dma_start3A_300, %dma_start3A_301] : memref<20224x64xf32, #tpu.memory_space<hbm>> -> memref<20224x64xf32, #tpu.memory_space<hbm>>
        tpu.enqueue_indirect_dma source(%dma_start3A_302 : memref<20224x64xf32, #tpu.memory_space<hbm>>) target(%dma_start3A_296 : memref<128x64xf32, #tpu.memory_space<vmem>>) offsets(%dma_start3A_299 : memref<128xi32, #tpu.memory_space<vmem>>) semaphore(%arg11 : memref<!tpu.dma_semaphore, #tpu.memory_space<semaphore_mem>>)
      } else {
      }
      %add3A_226 = arith.constant 3 : i32
      %add3A_227 = arith.addi %add3A_135, %add3A_226 : i32
      %dma_wait3A_228 = arith.constant 3 : i32
      %dma_wait3A_229 = arith.constant 0 : i32
      %dma_wait3A_230 = arith.constant 0 : i32
      %dma_wait3A_231 = tpu.memref_slice %arg9[%dma_wait3A_228, %dma_wait3A_229, %dma_wait3A_230] : memref<5x128x64xf32, #tpu.memory_space<vmem>> -> memref<1x128x64xf32, #tpu.memory_space<vmem>>
      %dma_wait3A_232 = tpu.memref_squeeze %dma_wait3A_231 : memref<1x128x64xf32, #tpu.memory_space<vmem>> -> memref<128x64xf32, #tpu.memory_space<vmem>>
      %dma_wait3A_233 = arith.constant 0 : i32
      %dma_wait3A_234 = tpu.memref_slice %arg7[%add3A_227, %dma_wait3A_233] : memref<160x128xi32, #tpu.memory_space<vmem>> -> memref<1x128xi32, #tpu.memory_space<vmem>>
      %dma_wait3A_235 = tpu.memref_squeeze %dma_wait3A_234 : memref<1x128xi32, #tpu.memory_space<vmem>> -> memref<128xi32, #tpu.memory_space<vmem>>
      %dma_wait3A_236 = arith.constant 0 : i32
      %dma_wait3A_237 = arith.constant 0 : i32
      %dma_wait3A_238 = tpu.memref_slice %arg4[%dma_wait3A_236, %dma_wait3A_237] : memref<20224x64xf32, #tpu.memory_space<hbm>> -> memref<20224x64xf32, #tpu.memory_space<hbm>>
      tpu.wait_indirect_dma semaphore(%arg14 : memref<!tpu.dma_semaphore, #tpu.memory_space<semaphore_mem>>) src(%dma_wait3A_238 : memref<20224x64xf32, #tpu.memory_space<hbm>>) dst(%dma_wait3A_232 : memref<128x64xf32, #tpu.memory_space<vmem>>)
      %dma_start3A_239 = arith.constant 3 : i32
      %dma_start3A_240 = arith.constant 0 : i32
      %dma_start3A_241 = arith.constant 0 : i32
      %dma_start3A_242 = tpu.memref_slice %arg9[%dma_start3A_239, %dma_start3A_240, %dma_start3A_241] : memref<5x128x64xf32, #tpu.memory_space<vmem>> -> memref<1x128x64xf32, #tpu.memory_space<vmem>>
      %dma_start3A_243 = tpu.memref_squeeze %dma_start3A_242 : memref<1x128x64xf32, #tpu.memory_space<vmem>> -> memref<128x64xf32, #tpu.memory_space<vmem>>
      %dma_start3A_244 = arith.constant 0 : i32
      %dma_start3A_245 = tpu.memref_slice %arg8[%add3A_227, %dma_start3A_244] : memref<160x128xi32, #tpu.memory_space<vmem>> -> memref<1x128xi32, #tpu.memory_space<vmem>>
      %dma_start3A_246 = tpu.memref_squeeze %dma_start3A_245 : memref<1x128xi32, #tpu.memory_space<vmem>> -> memref<128xi32, #tpu.memory_space<vmem>>
      %dma_start3A_247 = arith.constant 0 : i32
      %dma_start3A_248 = arith.constant 0 : i32
      %dma_start3A_249 = tpu.memref_slice %arg10[%dma_start3A_247, %dma_start3A_248] : memref<10112x64xf32, #tpu.memory_space<vmem_shared>> -> memref<10112x64xf32, #tpu.memory_space<vmem_shared>>
      tpu.enqueue_indirect_dma source(%dma_start3A_243 : memref<128x64xf32, #tpu.memory_space<vmem>>) target(%dma_start3A_249 : memref<10112x64xf32, #tpu.memory_space<vmem_shared>>) offsets(%dma_start3A_246 : memref<128xi32, #tpu.memory_space<vmem>>) semaphore(%arg19 : memref<!tpu.dma_semaphore, #tpu.memory_space<semaphore_mem>>) {add = true}
      %add3A_250 = arith.constant 3 : i32
      %add3A_251 = arith.addi %add3A_227, %add3A_250 : i32
      %lt3A_252 = arith.constant 160 : i32
      %lt3A_253 = arith.cmpi slt, %add3A_251, %lt3A_252 : i32
      %convert_element_type3A_254 = arith.extui %lt3A_253 : i1 to i32
      %cond3A_255 = arith.constant 0 : i32
      %cond3A_256 = arith.cmpi ne, %convert_element_type3A_254, %cond3A_255 : i32
      scf.if %cond3A_256 {
        %ge3A = arith.constant 5 : i32
        %ge3A_288 = arith.cmpi sge, %add3A_251, %ge3A : i32
        %convert_element_type3A_289 = arith.extui %ge3A_288 : i1 to i32
        %cond3A_290 = arith.constant 0 : i32
        %cond3A_291 = arith.cmpi ne, %convert_element_type3A_289, %cond3A_290 : i32
        scf.if %cond3A_291 {
          %sub3A = arith.constant 5 : i32
          %sub3A_303 = arith.subi %add3A_251, %sub3A : i32
          %dma_wait3A_304 = arith.constant 1 : i32
          %dma_wait3A_305 = arith.constant 0 : i32
          %dma_wait3A_306 = arith.constant 0 : i32
          %dma_wait3A_307 = tpu.memref_slice %arg9[%dma_wait3A_304, %dma_wait3A_305, %dma_wait3A_306] : memref<5x128x64xf32, #tpu.memory_space<vmem>> -> memref<1x128x64xf32, #tpu.memory_space<vmem>>
          %dma_wait3A_308 = tpu.memref_squeeze %dma_wait3A_307 : memref<1x128x64xf32, #tpu.memory_space<vmem>> -> memref<128x64xf32, #tpu.memory_space<vmem>>
          %dma_wait3A_309 = arith.constant 0 : i32
          %dma_wait3A_310 = tpu.memref_slice %arg8[%sub3A_303, %dma_wait3A_309] : memref<160x128xi32, #tpu.memory_space<vmem>> -> memref<1x128xi32, #tpu.memory_space<vmem>>
          %dma_wait3A_311 = tpu.memref_squeeze %dma_wait3A_310 : memref<1x128xi32, #tpu.memory_space<vmem>> -> memref<128xi32, #tpu.memory_space<vmem>>
          %dma_wait3A_312 = arith.constant 0 : i32
          %dma_wait3A_313 = arith.constant 0 : i32
          %dma_wait3A_314 = tpu.memref_slice %arg10[%dma_wait3A_312, %dma_wait3A_313] : memref<10112x64xf32, #tpu.memory_space<vmem_shared>> -> memref<10112x64xf32, #tpu.memory_space<vmem_shared>>
          tpu.wait_indirect_dma semaphore(%arg17 : memref<!tpu.dma_semaphore, #tpu.memory_space<semaphore_mem>>) src(%dma_wait3A_308 : memref<128x64xf32, #tpu.memory_space<vmem>>) dst(%dma_wait3A_314 : memref<10112x64xf32, #tpu.memory_space<vmem_shared>>)
        } else {
        }
        %dma_start3A_292 = arith.constant 1 : i32
        %dma_start3A_293 = arith.constant 0 : i32
        %dma_start3A_294 = arith.constant 0 : i32
        %dma_start3A_295 = tpu.memref_slice %arg9[%dma_start3A_292, %dma_start3A_293, %dma_start3A_294] : memref<5x128x64xf32, #tpu.memory_space<vmem>> -> memref<1x128x64xf32, #tpu.memory_space<vmem>>
        %dma_start3A_296 = tpu.memref_squeeze %dma_start3A_295 : memref<1x128x64xf32, #tpu.memory_space<vmem>> -> memref<128x64xf32, #tpu.memory_space<vmem>>
        %dma_start3A_297 = arith.constant 0 : i32
        %dma_start3A_298 = tpu.memref_slice %arg7[%add3A_251, %dma_start3A_297] : memref<160x128xi32, #tpu.memory_space<vmem>> -> memref<1x128xi32, #tpu.memory_space<vmem>>
        %dma_start3A_299 = tpu.memref_squeeze %dma_start3A_298 : memref<1x128xi32, #tpu.memory_space<vmem>> -> memref<128xi32, #tpu.memory_space<vmem>>
        %dma_start3A_300 = arith.constant 0 : i32
        %dma_start3A_301 = arith.constant 0 : i32
        %dma_start3A_302 = tpu.memref_slice %arg4[%dma_start3A_300, %dma_start3A_301] : memref<20224x64xf32, #tpu.memory_space<hbm>> -> memref<20224x64xf32, #tpu.memory_space<hbm>>
        tpu.enqueue_indirect_dma source(%dma_start3A_302 : memref<20224x64xf32, #tpu.memory_space<hbm>>) target(%dma_start3A_296 : memref<128x64xf32, #tpu.memory_space<vmem>>) offsets(%dma_start3A_299 : memref<128xi32, #tpu.memory_space<vmem>>) semaphore(%arg12 : memref<!tpu.dma_semaphore, #tpu.memory_space<semaphore_mem>>)
      } else {
      }
      %add3A_257 = arith.constant 4 : i32
      %add3A_258 = arith.addi %add3A_135, %add3A_257 : i32
      %dma_wait3A_259 = arith.constant 4 : i32
      %dma_wait3A_260 = arith.constant 0 : i32
      %dma_wait3A_261 = arith.constant 0 : i32
      %dma_wait3A_262 = tpu.memref_slice %arg9[%dma_wait3A_259, %dma_wait3A_260, %dma_wait3A_261] : memref<5x128x64xf32, #tpu.memory_space<vmem>> -> memref<1x128x64xf32, #tpu.memory_space<vmem>>
      %dma_wait3A_263 = tpu.memref_squeeze %dma_wait3A_262 : memref<1x128x64xf32, #tpu.memory_space<vmem>> -> memref<128x64xf32, #tpu.memory_space<vmem>>
      %dma_wait3A_264 = arith.constant 0 : i32
      %dma_wait3A_265 = tpu.memref_slice %arg7[%add3A_258, %dma_wait3A_264] : memref<160x128xi32, #tpu.memory_space<vmem>> -> memref<1x128xi32, #tpu.memory_space<vmem>>
      %dma_wait3A_266 = tpu.memref_squeeze %dma_wait3A_265 : memref<1x128xi32, #tpu.memory_space<vmem>> -> memref<128xi32, #tpu.memory_space<vmem>>
      %dma_wait3A_267 = arith.constant 0 : i32
      %dma_wait3A_268 = arith.constant 0 : i32
      %dma_wait3A_269 = tpu.memref_slice %arg4[%dma_wait3A_267, %dma_wait3A_268] : memref<20224x64xf32, #tpu.memory_space<hbm>> -> memref<20224x64xf32, #tpu.memory_space<hbm>>
      tpu.wait_indirect_dma semaphore(%arg15 : memref<!tpu.dma_semaphore, #tpu.memory_space<semaphore_mem>>) src(%dma_wait3A_269 : memref<20224x64xf32, #tpu.memory_space<hbm>>) dst(%dma_wait3A_263 : memref<128x64xf32, #tpu.memory_space<vmem>>)
      %dma_start3A_270 = arith.constant 4 : i32
      %dma_start3A_271 = arith.constant 0 : i32
      %dma_start3A_272 = arith.constant 0 : i32
      %dma_start3A_273 = tpu.memref_slice %arg9[%dma_start3A_270, %dma_start3A_271, %dma_start3A_272] : memref<5x128x64xf32, #tpu.memory_space<vmem>> -> memref<1x128x64xf32, #tpu.memory_space<vmem>>
      %dma_start3A_274 = tpu.memref_squeeze %dma_start3A_273 : memref<1x128x64xf32, #tpu.memory_space<vmem>> -> memref<128x64xf32, #tpu.memory_space<vmem>>
      %dma_start3A_275 = arith.constant 0 : i32
      %dma_start3A_276 = tpu.memref_slice %arg8[%add3A_258, %dma_start3A_275] : memref<160x128xi32, #tpu.memory_space<vmem>> -> memref<1x128xi32, #tpu.memory_space<vmem>>
      %dma_start3A_277 = tpu.memref_squeeze %dma_start3A_276 : memref<1x128xi32, #tpu.memory_space<vmem>> -> memref<128xi32, #tpu.memory_space<vmem>>
      %dma_start3A_278 = arith.constant 0 : i32
      %dma_start3A_279 = arith.constant 0 : i32
      %dma_start3A_280 = tpu.memref_slice %arg10[%dma_start3A_278, %dma_start3A_279] : memref<10112x64xf32, #tpu.memory_space<vmem_shared>> -> memref<10112x64xf32, #tpu.memory_space<vmem_shared>>
      tpu.enqueue_indirect_dma source(%dma_start3A_274 : memref<128x64xf32, #tpu.memory_space<vmem>>) target(%dma_start3A_280 : memref<10112x64xf32, #tpu.memory_space<vmem_shared>>) offsets(%dma_start3A_277 : memref<128xi32, #tpu.memory_space<vmem>>) semaphore(%arg20 : memref<!tpu.dma_semaphore, #tpu.memory_space<semaphore_mem>>) {add = true}
      %add3A_281 = arith.constant 3 : i32
      %add3A_282 = arith.addi %add3A_258, %add3A_281 : i32
      %lt3A_283 = arith.constant 160 : i32
      %lt3A_284 = arith.cmpi slt, %add3A_282, %lt3A_283 : i32
      %convert_element_type3A_285 = arith.extui %lt3A_284 : i1 to i32
      %cond3A_286 = arith.constant 0 : i32
      %cond3A_287 = arith.cmpi ne, %convert_element_type3A_285, %cond3A_286 : i32
      scf.if %cond3A_287 {
        %ge3A = arith.constant 5 : i32
        %ge3A_288 = arith.cmpi sge, %add3A_282, %ge3A : i32
        %convert_element_type3A_289 = arith.extui %ge3A_288 : i1 to i32
        %cond3A_290 = arith.constant 0 : i32
        %cond3A_291 = arith.cmpi ne, %convert_element_type3A_289, %cond3A_290 : i32
        scf.if %cond3A_291 {
          %sub3A = arith.constant 5 : i32
          %sub3A_303 = arith.subi %add3A_282, %sub3A : i32
          %dma_wait3A_304 = arith.constant 2 : i32
          %dma_wait3A_305 = arith.constant 0 : i32
          %dma_wait3A_306 = arith.constant 0 : i32
          %dma_wait3A_307 = tpu.memref_slice %arg9[%dma_wait3A_304, %dma_wait3A_305, %dma_wait3A_306] : memref<5x128x64xf32, #tpu.memory_space<vmem>> -> memref<1x128x64xf32, #tpu.memory_space<vmem>>
          %dma_wait3A_308 = tpu.memref_squeeze %dma_wait3A_307 : memref<1x128x64xf32, #tpu.memory_space<vmem>> -> memref<128x64xf32, #tpu.memory_space<vmem>>
          %dma_wait3A_309 = arith.constant 0 : i32
          %dma_wait3A_310 = tpu.memref_slice %arg8[%sub3A_303, %dma_wait3A_309] : memref<160x128xi32, #tpu.memory_space<vmem>> -> memref<1x128xi32, #tpu.memory_space<vmem>>
          %dma_wait3A_311 = tpu.memref_squeeze %dma_wait3A_310 : memref<1x128xi32, #tpu.memory_space<vmem>> -> memref<128xi32, #tpu.memory_space<vmem>>
          %dma_wait3A_312 = arith.constant 0 : i32
          %dma_wait3A_313 = arith.constant 0 : i32
          %dma_wait3A_314 = tpu.memref_slice %arg10[%dma_wait3A_312, %dma_wait3A_313] : memref<10112x64xf32, #tpu.memory_space<vmem_shared>> -> memref<10112x64xf32, #tpu.memory_space<vmem_shared>>
          tpu.wait_indirect_dma semaphore(%arg18 : memref<!tpu.dma_semaphore, #tpu.memory_space<semaphore_mem>>) src(%dma_wait3A_308 : memref<128x64xf32, #tpu.memory_space<vmem>>) dst(%dma_wait3A_314 : memref<10112x64xf32, #tpu.memory_space<vmem_shared>>)
        } else {
        }
        %dma_start3A_292 = arith.constant 2 : i32
        %dma_start3A_293 = arith.constant 0 : i32
        %dma_start3A_294 = arith.constant 0 : i32
        %dma_start3A_295 = tpu.memref_slice %arg9[%dma_start3A_292, %dma_start3A_293, %dma_start3A_294] : memref<5x128x64xf32, #tpu.memory_space<vmem>> -> memref<1x128x64xf32, #tpu.memory_space<vmem>>
        %dma_start3A_296 = tpu.memref_squeeze %dma_start3A_295 : memref<1x128x64xf32, #tpu.memory_space<vmem>> -> memref<128x64xf32, #tpu.memory_space<vmem>>
        %dma_start3A_297 = arith.constant 0 : i32
        %dma_start3A_298 = tpu.memref_slice %arg7[%add3A_282, %dma_start3A_297] : memref<160x128xi32, #tpu.memory_space<vmem>> -> memref<1x128xi32, #tpu.memory_space<vmem>>
        %dma_start3A_299 = tpu.memref_squeeze %dma_start3A_298 : memref<1x128xi32, #tpu.memory_space<vmem>> -> memref<128xi32, #tpu.memory_space<vmem>>
        %dma_start3A_300 = arith.constant 0 : i32
        %dma_start3A_301 = arith.constant 0 : i32
        %dma_start3A_302 = tpu.memref_slice %arg4[%dma_start3A_300, %dma_start3A_301] : memref<20224x64xf32, #tpu.memory_space<hbm>> -> memref<20224x64xf32, #tpu.memory_space<hbm>>
        tpu.enqueue_indirect_dma source(%dma_start3A_302 : memref<20224x64xf32, #tpu.memory_space<hbm>>) target(%dma_start3A_296 : memref<128x64xf32, #tpu.memory_space<vmem>>) offsets(%dma_start3A_299 : memref<128xi32, #tpu.memory_space<vmem>>) semaphore(%arg13 : memref<!tpu.dma_semaphore, #tpu.memory_space<semaphore_mem>>)
      } else {
      }
    }
    %scan3A_70 = arith.constant 32 : i32
    %dma_wait3A_71 = arith.constant 0 : i32
    %dma_wait3A_72 = arith.constant 155 : i32
    %dma_wait3A_73 = arith.constant 0 : i32
    %dma_wait3A_74 = arith.constant 0 : i32
    %dma_wait3A_75 = tpu.memref_slice %arg9[%dma_wait3A_71, %dma_wait3A_73, %dma_wait3A_74] : memref<5x128x64xf32, #tpu.memory_space<vmem>> -> memref<1x128x64xf32, #tpu.memory_space<vmem>>
    %dma_wait3A_76 = tpu.memref_squeeze %dma_wait3A_75 : memref<1x128x64xf32, #tpu.memory_space<vmem>> -> memref<128x64xf32, #tpu.memory_space<vmem>>
    %dma_wait3A_77 = arith.constant 0 : i32
    %dma_wait3A_78 = tpu.memref_slice %arg8[%dma_wait3A_72, %dma_wait3A_77] : memref<160x128xi32, #tpu.memory_space<vmem>> -> memref<1x128xi32, #tpu.memory_space<vmem>>
    %dma_wait3A_79 = tpu.memref_squeeze %dma_wait3A_78 : memref<1x128xi32, #tpu.memory_space<vmem>> -> memref<128xi32, #tpu.memory_space<vmem>>
    %dma_wait3A_80 = arith.constant 0 : i32
    %dma_wait3A_81 = arith.constant 0 : i32
    %dma_wait3A_82 = tpu.memref_slice %arg10[%dma_wait3A_80, %dma_wait3A_81] : memref<10112x64xf32, #tpu.memory_space<vmem_shared>> -> memref<10112x64xf32, #tpu.memory_space<vmem_shared>>
    tpu.wait_indirect_dma semaphore(%arg16 : memref<!tpu.dma_semaphore, #tpu.memory_space<semaphore_mem>>) src(%dma_wait3A_76 : memref<128x64xf32, #tpu.memory_space<vmem>>) dst(%dma_wait3A_82 : memref<10112x64xf32, #tpu.memory_space<vmem_shared>>)
    %dma_wait3A_83 = arith.constant 1 : i32
    %dma_wait3A_84 = arith.constant 156 : i32
    %dma_wait3A_85 = arith.constant 0 : i32
    %dma_wait3A_86 = arith.constant 0 : i32
    %dma_wait3A_87 = tpu.memref_slice %arg9[%dma_wait3A_83, %dma_wait3A_85, %dma_wait3A_86] : memref<5x128x64xf32, #tpu.memory_space<vmem>> -> memref<1x128x64xf32, #tpu.memory_space<vmem>>
    %dma_wait3A_88 = tpu.memref_squeeze %dma_wait3A_87 : memref<1x128x64xf32, #tpu.memory_space<vmem>> -> memref<128x64xf32, #tpu.memory_space<vmem>>
    %dma_wait3A_89 = arith.constant 0 : i32
    %dma_wait3A_90 = tpu.memref_slice %arg8[%dma_wait3A_84, %dma_wait3A_89] : memref<160x128xi32, #tpu.memory_space<vmem>> -> memref<1x128xi32, #tpu.memory_space<vmem>>
    %dma_wait3A_91 = tpu.memref_squeeze %dma_wait3A_90 : memref<1x128xi32, #tpu.memory_space<vmem>> -> memref<128xi32, #tpu.memory_space<vmem>>
    %dma_wait3A_92 = arith.constant 0 : i32
    %dma_wait3A_93 = arith.constant 0 : i32
    %dma_wait3A_94 = tpu.memref_slice %arg10[%dma_wait3A_92, %dma_wait3A_93] : memref<10112x64xf32, #tpu.memory_space<vmem_shared>> -> memref<10112x64xf32, #tpu.memory_space<vmem_shared>>
    tpu.wait_indirect_dma semaphore(%arg17 : memref<!tpu.dma_semaphore, #tpu.memory_space<semaphore_mem>>) src(%dma_wait3A_88 : memref<128x64xf32, #tpu.memory_space<vmem>>) dst(%dma_wait3A_94 : memref<10112x64xf32, #tpu.memory_space<vmem_shared>>)
    %dma_wait3A_95 = arith.constant 2 : i32
    %dma_wait3A_96 = arith.constant 157 : i32
    %dma_wait3A_97 = arith.constant 0 : i32
    %dma_wait3A_98 = arith.constant 0 : i32
    %dma_wait3A_99 = tpu.memref_slice %arg9[%dma_wait3A_95, %dma_wait3A_97, %dma_wait3A_98] : memref<5x128x64xf32, #tpu.memory_space<vmem>> -> memref<1x128x64xf32, #tpu.memory_space<vmem>>
    %dma_wait3A_100 = tpu.memref_squeeze %dma_wait3A_99 : memref<1x128x64xf32, #tpu.memory_space<vmem>> -> memref<128x64xf32, #tpu.memory_space<vmem>>
    %dma_wait3A_101 = arith.constant 0 : i32
    %dma_wait3A_102 = tpu.memref_slice %arg8[%dma_wait3A_96, %dma_wait3A_101] : memref<160x128xi32, #tpu.memory_space<vmem>> -> memref<1x128xi32, #tpu.memory_space<vmem>>
    %dma_wait3A_103 = tpu.memref_squeeze %dma_wait3A_102 : memref<1x128xi32, #tpu.memory_space<vmem>> -> memref<128xi32, #tpu.memory_space<vmem>>
    %dma_wait3A_104 = arith.constant 0 : i32
    %dma_wait3A_105 = arith.constant 0 : i32
    %dma_wait3A_106 = tpu.memref_slice %arg10[%dma_wait3A_104, %dma_wait3A_105] : memref<10112x64xf32, #tpu.memory_space<vmem_shared>> -> memref<10112x64xf32, #tpu.memory_space<vmem_shared>>
    tpu.wait_indirect_dma semaphore(%arg18 : memref<!tpu.dma_semaphore, #tpu.memory_space<semaphore_mem>>) src(%dma_wait3A_100 : memref<128x64xf32, #tpu.memory_space<vmem>>) dst(%dma_wait3A_106 : memref<10112x64xf32, #tpu.memory_space<vmem_shared>>)
    %dma_wait3A_107 = arith.constant 3 : i32
    %dma_wait3A_108 = arith.constant 158 : i32
    %dma_wait3A_109 = arith.constant 0 : i32
    %dma_wait3A_110 = arith.constant 0 : i32
    %dma_wait3A_111 = tpu.memref_slice %arg9[%dma_wait3A_107, %dma_wait3A_109, %dma_wait3A_110] : memref<5x128x64xf32, #tpu.memory_space<vmem>> -> memref<1x128x64xf32, #tpu.memory_space<vmem>>
    %dma_wait3A_112 = tpu.memref_squeeze %dma_wait3A_111 : memref<1x128x64xf32, #tpu.memory_space<vmem>> -> memref<128x64xf32, #tpu.memory_space<vmem>>
    %dma_wait3A_113 = arith.constant 0 : i32
    %dma_wait3A_114 = tpu.memref_slice %arg8[%dma_wait3A_108, %dma_wait3A_113] : memref<160x128xi32, #tpu.memory_space<vmem>> -> memref<1x128xi32, #tpu.memory_space<vmem>>
    %dma_wait3A_115 = tpu.memref_squeeze %dma_wait3A_114 : memref<1x128xi32, #tpu.memory_space<vmem>> -> memref<128xi32, #tpu.memory_space<vmem>>
    %dma_wait3A_116 = arith.constant 0 : i32
    %dma_wait3A_117 = arith.constant 0 : i32
    %dma_wait3A_118 = tpu.memref_slice %arg10[%dma_wait3A_116, %dma_wait3A_117] : memref<10112x64xf32, #tpu.memory_space<vmem_shared>> -> memref<10112x64xf32, #tpu.memory_space<vmem_shared>>
    tpu.wait_indirect_dma semaphore(%arg19 : memref<!tpu.dma_semaphore, #tpu.memory_space<semaphore_mem>>) src(%dma_wait3A_112 : memref<128x64xf32, #tpu.memory_space<vmem>>) dst(%dma_wait3A_118 : memref<10112x64xf32, #tpu.memory_space<vmem_shared>>)
    %dma_wait3A_119 = arith.constant 4 : i32
    %dma_wait3A_120 = arith.constant 159 : i32
    %dma_wait3A_121 = arith.constant 0 : i32
    %dma_wait3A_122 = arith.constant 0 : i32
    %dma_wait3A_123 = tpu.memref_slice %arg9[%dma_wait3A_119, %dma_wait3A_121, %dma_wait3A_122] : memref<5x128x64xf32, #tpu.memory_space<vmem>> -> memref<1x128x64xf32, #tpu.memory_space<vmem>>
    %dma_wait3A_124 = tpu.memref_squeeze %dma_wait3A_123 : memref<1x128x64xf32, #tpu.memory_space<vmem>> -> memref<128x64xf32, #tpu.memory_space<vmem>>
    %dma_wait3A_125 = arith.constant 0 : i32
    %dma_wait3A_126 = tpu.memref_slice %arg8[%dma_wait3A_120, %dma_wait3A_125] : memref<160x128xi32, #tpu.memory_space<vmem>> -> memref<1x128xi32, #tpu.memory_space<vmem>>
    %dma_wait3A_127 = tpu.memref_squeeze %dma_wait3A_126 : memref<1x128xi32, #tpu.memory_space<vmem>> -> memref<128xi32, #tpu.memory_space<vmem>>
    %dma_wait3A_128 = arith.constant 0 : i32
    %dma_wait3A_129 = arith.constant 0 : i32
    %dma_wait3A_130 = tpu.memref_slice %arg10[%dma_wait3A_128, %dma_wait3A_129] : memref<10112x64xf32, #tpu.memory_space<vmem_shared>> -> memref<10112x64xf32, #tpu.memory_space<vmem_shared>>
    tpu.wait_indirect_dma semaphore(%arg20 : memref<!tpu.dma_semaphore, #tpu.memory_space<semaphore_mem>>) src(%dma_wait3A_124 : memref<128x64xf32, #tpu.memory_space<vmem>>) dst(%dma_wait3A_130 : memref<10112x64xf32, #tpu.memory_space<vmem_shared>>)
    %barrier3A_131 = arith.constant 0 : index
    tpu.barrier barrier_id(%barrier3A_131)
    "tpu.region"() ({
      %run_scoped3A = tpu.sem_alloc : memref<!tpu.dma_semaphore, #tpu.memory_space<semaphore_mem>>
      %dma_start3A_132 = arith.constant 0 : i32
      %dma_start3A_133 = tpu.memref_slice %arg6[%arg0, %mul3A_0, %dma_start3A_132] : memref<2x10112x64xf32, #tpu.memory_space<hbm>> -> memref<1x632x64xf32, #tpu.memory_space<hbm>>
      %dma_start3A_134 = tpu.memref_squeeze %dma_start3A_133 : memref<1x632x64xf32, #tpu.memory_space<hbm>> -> memref<632x64xf32, #tpu.memory_space<hbm>>
      %dma_start3A_135 = arith.constant 0 : i32
      %dma_start3A_136 = tpu.memref_slice %arg10[%mul3A_0, %dma_start3A_135] : memref<10112x64xf32, #tpu.memory_space<vmem_shared>> -> memref<632x64xf32, #tpu.memory_space<vmem_shared>>
      tpu.enqueue_dma source(%dma_start3A_136 : memref<632x64xf32, #tpu.memory_space<vmem_shared>>) target(%dma_start3A_134 : memref<632x64xf32, #tpu.memory_space<hbm>>) target_semaphore(%run_scoped3A : memref<!tpu.dma_semaphore, #tpu.memory_space<semaphore_mem>>)
      %dma_wait3A_137 = arith.constant 0 : i32
      %dma_wait3A_138 = tpu.memref_slice %arg6[%arg0, %mul3A_0, %dma_wait3A_137] : memref<2x10112x64xf32, #tpu.memory_space<hbm>> -> memref<1x632x64xf32, #tpu.memory_space<hbm>>
      %dma_wait3A_139 = tpu.memref_squeeze %dma_wait3A_138 : memref<1x632x64xf32, #tpu.memory_space<hbm>> -> memref<632x64xf32, #tpu.memory_space<hbm>>
      %dma_wait3A_140 = arith.constant 0 : i32
      %dma_wait3A_141 = tpu.memref_slice %arg10[%mul3A_0, %dma_wait3A_140] : memref<10112x64xf32, #tpu.memory_space<vmem_shared>> -> memref<632x64xf32, #tpu.memory_space<vmem_shared>>
      tpu.wait_dma2 semaphore(%run_scoped3A : memref<!tpu.dma_semaphore, #tpu.memory_space<semaphore_mem>>) src(%dma_wait3A_141 : memref<632x64xf32, #tpu.memory_space<vmem_shared>>) dst(%dma_wait3A_139 : memref<632x64xf32, #tpu.memory_space<hbm>>)
      tpu.yield
    }) : () -> ()
    return
  }
}

#map = affine_map<(d0, d1) -> (0, 0, 0)>
#map1 = affine_map<(d0, d1) -> (0, 0)>
module attributes {stable_mosaic.version = 14 : i64} {
  func.func @agg(%arg0: i32, %arg1: i32, %arg2: memref<16x160x128xi32, #tpu.memory_space<hbm>>, %arg3: memref<16x160x128xi32, #tpu.memory_space<hbm>>, %arg4: memref<10112x16xf32, #tpu.memory_space<hbm>>, %arg5: memref<632x16xf32, #tpu.memory_space<hbm>>, %arg6: memref<2x10112x16xf32, #tpu.memory_space<hbm>>, %arg7: memref<112x128xi32, #tpu.memory_space<vmem>>, %arg8: memref<112x128xi32, #tpu.memory_space<vmem>>, %arg9: memref<8x128x16xf32, #tpu.memory_space<vmem>>, %arg10: memref<10112x16xf32, #tpu.memory_space<vmem_shared>>, %arg11: memref<!tpu.dma_semaphore, #tpu.memory_space<semaphore_mem>>, %arg12: memref<!tpu.dma_semaphore, #tpu.memory_space<semaphore_mem>>, %arg13: memref<!tpu.dma_semaphore, #tpu.memory_space<semaphore_mem>>, %arg14: memref<!tpu.dma_semaphore, #tpu.memory_space<semaphore_mem>>, %arg15: memref<!tpu.dma_semaphore, #tpu.memory_space<semaphore_mem>>, %arg16: memref<!tpu.dma_semaphore, #tpu.memory_space<semaphore_mem>>, %arg17: memref<!tpu.dma_semaphore, #tpu.memory_space<semaphore_mem>>, %arg18: memref<!tpu.dma_semaphore, #tpu.memory_space<semaphore_mem>>) attributes {dimension_semantics = [#tpu.dimension_semantics<core_parallel>, #tpu.dimension_semantics<subcore_parallel>], iteration_bounds = array<i64: 2, 16>, scalar_prefetch = 0 : i64, scratch_operands = 12 : i64, tpu.core_type = #tpu.core_type<sc_vector_subcore>, window_params = [{transform_indices = #map}, {transform_indices = #map}, {transform_indices = #map1}, {transform_indices = #map1}, {transform_indices = #map}]} {
    %mul3A = arith.constant 632 : i32
    %mul3A_0 = arith.muli %arg1, %mul3A : i32
    %eq3A = arith.constant 0 : i32
    %eq3A_1 = arith.cmpi eq, %arg0, %eq3A : i32
    %convert_element_type3A = arith.extui %eq3A_1 : i1 to i32
    %cond3A = arith.constant 0 : i32
    %cond3A_2 = arith.cmpi ne, %convert_element_type3A, %cond3A : i32
    scf.if %cond3A_2 {
      %dma_start3A_127 = arith.constant 0 : i32
      %dma_start3A_128 = arith.constant 0 : i32
      %dma_start3A_129 = tpu.memref_slice %arg7[%dma_start3A_127, %dma_start3A_128] : memref<112x128xi32, #tpu.memory_space<vmem>> -> memref<112x128xi32, #tpu.memory_space<vmem>>
      %dma_start3A_130 = arith.constant 0 : i32
      %dma_start3A_131 = arith.constant 0 : i32
      %dma_start3A_132 = tpu.memref_slice %arg2[%arg1, %dma_start3A_130, %dma_start3A_131] : memref<16x160x128xi32, #tpu.memory_space<hbm>> -> memref<1x112x128xi32, #tpu.memory_space<hbm>>
      %dma_start3A_133 = tpu.memref_squeeze %dma_start3A_132 : memref<1x112x128xi32, #tpu.memory_space<hbm>> -> memref<112x128xi32, #tpu.memory_space<hbm>>
      %dma_start3A_134 = arith.constant 0 : i32
      %dma_start3A_135 = arith.constant 0 : i32
      %dma_start3A_136 = tpu.memref_slice %arg7[%dma_start3A_134, %dma_start3A_135] : memref<112x128xi32, #tpu.memory_space<vmem>> -> memref<112x128xi32, #tpu.memory_space<vmem>>
      %dma_start3A_137 = arith.constant 0 : i32
      %dma_start3A_138 = arith.constant 0 : i32
      %dma_start3A_139 = tpu.memref_slice %arg2[%arg1, %dma_start3A_137, %dma_start3A_138] : memref<16x160x128xi32, #tpu.memory_space<hbm>> -> memref<1x112x128xi32, #tpu.memory_space<hbm>>
      %dma_start3A_140 = tpu.memref_squeeze %dma_start3A_139 : memref<1x112x128xi32, #tpu.memory_space<hbm>> -> memref<112x128xi32, #tpu.memory_space<hbm>>
      tpu.enqueue_dma source(%dma_start3A_140 : memref<112x128xi32, #tpu.memory_space<hbm>>) target(%dma_start3A_136 : memref<112x128xi32, #tpu.memory_space<vmem>>) target_semaphore(%arg11 : memref<!tpu.dma_semaphore, #tpu.memory_space<semaphore_mem>>)
      %dma_start3A_141 = arith.constant 0 : i32
      %dma_start3A_142 = arith.constant 0 : i32
      %dma_start3A_143 = tpu.memref_slice %arg8[%dma_start3A_141, %dma_start3A_142] : memref<112x128xi32, #tpu.memory_space<vmem>> -> memref<112x128xi32, #tpu.memory_space<vmem>>
      %dma_start3A_144 = arith.constant 0 : i32
      %dma_start3A_145 = arith.constant 0 : i32
      %dma_start3A_146 = tpu.memref_slice %arg3[%arg1, %dma_start3A_144, %dma_start3A_145] : memref<16x160x128xi32, #tpu.memory_space<hbm>> -> memref<1x112x128xi32, #tpu.memory_space<hbm>>
      %dma_start3A_147 = tpu.memref_squeeze %dma_start3A_146 : memref<1x112x128xi32, #tpu.memory_space<hbm>> -> memref<112x128xi32, #tpu.memory_space<hbm>>
      %dma_start3A_148 = arith.constant 0 : i32
      %dma_start3A_149 = arith.constant 0 : i32
      %dma_start3A_150 = tpu.memref_slice %arg8[%dma_start3A_148, %dma_start3A_149] : memref<112x128xi32, #tpu.memory_space<vmem>> -> memref<112x128xi32, #tpu.memory_space<vmem>>
      %dma_start3A_151 = arith.constant 0 : i32
      %dma_start3A_152 = arith.constant 0 : i32
      %dma_start3A_153 = tpu.memref_slice %arg3[%arg1, %dma_start3A_151, %dma_start3A_152] : memref<16x160x128xi32, #tpu.memory_space<hbm>> -> memref<1x112x128xi32, #tpu.memory_space<hbm>>
      %dma_start3A_154 = tpu.memref_squeeze %dma_start3A_153 : memref<1x112x128xi32, #tpu.memory_space<hbm>> -> memref<112x128xi32, #tpu.memory_space<hbm>>
      tpu.enqueue_dma source(%dma_start3A_154 : memref<112x128xi32, #tpu.memory_space<hbm>>) target(%dma_start3A_150 : memref<112x128xi32, #tpu.memory_space<vmem>>) target_semaphore(%arg12 : memref<!tpu.dma_semaphore, #tpu.memory_space<semaphore_mem>>)
    } else {
    }
    %not3A = arith.constant true
    %not3A_3 = arith.xori %eq3A_1, %not3A : i1
    %convert_element_type3A_4 = arith.extui %not3A_3 : i1 to i32
    %cond3A_5 = arith.constant 0 : i32
    %cond3A_6 = arith.cmpi ne, %convert_element_type3A_4, %cond3A_5 : i32
    scf.if %cond3A_6 {
      %dma_start3A_127 = arith.constant 0 : i32
      %dma_start3A_128 = arith.constant 0 : i32
      %dma_start3A_129 = tpu.memref_slice %arg7[%dma_start3A_127, %dma_start3A_128] : memref<112x128xi32, #tpu.memory_space<vmem>> -> memref<48x128xi32, #tpu.memory_space<vmem>>
      %dma_start3A_130 = arith.constant 112 : i32
      %dma_start3A_131 = arith.constant 0 : i32
      %dma_start3A_132 = tpu.memref_slice %arg2[%arg1, %dma_start3A_130, %dma_start3A_131] : memref<16x160x128xi32, #tpu.memory_space<hbm>> -> memref<1x48x128xi32, #tpu.memory_space<hbm>>
      %dma_start3A_133 = tpu.memref_squeeze %dma_start3A_132 : memref<1x48x128xi32, #tpu.memory_space<hbm>> -> memref<48x128xi32, #tpu.memory_space<hbm>>
      %dma_start3A_134 = arith.constant 0 : i32
      %dma_start3A_135 = arith.constant 0 : i32
      %dma_start3A_136 = tpu.memref_slice %arg7[%dma_start3A_134, %dma_start3A_135] : memref<112x128xi32, #tpu.memory_space<vmem>> -> memref<48x128xi32, #tpu.memory_space<vmem>>
      %dma_start3A_137 = arith.constant 112 : i32
      %dma_start3A_138 = arith.constant 0 : i32
      %dma_start3A_139 = tpu.memref_slice %arg2[%arg1, %dma_start3A_137, %dma_start3A_138] : memref<16x160x128xi32, #tpu.memory_space<hbm>> -> memref<1x48x128xi32, #tpu.memory_space<hbm>>
      %dma_start3A_140 = tpu.memref_squeeze %dma_start3A_139 : memref<1x48x128xi32, #tpu.memory_space<hbm>> -> memref<48x128xi32, #tpu.memory_space<hbm>>
      tpu.enqueue_dma source(%dma_start3A_140 : memref<48x128xi32, #tpu.memory_space<hbm>>) target(%dma_start3A_136 : memref<48x128xi32, #tpu.memory_space<vmem>>) target_semaphore(%arg11 : memref<!tpu.dma_semaphore, #tpu.memory_space<semaphore_mem>>)
      %dma_start3A_141 = arith.constant 0 : i32
      %dma_start3A_142 = arith.constant 0 : i32
      %dma_start3A_143 = tpu.memref_slice %arg8[%dma_start3A_141, %dma_start3A_142] : memref<112x128xi32, #tpu.memory_space<vmem>> -> memref<48x128xi32, #tpu.memory_space<vmem>>
      %dma_start3A_144 = arith.constant 112 : i32
      %dma_start3A_145 = arith.constant 0 : i32
      %dma_start3A_146 = tpu.memref_slice %arg3[%arg1, %dma_start3A_144, %dma_start3A_145] : memref<16x160x128xi32, #tpu.memory_space<hbm>> -> memref<1x48x128xi32, #tpu.memory_space<hbm>>
      %dma_start3A_147 = tpu.memref_squeeze %dma_start3A_146 : memref<1x48x128xi32, #tpu.memory_space<hbm>> -> memref<48x128xi32, #tpu.memory_space<hbm>>
      %dma_start3A_148 = arith.constant 0 : i32
      %dma_start3A_149 = arith.constant 0 : i32
      %dma_start3A_150 = tpu.memref_slice %arg8[%dma_start3A_148, %dma_start3A_149] : memref<112x128xi32, #tpu.memory_space<vmem>> -> memref<48x128xi32, #tpu.memory_space<vmem>>
      %dma_start3A_151 = arith.constant 112 : i32
      %dma_start3A_152 = arith.constant 0 : i32
      %dma_start3A_153 = tpu.memref_slice %arg3[%arg1, %dma_start3A_151, %dma_start3A_152] : memref<16x160x128xi32, #tpu.memory_space<hbm>> -> memref<1x48x128xi32, #tpu.memory_space<hbm>>
      %dma_start3A_154 = tpu.memref_squeeze %dma_start3A_153 : memref<1x48x128xi32, #tpu.memory_space<hbm>> -> memref<48x128xi32, #tpu.memory_space<hbm>>
      tpu.enqueue_dma source(%dma_start3A_154 : memref<48x128xi32, #tpu.memory_space<hbm>>) target(%dma_start3A_150 : memref<48x128xi32, #tpu.memory_space<vmem>>) target_semaphore(%arg12 : memref<!tpu.dma_semaphore, #tpu.memory_space<semaphore_mem>>)
    } else {
    }
    "tpu.region"() ({
      %run_scoped3A = tpu.sem_alloc : memref<!tpu.dma_semaphore, #tpu.memory_space<semaphore_mem>>
      %dma_start3A_127 = arith.constant 0 : i32
      %dma_start3A_128 = tpu.memref_slice %arg10[%mul3A_0, %dma_start3A_127] : memref<10112x16xf32, #tpu.memory_space<vmem_shared>> -> memref<632x16xf32, #tpu.memory_space<vmem_shared>>
      tpu.enqueue_dma source(%arg5 : memref<632x16xf32, #tpu.memory_space<hbm>>) target(%dma_start3A_128 : memref<632x16xf32, #tpu.memory_space<vmem_shared>>) target_semaphore(%run_scoped3A : memref<!tpu.dma_semaphore, #tpu.memory_space<semaphore_mem>>)
      %dma_wait3A = arith.constant 0 : i32
      %dma_wait3A_129 = tpu.memref_slice %arg10[%mul3A_0, %dma_wait3A] : memref<10112x16xf32, #tpu.memory_space<vmem_shared>> -> memref<632x16xf32, #tpu.memory_space<vmem_shared>>
      tpu.wait_dma2 semaphore(%run_scoped3A : memref<!tpu.dma_semaphore, #tpu.memory_space<semaphore_mem>>) src(%arg5 : memref<632x16xf32, #tpu.memory_space<hbm>>) dst(%dma_wait3A_129 : memref<632x16xf32, #tpu.memory_space<vmem_shared>>)
      tpu.yield
    }) : () -> ()
    %convert_element_type3A_7 = arith.extui %eq3A_1 : i1 to i32
    %cond3A_8 = arith.constant 0 : i32
    %cond3A_9 = arith.cmpi ne, %convert_element_type3A_7, %cond3A_8 : i32
    scf.if %cond3A_9 {
      %dma_wait3A = arith.constant 0 : i32
      %dma_wait3A_127 = arith.constant 0 : i32
      %dma_wait3A_128 = tpu.memref_slice %arg7[%dma_wait3A, %dma_wait3A_127] : memref<112x128xi32, #tpu.memory_space<vmem>> -> memref<112x128xi32, #tpu.memory_space<vmem>>
      %dma_wait3A_129 = arith.constant 0 : i32
      %dma_wait3A_130 = arith.constant 0 : i32
      %dma_wait3A_131 = tpu.memref_slice %arg2[%arg1, %dma_wait3A_129, %dma_wait3A_130] : memref<16x160x128xi32, #tpu.memory_space<hbm>> -> memref<1x112x128xi32, #tpu.memory_space<hbm>>
      %dma_wait3A_132 = tpu.memref_squeeze %dma_wait3A_131 : memref<1x112x128xi32, #tpu.memory_space<hbm>> -> memref<112x128xi32, #tpu.memory_space<hbm>>
      %dma_wait3A_133 = arith.constant 0 : i32
      %dma_wait3A_134 = arith.constant 0 : i32
      %dma_wait3A_135 = tpu.memref_slice %arg7[%dma_wait3A_133, %dma_wait3A_134] : memref<112x128xi32, #tpu.memory_space<vmem>> -> memref<112x128xi32, #tpu.memory_space<vmem>>
      %dma_wait3A_136 = arith.constant 0 : i32
      %dma_wait3A_137 = arith.constant 0 : i32
      %dma_wait3A_138 = tpu.memref_slice %arg2[%arg1, %dma_wait3A_136, %dma_wait3A_137] : memref<16x160x128xi32, #tpu.memory_space<hbm>> -> memref<1x112x128xi32, #tpu.memory_space<hbm>>
      %dma_wait3A_139 = tpu.memref_squeeze %dma_wait3A_138 : memref<1x112x128xi32, #tpu.memory_space<hbm>> -> memref<112x128xi32, #tpu.memory_space<hbm>>
      tpu.wait_dma2 semaphore(%arg11 : memref<!tpu.dma_semaphore, #tpu.memory_space<semaphore_mem>>) src(%dma_wait3A_139 : memref<112x128xi32, #tpu.memory_space<hbm>>) dst(%dma_wait3A_135 : memref<112x128xi32, #tpu.memory_space<vmem>>)
      %dma_wait3A_140 = arith.constant 0 : i32
      %dma_wait3A_141 = arith.constant 0 : i32
      %dma_wait3A_142 = tpu.memref_slice %arg8[%dma_wait3A_140, %dma_wait3A_141] : memref<112x128xi32, #tpu.memory_space<vmem>> -> memref<112x128xi32, #tpu.memory_space<vmem>>
      %dma_wait3A_143 = arith.constant 0 : i32
      %dma_wait3A_144 = arith.constant 0 : i32
      %dma_wait3A_145 = tpu.memref_slice %arg3[%arg1, %dma_wait3A_143, %dma_wait3A_144] : memref<16x160x128xi32, #tpu.memory_space<hbm>> -> memref<1x112x128xi32, #tpu.memory_space<hbm>>
      %dma_wait3A_146 = tpu.memref_squeeze %dma_wait3A_145 : memref<1x112x128xi32, #tpu.memory_space<hbm>> -> memref<112x128xi32, #tpu.memory_space<hbm>>
      %dma_wait3A_147 = arith.constant 0 : i32
      %dma_wait3A_148 = arith.constant 0 : i32
      %dma_wait3A_149 = tpu.memref_slice %arg8[%dma_wait3A_147, %dma_wait3A_148] : memref<112x128xi32, #tpu.memory_space<vmem>> -> memref<112x128xi32, #tpu.memory_space<vmem>>
      %dma_wait3A_150 = arith.constant 0 : i32
      %dma_wait3A_151 = arith.constant 0 : i32
      %dma_wait3A_152 = tpu.memref_slice %arg3[%arg1, %dma_wait3A_150, %dma_wait3A_151] : memref<16x160x128xi32, #tpu.memory_space<hbm>> -> memref<1x112x128xi32, #tpu.memory_space<hbm>>
      %dma_wait3A_153 = tpu.memref_squeeze %dma_wait3A_152 : memref<1x112x128xi32, #tpu.memory_space<hbm>> -> memref<112x128xi32, #tpu.memory_space<hbm>>
      tpu.wait_dma2 semaphore(%arg12 : memref<!tpu.dma_semaphore, #tpu.memory_space<semaphore_mem>>) src(%dma_wait3A_153 : memref<112x128xi32, #tpu.memory_space<hbm>>) dst(%dma_wait3A_149 : memref<112x128xi32, #tpu.memory_space<vmem>>)
    } else {
    }
    %not3A_10 = arith.constant true
    %not3A_11 = arith.xori %eq3A_1, %not3A_10 : i1
    %convert_element_type3A_12 = arith.extui %not3A_11 : i1 to i32
    %cond3A_13 = arith.constant 0 : i32
    %cond3A_14 = arith.cmpi ne, %convert_element_type3A_12, %cond3A_13 : i32
    scf.if %cond3A_14 {
      %dma_wait3A = arith.constant 0 : i32
      %dma_wait3A_127 = arith.constant 0 : i32
      %dma_wait3A_128 = tpu.memref_slice %arg7[%dma_wait3A, %dma_wait3A_127] : memref<112x128xi32, #tpu.memory_space<vmem>> -> memref<48x128xi32, #tpu.memory_space<vmem>>
      %dma_wait3A_129 = arith.constant 112 : i32
      %dma_wait3A_130 = arith.constant 0 : i32
      %dma_wait3A_131 = tpu.memref_slice %arg2[%arg1, %dma_wait3A_129, %dma_wait3A_130] : memref<16x160x128xi32, #tpu.memory_space<hbm>> -> memref<1x48x128xi32, #tpu.memory_space<hbm>>
      %dma_wait3A_132 = tpu.memref_squeeze %dma_wait3A_131 : memref<1x48x128xi32, #tpu.memory_space<hbm>> -> memref<48x128xi32, #tpu.memory_space<hbm>>
      %dma_wait3A_133 = arith.constant 0 : i32
      %dma_wait3A_134 = arith.constant 0 : i32
      %dma_wait3A_135 = tpu.memref_slice %arg7[%dma_wait3A_133, %dma_wait3A_134] : memref<112x128xi32, #tpu.memory_space<vmem>> -> memref<48x128xi32, #tpu.memory_space<vmem>>
      %dma_wait3A_136 = arith.constant 112 : i32
      %dma_wait3A_137 = arith.constant 0 : i32
      %dma_wait3A_138 = tpu.memref_slice %arg2[%arg1, %dma_wait3A_136, %dma_wait3A_137] : memref<16x160x128xi32, #tpu.memory_space<hbm>> -> memref<1x48x128xi32, #tpu.memory_space<hbm>>
      %dma_wait3A_139 = tpu.memref_squeeze %dma_wait3A_138 : memref<1x48x128xi32, #tpu.memory_space<hbm>> -> memref<48x128xi32, #tpu.memory_space<hbm>>
      tpu.wait_dma2 semaphore(%arg11 : memref<!tpu.dma_semaphore, #tpu.memory_space<semaphore_mem>>) src(%dma_wait3A_139 : memref<48x128xi32, #tpu.memory_space<hbm>>) dst(%dma_wait3A_135 : memref<48x128xi32, #tpu.memory_space<vmem>>)
      %dma_wait3A_140 = arith.constant 0 : i32
      %dma_wait3A_141 = arith.constant 0 : i32
      %dma_wait3A_142 = tpu.memref_slice %arg8[%dma_wait3A_140, %dma_wait3A_141] : memref<112x128xi32, #tpu.memory_space<vmem>> -> memref<48x128xi32, #tpu.memory_space<vmem>>
      %dma_wait3A_143 = arith.constant 112 : i32
      %dma_wait3A_144 = arith.constant 0 : i32
      %dma_wait3A_145 = tpu.memref_slice %arg3[%arg1, %dma_wait3A_143, %dma_wait3A_144] : memref<16x160x128xi32, #tpu.memory_space<hbm>> -> memref<1x48x128xi32, #tpu.memory_space<hbm>>
      %dma_wait3A_146 = tpu.memref_squeeze %dma_wait3A_145 : memref<1x48x128xi32, #tpu.memory_space<hbm>> -> memref<48x128xi32, #tpu.memory_space<hbm>>
      %dma_wait3A_147 = arith.constant 0 : i32
      %dma_wait3A_148 = arith.constant 0 : i32
      %dma_wait3A_149 = tpu.memref_slice %arg8[%dma_wait3A_147, %dma_wait3A_148] : memref<112x128xi32, #tpu.memory_space<vmem>> -> memref<48x128xi32, #tpu.memory_space<vmem>>
      %dma_wait3A_150 = arith.constant 112 : i32
      %dma_wait3A_151 = arith.constant 0 : i32
      %dma_wait3A_152 = tpu.memref_slice %arg3[%arg1, %dma_wait3A_150, %dma_wait3A_151] : memref<16x160x128xi32, #tpu.memory_space<hbm>> -> memref<1x48x128xi32, #tpu.memory_space<hbm>>
      %dma_wait3A_153 = tpu.memref_squeeze %dma_wait3A_152 : memref<1x48x128xi32, #tpu.memory_space<hbm>> -> memref<48x128xi32, #tpu.memory_space<hbm>>
      tpu.wait_dma2 semaphore(%arg12 : memref<!tpu.dma_semaphore, #tpu.memory_space<semaphore_mem>>) src(%dma_wait3A_153 : memref<48x128xi32, #tpu.memory_space<hbm>>) dst(%dma_wait3A_149 : memref<48x128xi32, #tpu.memory_space<vmem>>)
    } else {
    }
    %barrier3A = arith.constant 0 : index
    tpu.barrier barrier_id(%barrier3A)
    %jit3A = arith.constant 112 : i32
    %jit3A_15 = arith.constant 48 : i32
    %select_n3A = arith.select %eq3A_1, %jit3A, %jit3A_15 : i32
    %dma_start3A = arith.constant 0 : i32
    %dma_start3A_16 = arith.constant 0 : i32
    %dma_start3A_17 = arith.constant 0 : i32
    %dma_start3A_18 = arith.constant 0 : i32
    %dma_start3A_19 = tpu.memref_slice %arg9[%dma_start3A_16, %dma_start3A_17, %dma_start3A_18] : memref<8x128x16xf32, #tpu.memory_space<vmem>> -> memref<1x128x16xf32, #tpu.memory_space<vmem>>
    %dma_start3A_20 = tpu.memref_squeeze %dma_start3A_19 : memref<1x128x16xf32, #tpu.memory_space<vmem>> -> memref<128x16xf32, #tpu.memory_space<vmem>>
    %dma_start3A_21 = arith.constant 0 : i32
    %dma_start3A_22 = tpu.memref_slice %arg7[%dma_start3A, %dma_start3A_21] : memref<112x128xi32, #tpu.memory_space<vmem>> -> memref<1x128xi32, #tpu.memory_space<vmem>>
    %dma_start3A_23 = tpu.memref_squeeze %dma_start3A_22 : memref<1x128xi32, #tpu.memory_space<vmem>> -> memref<128xi32, #tpu.memory_space<vmem>>
    %dma_start3A_24 = arith.constant 0 : i32
    %dma_start3A_25 = arith.constant 0 : i32
    %dma_start3A_26 = tpu.memref_slice %arg4[%dma_start3A_24, %dma_start3A_25] : memref<10112x16xf32, #tpu.memory_space<hbm>> -> memref<10112x16xf32, #tpu.memory_space<hbm>>
    tpu.enqueue_indirect_dma source(%dma_start3A_26 : memref<10112x16xf32, #tpu.memory_space<hbm>>) target(%dma_start3A_20 : memref<128x16xf32, #tpu.memory_space<vmem>>) offsets(%dma_start3A_23 : memref<128xi32, #tpu.memory_space<vmem>>) semaphore(%arg11 : memref<!tpu.dma_semaphore, #tpu.memory_space<semaphore_mem>>)
    %dma_start3A_27 = arith.constant 1 : i32
    %dma_start3A_28 = arith.constant 1 : i32
    %dma_start3A_29 = arith.constant 0 : i32
    %dma_start3A_30 = arith.constant 0 : i32
    %dma_start3A_31 = tpu.memref_slice %arg9[%dma_start3A_28, %dma_start3A_29, %dma_start3A_30] : memref<8x128x16xf32, #tpu.memory_space<vmem>> -> memref<1x128x16xf32, #tpu.memory_space<vmem>>
    %dma_start3A_32 = tpu.memref_squeeze %dma_start3A_31 : memref<1x128x16xf32, #tpu.memory_space<vmem>> -> memref<128x16xf32, #tpu.memory_space<vmem>>
    %dma_start3A_33 = arith.constant 0 : i32
    %dma_start3A_34 = tpu.memref_slice %arg7[%dma_start3A_27, %dma_start3A_33] : memref<112x128xi32, #tpu.memory_space<vmem>> -> memref<1x128xi32, #tpu.memory_space<vmem>>
    %dma_start3A_35 = tpu.memref_squeeze %dma_start3A_34 : memref<1x128xi32, #tpu.memory_space<vmem>> -> memref<128xi32, #tpu.memory_space<vmem>>
    %dma_start3A_36 = arith.constant 0 : i32
    %dma_start3A_37 = arith.constant 0 : i32
    %dma_start3A_38 = tpu.memref_slice %arg4[%dma_start3A_36, %dma_start3A_37] : memref<10112x16xf32, #tpu.memory_space<hbm>> -> memref<10112x16xf32, #tpu.memory_space<hbm>>
    tpu.enqueue_indirect_dma source(%dma_start3A_38 : memref<10112x16xf32, #tpu.memory_space<hbm>>) target(%dma_start3A_32 : memref<128x16xf32, #tpu.memory_space<vmem>>) offsets(%dma_start3A_35 : memref<128xi32, #tpu.memory_space<vmem>>) semaphore(%arg12 : memref<!tpu.dma_semaphore, #tpu.memory_space<semaphore_mem>>)
    %dma_start3A_39 = arith.constant 2 : i32
    %dma_start3A_40 = arith.constant 2 : i32
    %dma_start3A_41 = arith.constant 0 : i32
    %dma_start3A_42 = arith.constant 0 : i32
    %dma_start3A_43 = tpu.memref_slice %arg9[%dma_start3A_40, %dma_start3A_41, %dma_start3A_42] : memref<8x128x16xf32, #tpu.memory_space<vmem>> -> memref<1x128x16xf32, #tpu.memory_space<vmem>>
    %dma_start3A_44 = tpu.memref_squeeze %dma_start3A_43 : memref<1x128x16xf32, #tpu.memory_space<vmem>> -> memref<128x16xf32, #tpu.memory_space<vmem>>
    %dma_start3A_45 = arith.constant 0 : i32
    %dma_start3A_46 = tpu.memref_slice %arg7[%dma_start3A_39, %dma_start3A_45] : memref<112x128xi32, #tpu.memory_space<vmem>> -> memref<1x128xi32, #tpu.memory_space<vmem>>
    %dma_start3A_47 = tpu.memref_squeeze %dma_start3A_46 : memref<1x128xi32, #tpu.memory_space<vmem>> -> memref<128xi32, #tpu.memory_space<vmem>>
    %dma_start3A_48 = arith.constant 0 : i32
    %dma_start3A_49 = arith.constant 0 : i32
    %dma_start3A_50 = tpu.memref_slice %arg4[%dma_start3A_48, %dma_start3A_49] : memref<10112x16xf32, #tpu.memory_space<hbm>> -> memref<10112x16xf32, #tpu.memory_space<hbm>>
    tpu.enqueue_indirect_dma source(%dma_start3A_50 : memref<10112x16xf32, #tpu.memory_space<hbm>>) target(%dma_start3A_44 : memref<128x16xf32, #tpu.memory_space<vmem>>) offsets(%dma_start3A_47 : memref<128xi32, #tpu.memory_space<vmem>>) semaphore(%arg13 : memref<!tpu.dma_semaphore, #tpu.memory_space<semaphore_mem>>)
    %dma_start3A_51 = arith.constant 3 : i32
    %dma_start3A_52 = arith.constant 3 : i32
    %dma_start3A_53 = arith.constant 0 : i32
    %dma_start3A_54 = arith.constant 0 : i32
    %dma_start3A_55 = tpu.memref_slice %arg9[%dma_start3A_52, %dma_start3A_53, %dma_start3A_54] : memref<8x128x16xf32, #tpu.memory_space<vmem>> -> memref<1x128x16xf32, #tpu.memory_space<vmem>>
    %dma_start3A_56 = tpu.memref_squeeze %dma_start3A_55 : memref<1x128x16xf32, #tpu.memory_space<vmem>> -> memref<128x16xf32, #tpu.memory_space<vmem>>
    %dma_start3A_57 = arith.constant 0 : i32
    %dma_start3A_58 = tpu.memref_slice %arg7[%dma_start3A_51, %dma_start3A_57] : memref<112x128xi32, #tpu.memory_space<vmem>> -> memref<1x128xi32, #tpu.memory_space<vmem>>
    %dma_start3A_59 = tpu.memref_squeeze %dma_start3A_58 : memref<1x128xi32, #tpu.memory_space<vmem>> -> memref<128xi32, #tpu.memory_space<vmem>>
    %dma_start3A_60 = arith.constant 0 : i32
    %dma_start3A_61 = arith.constant 0 : i32
    %dma_start3A_62 = tpu.memref_slice %arg4[%dma_start3A_60, %dma_start3A_61] : memref<10112x16xf32, #tpu.memory_space<hbm>> -> memref<10112x16xf32, #tpu.memory_space<hbm>>
    tpu.enqueue_indirect_dma source(%dma_start3A_62 : memref<10112x16xf32, #tpu.memory_space<hbm>>) target(%dma_start3A_56 : memref<128x16xf32, #tpu.memory_space<vmem>>) offsets(%dma_start3A_59 : memref<128xi32, #tpu.memory_space<vmem>>) semaphore(%arg14 : memref<!tpu.dma_semaphore, #tpu.memory_space<semaphore_mem>>)
    %dma_start3A_63 = arith.constant 4 : i32
    %dma_start3A_64 = arith.constant 4 : i32
    %dma_start3A_65 = arith.constant 0 : i32
    %dma_start3A_66 = arith.constant 0 : i32
    %dma_start3A_67 = tpu.memref_slice %arg9[%dma_start3A_64, %dma_start3A_65, %dma_start3A_66] : memref<8x128x16xf32, #tpu.memory_space<vmem>> -> memref<1x128x16xf32, #tpu.memory_space<vmem>>
    %dma_start3A_68 = tpu.memref_squeeze %dma_start3A_67 : memref<1x128x16xf32, #tpu.memory_space<vmem>> -> memref<128x16xf32, #tpu.memory_space<vmem>>
    %dma_start3A_69 = arith.constant 0 : i32
    %dma_start3A_70 = tpu.memref_slice %arg7[%dma_start3A_63, %dma_start3A_69] : memref<112x128xi32, #tpu.memory_space<vmem>> -> memref<1x128xi32, #tpu.memory_space<vmem>>
    %dma_start3A_71 = tpu.memref_squeeze %dma_start3A_70 : memref<1x128xi32, #tpu.memory_space<vmem>> -> memref<128xi32, #tpu.memory_space<vmem>>
    %dma_start3A_72 = arith.constant 0 : i32
    %dma_start3A_73 = arith.constant 0 : i32
    %dma_start3A_74 = tpu.memref_slice %arg4[%dma_start3A_72, %dma_start3A_73] : memref<10112x16xf32, #tpu.memory_space<hbm>> -> memref<10112x16xf32, #tpu.memory_space<hbm>>
    tpu.enqueue_indirect_dma source(%dma_start3A_74 : memref<10112x16xf32, #tpu.memory_space<hbm>>) target(%dma_start3A_68 : memref<128x16xf32, #tpu.memory_space<vmem>>) offsets(%dma_start3A_71 : memref<128xi32, #tpu.memory_space<vmem>>) semaphore(%arg15 : memref<!tpu.dma_semaphore, #tpu.memory_space<semaphore_mem>>)
    %dma_start3A_75 = arith.constant 5 : i32
    %dma_start3A_76 = arith.constant 5 : i32
    %dma_start3A_77 = arith.constant 0 : i32
    %dma_start3A_78 = arith.constant 0 : i32
    %dma_start3A_79 = tpu.memref_slice %arg9[%dma_start3A_76, %dma_start3A_77, %dma_start3A_78] : memref<8x128x16xf32, #tpu.memory_space<vmem>> -> memref<1x128x16xf32, #tpu.memory_space<vmem>>
    %dma_start3A_80 = tpu.memref_squeeze %dma_start3A_79 : memref<1x128x16xf32, #tpu.memory_space<vmem>> -> memref<128x16xf32, #tpu.memory_space<vmem>>
    %dma_start3A_81 = arith.constant 0 : i32
    %dma_start3A_82 = tpu.memref_slice %arg7[%dma_start3A_75, %dma_start3A_81] : memref<112x128xi32, #tpu.memory_space<vmem>> -> memref<1x128xi32, #tpu.memory_space<vmem>>
    %dma_start3A_83 = tpu.memref_squeeze %dma_start3A_82 : memref<1x128xi32, #tpu.memory_space<vmem>> -> memref<128xi32, #tpu.memory_space<vmem>>
    %dma_start3A_84 = arith.constant 0 : i32
    %dma_start3A_85 = arith.constant 0 : i32
    %dma_start3A_86 = tpu.memref_slice %arg4[%dma_start3A_84, %dma_start3A_85] : memref<10112x16xf32, #tpu.memory_space<hbm>> -> memref<10112x16xf32, #tpu.memory_space<hbm>>
    tpu.enqueue_indirect_dma source(%dma_start3A_86 : memref<10112x16xf32, #tpu.memory_space<hbm>>) target(%dma_start3A_80 : memref<128x16xf32, #tpu.memory_space<vmem>>) offsets(%dma_start3A_83 : memref<128xi32, #tpu.memory_space<vmem>>) semaphore(%arg16 : memref<!tpu.dma_semaphore, #tpu.memory_space<semaphore_mem>>)
    %dma_start3A_87 = arith.constant 6 : i32
    %dma_start3A_88 = arith.constant 6 : i32
    %dma_start3A_89 = arith.constant 0 : i32
    %dma_start3A_90 = arith.constant 0 : i32
    %dma_start3A_91 = tpu.memref_slice %arg9[%dma_start3A_88, %dma_start3A_89, %dma_start3A_90] : memref<8x128x16xf32, #tpu.memory_space<vmem>> -> memref<1x128x16xf32, #tpu.memory_space<vmem>>
    %dma_start3A_92 = tpu.memref_squeeze %dma_start3A_91 : memref<1x128x16xf32, #tpu.memory_space<vmem>> -> memref<128x16xf32, #tpu.memory_space<vmem>>
    %dma_start3A_93 = arith.constant 0 : i32
    %dma_start3A_94 = tpu.memref_slice %arg7[%dma_start3A_87, %dma_start3A_93] : memref<112x128xi32, #tpu.memory_space<vmem>> -> memref<1x128xi32, #tpu.memory_space<vmem>>
    %dma_start3A_95 = tpu.memref_squeeze %dma_start3A_94 : memref<1x128xi32, #tpu.memory_space<vmem>> -> memref<128xi32, #tpu.memory_space<vmem>>
    %dma_start3A_96 = arith.constant 0 : i32
    %dma_start3A_97 = arith.constant 0 : i32
    %dma_start3A_98 = tpu.memref_slice %arg4[%dma_start3A_96, %dma_start3A_97] : memref<10112x16xf32, #tpu.memory_space<hbm>> -> memref<10112x16xf32, #tpu.memory_space<hbm>>
    tpu.enqueue_indirect_dma source(%dma_start3A_98 : memref<10112x16xf32, #tpu.memory_space<hbm>>) target(%dma_start3A_92 : memref<128x16xf32, #tpu.memory_space<vmem>>) offsets(%dma_start3A_95 : memref<128xi32, #tpu.memory_space<vmem>>) semaphore(%arg17 : memref<!tpu.dma_semaphore, #tpu.memory_space<semaphore_mem>>)
    %dma_start3A_99 = arith.constant 7 : i32
    %dma_start3A_100 = arith.constant 7 : i32
    %dma_start3A_101 = arith.constant 0 : i32
    %dma_start3A_102 = arith.constant 0 : i32
    %dma_start3A_103 = tpu.memref_slice %arg9[%dma_start3A_100, %dma_start3A_101, %dma_start3A_102] : memref<8x128x16xf32, #tpu.memory_space<vmem>> -> memref<1x128x16xf32, #tpu.memory_space<vmem>>
    %dma_start3A_104 = tpu.memref_squeeze %dma_start3A_103 : memref<1x128x16xf32, #tpu.memory_space<vmem>> -> memref<128x16xf32, #tpu.memory_space<vmem>>
    %dma_start3A_105 = arith.constant 0 : i32
    %dma_start3A_106 = tpu.memref_slice %arg7[%dma_start3A_99, %dma_start3A_105] : memref<112x128xi32, #tpu.memory_space<vmem>> -> memref<1x128xi32, #tpu.memory_space<vmem>>
    %dma_start3A_107 = tpu.memref_squeeze %dma_start3A_106 : memref<1x128xi32, #tpu.memory_space<vmem>> -> memref<128xi32, #tpu.memory_space<vmem>>
    %dma_start3A_108 = arith.constant 0 : i32
    %dma_start3A_109 = arith.constant 0 : i32
    %dma_start3A_110 = tpu.memref_slice %arg4[%dma_start3A_108, %dma_start3A_109] : memref<10112x16xf32, #tpu.memory_space<hbm>> -> memref<10112x16xf32, #tpu.memory_space<hbm>>
    tpu.enqueue_indirect_dma source(%dma_start3A_110 : memref<10112x16xf32, #tpu.memory_space<hbm>>) target(%dma_start3A_104 : memref<128x16xf32, #tpu.memory_space<vmem>>) offsets(%dma_start3A_107 : memref<128xi32, #tpu.memory_space<vmem>>) semaphore(%arg18 : memref<!tpu.dma_semaphore, #tpu.memory_space<semaphore_mem>>)
    %sub3A = arith.constant 0 : i32
    %sub3A_111 = arith.subi %select_n3A, %sub3A : i32
    %sub3A_112 = arith.constant 8 : i32
    %sub3A_113 = arith.constant 1 : i32
    %sub3A_114 = arith.subi %sub3A_112, %sub3A_113 : i32
    %add3A = arith.addi %sub3A_111, %sub3A_114 : i32
    %div3A = arith.constant 8 : i32
    %div3A_115 = arith.divsi %add3A, %div3A : i32
    %while3A = arith.constant 8 : i32
    %while3A_116 = arith.constant 0 : i32
    %while3A_117 = arith.constant 0 : i32
    %while3A_118 = arith.subi %div3A_115, %while3A_117 : i32
    %while3A_119 = arith.addi %while3A_117, %while3A_118 : i32
    %while3A_120 = arith.constant 1 : i32
    %while3A_121 = arith.divsi %while3A_118, %while3A_120 : i32
    %while3A_122 = arith.muli %while3A_121, %while3A_120 : i32
    %while3A_123 = arith.addi %while3A_117, %while3A_122 : i32
    %while3A_124 = arith.constant 1 : i32
    scf.for %while3A_127 = %while3A_117 to %while3A_123 step %while3A_124  : i32 {
      %mul3A_128 = arith.muli %while3A_127, %while3A : i32
      %add3A_129 = arith.addi %while3A_116, %mul3A_128 : i32
      %add3A_130 = arith.constant 0 : i32
      %add3A_131 = arith.addi %add3A_130, %add3A_129 : i32
      %add3A_132 = arith.constant 0 : i32
      %add3A_133 = arith.addi %add3A_131, %add3A_132 : i32
      %dma_wait3A = arith.constant 0 : i32
      %dma_wait3A_134 = arith.constant 0 : i32
      %dma_wait3A_135 = arith.constant 0 : i32
      %dma_wait3A_136 = tpu.memref_slice %arg9[%dma_wait3A, %dma_wait3A_134, %dma_wait3A_135] : memref<8x128x16xf32, #tpu.memory_space<vmem>> -> memref<1x128x16xf32, #tpu.memory_space<vmem>>
      %dma_wait3A_137 = tpu.memref_squeeze %dma_wait3A_136 : memref<1x128x16xf32, #tpu.memory_space<vmem>> -> memref<128x16xf32, #tpu.memory_space<vmem>>
      %dma_wait3A_138 = arith.constant 0 : i32
      %dma_wait3A_139 = tpu.memref_slice %arg7[%add3A_133, %dma_wait3A_138] : memref<112x128xi32, #tpu.memory_space<vmem>> -> memref<1x128xi32, #tpu.memory_space<vmem>>
      %dma_wait3A_140 = tpu.memref_squeeze %dma_wait3A_139 : memref<1x128xi32, #tpu.memory_space<vmem>> -> memref<128xi32, #tpu.memory_space<vmem>>
      %dma_wait3A_141 = arith.constant 0 : i32
      %dma_wait3A_142 = arith.constant 0 : i32
      %dma_wait3A_143 = tpu.memref_slice %arg4[%dma_wait3A_141, %dma_wait3A_142] : memref<10112x16xf32, #tpu.memory_space<hbm>> -> memref<10112x16xf32, #tpu.memory_space<hbm>>
      tpu.wait_indirect_dma semaphore(%arg11 : memref<!tpu.dma_semaphore, #tpu.memory_space<semaphore_mem>>) src(%dma_wait3A_143 : memref<10112x16xf32, #tpu.memory_space<hbm>>) dst(%dma_wait3A_137 : memref<128x16xf32, #tpu.memory_space<vmem>>)
      %run_scoped3A = arith.constant 0 : i32
      "tpu.region"() ({
        %run_scoped3A_319 = tpu.sem_alloc : memref<!tpu.dma_semaphore, #tpu.memory_space<semaphore_mem>>
        %dma_start3A_320 = arith.constant 0 : i32
        %dma_start3A_321 = arith.constant 0 : i32
        %dma_start3A_322 = tpu.memref_slice %arg9[%run_scoped3A, %dma_start3A_320, %dma_start3A_321] : memref<8x128x16xf32, #tpu.memory_space<vmem>> -> memref<1x128x16xf32, #tpu.memory_space<vmem>>
        %dma_start3A_323 = tpu.memref_squeeze %dma_start3A_322 : memref<1x128x16xf32, #tpu.memory_space<vmem>> -> memref<128x16xf32, #tpu.memory_space<vmem>>
        %dma_start3A_324 = arith.constant 0 : i32
        %dma_start3A_325 = tpu.memref_slice %arg8[%add3A_133, %dma_start3A_324] : memref<112x128xi32, #tpu.memory_space<vmem>> -> memref<1x128xi32, #tpu.memory_space<vmem>>
        %dma_start3A_326 = tpu.memref_squeeze %dma_start3A_325 : memref<1x128xi32, #tpu.memory_space<vmem>> -> memref<128xi32, #tpu.memory_space<vmem>>
        %dma_start3A_327 = arith.constant 0 : i32
        %dma_start3A_328 = arith.constant 0 : i32
        %dma_start3A_329 = tpu.memref_slice %arg10[%dma_start3A_327, %dma_start3A_328] : memref<10112x16xf32, #tpu.memory_space<vmem_shared>> -> memref<10112x16xf32, #tpu.memory_space<vmem_shared>>
        tpu.enqueue_indirect_dma source(%dma_start3A_323 : memref<128x16xf32, #tpu.memory_space<vmem>>) target(%dma_start3A_329 : memref<10112x16xf32, #tpu.memory_space<vmem_shared>>) offsets(%dma_start3A_326 : memref<128xi32, #tpu.memory_space<vmem>>) semaphore(%run_scoped3A_319 : memref<!tpu.dma_semaphore, #tpu.memory_space<semaphore_mem>>) {add = true}
        %dma_wait3A_330 = arith.constant 0 : i32
        %dma_wait3A_331 = arith.constant 0 : i32
        %dma_wait3A_332 = tpu.memref_slice %arg9[%run_scoped3A, %dma_wait3A_330, %dma_wait3A_331] : memref<8x128x16xf32, #tpu.memory_space<vmem>> -> memref<1x128x16xf32, #tpu.memory_space<vmem>>
        %dma_wait3A_333 = tpu.memref_squeeze %dma_wait3A_332 : memref<1x128x16xf32, #tpu.memory_space<vmem>> -> memref<128x16xf32, #tpu.memory_space<vmem>>
        %dma_wait3A_334 = arith.constant 0 : i32
        %dma_wait3A_335 = tpu.memref_slice %arg8[%add3A_133, %dma_wait3A_334] : memref<112x128xi32, #tpu.memory_space<vmem>> -> memref<1x128xi32, #tpu.memory_space<vmem>>
        %dma_wait3A_336 = tpu.memref_squeeze %dma_wait3A_335 : memref<1x128xi32, #tpu.memory_space<vmem>> -> memref<128xi32, #tpu.memory_space<vmem>>
        %dma_wait3A_337 = arith.constant 0 : i32
        %dma_wait3A_338 = arith.constant 0 : i32
        %dma_wait3A_339 = tpu.memref_slice %arg10[%dma_wait3A_337, %dma_wait3A_338] : memref<10112x16xf32, #tpu.memory_space<vmem_shared>> -> memref<10112x16xf32, #tpu.memory_space<vmem_shared>>
        tpu.wait_indirect_dma semaphore(%run_scoped3A_319 : memref<!tpu.dma_semaphore, #tpu.memory_space<semaphore_mem>>) src(%dma_wait3A_333 : memref<128x16xf32, #tpu.memory_space<vmem>>) dst(%dma_wait3A_339 : memref<10112x16xf32, #tpu.memory_space<vmem_shared>>)
        tpu.yield
      }) : () -> ()
      %add3A_144 = arith.constant 0 : i32
      %add3A_145 = arith.addi %add3A_129, %add3A_144 : i32
      %add3A_146 = arith.constant 8 : i32
      %add3A_147 = arith.addi %add3A_145, %add3A_146 : i32
      %lt3A = arith.cmpi slt, %add3A_147, %select_n3A : i32
      %convert_element_type3A_148 = arith.extui %lt3A : i1 to i32
      %cond3A_149 = arith.constant 0 : i32
      %cond3A_150 = arith.cmpi ne, %convert_element_type3A_148, %cond3A_149 : i32
      scf.if %cond3A_150 {
        %add3A_319 = arith.constant 8 : i32
        %add3A_320 = arith.addi %add3A_133, %add3A_319 : i32
        %dma_start3A_321 = arith.constant 0 : i32
        %dma_start3A_322 = arith.constant 0 : i32
        %dma_start3A_323 = arith.constant 0 : i32
        %dma_start3A_324 = tpu.memref_slice %arg9[%dma_start3A_321, %dma_start3A_322, %dma_start3A_323] : memref<8x128x16xf32, #tpu.memory_space<vmem>> -> memref<1x128x16xf32, #tpu.memory_space<vmem>>
        %dma_start3A_325 = tpu.memref_squeeze %dma_start3A_324 : memref<1x128x16xf32, #tpu.memory_space<vmem>> -> memref<128x16xf32, #tpu.memory_space<vmem>>
        %dma_start3A_326 = arith.constant 0 : i32
        %dma_start3A_327 = tpu.memref_slice %arg7[%add3A_320, %dma_start3A_326] : memref<112x128xi32, #tpu.memory_space<vmem>> -> memref<1x128xi32, #tpu.memory_space<vmem>>
        %dma_start3A_328 = tpu.memref_squeeze %dma_start3A_327 : memref<1x128xi32, #tpu.memory_space<vmem>> -> memref<128xi32, #tpu.memory_space<vmem>>
        %dma_start3A_329 = arith.constant 0 : i32
        %dma_start3A_330 = arith.constant 0 : i32
        %dma_start3A_331 = tpu.memref_slice %arg4[%dma_start3A_329, %dma_start3A_330] : memref<10112x16xf32, #tpu.memory_space<hbm>> -> memref<10112x16xf32, #tpu.memory_space<hbm>>
        tpu.enqueue_indirect_dma source(%dma_start3A_331 : memref<10112x16xf32, #tpu.memory_space<hbm>>) target(%dma_start3A_325 : memref<128x16xf32, #tpu.memory_space<vmem>>) offsets(%dma_start3A_328 : memref<128xi32, #tpu.memory_space<vmem>>) semaphore(%arg11 : memref<!tpu.dma_semaphore, #tpu.memory_space<semaphore_mem>>)
      } else {
      }
      %add3A_151 = arith.constant 0 : i32
      %add3A_152 = arith.addi %add3A_151, %add3A_129 : i32
      %add3A_153 = arith.constant 1 : i32
      %add3A_154 = arith.addi %add3A_152, %add3A_153 : i32
      %dma_wait3A_155 = arith.constant 1 : i32
      %dma_wait3A_156 = arith.constant 0 : i32
      %dma_wait3A_157 = arith.constant 0 : i32
      %dma_wait3A_158 = tpu.memref_slice %arg9[%dma_wait3A_155, %dma_wait3A_156, %dma_wait3A_157] : memref<8x128x16xf32, #tpu.memory_space<vmem>> -> memref<1x128x16xf32, #tpu.memory_space<vmem>>
      %dma_wait3A_159 = tpu.memref_squeeze %dma_wait3A_158 : memref<1x128x16xf32, #tpu.memory_space<vmem>> -> memref<128x16xf32, #tpu.memory_space<vmem>>
      %dma_wait3A_160 = arith.constant 0 : i32
      %dma_wait3A_161 = tpu.memref_slice %arg7[%add3A_154, %dma_wait3A_160] : memref<112x128xi32, #tpu.memory_space<vmem>> -> memref<1x128xi32, #tpu.memory_space<vmem>>
      %dma_wait3A_162 = tpu.memref_squeeze %dma_wait3A_161 : memref<1x128xi32, #tpu.memory_space<vmem>> -> memref<128xi32, #tpu.memory_space<vmem>>
      %dma_wait3A_163 = arith.constant 0 : i32
      %dma_wait3A_164 = arith.constant 0 : i32
      %dma_wait3A_165 = tpu.memref_slice %arg4[%dma_wait3A_163, %dma_wait3A_164] : memref<10112x16xf32, #tpu.memory_space<hbm>> -> memref<10112x16xf32, #tpu.memory_space<hbm>>
      tpu.wait_indirect_dma semaphore(%arg12 : memref<!tpu.dma_semaphore, #tpu.memory_space<semaphore_mem>>) src(%dma_wait3A_165 : memref<10112x16xf32, #tpu.memory_space<hbm>>) dst(%dma_wait3A_159 : memref<128x16xf32, #tpu.memory_space<vmem>>)
      %run_scoped3A_166 = arith.constant 1 : i32
      "tpu.region"() ({
        %run_scoped3A_319 = tpu.sem_alloc : memref<!tpu.dma_semaphore, #tpu.memory_space<semaphore_mem>>
        %dma_start3A_320 = arith.constant 0 : i32
        %dma_start3A_321 = arith.constant 0 : i32
        %dma_start3A_322 = tpu.memref_slice %arg9[%run_scoped3A_166, %dma_start3A_320, %dma_start3A_321] : memref<8x128x16xf32, #tpu.memory_space<vmem>> -> memref<1x128x16xf32, #tpu.memory_space<vmem>>
        %dma_start3A_323 = tpu.memref_squeeze %dma_start3A_322 : memref<1x128x16xf32, #tpu.memory_space<vmem>> -> memref<128x16xf32, #tpu.memory_space<vmem>>
        %dma_start3A_324 = arith.constant 0 : i32
        %dma_start3A_325 = tpu.memref_slice %arg8[%add3A_154, %dma_start3A_324] : memref<112x128xi32, #tpu.memory_space<vmem>> -> memref<1x128xi32, #tpu.memory_space<vmem>>
        %dma_start3A_326 = tpu.memref_squeeze %dma_start3A_325 : memref<1x128xi32, #tpu.memory_space<vmem>> -> memref<128xi32, #tpu.memory_space<vmem>>
        %dma_start3A_327 = arith.constant 0 : i32
        %dma_start3A_328 = arith.constant 0 : i32
        %dma_start3A_329 = tpu.memref_slice %arg10[%dma_start3A_327, %dma_start3A_328] : memref<10112x16xf32, #tpu.memory_space<vmem_shared>> -> memref<10112x16xf32, #tpu.memory_space<vmem_shared>>
        tpu.enqueue_indirect_dma source(%dma_start3A_323 : memref<128x16xf32, #tpu.memory_space<vmem>>) target(%dma_start3A_329 : memref<10112x16xf32, #tpu.memory_space<vmem_shared>>) offsets(%dma_start3A_326 : memref<128xi32, #tpu.memory_space<vmem>>) semaphore(%run_scoped3A_319 : memref<!tpu.dma_semaphore, #tpu.memory_space<semaphore_mem>>) {add = true}
        %dma_wait3A_330 = arith.constant 0 : i32
        %dma_wait3A_331 = arith.constant 0 : i32
        %dma_wait3A_332 = tpu.memref_slice %arg9[%run_scoped3A_166, %dma_wait3A_330, %dma_wait3A_331] : memref<8x128x16xf32, #tpu.memory_space<vmem>> -> memref<1x128x16xf32, #tpu.memory_space<vmem>>
        %dma_wait3A_333 = tpu.memref_squeeze %dma_wait3A_332 : memref<1x128x16xf32, #tpu.memory_space<vmem>> -> memref<128x16xf32, #tpu.memory_space<vmem>>
        %dma_wait3A_334 = arith.constant 0 : i32
        %dma_wait3A_335 = tpu.memref_slice %arg8[%add3A_154, %dma_wait3A_334] : memref<112x128xi32, #tpu.memory_space<vmem>> -> memref<1x128xi32, #tpu.memory_space<vmem>>
        %dma_wait3A_336 = tpu.memref_squeeze %dma_wait3A_335 : memref<1x128xi32, #tpu.memory_space<vmem>> -> memref<128xi32, #tpu.memory_space<vmem>>
        %dma_wait3A_337 = arith.constant 0 : i32
        %dma_wait3A_338 = arith.constant 0 : i32
        %dma_wait3A_339 = tpu.memref_slice %arg10[%dma_wait3A_337, %dma_wait3A_338] : memref<10112x16xf32, #tpu.memory_space<vmem_shared>> -> memref<10112x16xf32, #tpu.memory_space<vmem_shared>>
        tpu.wait_indirect_dma semaphore(%run_scoped3A_319 : memref<!tpu.dma_semaphore, #tpu.memory_space<semaphore_mem>>) src(%dma_wait3A_333 : memref<128x16xf32, #tpu.memory_space<vmem>>) dst(%dma_wait3A_339 : memref<10112x16xf32, #tpu.memory_space<vmem_shared>>)
        tpu.yield
      }) : () -> ()
      %add3A_167 = arith.constant 1 : i32
      %add3A_168 = arith.addi %add3A_129, %add3A_167 : i32
      %add3A_169 = arith.constant 8 : i32
      %add3A_170 = arith.addi %add3A_168, %add3A_169 : i32
      %lt3A_171 = arith.cmpi slt, %add3A_170, %select_n3A : i32
      %convert_element_type3A_172 = arith.extui %lt3A_171 : i1 to i32
      %cond3A_173 = arith.constant 0 : i32
      %cond3A_174 = arith.cmpi ne, %convert_element_type3A_172, %cond3A_173 : i32
      scf.if %cond3A_174 {
        %add3A_319 = arith.constant 8 : i32
        %add3A_320 = arith.addi %add3A_154, %add3A_319 : i32
        %dma_start3A_321 = arith.constant 1 : i32
        %dma_start3A_322 = arith.constant 0 : i32
        %dma_start3A_323 = arith.constant 0 : i32
        %dma_start3A_324 = tpu.memref_slice %arg9[%dma_start3A_321, %dma_start3A_322, %dma_start3A_323] : memref<8x128x16xf32, #tpu.memory_space<vmem>> -> memref<1x128x16xf32, #tpu.memory_space<vmem>>
        %dma_start3A_325 = tpu.memref_squeeze %dma_start3A_324 : memref<1x128x16xf32, #tpu.memory_space<vmem>> -> memref<128x16xf32, #tpu.memory_space<vmem>>
        %dma_start3A_326 = arith.constant 0 : i32
        %dma_start3A_327 = tpu.memref_slice %arg7[%add3A_320, %dma_start3A_326] : memref<112x128xi32, #tpu.memory_space<vmem>> -> memref<1x128xi32, #tpu.memory_space<vmem>>
        %dma_start3A_328 = tpu.memref_squeeze %dma_start3A_327 : memref<1x128xi32, #tpu.memory_space<vmem>> -> memref<128xi32, #tpu.memory_space<vmem>>
        %dma_start3A_329 = arith.constant 0 : i32
        %dma_start3A_330 = arith.constant 0 : i32
        %dma_start3A_331 = tpu.memref_slice %arg4[%dma_start3A_329, %dma_start3A_330] : memref<10112x16xf32, #tpu.memory_space<hbm>> -> memref<10112x16xf32, #tpu.memory_space<hbm>>
        tpu.enqueue_indirect_dma source(%dma_start3A_331 : memref<10112x16xf32, #tpu.memory_space<hbm>>) target(%dma_start3A_325 : memref<128x16xf32, #tpu.memory_space<vmem>>) offsets(%dma_start3A_328 : memref<128xi32, #tpu.memory_space<vmem>>) semaphore(%arg12 : memref<!tpu.dma_semaphore, #tpu.memory_space<semaphore_mem>>)
      } else {
      }
      %add3A_175 = arith.constant 0 : i32
      %add3A_176 = arith.addi %add3A_175, %add3A_129 : i32
      %add3A_177 = arith.constant 2 : i32
      %add3A_178 = arith.addi %add3A_176, %add3A_177 : i32
      %dma_wait3A_179 = arith.constant 2 : i32
      %dma_wait3A_180 = arith.constant 0 : i32
      %dma_wait3A_181 = arith.constant 0 : i32
      %dma_wait3A_182 = tpu.memref_slice %arg9[%dma_wait3A_179, %dma_wait3A_180, %dma_wait3A_181] : memref<8x128x16xf32, #tpu.memory_space<vmem>> -> memref<1x128x16xf32, #tpu.memory_space<vmem>>
      %dma_wait3A_183 = tpu.memref_squeeze %dma_wait3A_182 : memref<1x128x16xf32, #tpu.memory_space<vmem>> -> memref<128x16xf32, #tpu.memory_space<vmem>>
      %dma_wait3A_184 = arith.constant 0 : i32
      %dma_wait3A_185 = tpu.memref_slice %arg7[%add3A_178, %dma_wait3A_184] : memref<112x128xi32, #tpu.memory_space<vmem>> -> memref<1x128xi32, #tpu.memory_space<vmem>>
      %dma_wait3A_186 = tpu.memref_squeeze %dma_wait3A_185 : memref<1x128xi32, #tpu.memory_space<vmem>> -> memref<128xi32, #tpu.memory_space<vmem>>
      %dma_wait3A_187 = arith.constant 0 : i32
      %dma_wait3A_188 = arith.constant 0 : i32
      %dma_wait3A_189 = tpu.memref_slice %arg4[%dma_wait3A_187, %dma_wait3A_188] : memref<10112x16xf32, #tpu.memory_space<hbm>> -> memref<10112x16xf32, #tpu.memory_space<hbm>>
      tpu.wait_indirect_dma semaphore(%arg13 : memref<!tpu.dma_semaphore, #tpu.memory_space<semaphore_mem>>) src(%dma_wait3A_189 : memref<10112x16xf32, #tpu.memory_space<hbm>>) dst(%dma_wait3A_183 : memref<128x16xf32, #tpu.memory_space<vmem>>)
      %run_scoped3A_190 = arith.constant 2 : i32
      "tpu.region"() ({
        %run_scoped3A_319 = tpu.sem_alloc : memref<!tpu.dma_semaphore, #tpu.memory_space<semaphore_mem>>
        %dma_start3A_320 = arith.constant 0 : i32
        %dma_start3A_321 = arith.constant 0 : i32
        %dma_start3A_322 = tpu.memref_slice %arg9[%run_scoped3A_190, %dma_start3A_320, %dma_start3A_321] : memref<8x128x16xf32, #tpu.memory_space<vmem>> -> memref<1x128x16xf32, #tpu.memory_space<vmem>>
        %dma_start3A_323 = tpu.memref_squeeze %dma_start3A_322 : memref<1x128x16xf32, #tpu.memory_space<vmem>> -> memref<128x16xf32, #tpu.memory_space<vmem>>
        %dma_start3A_324 = arith.constant 0 : i32
        %dma_start3A_325 = tpu.memref_slice %arg8[%add3A_178, %dma_start3A_324] : memref<112x128xi32, #tpu.memory_space<vmem>> -> memref<1x128xi32, #tpu.memory_space<vmem>>
        %dma_start3A_326 = tpu.memref_squeeze %dma_start3A_325 : memref<1x128xi32, #tpu.memory_space<vmem>> -> memref<128xi32, #tpu.memory_space<vmem>>
        %dma_start3A_327 = arith.constant 0 : i32
        %dma_start3A_328 = arith.constant 0 : i32
        %dma_start3A_329 = tpu.memref_slice %arg10[%dma_start3A_327, %dma_start3A_328] : memref<10112x16xf32, #tpu.memory_space<vmem_shared>> -> memref<10112x16xf32, #tpu.memory_space<vmem_shared>>
        tpu.enqueue_indirect_dma source(%dma_start3A_323 : memref<128x16xf32, #tpu.memory_space<vmem>>) target(%dma_start3A_329 : memref<10112x16xf32, #tpu.memory_space<vmem_shared>>) offsets(%dma_start3A_326 : memref<128xi32, #tpu.memory_space<vmem>>) semaphore(%run_scoped3A_319 : memref<!tpu.dma_semaphore, #tpu.memory_space<semaphore_mem>>) {add = true}
        %dma_wait3A_330 = arith.constant 0 : i32
        %dma_wait3A_331 = arith.constant 0 : i32
        %dma_wait3A_332 = tpu.memref_slice %arg9[%run_scoped3A_190, %dma_wait3A_330, %dma_wait3A_331] : memref<8x128x16xf32, #tpu.memory_space<vmem>> -> memref<1x128x16xf32, #tpu.memory_space<vmem>>
        %dma_wait3A_333 = tpu.memref_squeeze %dma_wait3A_332 : memref<1x128x16xf32, #tpu.memory_space<vmem>> -> memref<128x16xf32, #tpu.memory_space<vmem>>
        %dma_wait3A_334 = arith.constant 0 : i32
        %dma_wait3A_335 = tpu.memref_slice %arg8[%add3A_178, %dma_wait3A_334] : memref<112x128xi32, #tpu.memory_space<vmem>> -> memref<1x128xi32, #tpu.memory_space<vmem>>
        %dma_wait3A_336 = tpu.memref_squeeze %dma_wait3A_335 : memref<1x128xi32, #tpu.memory_space<vmem>> -> memref<128xi32, #tpu.memory_space<vmem>>
        %dma_wait3A_337 = arith.constant 0 : i32
        %dma_wait3A_338 = arith.constant 0 : i32
        %dma_wait3A_339 = tpu.memref_slice %arg10[%dma_wait3A_337, %dma_wait3A_338] : memref<10112x16xf32, #tpu.memory_space<vmem_shared>> -> memref<10112x16xf32, #tpu.memory_space<vmem_shared>>
        tpu.wait_indirect_dma semaphore(%run_scoped3A_319 : memref<!tpu.dma_semaphore, #tpu.memory_space<semaphore_mem>>) src(%dma_wait3A_333 : memref<128x16xf32, #tpu.memory_space<vmem>>) dst(%dma_wait3A_339 : memref<10112x16xf32, #tpu.memory_space<vmem_shared>>)
        tpu.yield
      }) : () -> ()
      %add3A_191 = arith.constant 2 : i32
      %add3A_192 = arith.addi %add3A_129, %add3A_191 : i32
      %add3A_193 = arith.constant 8 : i32
      %add3A_194 = arith.addi %add3A_192, %add3A_193 : i32
      %lt3A_195 = arith.cmpi slt, %add3A_194, %select_n3A : i32
      %convert_element_type3A_196 = arith.extui %lt3A_195 : i1 to i32
      %cond3A_197 = arith.constant 0 : i32
      %cond3A_198 = arith.cmpi ne, %convert_element_type3A_196, %cond3A_197 : i32
      scf.if %cond3A_198 {
        %add3A_319 = arith.constant 8 : i32
        %add3A_320 = arith.addi %add3A_178, %add3A_319 : i32
        %dma_start3A_321 = arith.constant 2 : i32
        %dma_start3A_322 = arith.constant 0 : i32
        %dma_start3A_323 = arith.constant 0 : i32
        %dma_start3A_324 = tpu.memref_slice %arg9[%dma_start3A_321, %dma_start3A_322, %dma_start3A_323] : memref<8x128x16xf32, #tpu.memory_space<vmem>> -> memref<1x128x16xf32, #tpu.memory_space<vmem>>
        %dma_start3A_325 = tpu.memref_squeeze %dma_start3A_324 : memref<1x128x16xf32, #tpu.memory_space<vmem>> -> memref<128x16xf32, #tpu.memory_space<vmem>>
        %dma_start3A_326 = arith.constant 0 : i32
        %dma_start3A_327 = tpu.memref_slice %arg7[%add3A_320, %dma_start3A_326] : memref<112x128xi32, #tpu.memory_space<vmem>> -> memref<1x128xi32, #tpu.memory_space<vmem>>
        %dma_start3A_328 = tpu.memref_squeeze %dma_start3A_327 : memref<1x128xi32, #tpu.memory_space<vmem>> -> memref<128xi32, #tpu.memory_space<vmem>>
        %dma_start3A_329 = arith.constant 0 : i32
        %dma_start3A_330 = arith.constant 0 : i32
        %dma_start3A_331 = tpu.memref_slice %arg4[%dma_start3A_329, %dma_start3A_330] : memref<10112x16xf32, #tpu.memory_space<hbm>> -> memref<10112x16xf32, #tpu.memory_space<hbm>>
        tpu.enqueue_indirect_dma source(%dma_start3A_331 : memref<10112x16xf32, #tpu.memory_space<hbm>>) target(%dma_start3A_325 : memref<128x16xf32, #tpu.memory_space<vmem>>) offsets(%dma_start3A_328 : memref<128xi32, #tpu.memory_space<vmem>>) semaphore(%arg13 : memref<!tpu.dma_semaphore, #tpu.memory_space<semaphore_mem>>)
      } else {
      }
      %add3A_199 = arith.constant 0 : i32
      %add3A_200 = arith.addi %add3A_199, %add3A_129 : i32
      %add3A_201 = arith.constant 3 : i32
      %add3A_202 = arith.addi %add3A_200, %add3A_201 : i32
      %dma_wait3A_203 = arith.constant 3 : i32
      %dma_wait3A_204 = arith.constant 0 : i32
      %dma_wait3A_205 = arith.constant 0 : i32
      %dma_wait3A_206 = tpu.memref_slice %arg9[%dma_wait3A_203, %dma_wait3A_204, %dma_wait3A_205] : memref<8x128x16xf32, #tpu.memory_space<vmem>> -> memref<1x128x16xf32, #tpu.memory_space<vmem>>
      %dma_wait3A_207 = tpu.memref_squeeze %dma_wait3A_206 : memref<1x128x16xf32, #tpu.memory_space<vmem>> -> memref<128x16xf32, #tpu.memory_space<vmem>>
      %dma_wait3A_208 = arith.constant 0 : i32
      %dma_wait3A_209 = tpu.memref_slice %arg7[%add3A_202, %dma_wait3A_208] : memref<112x128xi32, #tpu.memory_space<vmem>> -> memref<1x128xi32, #tpu.memory_space<vmem>>
      %dma_wait3A_210 = tpu.memref_squeeze %dma_wait3A_209 : memref<1x128xi32, #tpu.memory_space<vmem>> -> memref<128xi32, #tpu.memory_space<vmem>>
      %dma_wait3A_211 = arith.constant 0 : i32
      %dma_wait3A_212 = arith.constant 0 : i32
      %dma_wait3A_213 = tpu.memref_slice %arg4[%dma_wait3A_211, %dma_wait3A_212] : memref<10112x16xf32, #tpu.memory_space<hbm>> -> memref<10112x16xf32, #tpu.memory_space<hbm>>
      tpu.wait_indirect_dma semaphore(%arg14 : memref<!tpu.dma_semaphore, #tpu.memory_space<semaphore_mem>>) src(%dma_wait3A_213 : memref<10112x16xf32, #tpu.memory_space<hbm>>) dst(%dma_wait3A_207 : memref<128x16xf32, #tpu.memory_space<vmem>>)
      %run_scoped3A_214 = arith.constant 3 : i32
      "tpu.region"() ({
        %run_scoped3A_319 = tpu.sem_alloc : memref<!tpu.dma_semaphore, #tpu.memory_space<semaphore_mem>>
        %dma_start3A_320 = arith.constant 0 : i32
        %dma_start3A_321 = arith.constant 0 : i32
        %dma_start3A_322 = tpu.memref_slice %arg9[%run_scoped3A_214, %dma_start3A_320, %dma_start3A_321] : memref<8x128x16xf32, #tpu.memory_space<vmem>> -> memref<1x128x16xf32, #tpu.memory_space<vmem>>
        %dma_start3A_323 = tpu.memref_squeeze %dma_start3A_322 : memref<1x128x16xf32, #tpu.memory_space<vmem>> -> memref<128x16xf32, #tpu.memory_space<vmem>>
        %dma_start3A_324 = arith.constant 0 : i32
        %dma_start3A_325 = tpu.memref_slice %arg8[%add3A_202, %dma_start3A_324] : memref<112x128xi32, #tpu.memory_space<vmem>> -> memref<1x128xi32, #tpu.memory_space<vmem>>
        %dma_start3A_326 = tpu.memref_squeeze %dma_start3A_325 : memref<1x128xi32, #tpu.memory_space<vmem>> -> memref<128xi32, #tpu.memory_space<vmem>>
        %dma_start3A_327 = arith.constant 0 : i32
        %dma_start3A_328 = arith.constant 0 : i32
        %dma_start3A_329 = tpu.memref_slice %arg10[%dma_start3A_327, %dma_start3A_328] : memref<10112x16xf32, #tpu.memory_space<vmem_shared>> -> memref<10112x16xf32, #tpu.memory_space<vmem_shared>>
        tpu.enqueue_indirect_dma source(%dma_start3A_323 : memref<128x16xf32, #tpu.memory_space<vmem>>) target(%dma_start3A_329 : memref<10112x16xf32, #tpu.memory_space<vmem_shared>>) offsets(%dma_start3A_326 : memref<128xi32, #tpu.memory_space<vmem>>) semaphore(%run_scoped3A_319 : memref<!tpu.dma_semaphore, #tpu.memory_space<semaphore_mem>>) {add = true}
        %dma_wait3A_330 = arith.constant 0 : i32
        %dma_wait3A_331 = arith.constant 0 : i32
        %dma_wait3A_332 = tpu.memref_slice %arg9[%run_scoped3A_214, %dma_wait3A_330, %dma_wait3A_331] : memref<8x128x16xf32, #tpu.memory_space<vmem>> -> memref<1x128x16xf32, #tpu.memory_space<vmem>>
        %dma_wait3A_333 = tpu.memref_squeeze %dma_wait3A_332 : memref<1x128x16xf32, #tpu.memory_space<vmem>> -> memref<128x16xf32, #tpu.memory_space<vmem>>
        %dma_wait3A_334 = arith.constant 0 : i32
        %dma_wait3A_335 = tpu.memref_slice %arg8[%add3A_202, %dma_wait3A_334] : memref<112x128xi32, #tpu.memory_space<vmem>> -> memref<1x128xi32, #tpu.memory_space<vmem>>
        %dma_wait3A_336 = tpu.memref_squeeze %dma_wait3A_335 : memref<1x128xi32, #tpu.memory_space<vmem>> -> memref<128xi32, #tpu.memory_space<vmem>>
        %dma_wait3A_337 = arith.constant 0 : i32
        %dma_wait3A_338 = arith.constant 0 : i32
        %dma_wait3A_339 = tpu.memref_slice %arg10[%dma_wait3A_337, %dma_wait3A_338] : memref<10112x16xf32, #tpu.memory_space<vmem_shared>> -> memref<10112x16xf32, #tpu.memory_space<vmem_shared>>
        tpu.wait_indirect_dma semaphore(%run_scoped3A_319 : memref<!tpu.dma_semaphore, #tpu.memory_space<semaphore_mem>>) src(%dma_wait3A_333 : memref<128x16xf32, #tpu.memory_space<vmem>>) dst(%dma_wait3A_339 : memref<10112x16xf32, #tpu.memory_space<vmem_shared>>)
        tpu.yield
      }) : () -> ()
      %add3A_215 = arith.constant 3 : i32
      %add3A_216 = arith.addi %add3A_129, %add3A_215 : i32
      %add3A_217 = arith.constant 8 : i32
      %add3A_218 = arith.addi %add3A_216, %add3A_217 : i32
      %lt3A_219 = arith.cmpi slt, %add3A_218, %select_n3A : i32
      %convert_element_type3A_220 = arith.extui %lt3A_219 : i1 to i32
      %cond3A_221 = arith.constant 0 : i32
      %cond3A_222 = arith.cmpi ne, %convert_element_type3A_220, %cond3A_221 : i32
      scf.if %cond3A_222 {
        %add3A_319 = arith.constant 8 : i32
        %add3A_320 = arith.addi %add3A_202, %add3A_319 : i32
        %dma_start3A_321 = arith.constant 3 : i32
        %dma_start3A_322 = arith.constant 0 : i32
        %dma_start3A_323 = arith.constant 0 : i32
        %dma_start3A_324 = tpu.memref_slice %arg9[%dma_start3A_321, %dma_start3A_322, %dma_start3A_323] : memref<8x128x16xf32, #tpu.memory_space<vmem>> -> memref<1x128x16xf32, #tpu.memory_space<vmem>>
        %dma_start3A_325 = tpu.memref_squeeze %dma_start3A_324 : memref<1x128x16xf32, #tpu.memory_space<vmem>> -> memref<128x16xf32, #tpu.memory_space<vmem>>
        %dma_start3A_326 = arith.constant 0 : i32
        %dma_start3A_327 = tpu.memref_slice %arg7[%add3A_320, %dma_start3A_326] : memref<112x128xi32, #tpu.memory_space<vmem>> -> memref<1x128xi32, #tpu.memory_space<vmem>>
        %dma_start3A_328 = tpu.memref_squeeze %dma_start3A_327 : memref<1x128xi32, #tpu.memory_space<vmem>> -> memref<128xi32, #tpu.memory_space<vmem>>
        %dma_start3A_329 = arith.constant 0 : i32
        %dma_start3A_330 = arith.constant 0 : i32
        %dma_start3A_331 = tpu.memref_slice %arg4[%dma_start3A_329, %dma_start3A_330] : memref<10112x16xf32, #tpu.memory_space<hbm>> -> memref<10112x16xf32, #tpu.memory_space<hbm>>
        tpu.enqueue_indirect_dma source(%dma_start3A_331 : memref<10112x16xf32, #tpu.memory_space<hbm>>) target(%dma_start3A_325 : memref<128x16xf32, #tpu.memory_space<vmem>>) offsets(%dma_start3A_328 : memref<128xi32, #tpu.memory_space<vmem>>) semaphore(%arg14 : memref<!tpu.dma_semaphore, #tpu.memory_space<semaphore_mem>>)
      } else {
      }
      %add3A_223 = arith.constant 0 : i32
      %add3A_224 = arith.addi %add3A_223, %add3A_129 : i32
      %add3A_225 = arith.constant 4 : i32
      %add3A_226 = arith.addi %add3A_224, %add3A_225 : i32
      %dma_wait3A_227 = arith.constant 4 : i32
      %dma_wait3A_228 = arith.constant 0 : i32
      %dma_wait3A_229 = arith.constant 0 : i32
      %dma_wait3A_230 = tpu.memref_slice %arg9[%dma_wait3A_227, %dma_wait3A_228, %dma_wait3A_229] : memref<8x128x16xf32, #tpu.memory_space<vmem>> -> memref<1x128x16xf32, #tpu.memory_space<vmem>>
      %dma_wait3A_231 = tpu.memref_squeeze %dma_wait3A_230 : memref<1x128x16xf32, #tpu.memory_space<vmem>> -> memref<128x16xf32, #tpu.memory_space<vmem>>
      %dma_wait3A_232 = arith.constant 0 : i32
      %dma_wait3A_233 = tpu.memref_slice %arg7[%add3A_226, %dma_wait3A_232] : memref<112x128xi32, #tpu.memory_space<vmem>> -> memref<1x128xi32, #tpu.memory_space<vmem>>
      %dma_wait3A_234 = tpu.memref_squeeze %dma_wait3A_233 : memref<1x128xi32, #tpu.memory_space<vmem>> -> memref<128xi32, #tpu.memory_space<vmem>>
      %dma_wait3A_235 = arith.constant 0 : i32
      %dma_wait3A_236 = arith.constant 0 : i32
      %dma_wait3A_237 = tpu.memref_slice %arg4[%dma_wait3A_235, %dma_wait3A_236] : memref<10112x16xf32, #tpu.memory_space<hbm>> -> memref<10112x16xf32, #tpu.memory_space<hbm>>
      tpu.wait_indirect_dma semaphore(%arg15 : memref<!tpu.dma_semaphore, #tpu.memory_space<semaphore_mem>>) src(%dma_wait3A_237 : memref<10112x16xf32, #tpu.memory_space<hbm>>) dst(%dma_wait3A_231 : memref<128x16xf32, #tpu.memory_space<vmem>>)
      %run_scoped3A_238 = arith.constant 4 : i32
      "tpu.region"() ({
        %run_scoped3A_319 = tpu.sem_alloc : memref<!tpu.dma_semaphore, #tpu.memory_space<semaphore_mem>>
        %dma_start3A_320 = arith.constant 0 : i32
        %dma_start3A_321 = arith.constant 0 : i32
        %dma_start3A_322 = tpu.memref_slice %arg9[%run_scoped3A_238, %dma_start3A_320, %dma_start3A_321] : memref<8x128x16xf32, #tpu.memory_space<vmem>> -> memref<1x128x16xf32, #tpu.memory_space<vmem>>
        %dma_start3A_323 = tpu.memref_squeeze %dma_start3A_322 : memref<1x128x16xf32, #tpu.memory_space<vmem>> -> memref<128x16xf32, #tpu.memory_space<vmem>>
        %dma_start3A_324 = arith.constant 0 : i32
        %dma_start3A_325 = tpu.memref_slice %arg8[%add3A_226, %dma_start3A_324] : memref<112x128xi32, #tpu.memory_space<vmem>> -> memref<1x128xi32, #tpu.memory_space<vmem>>
        %dma_start3A_326 = tpu.memref_squeeze %dma_start3A_325 : memref<1x128xi32, #tpu.memory_space<vmem>> -> memref<128xi32, #tpu.memory_space<vmem>>
        %dma_start3A_327 = arith.constant 0 : i32
        %dma_start3A_328 = arith.constant 0 : i32
        %dma_start3A_329 = tpu.memref_slice %arg10[%dma_start3A_327, %dma_start3A_328] : memref<10112x16xf32, #tpu.memory_space<vmem_shared>> -> memref<10112x16xf32, #tpu.memory_space<vmem_shared>>
        tpu.enqueue_indirect_dma source(%dma_start3A_323 : memref<128x16xf32, #tpu.memory_space<vmem>>) target(%dma_start3A_329 : memref<10112x16xf32, #tpu.memory_space<vmem_shared>>) offsets(%dma_start3A_326 : memref<128xi32, #tpu.memory_space<vmem>>) semaphore(%run_scoped3A_319 : memref<!tpu.dma_semaphore, #tpu.memory_space<semaphore_mem>>) {add = true}
        %dma_wait3A_330 = arith.constant 0 : i32
        %dma_wait3A_331 = arith.constant 0 : i32
        %dma_wait3A_332 = tpu.memref_slice %arg9[%run_scoped3A_238, %dma_wait3A_330, %dma_wait3A_331] : memref<8x128x16xf32, #tpu.memory_space<vmem>> -> memref<1x128x16xf32, #tpu.memory_space<vmem>>
        %dma_wait3A_333 = tpu.memref_squeeze %dma_wait3A_332 : memref<1x128x16xf32, #tpu.memory_space<vmem>> -> memref<128x16xf32, #tpu.memory_space<vmem>>
        %dma_wait3A_334 = arith.constant 0 : i32
        %dma_wait3A_335 = tpu.memref_slice %arg8[%add3A_226, %dma_wait3A_334] : memref<112x128xi32, #tpu.memory_space<vmem>> -> memref<1x128xi32, #tpu.memory_space<vmem>>
        %dma_wait3A_336 = tpu.memref_squeeze %dma_wait3A_335 : memref<1x128xi32, #tpu.memory_space<vmem>> -> memref<128xi32, #tpu.memory_space<vmem>>
        %dma_wait3A_337 = arith.constant 0 : i32
        %dma_wait3A_338 = arith.constant 0 : i32
        %dma_wait3A_339 = tpu.memref_slice %arg10[%dma_wait3A_337, %dma_wait3A_338] : memref<10112x16xf32, #tpu.memory_space<vmem_shared>> -> memref<10112x16xf32, #tpu.memory_space<vmem_shared>>
        tpu.wait_indirect_dma semaphore(%run_scoped3A_319 : memref<!tpu.dma_semaphore, #tpu.memory_space<semaphore_mem>>) src(%dma_wait3A_333 : memref<128x16xf32, #tpu.memory_space<vmem>>) dst(%dma_wait3A_339 : memref<10112x16xf32, #tpu.memory_space<vmem_shared>>)
        tpu.yield
      }) : () -> ()
      %add3A_239 = arith.constant 4 : i32
      %add3A_240 = arith.addi %add3A_129, %add3A_239 : i32
      %add3A_241 = arith.constant 8 : i32
      %add3A_242 = arith.addi %add3A_240, %add3A_241 : i32
      %lt3A_243 = arith.cmpi slt, %add3A_242, %select_n3A : i32
      %convert_element_type3A_244 = arith.extui %lt3A_243 : i1 to i32
      %cond3A_245 = arith.constant 0 : i32
      %cond3A_246 = arith.cmpi ne, %convert_element_type3A_244, %cond3A_245 : i32
      scf.if %cond3A_246 {
        %add3A_319 = arith.constant 8 : i32
        %add3A_320 = arith.addi %add3A_226, %add3A_319 : i32
        %dma_start3A_321 = arith.constant 4 : i32
        %dma_start3A_322 = arith.constant 0 : i32
        %dma_start3A_323 = arith.constant 0 : i32
        %dma_start3A_324 = tpu.memref_slice %arg9[%dma_start3A_321, %dma_start3A_322, %dma_start3A_323] : memref<8x128x16xf32, #tpu.memory_space<vmem>> -> memref<1x128x16xf32, #tpu.memory_space<vmem>>
        %dma_start3A_325 = tpu.memref_squeeze %dma_start3A_324 : memref<1x128x16xf32, #tpu.memory_space<vmem>> -> memref<128x16xf32, #tpu.memory_space<vmem>>
        %dma_start3A_326 = arith.constant 0 : i32
        %dma_start3A_327 = tpu.memref_slice %arg7[%add3A_320, %dma_start3A_326] : memref<112x128xi32, #tpu.memory_space<vmem>> -> memref<1x128xi32, #tpu.memory_space<vmem>>
        %dma_start3A_328 = tpu.memref_squeeze %dma_start3A_327 : memref<1x128xi32, #tpu.memory_space<vmem>> -> memref<128xi32, #tpu.memory_space<vmem>>
        %dma_start3A_329 = arith.constant 0 : i32
        %dma_start3A_330 = arith.constant 0 : i32
        %dma_start3A_331 = tpu.memref_slice %arg4[%dma_start3A_329, %dma_start3A_330] : memref<10112x16xf32, #tpu.memory_space<hbm>> -> memref<10112x16xf32, #tpu.memory_space<hbm>>
        tpu.enqueue_indirect_dma source(%dma_start3A_331 : memref<10112x16xf32, #tpu.memory_space<hbm>>) target(%dma_start3A_325 : memref<128x16xf32, #tpu.memory_space<vmem>>) offsets(%dma_start3A_328 : memref<128xi32, #tpu.memory_space<vmem>>) semaphore(%arg15 : memref<!tpu.dma_semaphore, #tpu.memory_space<semaphore_mem>>)
      } else {
      }
      %add3A_247 = arith.constant 0 : i32
      %add3A_248 = arith.addi %add3A_247, %add3A_129 : i32
      %add3A_249 = arith.constant 5 : i32
      %add3A_250 = arith.addi %add3A_248, %add3A_249 : i32
      %dma_wait3A_251 = arith.constant 5 : i32
      %dma_wait3A_252 = arith.constant 0 : i32
      %dma_wait3A_253 = arith.constant 0 : i32
      %dma_wait3A_254 = tpu.memref_slice %arg9[%dma_wait3A_251, %dma_wait3A_252, %dma_wait3A_253] : memref<8x128x16xf32, #tpu.memory_space<vmem>> -> memref<1x128x16xf32, #tpu.memory_space<vmem>>
      %dma_wait3A_255 = tpu.memref_squeeze %dma_wait3A_254 : memref<1x128x16xf32, #tpu.memory_space<vmem>> -> memref<128x16xf32, #tpu.memory_space<vmem>>
      %dma_wait3A_256 = arith.constant 0 : i32
      %dma_wait3A_257 = tpu.memref_slice %arg7[%add3A_250, %dma_wait3A_256] : memref<112x128xi32, #tpu.memory_space<vmem>> -> memref<1x128xi32, #tpu.memory_space<vmem>>
      %dma_wait3A_258 = tpu.memref_squeeze %dma_wait3A_257 : memref<1x128xi32, #tpu.memory_space<vmem>> -> memref<128xi32, #tpu.memory_space<vmem>>
      %dma_wait3A_259 = arith.constant 0 : i32
      %dma_wait3A_260 = arith.constant 0 : i32
      %dma_wait3A_261 = tpu.memref_slice %arg4[%dma_wait3A_259, %dma_wait3A_260] : memref<10112x16xf32, #tpu.memory_space<hbm>> -> memref<10112x16xf32, #tpu.memory_space<hbm>>
      tpu.wait_indirect_dma semaphore(%arg16 : memref<!tpu.dma_semaphore, #tpu.memory_space<semaphore_mem>>) src(%dma_wait3A_261 : memref<10112x16xf32, #tpu.memory_space<hbm>>) dst(%dma_wait3A_255 : memref<128x16xf32, #tpu.memory_space<vmem>>)
      %run_scoped3A_262 = arith.constant 5 : i32
      "tpu.region"() ({
        %run_scoped3A_319 = tpu.sem_alloc : memref<!tpu.dma_semaphore, #tpu.memory_space<semaphore_mem>>
        %dma_start3A_320 = arith.constant 0 : i32
        %dma_start3A_321 = arith.constant 0 : i32
        %dma_start3A_322 = tpu.memref_slice %arg9[%run_scoped3A_262, %dma_start3A_320, %dma_start3A_321] : memref<8x128x16xf32, #tpu.memory_space<vmem>> -> memref<1x128x16xf32, #tpu.memory_space<vmem>>
        %dma_start3A_323 = tpu.memref_squeeze %dma_start3A_322 : memref<1x128x16xf32, #tpu.memory_space<vmem>> -> memref<128x16xf32, #tpu.memory_space<vmem>>
        %dma_start3A_324 = arith.constant 0 : i32
        %dma_start3A_325 = tpu.memref_slice %arg8[%add3A_250, %dma_start3A_324] : memref<112x128xi32, #tpu.memory_space<vmem>> -> memref<1x128xi32, #tpu.memory_space<vmem>>
        %dma_start3A_326 = tpu.memref_squeeze %dma_start3A_325 : memref<1x128xi32, #tpu.memory_space<vmem>> -> memref<128xi32, #tpu.memory_space<vmem>>
        %dma_start3A_327 = arith.constant 0 : i32
        %dma_start3A_328 = arith.constant 0 : i32
        %dma_start3A_329 = tpu.memref_slice %arg10[%dma_start3A_327, %dma_start3A_328] : memref<10112x16xf32, #tpu.memory_space<vmem_shared>> -> memref<10112x16xf32, #tpu.memory_space<vmem_shared>>
        tpu.enqueue_indirect_dma source(%dma_start3A_323 : memref<128x16xf32, #tpu.memory_space<vmem>>) target(%dma_start3A_329 : memref<10112x16xf32, #tpu.memory_space<vmem_shared>>) offsets(%dma_start3A_326 : memref<128xi32, #tpu.memory_space<vmem>>) semaphore(%run_scoped3A_319 : memref<!tpu.dma_semaphore, #tpu.memory_space<semaphore_mem>>) {add = true}
        %dma_wait3A_330 = arith.constant 0 : i32
        %dma_wait3A_331 = arith.constant 0 : i32
        %dma_wait3A_332 = tpu.memref_slice %arg9[%run_scoped3A_262, %dma_wait3A_330, %dma_wait3A_331] : memref<8x128x16xf32, #tpu.memory_space<vmem>> -> memref<1x128x16xf32, #tpu.memory_space<vmem>>
        %dma_wait3A_333 = tpu.memref_squeeze %dma_wait3A_332 : memref<1x128x16xf32, #tpu.memory_space<vmem>> -> memref<128x16xf32, #tpu.memory_space<vmem>>
        %dma_wait3A_334 = arith.constant 0 : i32
        %dma_wait3A_335 = tpu.memref_slice %arg8[%add3A_250, %dma_wait3A_334] : memref<112x128xi32, #tpu.memory_space<vmem>> -> memref<1x128xi32, #tpu.memory_space<vmem>>
        %dma_wait3A_336 = tpu.memref_squeeze %dma_wait3A_335 : memref<1x128xi32, #tpu.memory_space<vmem>> -> memref<128xi32, #tpu.memory_space<vmem>>
        %dma_wait3A_337 = arith.constant 0 : i32
        %dma_wait3A_338 = arith.constant 0 : i32
        %dma_wait3A_339 = tpu.memref_slice %arg10[%dma_wait3A_337, %dma_wait3A_338] : memref<10112x16xf32, #tpu.memory_space<vmem_shared>> -> memref<10112x16xf32, #tpu.memory_space<vmem_shared>>
        tpu.wait_indirect_dma semaphore(%run_scoped3A_319 : memref<!tpu.dma_semaphore, #tpu.memory_space<semaphore_mem>>) src(%dma_wait3A_333 : memref<128x16xf32, #tpu.memory_space<vmem>>) dst(%dma_wait3A_339 : memref<10112x16xf32, #tpu.memory_space<vmem_shared>>)
        tpu.yield
      }) : () -> ()
      %add3A_263 = arith.constant 5 : i32
      %add3A_264 = arith.addi %add3A_129, %add3A_263 : i32
      %add3A_265 = arith.constant 8 : i32
      %add3A_266 = arith.addi %add3A_264, %add3A_265 : i32
      %lt3A_267 = arith.cmpi slt, %add3A_266, %select_n3A : i32
      %convert_element_type3A_268 = arith.extui %lt3A_267 : i1 to i32
      %cond3A_269 = arith.constant 0 : i32
      %cond3A_270 = arith.cmpi ne, %convert_element_type3A_268, %cond3A_269 : i32
      scf.if %cond3A_270 {
        %add3A_319 = arith.constant 8 : i32
        %add3A_320 = arith.addi %add3A_250, %add3A_319 : i32
        %dma_start3A_321 = arith.constant 5 : i32
        %dma_start3A_322 = arith.constant 0 : i32
        %dma_start3A_323 = arith.constant 0 : i32
        %dma_start3A_324 = tpu.memref_slice %arg9[%dma_start3A_321, %dma_start3A_322, %dma_start3A_323] : memref<8x128x16xf32, #tpu.memory_space<vmem>> -> memref<1x128x16xf32, #tpu.memory_space<vmem>>
        %dma_start3A_325 = tpu.memref_squeeze %dma_start3A_324 : memref<1x128x16xf32, #tpu.memory_space<vmem>> -> memref<128x16xf32, #tpu.memory_space<vmem>>
        %dma_start3A_326 = arith.constant 0 : i32
        %dma_start3A_327 = tpu.memref_slice %arg7[%add3A_320, %dma_start3A_326] : memref<112x128xi32, #tpu.memory_space<vmem>> -> memref<1x128xi32, #tpu.memory_space<vmem>>
        %dma_start3A_328 = tpu.memref_squeeze %dma_start3A_327 : memref<1x128xi32, #tpu.memory_space<vmem>> -> memref<128xi32, #tpu.memory_space<vmem>>
        %dma_start3A_329 = arith.constant 0 : i32
        %dma_start3A_330 = arith.constant 0 : i32
        %dma_start3A_331 = tpu.memref_slice %arg4[%dma_start3A_329, %dma_start3A_330] : memref<10112x16xf32, #tpu.memory_space<hbm>> -> memref<10112x16xf32, #tpu.memory_space<hbm>>
        tpu.enqueue_indirect_dma source(%dma_start3A_331 : memref<10112x16xf32, #tpu.memory_space<hbm>>) target(%dma_start3A_325 : memref<128x16xf32, #tpu.memory_space<vmem>>) offsets(%dma_start3A_328 : memref<128xi32, #tpu.memory_space<vmem>>) semaphore(%arg16 : memref<!tpu.dma_semaphore, #tpu.memory_space<semaphore_mem>>)
      } else {
      }
      %add3A_271 = arith.constant 0 : i32
      %add3A_272 = arith.addi %add3A_271, %add3A_129 : i32
      %add3A_273 = arith.constant 6 : i32
      %add3A_274 = arith.addi %add3A_272, %add3A_273 : i32
      %dma_wait3A_275 = arith.constant 6 : i32
      %dma_wait3A_276 = arith.constant 0 : i32
      %dma_wait3A_277 = arith.constant 0 : i32
      %dma_wait3A_278 = tpu.memref_slice %arg9[%dma_wait3A_275, %dma_wait3A_276, %dma_wait3A_277] : memref<8x128x16xf32, #tpu.memory_space<vmem>> -> memref<1x128x16xf32, #tpu.memory_space<vmem>>
      %dma_wait3A_279 = tpu.memref_squeeze %dma_wait3A_278 : memref<1x128x16xf32, #tpu.memory_space<vmem>> -> memref<128x16xf32, #tpu.memory_space<vmem>>
      %dma_wait3A_280 = arith.constant 0 : i32
      %dma_wait3A_281 = tpu.memref_slice %arg7[%add3A_274, %dma_wait3A_280] : memref<112x128xi32, #tpu.memory_space<vmem>> -> memref<1x128xi32, #tpu.memory_space<vmem>>
      %dma_wait3A_282 = tpu.memref_squeeze %dma_wait3A_281 : memref<1x128xi32, #tpu.memory_space<vmem>> -> memref<128xi32, #tpu.memory_space<vmem>>
      %dma_wait3A_283 = arith.constant 0 : i32
      %dma_wait3A_284 = arith.constant 0 : i32
      %dma_wait3A_285 = tpu.memref_slice %arg4[%dma_wait3A_283, %dma_wait3A_284] : memref<10112x16xf32, #tpu.memory_space<hbm>> -> memref<10112x16xf32, #tpu.memory_space<hbm>>
      tpu.wait_indirect_dma semaphore(%arg17 : memref<!tpu.dma_semaphore, #tpu.memory_space<semaphore_mem>>) src(%dma_wait3A_285 : memref<10112x16xf32, #tpu.memory_space<hbm>>) dst(%dma_wait3A_279 : memref<128x16xf32, #tpu.memory_space<vmem>>)
      %run_scoped3A_286 = arith.constant 6 : i32
      "tpu.region"() ({
        %run_scoped3A_319 = tpu.sem_alloc : memref<!tpu.dma_semaphore, #tpu.memory_space<semaphore_mem>>
        %dma_start3A_320 = arith.constant 0 : i32
        %dma_start3A_321 = arith.constant 0 : i32
        %dma_start3A_322 = tpu.memref_slice %arg9[%run_scoped3A_286, %dma_start3A_320, %dma_start3A_321] : memref<8x128x16xf32, #tpu.memory_space<vmem>> -> memref<1x128x16xf32, #tpu.memory_space<vmem>>
        %dma_start3A_323 = tpu.memref_squeeze %dma_start3A_322 : memref<1x128x16xf32, #tpu.memory_space<vmem>> -> memref<128x16xf32, #tpu.memory_space<vmem>>
        %dma_start3A_324 = arith.constant 0 : i32
        %dma_start3A_325 = tpu.memref_slice %arg8[%add3A_274, %dma_start3A_324] : memref<112x128xi32, #tpu.memory_space<vmem>> -> memref<1x128xi32, #tpu.memory_space<vmem>>
        %dma_start3A_326 = tpu.memref_squeeze %dma_start3A_325 : memref<1x128xi32, #tpu.memory_space<vmem>> -> memref<128xi32, #tpu.memory_space<vmem>>
        %dma_start3A_327 = arith.constant 0 : i32
        %dma_start3A_328 = arith.constant 0 : i32
        %dma_start3A_329 = tpu.memref_slice %arg10[%dma_start3A_327, %dma_start3A_328] : memref<10112x16xf32, #tpu.memory_space<vmem_shared>> -> memref<10112x16xf32, #tpu.memory_space<vmem_shared>>
        tpu.enqueue_indirect_dma source(%dma_start3A_323 : memref<128x16xf32, #tpu.memory_space<vmem>>) target(%dma_start3A_329 : memref<10112x16xf32, #tpu.memory_space<vmem_shared>>) offsets(%dma_start3A_326 : memref<128xi32, #tpu.memory_space<vmem>>) semaphore(%run_scoped3A_319 : memref<!tpu.dma_semaphore, #tpu.memory_space<semaphore_mem>>) {add = true}
        %dma_wait3A_330 = arith.constant 0 : i32
        %dma_wait3A_331 = arith.constant 0 : i32
        %dma_wait3A_332 = tpu.memref_slice %arg9[%run_scoped3A_286, %dma_wait3A_330, %dma_wait3A_331] : memref<8x128x16xf32, #tpu.memory_space<vmem>> -> memref<1x128x16xf32, #tpu.memory_space<vmem>>
        %dma_wait3A_333 = tpu.memref_squeeze %dma_wait3A_332 : memref<1x128x16xf32, #tpu.memory_space<vmem>> -> memref<128x16xf32, #tpu.memory_space<vmem>>
        %dma_wait3A_334 = arith.constant 0 : i32
        %dma_wait3A_335 = tpu.memref_slice %arg8[%add3A_274, %dma_wait3A_334] : memref<112x128xi32, #tpu.memory_space<vmem>> -> memref<1x128xi32, #tpu.memory_space<vmem>>
        %dma_wait3A_336 = tpu.memref_squeeze %dma_wait3A_335 : memref<1x128xi32, #tpu.memory_space<vmem>> -> memref<128xi32, #tpu.memory_space<vmem>>
        %dma_wait3A_337 = arith.constant 0 : i32
        %dma_wait3A_338 = arith.constant 0 : i32
        %dma_wait3A_339 = tpu.memref_slice %arg10[%dma_wait3A_337, %dma_wait3A_338] : memref<10112x16xf32, #tpu.memory_space<vmem_shared>> -> memref<10112x16xf32, #tpu.memory_space<vmem_shared>>
        tpu.wait_indirect_dma semaphore(%run_scoped3A_319 : memref<!tpu.dma_semaphore, #tpu.memory_space<semaphore_mem>>) src(%dma_wait3A_333 : memref<128x16xf32, #tpu.memory_space<vmem>>) dst(%dma_wait3A_339 : memref<10112x16xf32, #tpu.memory_space<vmem_shared>>)
        tpu.yield
      }) : () -> ()
      %add3A_287 = arith.constant 6 : i32
      %add3A_288 = arith.addi %add3A_129, %add3A_287 : i32
      %add3A_289 = arith.constant 8 : i32
      %add3A_290 = arith.addi %add3A_288, %add3A_289 : i32
      %lt3A_291 = arith.cmpi slt, %add3A_290, %select_n3A : i32
      %convert_element_type3A_292 = arith.extui %lt3A_291 : i1 to i32
      %cond3A_293 = arith.constant 0 : i32
      %cond3A_294 = arith.cmpi ne, %convert_element_type3A_292, %cond3A_293 : i32
      scf.if %cond3A_294 {
        %add3A_319 = arith.constant 8 : i32
        %add3A_320 = arith.addi %add3A_274, %add3A_319 : i32
        %dma_start3A_321 = arith.constant 6 : i32
        %dma_start3A_322 = arith.constant 0 : i32
        %dma_start3A_323 = arith.constant 0 : i32
        %dma_start3A_324 = tpu.memref_slice %arg9[%dma_start3A_321, %dma_start3A_322, %dma_start3A_323] : memref<8x128x16xf32, #tpu.memory_space<vmem>> -> memref<1x128x16xf32, #tpu.memory_space<vmem>>
        %dma_start3A_325 = tpu.memref_squeeze %dma_start3A_324 : memref<1x128x16xf32, #tpu.memory_space<vmem>> -> memref<128x16xf32, #tpu.memory_space<vmem>>
        %dma_start3A_326 = arith.constant 0 : i32
        %dma_start3A_327 = tpu.memref_slice %arg7[%add3A_320, %dma_start3A_326] : memref<112x128xi32, #tpu.memory_space<vmem>> -> memref<1x128xi32, #tpu.memory_space<vmem>>
        %dma_start3A_328 = tpu.memref_squeeze %dma_start3A_327 : memref<1x128xi32, #tpu.memory_space<vmem>> -> memref<128xi32, #tpu.memory_space<vmem>>
        %dma_start3A_329 = arith.constant 0 : i32
        %dma_start3A_330 = arith.constant 0 : i32
        %dma_start3A_331 = tpu.memref_slice %arg4[%dma_start3A_329, %dma_start3A_330] : memref<10112x16xf32, #tpu.memory_space<hbm>> -> memref<10112x16xf32, #tpu.memory_space<hbm>>
        tpu.enqueue_indirect_dma source(%dma_start3A_331 : memref<10112x16xf32, #tpu.memory_space<hbm>>) target(%dma_start3A_325 : memref<128x16xf32, #tpu.memory_space<vmem>>) offsets(%dma_start3A_328 : memref<128xi32, #tpu.memory_space<vmem>>) semaphore(%arg17 : memref<!tpu.dma_semaphore, #tpu.memory_space<semaphore_mem>>)
      } else {
      }
      %add3A_295 = arith.constant 0 : i32
      %add3A_296 = arith.addi %add3A_295, %add3A_129 : i32
      %add3A_297 = arith.constant 7 : i32
      %add3A_298 = arith.addi %add3A_296, %add3A_297 : i32
      %dma_wait3A_299 = arith.constant 7 : i32
      %dma_wait3A_300 = arith.constant 0 : i32
      %dma_wait3A_301 = arith.constant 0 : i32
      %dma_wait3A_302 = tpu.memref_slice %arg9[%dma_wait3A_299, %dma_wait3A_300, %dma_wait3A_301] : memref<8x128x16xf32, #tpu.memory_space<vmem>> -> memref<1x128x16xf32, #tpu.memory_space<vmem>>
      %dma_wait3A_303 = tpu.memref_squeeze %dma_wait3A_302 : memref<1x128x16xf32, #tpu.memory_space<vmem>> -> memref<128x16xf32, #tpu.memory_space<vmem>>
      %dma_wait3A_304 = arith.constant 0 : i32
      %dma_wait3A_305 = tpu.memref_slice %arg7[%add3A_298, %dma_wait3A_304] : memref<112x128xi32, #tpu.memory_space<vmem>> -> memref<1x128xi32, #tpu.memory_space<vmem>>
      %dma_wait3A_306 = tpu.memref_squeeze %dma_wait3A_305 : memref<1x128xi32, #tpu.memory_space<vmem>> -> memref<128xi32, #tpu.memory_space<vmem>>
      %dma_wait3A_307 = arith.constant 0 : i32
      %dma_wait3A_308 = arith.constant 0 : i32
      %dma_wait3A_309 = tpu.memref_slice %arg4[%dma_wait3A_307, %dma_wait3A_308] : memref<10112x16xf32, #tpu.memory_space<hbm>> -> memref<10112x16xf32, #tpu.memory_space<hbm>>
      tpu.wait_indirect_dma semaphore(%arg18 : memref<!tpu.dma_semaphore, #tpu.memory_space<semaphore_mem>>) src(%dma_wait3A_309 : memref<10112x16xf32, #tpu.memory_space<hbm>>) dst(%dma_wait3A_303 : memref<128x16xf32, #tpu.memory_space<vmem>>)
      %run_scoped3A_310 = arith.constant 7 : i32
      "tpu.region"() ({
        %run_scoped3A_319 = tpu.sem_alloc : memref<!tpu.dma_semaphore, #tpu.memory_space<semaphore_mem>>
        %dma_start3A_320 = arith.constant 0 : i32
        %dma_start3A_321 = arith.constant 0 : i32
        %dma_start3A_322 = tpu.memref_slice %arg9[%run_scoped3A_310, %dma_start3A_320, %dma_start3A_321] : memref<8x128x16xf32, #tpu.memory_space<vmem>> -> memref<1x128x16xf32, #tpu.memory_space<vmem>>
        %dma_start3A_323 = tpu.memref_squeeze %dma_start3A_322 : memref<1x128x16xf32, #tpu.memory_space<vmem>> -> memref<128x16xf32, #tpu.memory_space<vmem>>
        %dma_start3A_324 = arith.constant 0 : i32
        %dma_start3A_325 = tpu.memref_slice %arg8[%add3A_298, %dma_start3A_324] : memref<112x128xi32, #tpu.memory_space<vmem>> -> memref<1x128xi32, #tpu.memory_space<vmem>>
        %dma_start3A_326 = tpu.memref_squeeze %dma_start3A_325 : memref<1x128xi32, #tpu.memory_space<vmem>> -> memref<128xi32, #tpu.memory_space<vmem>>
        %dma_start3A_327 = arith.constant 0 : i32
        %dma_start3A_328 = arith.constant 0 : i32
        %dma_start3A_329 = tpu.memref_slice %arg10[%dma_start3A_327, %dma_start3A_328] : memref<10112x16xf32, #tpu.memory_space<vmem_shared>> -> memref<10112x16xf32, #tpu.memory_space<vmem_shared>>
        tpu.enqueue_indirect_dma source(%dma_start3A_323 : memref<128x16xf32, #tpu.memory_space<vmem>>) target(%dma_start3A_329 : memref<10112x16xf32, #tpu.memory_space<vmem_shared>>) offsets(%dma_start3A_326 : memref<128xi32, #tpu.memory_space<vmem>>) semaphore(%run_scoped3A_319 : memref<!tpu.dma_semaphore, #tpu.memory_space<semaphore_mem>>) {add = true}
        %dma_wait3A_330 = arith.constant 0 : i32
        %dma_wait3A_331 = arith.constant 0 : i32
        %dma_wait3A_332 = tpu.memref_slice %arg9[%run_scoped3A_310, %dma_wait3A_330, %dma_wait3A_331] : memref<8x128x16xf32, #tpu.memory_space<vmem>> -> memref<1x128x16xf32, #tpu.memory_space<vmem>>
        %dma_wait3A_333 = tpu.memref_squeeze %dma_wait3A_332 : memref<1x128x16xf32, #tpu.memory_space<vmem>> -> memref<128x16xf32, #tpu.memory_space<vmem>>
        %dma_wait3A_334 = arith.constant 0 : i32
        %dma_wait3A_335 = tpu.memref_slice %arg8[%add3A_298, %dma_wait3A_334] : memref<112x128xi32, #tpu.memory_space<vmem>> -> memref<1x128xi32, #tpu.memory_space<vmem>>
        %dma_wait3A_336 = tpu.memref_squeeze %dma_wait3A_335 : memref<1x128xi32, #tpu.memory_space<vmem>> -> memref<128xi32, #tpu.memory_space<vmem>>
        %dma_wait3A_337 = arith.constant 0 : i32
        %dma_wait3A_338 = arith.constant 0 : i32
        %dma_wait3A_339 = tpu.memref_slice %arg10[%dma_wait3A_337, %dma_wait3A_338] : memref<10112x16xf32, #tpu.memory_space<vmem_shared>> -> memref<10112x16xf32, #tpu.memory_space<vmem_shared>>
        tpu.wait_indirect_dma semaphore(%run_scoped3A_319 : memref<!tpu.dma_semaphore, #tpu.memory_space<semaphore_mem>>) src(%dma_wait3A_333 : memref<128x16xf32, #tpu.memory_space<vmem>>) dst(%dma_wait3A_339 : memref<10112x16xf32, #tpu.memory_space<vmem_shared>>)
        tpu.yield
      }) : () -> ()
      %add3A_311 = arith.constant 7 : i32
      %add3A_312 = arith.addi %add3A_129, %add3A_311 : i32
      %add3A_313 = arith.constant 8 : i32
      %add3A_314 = arith.addi %add3A_312, %add3A_313 : i32
      %lt3A_315 = arith.cmpi slt, %add3A_314, %select_n3A : i32
      %convert_element_type3A_316 = arith.extui %lt3A_315 : i1 to i32
      %cond3A_317 = arith.constant 0 : i32
      %cond3A_318 = arith.cmpi ne, %convert_element_type3A_316, %cond3A_317 : i32
      scf.if %cond3A_318 {
        %add3A_319 = arith.constant 8 : i32
        %add3A_320 = arith.addi %add3A_298, %add3A_319 : i32
        %dma_start3A_321 = arith.constant 7 : i32
        %dma_start3A_322 = arith.constant 0 : i32
        %dma_start3A_323 = arith.constant 0 : i32
        %dma_start3A_324 = tpu.memref_slice %arg9[%dma_start3A_321, %dma_start3A_322, %dma_start3A_323] : memref<8x128x16xf32, #tpu.memory_space<vmem>> -> memref<1x128x16xf32, #tpu.memory_space<vmem>>
        %dma_start3A_325 = tpu.memref_squeeze %dma_start3A_324 : memref<1x128x16xf32, #tpu.memory_space<vmem>> -> memref<128x16xf32, #tpu.memory_space<vmem>>
        %dma_start3A_326 = arith.constant 0 : i32
        %dma_start3A_327 = tpu.memref_slice %arg7[%add3A_320, %dma_start3A_326] : memref<112x128xi32, #tpu.memory_space<vmem>> -> memref<1x128xi32, #tpu.memory_space<vmem>>
        %dma_start3A_328 = tpu.memref_squeeze %dma_start3A_327 : memref<1x128xi32, #tpu.memory_space<vmem>> -> memref<128xi32, #tpu.memory_space<vmem>>
        %dma_start3A_329 = arith.constant 0 : i32
        %dma_start3A_330 = arith.constant 0 : i32
        %dma_start3A_331 = tpu.memref_slice %arg4[%dma_start3A_329, %dma_start3A_330] : memref<10112x16xf32, #tpu.memory_space<hbm>> -> memref<10112x16xf32, #tpu.memory_space<hbm>>
        tpu.enqueue_indirect_dma source(%dma_start3A_331 : memref<10112x16xf32, #tpu.memory_space<hbm>>) target(%dma_start3A_325 : memref<128x16xf32, #tpu.memory_space<vmem>>) offsets(%dma_start3A_328 : memref<128xi32, #tpu.memory_space<vmem>>) semaphore(%arg18 : memref<!tpu.dma_semaphore, #tpu.memory_space<semaphore_mem>>)
      } else {
      }
    }
    %while3A_125 = arith.constant 1 : i32
    scf.for %while3A_127 = %while3A_123 to %while3A_119 step %while3A_125  : i32 {
      %mul3A_128 = arith.muli %while3A_127, %while3A : i32
      %add3A_129 = arith.addi %while3A_116, %mul3A_128 : i32
      %add3A_130 = arith.constant 0 : i32
      %add3A_131 = arith.addi %add3A_130, %add3A_129 : i32
      %add3A_132 = arith.constant 0 : i32
      %add3A_133 = arith.addi %add3A_131, %add3A_132 : i32
      %dma_wait3A = arith.constant 0 : i32
      %dma_wait3A_134 = arith.constant 0 : i32
      %dma_wait3A_135 = arith.constant 0 : i32
      %dma_wait3A_136 = tpu.memref_slice %arg9[%dma_wait3A, %dma_wait3A_134, %dma_wait3A_135] : memref<8x128x16xf32, #tpu.memory_space<vmem>> -> memref<1x128x16xf32, #tpu.memory_space<vmem>>
      %dma_wait3A_137 = tpu.memref_squeeze %dma_wait3A_136 : memref<1x128x16xf32, #tpu.memory_space<vmem>> -> memref<128x16xf32, #tpu.memory_space<vmem>>
      %dma_wait3A_138 = arith.constant 0 : i32
      %dma_wait3A_139 = tpu.memref_slice %arg7[%add3A_133, %dma_wait3A_138] : memref<112x128xi32, #tpu.memory_space<vmem>> -> memref<1x128xi32, #tpu.memory_space<vmem>>
      %dma_wait3A_140 = tpu.memref_squeeze %dma_wait3A_139 : memref<1x128xi32, #tpu.memory_space<vmem>> -> memref<128xi32, #tpu.memory_space<vmem>>
      %dma_wait3A_141 = arith.constant 0 : i32
      %dma_wait3A_142 = arith.constant 0 : i32
      %dma_wait3A_143 = tpu.memref_slice %arg4[%dma_wait3A_141, %dma_wait3A_142] : memref<10112x16xf32, #tpu.memory_space<hbm>> -> memref<10112x16xf32, #tpu.memory_space<hbm>>
      tpu.wait_indirect_dma semaphore(%arg11 : memref<!tpu.dma_semaphore, #tpu.memory_space<semaphore_mem>>) src(%dma_wait3A_143 : memref<10112x16xf32, #tpu.memory_space<hbm>>) dst(%dma_wait3A_137 : memref<128x16xf32, #tpu.memory_space<vmem>>)
      %run_scoped3A = arith.constant 0 : i32
      "tpu.region"() ({
        %run_scoped3A_319 = tpu.sem_alloc : memref<!tpu.dma_semaphore, #tpu.memory_space<semaphore_mem>>
        %dma_start3A_320 = arith.constant 0 : i32
        %dma_start3A_321 = arith.constant 0 : i32
        %dma_start3A_322 = tpu.memref_slice %arg9[%run_scoped3A, %dma_start3A_320, %dma_start3A_321] : memref<8x128x16xf32, #tpu.memory_space<vmem>> -> memref<1x128x16xf32, #tpu.memory_space<vmem>>
        %dma_start3A_323 = tpu.memref_squeeze %dma_start3A_322 : memref<1x128x16xf32, #tpu.memory_space<vmem>> -> memref<128x16xf32, #tpu.memory_space<vmem>>
        %dma_start3A_324 = arith.constant 0 : i32
        %dma_start3A_325 = tpu.memref_slice %arg8[%add3A_133, %dma_start3A_324] : memref<112x128xi32, #tpu.memory_space<vmem>> -> memref<1x128xi32, #tpu.memory_space<vmem>>
        %dma_start3A_326 = tpu.memref_squeeze %dma_start3A_325 : memref<1x128xi32, #tpu.memory_space<vmem>> -> memref<128xi32, #tpu.memory_space<vmem>>
        %dma_start3A_327 = arith.constant 0 : i32
        %dma_start3A_328 = arith.constant 0 : i32
        %dma_start3A_329 = tpu.memref_slice %arg10[%dma_start3A_327, %dma_start3A_328] : memref<10112x16xf32, #tpu.memory_space<vmem_shared>> -> memref<10112x16xf32, #tpu.memory_space<vmem_shared>>
        tpu.enqueue_indirect_dma source(%dma_start3A_323 : memref<128x16xf32, #tpu.memory_space<vmem>>) target(%dma_start3A_329 : memref<10112x16xf32, #tpu.memory_space<vmem_shared>>) offsets(%dma_start3A_326 : memref<128xi32, #tpu.memory_space<vmem>>) semaphore(%run_scoped3A_319 : memref<!tpu.dma_semaphore, #tpu.memory_space<semaphore_mem>>) {add = true}
        %dma_wait3A_330 = arith.constant 0 : i32
        %dma_wait3A_331 = arith.constant 0 : i32
        %dma_wait3A_332 = tpu.memref_slice %arg9[%run_scoped3A, %dma_wait3A_330, %dma_wait3A_331] : memref<8x128x16xf32, #tpu.memory_space<vmem>> -> memref<1x128x16xf32, #tpu.memory_space<vmem>>
        %dma_wait3A_333 = tpu.memref_squeeze %dma_wait3A_332 : memref<1x128x16xf32, #tpu.memory_space<vmem>> -> memref<128x16xf32, #tpu.memory_space<vmem>>
        %dma_wait3A_334 = arith.constant 0 : i32
        %dma_wait3A_335 = tpu.memref_slice %arg8[%add3A_133, %dma_wait3A_334] : memref<112x128xi32, #tpu.memory_space<vmem>> -> memref<1x128xi32, #tpu.memory_space<vmem>>
        %dma_wait3A_336 = tpu.memref_squeeze %dma_wait3A_335 : memref<1x128xi32, #tpu.memory_space<vmem>> -> memref<128xi32, #tpu.memory_space<vmem>>
        %dma_wait3A_337 = arith.constant 0 : i32
        %dma_wait3A_338 = arith.constant 0 : i32
        %dma_wait3A_339 = tpu.memref_slice %arg10[%dma_wait3A_337, %dma_wait3A_338] : memref<10112x16xf32, #tpu.memory_space<vmem_shared>> -> memref<10112x16xf32, #tpu.memory_space<vmem_shared>>
        tpu.wait_indirect_dma semaphore(%run_scoped3A_319 : memref<!tpu.dma_semaphore, #tpu.memory_space<semaphore_mem>>) src(%dma_wait3A_333 : memref<128x16xf32, #tpu.memory_space<vmem>>) dst(%dma_wait3A_339 : memref<10112x16xf32, #tpu.memory_space<vmem_shared>>)
        tpu.yield
      }) : () -> ()
      %add3A_144 = arith.constant 0 : i32
      %add3A_145 = arith.addi %add3A_129, %add3A_144 : i32
      %add3A_146 = arith.constant 8 : i32
      %add3A_147 = arith.addi %add3A_145, %add3A_146 : i32
      %lt3A = arith.cmpi slt, %add3A_147, %select_n3A : i32
      %convert_element_type3A_148 = arith.extui %lt3A : i1 to i32
      %cond3A_149 = arith.constant 0 : i32
      %cond3A_150 = arith.cmpi ne, %convert_element_type3A_148, %cond3A_149 : i32
      scf.if %cond3A_150 {
        %add3A_319 = arith.constant 8 : i32
        %add3A_320 = arith.addi %add3A_133, %add3A_319 : i32
        %dma_start3A_321 = arith.constant 0 : i32
        %dma_start3A_322 = arith.constant 0 : i32
        %dma_start3A_323 = arith.constant 0 : i32
        %dma_start3A_324 = tpu.memref_slice %arg9[%dma_start3A_321, %dma_start3A_322, %dma_start3A_323] : memref<8x128x16xf32, #tpu.memory_space<vmem>> -> memref<1x128x16xf32, #tpu.memory_space<vmem>>
        %dma_start3A_325 = tpu.memref_squeeze %dma_start3A_324 : memref<1x128x16xf32, #tpu.memory_space<vmem>> -> memref<128x16xf32, #tpu.memory_space<vmem>>
        %dma_start3A_326 = arith.constant 0 : i32
        %dma_start3A_327 = tpu.memref_slice %arg7[%add3A_320, %dma_start3A_326] : memref<112x128xi32, #tpu.memory_space<vmem>> -> memref<1x128xi32, #tpu.memory_space<vmem>>
        %dma_start3A_328 = tpu.memref_squeeze %dma_start3A_327 : memref<1x128xi32, #tpu.memory_space<vmem>> -> memref<128xi32, #tpu.memory_space<vmem>>
        %dma_start3A_329 = arith.constant 0 : i32
        %dma_start3A_330 = arith.constant 0 : i32
        %dma_start3A_331 = tpu.memref_slice %arg4[%dma_start3A_329, %dma_start3A_330] : memref<10112x16xf32, #tpu.memory_space<hbm>> -> memref<10112x16xf32, #tpu.memory_space<hbm>>
        tpu.enqueue_indirect_dma source(%dma_start3A_331 : memref<10112x16xf32, #tpu.memory_space<hbm>>) target(%dma_start3A_325 : memref<128x16xf32, #tpu.memory_space<vmem>>) offsets(%dma_start3A_328 : memref<128xi32, #tpu.memory_space<vmem>>) semaphore(%arg11 : memref<!tpu.dma_semaphore, #tpu.memory_space<semaphore_mem>>)
      } else {
      }
      %add3A_151 = arith.constant 0 : i32
      %add3A_152 = arith.addi %add3A_151, %add3A_129 : i32
      %add3A_153 = arith.constant 1 : i32
      %add3A_154 = arith.addi %add3A_152, %add3A_153 : i32
      %dma_wait3A_155 = arith.constant 1 : i32
      %dma_wait3A_156 = arith.constant 0 : i32
      %dma_wait3A_157 = arith.constant 0 : i32
      %dma_wait3A_158 = tpu.memref_slice %arg9[%dma_wait3A_155, %dma_wait3A_156, %dma_wait3A_157] : memref<8x128x16xf32, #tpu.memory_space<vmem>> -> memref<1x128x16xf32, #tpu.memory_space<vmem>>
      %dma_wait3A_159 = tpu.memref_squeeze %dma_wait3A_158 : memref<1x128x16xf32, #tpu.memory_space<vmem>> -> memref<128x16xf32, #tpu.memory_space<vmem>>
      %dma_wait3A_160 = arith.constant 0 : i32
      %dma_wait3A_161 = tpu.memref_slice %arg7[%add3A_154, %dma_wait3A_160] : memref<112x128xi32, #tpu.memory_space<vmem>> -> memref<1x128xi32, #tpu.memory_space<vmem>>
      %dma_wait3A_162 = tpu.memref_squeeze %dma_wait3A_161 : memref<1x128xi32, #tpu.memory_space<vmem>> -> memref<128xi32, #tpu.memory_space<vmem>>
      %dma_wait3A_163 = arith.constant 0 : i32
      %dma_wait3A_164 = arith.constant 0 : i32
      %dma_wait3A_165 = tpu.memref_slice %arg4[%dma_wait3A_163, %dma_wait3A_164] : memref<10112x16xf32, #tpu.memory_space<hbm>> -> memref<10112x16xf32, #tpu.memory_space<hbm>>
      tpu.wait_indirect_dma semaphore(%arg12 : memref<!tpu.dma_semaphore, #tpu.memory_space<semaphore_mem>>) src(%dma_wait3A_165 : memref<10112x16xf32, #tpu.memory_space<hbm>>) dst(%dma_wait3A_159 : memref<128x16xf32, #tpu.memory_space<vmem>>)
      %run_scoped3A_166 = arith.constant 1 : i32
      "tpu.region"() ({
        %run_scoped3A_319 = tpu.sem_alloc : memref<!tpu.dma_semaphore, #tpu.memory_space<semaphore_mem>>
        %dma_start3A_320 = arith.constant 0 : i32
        %dma_start3A_321 = arith.constant 0 : i32
        %dma_start3A_322 = tpu.memref_slice %arg9[%run_scoped3A_166, %dma_start3A_320, %dma_start3A_321] : memref<8x128x16xf32, #tpu.memory_space<vmem>> -> memref<1x128x16xf32, #tpu.memory_space<vmem>>
        %dma_start3A_323 = tpu.memref_squeeze %dma_start3A_322 : memref<1x128x16xf32, #tpu.memory_space<vmem>> -> memref<128x16xf32, #tpu.memory_space<vmem>>
        %dma_start3A_324 = arith.constant 0 : i32
        %dma_start3A_325 = tpu.memref_slice %arg8[%add3A_154, %dma_start3A_324] : memref<112x128xi32, #tpu.memory_space<vmem>> -> memref<1x128xi32, #tpu.memory_space<vmem>>
        %dma_start3A_326 = tpu.memref_squeeze %dma_start3A_325 : memref<1x128xi32, #tpu.memory_space<vmem>> -> memref<128xi32, #tpu.memory_space<vmem>>
        %dma_start3A_327 = arith.constant 0 : i32
        %dma_start3A_328 = arith.constant 0 : i32
        %dma_start3A_329 = tpu.memref_slice %arg10[%dma_start3A_327, %dma_start3A_328] : memref<10112x16xf32, #tpu.memory_space<vmem_shared>> -> memref<10112x16xf32, #tpu.memory_space<vmem_shared>>
        tpu.enqueue_indirect_dma source(%dma_start3A_323 : memref<128x16xf32, #tpu.memory_space<vmem>>) target(%dma_start3A_329 : memref<10112x16xf32, #tpu.memory_space<vmem_shared>>) offsets(%dma_start3A_326 : memref<128xi32, #tpu.memory_space<vmem>>) semaphore(%run_scoped3A_319 : memref<!tpu.dma_semaphore, #tpu.memory_space<semaphore_mem>>) {add = true}
        %dma_wait3A_330 = arith.constant 0 : i32
        %dma_wait3A_331 = arith.constant 0 : i32
        %dma_wait3A_332 = tpu.memref_slice %arg9[%run_scoped3A_166, %dma_wait3A_330, %dma_wait3A_331] : memref<8x128x16xf32, #tpu.memory_space<vmem>> -> memref<1x128x16xf32, #tpu.memory_space<vmem>>
        %dma_wait3A_333 = tpu.memref_squeeze %dma_wait3A_332 : memref<1x128x16xf32, #tpu.memory_space<vmem>> -> memref<128x16xf32, #tpu.memory_space<vmem>>
        %dma_wait3A_334 = arith.constant 0 : i32
        %dma_wait3A_335 = tpu.memref_slice %arg8[%add3A_154, %dma_wait3A_334] : memref<112x128xi32, #tpu.memory_space<vmem>> -> memref<1x128xi32, #tpu.memory_space<vmem>>
        %dma_wait3A_336 = tpu.memref_squeeze %dma_wait3A_335 : memref<1x128xi32, #tpu.memory_space<vmem>> -> memref<128xi32, #tpu.memory_space<vmem>>
        %dma_wait3A_337 = arith.constant 0 : i32
        %dma_wait3A_338 = arith.constant 0 : i32
        %dma_wait3A_339 = tpu.memref_slice %arg10[%dma_wait3A_337, %dma_wait3A_338] : memref<10112x16xf32, #tpu.memory_space<vmem_shared>> -> memref<10112x16xf32, #tpu.memory_space<vmem_shared>>
        tpu.wait_indirect_dma semaphore(%run_scoped3A_319 : memref<!tpu.dma_semaphore, #tpu.memory_space<semaphore_mem>>) src(%dma_wait3A_333 : memref<128x16xf32, #tpu.memory_space<vmem>>) dst(%dma_wait3A_339 : memref<10112x16xf32, #tpu.memory_space<vmem_shared>>)
        tpu.yield
      }) : () -> ()
      %add3A_167 = arith.constant 1 : i32
      %add3A_168 = arith.addi %add3A_129, %add3A_167 : i32
      %add3A_169 = arith.constant 8 : i32
      %add3A_170 = arith.addi %add3A_168, %add3A_169 : i32
      %lt3A_171 = arith.cmpi slt, %add3A_170, %select_n3A : i32
      %convert_element_type3A_172 = arith.extui %lt3A_171 : i1 to i32
      %cond3A_173 = arith.constant 0 : i32
      %cond3A_174 = arith.cmpi ne, %convert_element_type3A_172, %cond3A_173 : i32
      scf.if %cond3A_174 {
        %add3A_319 = arith.constant 8 : i32
        %add3A_320 = arith.addi %add3A_154, %add3A_319 : i32
        %dma_start3A_321 = arith.constant 1 : i32
        %dma_start3A_322 = arith.constant 0 : i32
        %dma_start3A_323 = arith.constant 0 : i32
        %dma_start3A_324 = tpu.memref_slice %arg9[%dma_start3A_321, %dma_start3A_322, %dma_start3A_323] : memref<8x128x16xf32, #tpu.memory_space<vmem>> -> memref<1x128x16xf32, #tpu.memory_space<vmem>>
        %dma_start3A_325 = tpu.memref_squeeze %dma_start3A_324 : memref<1x128x16xf32, #tpu.memory_space<vmem>> -> memref<128x16xf32, #tpu.memory_space<vmem>>
        %dma_start3A_326 = arith.constant 0 : i32
        %dma_start3A_327 = tpu.memref_slice %arg7[%add3A_320, %dma_start3A_326] : memref<112x128xi32, #tpu.memory_space<vmem>> -> memref<1x128xi32, #tpu.memory_space<vmem>>
        %dma_start3A_328 = tpu.memref_squeeze %dma_start3A_327 : memref<1x128xi32, #tpu.memory_space<vmem>> -> memref<128xi32, #tpu.memory_space<vmem>>
        %dma_start3A_329 = arith.constant 0 : i32
        %dma_start3A_330 = arith.constant 0 : i32
        %dma_start3A_331 = tpu.memref_slice %arg4[%dma_start3A_329, %dma_start3A_330] : memref<10112x16xf32, #tpu.memory_space<hbm>> -> memref<10112x16xf32, #tpu.memory_space<hbm>>
        tpu.enqueue_indirect_dma source(%dma_start3A_331 : memref<10112x16xf32, #tpu.memory_space<hbm>>) target(%dma_start3A_325 : memref<128x16xf32, #tpu.memory_space<vmem>>) offsets(%dma_start3A_328 : memref<128xi32, #tpu.memory_space<vmem>>) semaphore(%arg12 : memref<!tpu.dma_semaphore, #tpu.memory_space<semaphore_mem>>)
      } else {
      }
      %add3A_175 = arith.constant 0 : i32
      %add3A_176 = arith.addi %add3A_175, %add3A_129 : i32
      %add3A_177 = arith.constant 2 : i32
      %add3A_178 = arith.addi %add3A_176, %add3A_177 : i32
      %dma_wait3A_179 = arith.constant 2 : i32
      %dma_wait3A_180 = arith.constant 0 : i32
      %dma_wait3A_181 = arith.constant 0 : i32
      %dma_wait3A_182 = tpu.memref_slice %arg9[%dma_wait3A_179, %dma_wait3A_180, %dma_wait3A_181] : memref<8x128x16xf32, #tpu.memory_space<vmem>> -> memref<1x128x16xf32, #tpu.memory_space<vmem>>
      %dma_wait3A_183 = tpu.memref_squeeze %dma_wait3A_182 : memref<1x128x16xf32, #tpu.memory_space<vmem>> -> memref<128x16xf32, #tpu.memory_space<vmem>>
      %dma_wait3A_184 = arith.constant 0 : i32
      %dma_wait3A_185 = tpu.memref_slice %arg7[%add3A_178, %dma_wait3A_184] : memref<112x128xi32, #tpu.memory_space<vmem>> -> memref<1x128xi32, #tpu.memory_space<vmem>>
      %dma_wait3A_186 = tpu.memref_squeeze %dma_wait3A_185 : memref<1x128xi32, #tpu.memory_space<vmem>> -> memref<128xi32, #tpu.memory_space<vmem>>
      %dma_wait3A_187 = arith.constant 0 : i32
      %dma_wait3A_188 = arith.constant 0 : i32
      %dma_wait3A_189 = tpu.memref_slice %arg4[%dma_wait3A_187, %dma_wait3A_188] : memref<10112x16xf32, #tpu.memory_space<hbm>> -> memref<10112x16xf32, #tpu.memory_space<hbm>>
      tpu.wait_indirect_dma semaphore(%arg13 : memref<!tpu.dma_semaphore, #tpu.memory_space<semaphore_mem>>) src(%dma_wait3A_189 : memref<10112x16xf32, #tpu.memory_space<hbm>>) dst(%dma_wait3A_183 : memref<128x16xf32, #tpu.memory_space<vmem>>)
      %run_scoped3A_190 = arith.constant 2 : i32
      "tpu.region"() ({
        %run_scoped3A_319 = tpu.sem_alloc : memref<!tpu.dma_semaphore, #tpu.memory_space<semaphore_mem>>
        %dma_start3A_320 = arith.constant 0 : i32
        %dma_start3A_321 = arith.constant 0 : i32
        %dma_start3A_322 = tpu.memref_slice %arg9[%run_scoped3A_190, %dma_start3A_320, %dma_start3A_321] : memref<8x128x16xf32, #tpu.memory_space<vmem>> -> memref<1x128x16xf32, #tpu.memory_space<vmem>>
        %dma_start3A_323 = tpu.memref_squeeze %dma_start3A_322 : memref<1x128x16xf32, #tpu.memory_space<vmem>> -> memref<128x16xf32, #tpu.memory_space<vmem>>
        %dma_start3A_324 = arith.constant 0 : i32
        %dma_start3A_325 = tpu.memref_slice %arg8[%add3A_178, %dma_start3A_324] : memref<112x128xi32, #tpu.memory_space<vmem>> -> memref<1x128xi32, #tpu.memory_space<vmem>>
        %dma_start3A_326 = tpu.memref_squeeze %dma_start3A_325 : memref<1x128xi32, #tpu.memory_space<vmem>> -> memref<128xi32, #tpu.memory_space<vmem>>
        %dma_start3A_327 = arith.constant 0 : i32
        %dma_start3A_328 = arith.constant 0 : i32
        %dma_start3A_329 = tpu.memref_slice %arg10[%dma_start3A_327, %dma_start3A_328] : memref<10112x16xf32, #tpu.memory_space<vmem_shared>> -> memref<10112x16xf32, #tpu.memory_space<vmem_shared>>
        tpu.enqueue_indirect_dma source(%dma_start3A_323 : memref<128x16xf32, #tpu.memory_space<vmem>>) target(%dma_start3A_329 : memref<10112x16xf32, #tpu.memory_space<vmem_shared>>) offsets(%dma_start3A_326 : memref<128xi32, #tpu.memory_space<vmem>>) semaphore(%run_scoped3A_319 : memref<!tpu.dma_semaphore, #tpu.memory_space<semaphore_mem>>) {add = true}
        %dma_wait3A_330 = arith.constant 0 : i32
        %dma_wait3A_331 = arith.constant 0 : i32
        %dma_wait3A_332 = tpu.memref_slice %arg9[%run_scoped3A_190, %dma_wait3A_330, %dma_wait3A_331] : memref<8x128x16xf32, #tpu.memory_space<vmem>> -> memref<1x128x16xf32, #tpu.memory_space<vmem>>
        %dma_wait3A_333 = tpu.memref_squeeze %dma_wait3A_332 : memref<1x128x16xf32, #tpu.memory_space<vmem>> -> memref<128x16xf32, #tpu.memory_space<vmem>>
        %dma_wait3A_334 = arith.constant 0 : i32
        %dma_wait3A_335 = tpu.memref_slice %arg8[%add3A_178, %dma_wait3A_334] : memref<112x128xi32, #tpu.memory_space<vmem>> -> memref<1x128xi32, #tpu.memory_space<vmem>>
        %dma_wait3A_336 = tpu.memref_squeeze %dma_wait3A_335 : memref<1x128xi32, #tpu.memory_space<vmem>> -> memref<128xi32, #tpu.memory_space<vmem>>
        %dma_wait3A_337 = arith.constant 0 : i32
        %dma_wait3A_338 = arith.constant 0 : i32
        %dma_wait3A_339 = tpu.memref_slice %arg10[%dma_wait3A_337, %dma_wait3A_338] : memref<10112x16xf32, #tpu.memory_space<vmem_shared>> -> memref<10112x16xf32, #tpu.memory_space<vmem_shared>>
        tpu.wait_indirect_dma semaphore(%run_scoped3A_319 : memref<!tpu.dma_semaphore, #tpu.memory_space<semaphore_mem>>) src(%dma_wait3A_333 : memref<128x16xf32, #tpu.memory_space<vmem>>) dst(%dma_wait3A_339 : memref<10112x16xf32, #tpu.memory_space<vmem_shared>>)
        tpu.yield
      }) : () -> ()
      %add3A_191 = arith.constant 2 : i32
      %add3A_192 = arith.addi %add3A_129, %add3A_191 : i32
      %add3A_193 = arith.constant 8 : i32
      %add3A_194 = arith.addi %add3A_192, %add3A_193 : i32
      %lt3A_195 = arith.cmpi slt, %add3A_194, %select_n3A : i32
      %convert_element_type3A_196 = arith.extui %lt3A_195 : i1 to i32
      %cond3A_197 = arith.constant 0 : i32
      %cond3A_198 = arith.cmpi ne, %convert_element_type3A_196, %cond3A_197 : i32
      scf.if %cond3A_198 {
        %add3A_319 = arith.constant 8 : i32
        %add3A_320 = arith.addi %add3A_178, %add3A_319 : i32
        %dma_start3A_321 = arith.constant 2 : i32
        %dma_start3A_322 = arith.constant 0 : i32
        %dma_start3A_323 = arith.constant 0 : i32
        %dma_start3A_324 = tpu.memref_slice %arg9[%dma_start3A_321, %dma_start3A_322, %dma_start3A_323] : memref<8x128x16xf32, #tpu.memory_space<vmem>> -> memref<1x128x16xf32, #tpu.memory_space<vmem>>
        %dma_start3A_325 = tpu.memref_squeeze %dma_start3A_324 : memref<1x128x16xf32, #tpu.memory_space<vmem>> -> memref<128x16xf32, #tpu.memory_space<vmem>>
        %dma_start3A_326 = arith.constant 0 : i32
        %dma_start3A_327 = tpu.memref_slice %arg7[%add3A_320, %dma_start3A_326] : memref<112x128xi32, #tpu.memory_space<vmem>> -> memref<1x128xi32, #tpu.memory_space<vmem>>
        %dma_start3A_328 = tpu.memref_squeeze %dma_start3A_327 : memref<1x128xi32, #tpu.memory_space<vmem>> -> memref<128xi32, #tpu.memory_space<vmem>>
        %dma_start3A_329 = arith.constant 0 : i32
        %dma_start3A_330 = arith.constant 0 : i32
        %dma_start3A_331 = tpu.memref_slice %arg4[%dma_start3A_329, %dma_start3A_330] : memref<10112x16xf32, #tpu.memory_space<hbm>> -> memref<10112x16xf32, #tpu.memory_space<hbm>>
        tpu.enqueue_indirect_dma source(%dma_start3A_331 : memref<10112x16xf32, #tpu.memory_space<hbm>>) target(%dma_start3A_325 : memref<128x16xf32, #tpu.memory_space<vmem>>) offsets(%dma_start3A_328 : memref<128xi32, #tpu.memory_space<vmem>>) semaphore(%arg13 : memref<!tpu.dma_semaphore, #tpu.memory_space<semaphore_mem>>)
      } else {
      }
      %add3A_199 = arith.constant 0 : i32
      %add3A_200 = arith.addi %add3A_199, %add3A_129 : i32
      %add3A_201 = arith.constant 3 : i32
      %add3A_202 = arith.addi %add3A_200, %add3A_201 : i32
      %dma_wait3A_203 = arith.constant 3 : i32
      %dma_wait3A_204 = arith.constant 0 : i32
      %dma_wait3A_205 = arith.constant 0 : i32
      %dma_wait3A_206 = tpu.memref_slice %arg9[%dma_wait3A_203, %dma_wait3A_204, %dma_wait3A_205] : memref<8x128x16xf32, #tpu.memory_space<vmem>> -> memref<1x128x16xf32, #tpu.memory_space<vmem>>
      %dma_wait3A_207 = tpu.memref_squeeze %dma_wait3A_206 : memref<1x128x16xf32, #tpu.memory_space<vmem>> -> memref<128x16xf32, #tpu.memory_space<vmem>>
      %dma_wait3A_208 = arith.constant 0 : i32
      %dma_wait3A_209 = tpu.memref_slice %arg7[%add3A_202, %dma_wait3A_208] : memref<112x128xi32, #tpu.memory_space<vmem>> -> memref<1x128xi32, #tpu.memory_space<vmem>>
      %dma_wait3A_210 = tpu.memref_squeeze %dma_wait3A_209 : memref<1x128xi32, #tpu.memory_space<vmem>> -> memref<128xi32, #tpu.memory_space<vmem>>
      %dma_wait3A_211 = arith.constant 0 : i32
      %dma_wait3A_212 = arith.constant 0 : i32
      %dma_wait3A_213 = tpu.memref_slice %arg4[%dma_wait3A_211, %dma_wait3A_212] : memref<10112x16xf32, #tpu.memory_space<hbm>> -> memref<10112x16xf32, #tpu.memory_space<hbm>>
      tpu.wait_indirect_dma semaphore(%arg14 : memref<!tpu.dma_semaphore, #tpu.memory_space<semaphore_mem>>) src(%dma_wait3A_213 : memref<10112x16xf32, #tpu.memory_space<hbm>>) dst(%dma_wait3A_207 : memref<128x16xf32, #tpu.memory_space<vmem>>)
      %run_scoped3A_214 = arith.constant 3 : i32
      "tpu.region"() ({
        %run_scoped3A_319 = tpu.sem_alloc : memref<!tpu.dma_semaphore, #tpu.memory_space<semaphore_mem>>
        %dma_start3A_320 = arith.constant 0 : i32
        %dma_start3A_321 = arith.constant 0 : i32
        %dma_start3A_322 = tpu.memref_slice %arg9[%run_scoped3A_214, %dma_start3A_320, %dma_start3A_321] : memref<8x128x16xf32, #tpu.memory_space<vmem>> -> memref<1x128x16xf32, #tpu.memory_space<vmem>>
        %dma_start3A_323 = tpu.memref_squeeze %dma_start3A_322 : memref<1x128x16xf32, #tpu.memory_space<vmem>> -> memref<128x16xf32, #tpu.memory_space<vmem>>
        %dma_start3A_324 = arith.constant 0 : i32
        %dma_start3A_325 = tpu.memref_slice %arg8[%add3A_202, %dma_start3A_324] : memref<112x128xi32, #tpu.memory_space<vmem>> -> memref<1x128xi32, #tpu.memory_space<vmem>>
        %dma_start3A_326 = tpu.memref_squeeze %dma_start3A_325 : memref<1x128xi32, #tpu.memory_space<vmem>> -> memref<128xi32, #tpu.memory_space<vmem>>
        %dma_start3A_327 = arith.constant 0 : i32
        %dma_start3A_328 = arith.constant 0 : i32
        %dma_start3A_329 = tpu.memref_slice %arg10[%dma_start3A_327, %dma_start3A_328] : memref<10112x16xf32, #tpu.memory_space<vmem_shared>> -> memref<10112x16xf32, #tpu.memory_space<vmem_shared>>
        tpu.enqueue_indirect_dma source(%dma_start3A_323 : memref<128x16xf32, #tpu.memory_space<vmem>>) target(%dma_start3A_329 : memref<10112x16xf32, #tpu.memory_space<vmem_shared>>) offsets(%dma_start3A_326 : memref<128xi32, #tpu.memory_space<vmem>>) semaphore(%run_scoped3A_319 : memref<!tpu.dma_semaphore, #tpu.memory_space<semaphore_mem>>) {add = true}
        %dma_wait3A_330 = arith.constant 0 : i32
        %dma_wait3A_331 = arith.constant 0 : i32
        %dma_wait3A_332 = tpu.memref_slice %arg9[%run_scoped3A_214, %dma_wait3A_330, %dma_wait3A_331] : memref<8x128x16xf32, #tpu.memory_space<vmem>> -> memref<1x128x16xf32, #tpu.memory_space<vmem>>
        %dma_wait3A_333 = tpu.memref_squeeze %dma_wait3A_332 : memref<1x128x16xf32, #tpu.memory_space<vmem>> -> memref<128x16xf32, #tpu.memory_space<vmem>>
        %dma_wait3A_334 = arith.constant 0 : i32
        %dma_wait3A_335 = tpu.memref_slice %arg8[%add3A_202, %dma_wait3A_334] : memref<112x128xi32, #tpu.memory_space<vmem>> -> memref<1x128xi32, #tpu.memory_space<vmem>>
        %dma_wait3A_336 = tpu.memref_squeeze %dma_wait3A_335 : memref<1x128xi32, #tpu.memory_space<vmem>> -> memref<128xi32, #tpu.memory_space<vmem>>
        %dma_wait3A_337 = arith.constant 0 : i32
        %dma_wait3A_338 = arith.constant 0 : i32
        %dma_wait3A_339 = tpu.memref_slice %arg10[%dma_wait3A_337, %dma_wait3A_338] : memref<10112x16xf32, #tpu.memory_space<vmem_shared>> -> memref<10112x16xf32, #tpu.memory_space<vmem_shared>>
        tpu.wait_indirect_dma semaphore(%run_scoped3A_319 : memref<!tpu.dma_semaphore, #tpu.memory_space<semaphore_mem>>) src(%dma_wait3A_333 : memref<128x16xf32, #tpu.memory_space<vmem>>) dst(%dma_wait3A_339 : memref<10112x16xf32, #tpu.memory_space<vmem_shared>>)
        tpu.yield
      }) : () -> ()
      %add3A_215 = arith.constant 3 : i32
      %add3A_216 = arith.addi %add3A_129, %add3A_215 : i32
      %add3A_217 = arith.constant 8 : i32
      %add3A_218 = arith.addi %add3A_216, %add3A_217 : i32
      %lt3A_219 = arith.cmpi slt, %add3A_218, %select_n3A : i32
      %convert_element_type3A_220 = arith.extui %lt3A_219 : i1 to i32
      %cond3A_221 = arith.constant 0 : i32
      %cond3A_222 = arith.cmpi ne, %convert_element_type3A_220, %cond3A_221 : i32
      scf.if %cond3A_222 {
        %add3A_319 = arith.constant 8 : i32
        %add3A_320 = arith.addi %add3A_202, %add3A_319 : i32
        %dma_start3A_321 = arith.constant 3 : i32
        %dma_start3A_322 = arith.constant 0 : i32
        %dma_start3A_323 = arith.constant 0 : i32
        %dma_start3A_324 = tpu.memref_slice %arg9[%dma_start3A_321, %dma_start3A_322, %dma_start3A_323] : memref<8x128x16xf32, #tpu.memory_space<vmem>> -> memref<1x128x16xf32, #tpu.memory_space<vmem>>
        %dma_start3A_325 = tpu.memref_squeeze %dma_start3A_324 : memref<1x128x16xf32, #tpu.memory_space<vmem>> -> memref<128x16xf32, #tpu.memory_space<vmem>>
        %dma_start3A_326 = arith.constant 0 : i32
        %dma_start3A_327 = tpu.memref_slice %arg7[%add3A_320, %dma_start3A_326] : memref<112x128xi32, #tpu.memory_space<vmem>> -> memref<1x128xi32, #tpu.memory_space<vmem>>
        %dma_start3A_328 = tpu.memref_squeeze %dma_start3A_327 : memref<1x128xi32, #tpu.memory_space<vmem>> -> memref<128xi32, #tpu.memory_space<vmem>>
        %dma_start3A_329 = arith.constant 0 : i32
        %dma_start3A_330 = arith.constant 0 : i32
        %dma_start3A_331 = tpu.memref_slice %arg4[%dma_start3A_329, %dma_start3A_330] : memref<10112x16xf32, #tpu.memory_space<hbm>> -> memref<10112x16xf32, #tpu.memory_space<hbm>>
        tpu.enqueue_indirect_dma source(%dma_start3A_331 : memref<10112x16xf32, #tpu.memory_space<hbm>>) target(%dma_start3A_325 : memref<128x16xf32, #tpu.memory_space<vmem>>) offsets(%dma_start3A_328 : memref<128xi32, #tpu.memory_space<vmem>>) semaphore(%arg14 : memref<!tpu.dma_semaphore, #tpu.memory_space<semaphore_mem>>)
      } else {
      }
      %add3A_223 = arith.constant 0 : i32
      %add3A_224 = arith.addi %add3A_223, %add3A_129 : i32
      %add3A_225 = arith.constant 4 : i32
      %add3A_226 = arith.addi %add3A_224, %add3A_225 : i32
      %dma_wait3A_227 = arith.constant 4 : i32
      %dma_wait3A_228 = arith.constant 0 : i32
      %dma_wait3A_229 = arith.constant 0 : i32
      %dma_wait3A_230 = tpu.memref_slice %arg9[%dma_wait3A_227, %dma_wait3A_228, %dma_wait3A_229] : memref<8x128x16xf32, #tpu.memory_space<vmem>> -> memref<1x128x16xf32, #tpu.memory_space<vmem>>
      %dma_wait3A_231 = tpu.memref_squeeze %dma_wait3A_230 : memref<1x128x16xf32, #tpu.memory_space<vmem>> -> memref<128x16xf32, #tpu.memory_space<vmem>>
      %dma_wait3A_232 = arith.constant 0 : i32
      %dma_wait3A_233 = tpu.memref_slice %arg7[%add3A_226, %dma_wait3A_232] : memref<112x128xi32, #tpu.memory_space<vmem>> -> memref<1x128xi32, #tpu.memory_space<vmem>>
      %dma_wait3A_234 = tpu.memref_squeeze %dma_wait3A_233 : memref<1x128xi32, #tpu.memory_space<vmem>> -> memref<128xi32, #tpu.memory_space<vmem>>
      %dma_wait3A_235 = arith.constant 0 : i32
      %dma_wait3A_236 = arith.constant 0 : i32
      %dma_wait3A_237 = tpu.memref_slice %arg4[%dma_wait3A_235, %dma_wait3A_236] : memref<10112x16xf32, #tpu.memory_space<hbm>> -> memref<10112x16xf32, #tpu.memory_space<hbm>>
      tpu.wait_indirect_dma semaphore(%arg15 : memref<!tpu.dma_semaphore, #tpu.memory_space<semaphore_mem>>) src(%dma_wait3A_237 : memref<10112x16xf32, #tpu.memory_space<hbm>>) dst(%dma_wait3A_231 : memref<128x16xf32, #tpu.memory_space<vmem>>)
      %run_scoped3A_238 = arith.constant 4 : i32
      "tpu.region"() ({
        %run_scoped3A_319 = tpu.sem_alloc : memref<!tpu.dma_semaphore, #tpu.memory_space<semaphore_mem>>
        %dma_start3A_320 = arith.constant 0 : i32
        %dma_start3A_321 = arith.constant 0 : i32
        %dma_start3A_322 = tpu.memref_slice %arg9[%run_scoped3A_238, %dma_start3A_320, %dma_start3A_321] : memref<8x128x16xf32, #tpu.memory_space<vmem>> -> memref<1x128x16xf32, #tpu.memory_space<vmem>>
        %dma_start3A_323 = tpu.memref_squeeze %dma_start3A_322 : memref<1x128x16xf32, #tpu.memory_space<vmem>> -> memref<128x16xf32, #tpu.memory_space<vmem>>
        %dma_start3A_324 = arith.constant 0 : i32
        %dma_start3A_325 = tpu.memref_slice %arg8[%add3A_226, %dma_start3A_324] : memref<112x128xi32, #tpu.memory_space<vmem>> -> memref<1x128xi32, #tpu.memory_space<vmem>>
        %dma_start3A_326 = tpu.memref_squeeze %dma_start3A_325 : memref<1x128xi32, #tpu.memory_space<vmem>> -> memref<128xi32, #tpu.memory_space<vmem>>
        %dma_start3A_327 = arith.constant 0 : i32
        %dma_start3A_328 = arith.constant 0 : i32
        %dma_start3A_329 = tpu.memref_slice %arg10[%dma_start3A_327, %dma_start3A_328] : memref<10112x16xf32, #tpu.memory_space<vmem_shared>> -> memref<10112x16xf32, #tpu.memory_space<vmem_shared>>
        tpu.enqueue_indirect_dma source(%dma_start3A_323 : memref<128x16xf32, #tpu.memory_space<vmem>>) target(%dma_start3A_329 : memref<10112x16xf32, #tpu.memory_space<vmem_shared>>) offsets(%dma_start3A_326 : memref<128xi32, #tpu.memory_space<vmem>>) semaphore(%run_scoped3A_319 : memref<!tpu.dma_semaphore, #tpu.memory_space<semaphore_mem>>) {add = true}
        %dma_wait3A_330 = arith.constant 0 : i32
        %dma_wait3A_331 = arith.constant 0 : i32
        %dma_wait3A_332 = tpu.memref_slice %arg9[%run_scoped3A_238, %dma_wait3A_330, %dma_wait3A_331] : memref<8x128x16xf32, #tpu.memory_space<vmem>> -> memref<1x128x16xf32, #tpu.memory_space<vmem>>
        %dma_wait3A_333 = tpu.memref_squeeze %dma_wait3A_332 : memref<1x128x16xf32, #tpu.memory_space<vmem>> -> memref<128x16xf32, #tpu.memory_space<vmem>>
        %dma_wait3A_334 = arith.constant 0 : i32
        %dma_wait3A_335 = tpu.memref_slice %arg8[%add3A_226, %dma_wait3A_334] : memref<112x128xi32, #tpu.memory_space<vmem>> -> memref<1x128xi32, #tpu.memory_space<vmem>>
        %dma_wait3A_336 = tpu.memref_squeeze %dma_wait3A_335 : memref<1x128xi32, #tpu.memory_space<vmem>> -> memref<128xi32, #tpu.memory_space<vmem>>
        %dma_wait3A_337 = arith.constant 0 : i32
        %dma_wait3A_338 = arith.constant 0 : i32
        %dma_wait3A_339 = tpu.memref_slice %arg10[%dma_wait3A_337, %dma_wait3A_338] : memref<10112x16xf32, #tpu.memory_space<vmem_shared>> -> memref<10112x16xf32, #tpu.memory_space<vmem_shared>>
        tpu.wait_indirect_dma semaphore(%run_scoped3A_319 : memref<!tpu.dma_semaphore, #tpu.memory_space<semaphore_mem>>) src(%dma_wait3A_333 : memref<128x16xf32, #tpu.memory_space<vmem>>) dst(%dma_wait3A_339 : memref<10112x16xf32, #tpu.memory_space<vmem_shared>>)
        tpu.yield
      }) : () -> ()
      %add3A_239 = arith.constant 4 : i32
      %add3A_240 = arith.addi %add3A_129, %add3A_239 : i32
      %add3A_241 = arith.constant 8 : i32
      %add3A_242 = arith.addi %add3A_240, %add3A_241 : i32
      %lt3A_243 = arith.cmpi slt, %add3A_242, %select_n3A : i32
      %convert_element_type3A_244 = arith.extui %lt3A_243 : i1 to i32
      %cond3A_245 = arith.constant 0 : i32
      %cond3A_246 = arith.cmpi ne, %convert_element_type3A_244, %cond3A_245 : i32
      scf.if %cond3A_246 {
        %add3A_319 = arith.constant 8 : i32
        %add3A_320 = arith.addi %add3A_226, %add3A_319 : i32
        %dma_start3A_321 = arith.constant 4 : i32
        %dma_start3A_322 = arith.constant 0 : i32
        %dma_start3A_323 = arith.constant 0 : i32
        %dma_start3A_324 = tpu.memref_slice %arg9[%dma_start3A_321, %dma_start3A_322, %dma_start3A_323] : memref<8x128x16xf32, #tpu.memory_space<vmem>> -> memref<1x128x16xf32, #tpu.memory_space<vmem>>
        %dma_start3A_325 = tpu.memref_squeeze %dma_start3A_324 : memref<1x128x16xf32, #tpu.memory_space<vmem>> -> memref<128x16xf32, #tpu.memory_space<vmem>>
        %dma_start3A_326 = arith.constant 0 : i32
        %dma_start3A_327 = tpu.memref_slice %arg7[%add3A_320, %dma_start3A_326] : memref<112x128xi32, #tpu.memory_space<vmem>> -> memref<1x128xi32, #tpu.memory_space<vmem>>
        %dma_start3A_328 = tpu.memref_squeeze %dma_start3A_327 : memref<1x128xi32, #tpu.memory_space<vmem>> -> memref<128xi32, #tpu.memory_space<vmem>>
        %dma_start3A_329 = arith.constant 0 : i32
        %dma_start3A_330 = arith.constant 0 : i32
        %dma_start3A_331 = tpu.memref_slice %arg4[%dma_start3A_329, %dma_start3A_330] : memref<10112x16xf32, #tpu.memory_space<hbm>> -> memref<10112x16xf32, #tpu.memory_space<hbm>>
        tpu.enqueue_indirect_dma source(%dma_start3A_331 : memref<10112x16xf32, #tpu.memory_space<hbm>>) target(%dma_start3A_325 : memref<128x16xf32, #tpu.memory_space<vmem>>) offsets(%dma_start3A_328 : memref<128xi32, #tpu.memory_space<vmem>>) semaphore(%arg15 : memref<!tpu.dma_semaphore, #tpu.memory_space<semaphore_mem>>)
      } else {
      }
      %add3A_247 = arith.constant 0 : i32
      %add3A_248 = arith.addi %add3A_247, %add3A_129 : i32
      %add3A_249 = arith.constant 5 : i32
      %add3A_250 = arith.addi %add3A_248, %add3A_249 : i32
      %dma_wait3A_251 = arith.constant 5 : i32
      %dma_wait3A_252 = arith.constant 0 : i32
      %dma_wait3A_253 = arith.constant 0 : i32
      %dma_wait3A_254 = tpu.memref_slice %arg9[%dma_wait3A_251, %dma_wait3A_252, %dma_wait3A_253] : memref<8x128x16xf32, #tpu.memory_space<vmem>> -> memref<1x128x16xf32, #tpu.memory_space<vmem>>
      %dma_wait3A_255 = tpu.memref_squeeze %dma_wait3A_254 : memref<1x128x16xf32, #tpu.memory_space<vmem>> -> memref<128x16xf32, #tpu.memory_space<vmem>>
      %dma_wait3A_256 = arith.constant 0 : i32
      %dma_wait3A_257 = tpu.memref_slice %arg7[%add3A_250, %dma_wait3A_256] : memref<112x128xi32, #tpu.memory_space<vmem>> -> memref<1x128xi32, #tpu.memory_space<vmem>>
      %dma_wait3A_258 = tpu.memref_squeeze %dma_wait3A_257 : memref<1x128xi32, #tpu.memory_space<vmem>> -> memref<128xi32, #tpu.memory_space<vmem>>
      %dma_wait3A_259 = arith.constant 0 : i32
      %dma_wait3A_260 = arith.constant 0 : i32
      %dma_wait3A_261 = tpu.memref_slice %arg4[%dma_wait3A_259, %dma_wait3A_260] : memref<10112x16xf32, #tpu.memory_space<hbm>> -> memref<10112x16xf32, #tpu.memory_space<hbm>>
      tpu.wait_indirect_dma semaphore(%arg16 : memref<!tpu.dma_semaphore, #tpu.memory_space<semaphore_mem>>) src(%dma_wait3A_261 : memref<10112x16xf32, #tpu.memory_space<hbm>>) dst(%dma_wait3A_255 : memref<128x16xf32, #tpu.memory_space<vmem>>)
      %run_scoped3A_262 = arith.constant 5 : i32
      "tpu.region"() ({
        %run_scoped3A_319 = tpu.sem_alloc : memref<!tpu.dma_semaphore, #tpu.memory_space<semaphore_mem>>
        %dma_start3A_320 = arith.constant 0 : i32
        %dma_start3A_321 = arith.constant 0 : i32
        %dma_start3A_322 = tpu.memref_slice %arg9[%run_scoped3A_262, %dma_start3A_320, %dma_start3A_321] : memref<8x128x16xf32, #tpu.memory_space<vmem>> -> memref<1x128x16xf32, #tpu.memory_space<vmem>>
        %dma_start3A_323 = tpu.memref_squeeze %dma_start3A_322 : memref<1x128x16xf32, #tpu.memory_space<vmem>> -> memref<128x16xf32, #tpu.memory_space<vmem>>
        %dma_start3A_324 = arith.constant 0 : i32
        %dma_start3A_325 = tpu.memref_slice %arg8[%add3A_250, %dma_start3A_324] : memref<112x128xi32, #tpu.memory_space<vmem>> -> memref<1x128xi32, #tpu.memory_space<vmem>>
        %dma_start3A_326 = tpu.memref_squeeze %dma_start3A_325 : memref<1x128xi32, #tpu.memory_space<vmem>> -> memref<128xi32, #tpu.memory_space<vmem>>
        %dma_start3A_327 = arith.constant 0 : i32
        %dma_start3A_328 = arith.constant 0 : i32
        %dma_start3A_329 = tpu.memref_slice %arg10[%dma_start3A_327, %dma_start3A_328] : memref<10112x16xf32, #tpu.memory_space<vmem_shared>> -> memref<10112x16xf32, #tpu.memory_space<vmem_shared>>
        tpu.enqueue_indirect_dma source(%dma_start3A_323 : memref<128x16xf32, #tpu.memory_space<vmem>>) target(%dma_start3A_329 : memref<10112x16xf32, #tpu.memory_space<vmem_shared>>) offsets(%dma_start3A_326 : memref<128xi32, #tpu.memory_space<vmem>>) semaphore(%run_scoped3A_319 : memref<!tpu.dma_semaphore, #tpu.memory_space<semaphore_mem>>) {add = true}
        %dma_wait3A_330 = arith.constant 0 : i32
        %dma_wait3A_331 = arith.constant 0 : i32
        %dma_wait3A_332 = tpu.memref_slice %arg9[%run_scoped3A_262, %dma_wait3A_330, %dma_wait3A_331] : memref<8x128x16xf32, #tpu.memory_space<vmem>> -> memref<1x128x16xf32, #tpu.memory_space<vmem>>
        %dma_wait3A_333 = tpu.memref_squeeze %dma_wait3A_332 : memref<1x128x16xf32, #tpu.memory_space<vmem>> -> memref<128x16xf32, #tpu.memory_space<vmem>>
        %dma_wait3A_334 = arith.constant 0 : i32
        %dma_wait3A_335 = tpu.memref_slice %arg8[%add3A_250, %dma_wait3A_334] : memref<112x128xi32, #tpu.memory_space<vmem>> -> memref<1x128xi32, #tpu.memory_space<vmem>>
        %dma_wait3A_336 = tpu.memref_squeeze %dma_wait3A_335 : memref<1x128xi32, #tpu.memory_space<vmem>> -> memref<128xi32, #tpu.memory_space<vmem>>
        %dma_wait3A_337 = arith.constant 0 : i32
        %dma_wait3A_338 = arith.constant 0 : i32
        %dma_wait3A_339 = tpu.memref_slice %arg10[%dma_wait3A_337, %dma_wait3A_338] : memref<10112x16xf32, #tpu.memory_space<vmem_shared>> -> memref<10112x16xf32, #tpu.memory_space<vmem_shared>>
        tpu.wait_indirect_dma semaphore(%run_scoped3A_319 : memref<!tpu.dma_semaphore, #tpu.memory_space<semaphore_mem>>) src(%dma_wait3A_333 : memref<128x16xf32, #tpu.memory_space<vmem>>) dst(%dma_wait3A_339 : memref<10112x16xf32, #tpu.memory_space<vmem_shared>>)
        tpu.yield
      }) : () -> ()
      %add3A_263 = arith.constant 5 : i32
      %add3A_264 = arith.addi %add3A_129, %add3A_263 : i32
      %add3A_265 = arith.constant 8 : i32
      %add3A_266 = arith.addi %add3A_264, %add3A_265 : i32
      %lt3A_267 = arith.cmpi slt, %add3A_266, %select_n3A : i32
      %convert_element_type3A_268 = arith.extui %lt3A_267 : i1 to i32
      %cond3A_269 = arith.constant 0 : i32
      %cond3A_270 = arith.cmpi ne, %convert_element_type3A_268, %cond3A_269 : i32
      scf.if %cond3A_270 {
        %add3A_319 = arith.constant 8 : i32
        %add3A_320 = arith.addi %add3A_250, %add3A_319 : i32
        %dma_start3A_321 = arith.constant 5 : i32
        %dma_start3A_322 = arith.constant 0 : i32
        %dma_start3A_323 = arith.constant 0 : i32
        %dma_start3A_324 = tpu.memref_slice %arg9[%dma_start3A_321, %dma_start3A_322, %dma_start3A_323] : memref<8x128x16xf32, #tpu.memory_space<vmem>> -> memref<1x128x16xf32, #tpu.memory_space<vmem>>
        %dma_start3A_325 = tpu.memref_squeeze %dma_start3A_324 : memref<1x128x16xf32, #tpu.memory_space<vmem>> -> memref<128x16xf32, #tpu.memory_space<vmem>>
        %dma_start3A_326 = arith.constant 0 : i32
        %dma_start3A_327 = tpu.memref_slice %arg7[%add3A_320, %dma_start3A_326] : memref<112x128xi32, #tpu.memory_space<vmem>> -> memref<1x128xi32, #tpu.memory_space<vmem>>
        %dma_start3A_328 = tpu.memref_squeeze %dma_start3A_327 : memref<1x128xi32, #tpu.memory_space<vmem>> -> memref<128xi32, #tpu.memory_space<vmem>>
        %dma_start3A_329 = arith.constant 0 : i32
        %dma_start3A_330 = arith.constant 0 : i32
        %dma_start3A_331 = tpu.memref_slice %arg4[%dma_start3A_329, %dma_start3A_330] : memref<10112x16xf32, #tpu.memory_space<hbm>> -> memref<10112x16xf32, #tpu.memory_space<hbm>>
        tpu.enqueue_indirect_dma source(%dma_start3A_331 : memref<10112x16xf32, #tpu.memory_space<hbm>>) target(%dma_start3A_325 : memref<128x16xf32, #tpu.memory_space<vmem>>) offsets(%dma_start3A_328 : memref<128xi32, #tpu.memory_space<vmem>>) semaphore(%arg16 : memref<!tpu.dma_semaphore, #tpu.memory_space<semaphore_mem>>)
      } else {
      }
      %add3A_271 = arith.constant 0 : i32
      %add3A_272 = arith.addi %add3A_271, %add3A_129 : i32
      %add3A_273 = arith.constant 6 : i32
      %add3A_274 = arith.addi %add3A_272, %add3A_273 : i32
      %dma_wait3A_275 = arith.constant 6 : i32
      %dma_wait3A_276 = arith.constant 0 : i32
      %dma_wait3A_277 = arith.constant 0 : i32
      %dma_wait3A_278 = tpu.memref_slice %arg9[%dma_wait3A_275, %dma_wait3A_276, %dma_wait3A_277] : memref<8x128x16xf32, #tpu.memory_space<vmem>> -> memref<1x128x16xf32, #tpu.memory_space<vmem>>
      %dma_wait3A_279 = tpu.memref_squeeze %dma_wait3A_278 : memref<1x128x16xf32, #tpu.memory_space<vmem>> -> memref<128x16xf32, #tpu.memory_space<vmem>>
      %dma_wait3A_280 = arith.constant 0 : i32
      %dma_wait3A_281 = tpu.memref_slice %arg7[%add3A_274, %dma_wait3A_280] : memref<112x128xi32, #tpu.memory_space<vmem>> -> memref<1x128xi32, #tpu.memory_space<vmem>>
      %dma_wait3A_282 = tpu.memref_squeeze %dma_wait3A_281 : memref<1x128xi32, #tpu.memory_space<vmem>> -> memref<128xi32, #tpu.memory_space<vmem>>
      %dma_wait3A_283 = arith.constant 0 : i32
      %dma_wait3A_284 = arith.constant 0 : i32
      %dma_wait3A_285 = tpu.memref_slice %arg4[%dma_wait3A_283, %dma_wait3A_284] : memref<10112x16xf32, #tpu.memory_space<hbm>> -> memref<10112x16xf32, #tpu.memory_space<hbm>>
      tpu.wait_indirect_dma semaphore(%arg17 : memref<!tpu.dma_semaphore, #tpu.memory_space<semaphore_mem>>) src(%dma_wait3A_285 : memref<10112x16xf32, #tpu.memory_space<hbm>>) dst(%dma_wait3A_279 : memref<128x16xf32, #tpu.memory_space<vmem>>)
      %run_scoped3A_286 = arith.constant 6 : i32
      "tpu.region"() ({
        %run_scoped3A_319 = tpu.sem_alloc : memref<!tpu.dma_semaphore, #tpu.memory_space<semaphore_mem>>
        %dma_start3A_320 = arith.constant 0 : i32
        %dma_start3A_321 = arith.constant 0 : i32
        %dma_start3A_322 = tpu.memref_slice %arg9[%run_scoped3A_286, %dma_start3A_320, %dma_start3A_321] : memref<8x128x16xf32, #tpu.memory_space<vmem>> -> memref<1x128x16xf32, #tpu.memory_space<vmem>>
        %dma_start3A_323 = tpu.memref_squeeze %dma_start3A_322 : memref<1x128x16xf32, #tpu.memory_space<vmem>> -> memref<128x16xf32, #tpu.memory_space<vmem>>
        %dma_start3A_324 = arith.constant 0 : i32
        %dma_start3A_325 = tpu.memref_slice %arg8[%add3A_274, %dma_start3A_324] : memref<112x128xi32, #tpu.memory_space<vmem>> -> memref<1x128xi32, #tpu.memory_space<vmem>>
        %dma_start3A_326 = tpu.memref_squeeze %dma_start3A_325 : memref<1x128xi32, #tpu.memory_space<vmem>> -> memref<128xi32, #tpu.memory_space<vmem>>
        %dma_start3A_327 = arith.constant 0 : i32
        %dma_start3A_328 = arith.constant 0 : i32
        %dma_start3A_329 = tpu.memref_slice %arg10[%dma_start3A_327, %dma_start3A_328] : memref<10112x16xf32, #tpu.memory_space<vmem_shared>> -> memref<10112x16xf32, #tpu.memory_space<vmem_shared>>
        tpu.enqueue_indirect_dma source(%dma_start3A_323 : memref<128x16xf32, #tpu.memory_space<vmem>>) target(%dma_start3A_329 : memref<10112x16xf32, #tpu.memory_space<vmem_shared>>) offsets(%dma_start3A_326 : memref<128xi32, #tpu.memory_space<vmem>>) semaphore(%run_scoped3A_319 : memref<!tpu.dma_semaphore, #tpu.memory_space<semaphore_mem>>) {add = true}
        %dma_wait3A_330 = arith.constant 0 : i32
        %dma_wait3A_331 = arith.constant 0 : i32
        %dma_wait3A_332 = tpu.memref_slice %arg9[%run_scoped3A_286, %dma_wait3A_330, %dma_wait3A_331] : memref<8x128x16xf32, #tpu.memory_space<vmem>> -> memref<1x128x16xf32, #tpu.memory_space<vmem>>
        %dma_wait3A_333 = tpu.memref_squeeze %dma_wait3A_332 : memref<1x128x16xf32, #tpu.memory_space<vmem>> -> memref<128x16xf32, #tpu.memory_space<vmem>>
        %dma_wait3A_334 = arith.constant 0 : i32
        %dma_wait3A_335 = tpu.memref_slice %arg8[%add3A_274, %dma_wait3A_334] : memref<112x128xi32, #tpu.memory_space<vmem>> -> memref<1x128xi32, #tpu.memory_space<vmem>>
        %dma_wait3A_336 = tpu.memref_squeeze %dma_wait3A_335 : memref<1x128xi32, #tpu.memory_space<vmem>> -> memref<128xi32, #tpu.memory_space<vmem>>
        %dma_wait3A_337 = arith.constant 0 : i32
        %dma_wait3A_338 = arith.constant 0 : i32
        %dma_wait3A_339 = tpu.memref_slice %arg10[%dma_wait3A_337, %dma_wait3A_338] : memref<10112x16xf32, #tpu.memory_space<vmem_shared>> -> memref<10112x16xf32, #tpu.memory_space<vmem_shared>>
        tpu.wait_indirect_dma semaphore(%run_scoped3A_319 : memref<!tpu.dma_semaphore, #tpu.memory_space<semaphore_mem>>) src(%dma_wait3A_333 : memref<128x16xf32, #tpu.memory_space<vmem>>) dst(%dma_wait3A_339 : memref<10112x16xf32, #tpu.memory_space<vmem_shared>>)
        tpu.yield
      }) : () -> ()
      %add3A_287 = arith.constant 6 : i32
      %add3A_288 = arith.addi %add3A_129, %add3A_287 : i32
      %add3A_289 = arith.constant 8 : i32
      %add3A_290 = arith.addi %add3A_288, %add3A_289 : i32
      %lt3A_291 = arith.cmpi slt, %add3A_290, %select_n3A : i32
      %convert_element_type3A_292 = arith.extui %lt3A_291 : i1 to i32
      %cond3A_293 = arith.constant 0 : i32
      %cond3A_294 = arith.cmpi ne, %convert_element_type3A_292, %cond3A_293 : i32
      scf.if %cond3A_294 {
        %add3A_319 = arith.constant 8 : i32
        %add3A_320 = arith.addi %add3A_274, %add3A_319 : i32
        %dma_start3A_321 = arith.constant 6 : i32
        %dma_start3A_322 = arith.constant 0 : i32
        %dma_start3A_323 = arith.constant 0 : i32
        %dma_start3A_324 = tpu.memref_slice %arg9[%dma_start3A_321, %dma_start3A_322, %dma_start3A_323] : memref<8x128x16xf32, #tpu.memory_space<vmem>> -> memref<1x128x16xf32, #tpu.memory_space<vmem>>
        %dma_start3A_325 = tpu.memref_squeeze %dma_start3A_324 : memref<1x128x16xf32, #tpu.memory_space<vmem>> -> memref<128x16xf32, #tpu.memory_space<vmem>>
        %dma_start3A_326 = arith.constant 0 : i32
        %dma_start3A_327 = tpu.memref_slice %arg7[%add3A_320, %dma_start3A_326] : memref<112x128xi32, #tpu.memory_space<vmem>> -> memref<1x128xi32, #tpu.memory_space<vmem>>
        %dma_start3A_328 = tpu.memref_squeeze %dma_start3A_327 : memref<1x128xi32, #tpu.memory_space<vmem>> -> memref<128xi32, #tpu.memory_space<vmem>>
        %dma_start3A_329 = arith.constant 0 : i32
        %dma_start3A_330 = arith.constant 0 : i32
        %dma_start3A_331 = tpu.memref_slice %arg4[%dma_start3A_329, %dma_start3A_330] : memref<10112x16xf32, #tpu.memory_space<hbm>> -> memref<10112x16xf32, #tpu.memory_space<hbm>>
        tpu.enqueue_indirect_dma source(%dma_start3A_331 : memref<10112x16xf32, #tpu.memory_space<hbm>>) target(%dma_start3A_325 : memref<128x16xf32, #tpu.memory_space<vmem>>) offsets(%dma_start3A_328 : memref<128xi32, #tpu.memory_space<vmem>>) semaphore(%arg17 : memref<!tpu.dma_semaphore, #tpu.memory_space<semaphore_mem>>)
      } else {
      }
      %add3A_295 = arith.constant 0 : i32
      %add3A_296 = arith.addi %add3A_295, %add3A_129 : i32
      %add3A_297 = arith.constant 7 : i32
      %add3A_298 = arith.addi %add3A_296, %add3A_297 : i32
      %dma_wait3A_299 = arith.constant 7 : i32
      %dma_wait3A_300 = arith.constant 0 : i32
      %dma_wait3A_301 = arith.constant 0 : i32
      %dma_wait3A_302 = tpu.memref_slice %arg9[%dma_wait3A_299, %dma_wait3A_300, %dma_wait3A_301] : memref<8x128x16xf32, #tpu.memory_space<vmem>> -> memref<1x128x16xf32, #tpu.memory_space<vmem>>
      %dma_wait3A_303 = tpu.memref_squeeze %dma_wait3A_302 : memref<1x128x16xf32, #tpu.memory_space<vmem>> -> memref<128x16xf32, #tpu.memory_space<vmem>>
      %dma_wait3A_304 = arith.constant 0 : i32
      %dma_wait3A_305 = tpu.memref_slice %arg7[%add3A_298, %dma_wait3A_304] : memref<112x128xi32, #tpu.memory_space<vmem>> -> memref<1x128xi32, #tpu.memory_space<vmem>>
      %dma_wait3A_306 = tpu.memref_squeeze %dma_wait3A_305 : memref<1x128xi32, #tpu.memory_space<vmem>> -> memref<128xi32, #tpu.memory_space<vmem>>
      %dma_wait3A_307 = arith.constant 0 : i32
      %dma_wait3A_308 = arith.constant 0 : i32
      %dma_wait3A_309 = tpu.memref_slice %arg4[%dma_wait3A_307, %dma_wait3A_308] : memref<10112x16xf32, #tpu.memory_space<hbm>> -> memref<10112x16xf32, #tpu.memory_space<hbm>>
      tpu.wait_indirect_dma semaphore(%arg18 : memref<!tpu.dma_semaphore, #tpu.memory_space<semaphore_mem>>) src(%dma_wait3A_309 : memref<10112x16xf32, #tpu.memory_space<hbm>>) dst(%dma_wait3A_303 : memref<128x16xf32, #tpu.memory_space<vmem>>)
      %run_scoped3A_310 = arith.constant 7 : i32
      "tpu.region"() ({
        %run_scoped3A_319 = tpu.sem_alloc : memref<!tpu.dma_semaphore, #tpu.memory_space<semaphore_mem>>
        %dma_start3A_320 = arith.constant 0 : i32
        %dma_start3A_321 = arith.constant 0 : i32
        %dma_start3A_322 = tpu.memref_slice %arg9[%run_scoped3A_310, %dma_start3A_320, %dma_start3A_321] : memref<8x128x16xf32, #tpu.memory_space<vmem>> -> memref<1x128x16xf32, #tpu.memory_space<vmem>>
        %dma_start3A_323 = tpu.memref_squeeze %dma_start3A_322 : memref<1x128x16xf32, #tpu.memory_space<vmem>> -> memref<128x16xf32, #tpu.memory_space<vmem>>
        %dma_start3A_324 = arith.constant 0 : i32
        %dma_start3A_325 = tpu.memref_slice %arg8[%add3A_298, %dma_start3A_324] : memref<112x128xi32, #tpu.memory_space<vmem>> -> memref<1x128xi32, #tpu.memory_space<vmem>>
        %dma_start3A_326 = tpu.memref_squeeze %dma_start3A_325 : memref<1x128xi32, #tpu.memory_space<vmem>> -> memref<128xi32, #tpu.memory_space<vmem>>
        %dma_start3A_327 = arith.constant 0 : i32
        %dma_start3A_328 = arith.constant 0 : i32
        %dma_start3A_329 = tpu.memref_slice %arg10[%dma_start3A_327, %dma_start3A_328] : memref<10112x16xf32, #tpu.memory_space<vmem_shared>> -> memref<10112x16xf32, #tpu.memory_space<vmem_shared>>
        tpu.enqueue_indirect_dma source(%dma_start3A_323 : memref<128x16xf32, #tpu.memory_space<vmem>>) target(%dma_start3A_329 : memref<10112x16xf32, #tpu.memory_space<vmem_shared>>) offsets(%dma_start3A_326 : memref<128xi32, #tpu.memory_space<vmem>>) semaphore(%run_scoped3A_319 : memref<!tpu.dma_semaphore, #tpu.memory_space<semaphore_mem>>) {add = true}
        %dma_wait3A_330 = arith.constant 0 : i32
        %dma_wait3A_331 = arith.constant 0 : i32
        %dma_wait3A_332 = tpu.memref_slice %arg9[%run_scoped3A_310, %dma_wait3A_330, %dma_wait3A_331] : memref<8x128x16xf32, #tpu.memory_space<vmem>> -> memref<1x128x16xf32, #tpu.memory_space<vmem>>
        %dma_wait3A_333 = tpu.memref_squeeze %dma_wait3A_332 : memref<1x128x16xf32, #tpu.memory_space<vmem>> -> memref<128x16xf32, #tpu.memory_space<vmem>>
        %dma_wait3A_334 = arith.constant 0 : i32
        %dma_wait3A_335 = tpu.memref_slice %arg8[%add3A_298, %dma_wait3A_334] : memref<112x128xi32, #tpu.memory_space<vmem>> -> memref<1x128xi32, #tpu.memory_space<vmem>>
        %dma_wait3A_336 = tpu.memref_squeeze %dma_wait3A_335 : memref<1x128xi32, #tpu.memory_space<vmem>> -> memref<128xi32, #tpu.memory_space<vmem>>
        %dma_wait3A_337 = arith.constant 0 : i32
        %dma_wait3A_338 = arith.constant 0 : i32
        %dma_wait3A_339 = tpu.memref_slice %arg10[%dma_wait3A_337, %dma_wait3A_338] : memref<10112x16xf32, #tpu.memory_space<vmem_shared>> -> memref<10112x16xf32, #tpu.memory_space<vmem_shared>>
        tpu.wait_indirect_dma semaphore(%run_scoped3A_319 : memref<!tpu.dma_semaphore, #tpu.memory_space<semaphore_mem>>) src(%dma_wait3A_333 : memref<128x16xf32, #tpu.memory_space<vmem>>) dst(%dma_wait3A_339 : memref<10112x16xf32, #tpu.memory_space<vmem_shared>>)
        tpu.yield
      }) : () -> ()
      %add3A_311 = arith.constant 7 : i32
      %add3A_312 = arith.addi %add3A_129, %add3A_311 : i32
      %add3A_313 = arith.constant 8 : i32
      %add3A_314 = arith.addi %add3A_312, %add3A_313 : i32
      %lt3A_315 = arith.cmpi slt, %add3A_314, %select_n3A : i32
      %convert_element_type3A_316 = arith.extui %lt3A_315 : i1 to i32
      %cond3A_317 = arith.constant 0 : i32
      %cond3A_318 = arith.cmpi ne, %convert_element_type3A_316, %cond3A_317 : i32
      scf.if %cond3A_318 {
        %add3A_319 = arith.constant 8 : i32
        %add3A_320 = arith.addi %add3A_298, %add3A_319 : i32
        %dma_start3A_321 = arith.constant 7 : i32
        %dma_start3A_322 = arith.constant 0 : i32
        %dma_start3A_323 = arith.constant 0 : i32
        %dma_start3A_324 = tpu.memref_slice %arg9[%dma_start3A_321, %dma_start3A_322, %dma_start3A_323] : memref<8x128x16xf32, #tpu.memory_space<vmem>> -> memref<1x128x16xf32, #tpu.memory_space<vmem>>
        %dma_start3A_325 = tpu.memref_squeeze %dma_start3A_324 : memref<1x128x16xf32, #tpu.memory_space<vmem>> -> memref<128x16xf32, #tpu.memory_space<vmem>>
        %dma_start3A_326 = arith.constant 0 : i32
        %dma_start3A_327 = tpu.memref_slice %arg7[%add3A_320, %dma_start3A_326] : memref<112x128xi32, #tpu.memory_space<vmem>> -> memref<1x128xi32, #tpu.memory_space<vmem>>
        %dma_start3A_328 = tpu.memref_squeeze %dma_start3A_327 : memref<1x128xi32, #tpu.memory_space<vmem>> -> memref<128xi32, #tpu.memory_space<vmem>>
        %dma_start3A_329 = arith.constant 0 : i32
        %dma_start3A_330 = arith.constant 0 : i32
        %dma_start3A_331 = tpu.memref_slice %arg4[%dma_start3A_329, %dma_start3A_330] : memref<10112x16xf32, #tpu.memory_space<hbm>> -> memref<10112x16xf32, #tpu.memory_space<hbm>>
        tpu.enqueue_indirect_dma source(%dma_start3A_331 : memref<10112x16xf32, #tpu.memory_space<hbm>>) target(%dma_start3A_325 : memref<128x16xf32, #tpu.memory_space<vmem>>) offsets(%dma_start3A_328 : memref<128xi32, #tpu.memory_space<vmem>>) semaphore(%arg18 : memref<!tpu.dma_semaphore, #tpu.memory_space<semaphore_mem>>)
      } else {
      }
    }
    %barrier3A_126 = arith.constant 0 : index
    tpu.barrier barrier_id(%barrier3A_126)
    "tpu.region"() ({
      %run_scoped3A = tpu.sem_alloc : memref<!tpu.dma_semaphore, #tpu.memory_space<semaphore_mem>>
      %dma_start3A_127 = arith.constant 0 : i32
      %dma_start3A_128 = tpu.memref_slice %arg6[%arg0, %mul3A_0, %dma_start3A_127] : memref<2x10112x16xf32, #tpu.memory_space<hbm>> -> memref<1x632x16xf32, #tpu.memory_space<hbm>>
      %dma_start3A_129 = tpu.memref_squeeze %dma_start3A_128 : memref<1x632x16xf32, #tpu.memory_space<hbm>> -> memref<632x16xf32, #tpu.memory_space<hbm>>
      %dma_start3A_130 = arith.constant 0 : i32
      %dma_start3A_131 = tpu.memref_slice %arg10[%mul3A_0, %dma_start3A_130] : memref<10112x16xf32, #tpu.memory_space<vmem_shared>> -> memref<632x16xf32, #tpu.memory_space<vmem_shared>>
      tpu.enqueue_dma source(%dma_start3A_131 : memref<632x16xf32, #tpu.memory_space<vmem_shared>>) target(%dma_start3A_129 : memref<632x16xf32, #tpu.memory_space<hbm>>) target_semaphore(%run_scoped3A : memref<!tpu.dma_semaphore, #tpu.memory_space<semaphore_mem>>)
      %dma_wait3A = arith.constant 0 : i32
      %dma_wait3A_132 = tpu.memref_slice %arg6[%arg0, %mul3A_0, %dma_wait3A] : memref<2x10112x16xf32, #tpu.memory_space<hbm>> -> memref<1x632x16xf32, #tpu.memory_space<hbm>>
      %dma_wait3A_133 = tpu.memref_squeeze %dma_wait3A_132 : memref<1x632x16xf32, #tpu.memory_space<hbm>> -> memref<632x16xf32, #tpu.memory_space<hbm>>
      %dma_wait3A_134 = arith.constant 0 : i32
      %dma_wait3A_135 = tpu.memref_slice %arg10[%mul3A_0, %dma_wait3A_134] : memref<10112x16xf32, #tpu.memory_space<vmem_shared>> -> memref<632x16xf32, #tpu.memory_space<vmem_shared>>
      tpu.wait_dma2 semaphore(%run_scoped3A : memref<!tpu.dma_semaphore, #tpu.memory_space<semaphore_mem>>) src(%dma_wait3A_135 : memref<632x16xf32, #tpu.memory_space<vmem_shared>>) dst(%dma_wait3A_133 : memref<632x16xf32, #tpu.memory_space<hbm>>)
      tpu.yield
    }) : () -> ()
    return
  }
}

module attributes {stable_mosaic.version = 14 : i64} {
  func.func @_tc_feat(%arg0: i32, %arg1: i32, %arg2: memref<1264x128xf32, #tpu.memory_space<vmem>>, %arg3: memref<1x128x64xf32, #tpu.memory_space<vmem>>, %arg4: memref<2x1264x16xf32, #tpu.memory_space<vmem>>, %arg5: memref<1264x64xf32, #tpu.memory_space<vmem>>) attributes {dimension_semantics = [#tpu.dimension_semantics<arbitrary>, #tpu.dimension_semantics<arbitrary>], iteration_bounds = array<i64: 2, 8>, scalar_prefetch = 0 : i64, scratch_operands = 0 : i64, tpu.core_type = #tpu.core_type<tc>, window_params = [{transform_indices = @transform_0, window_bounds = array<i64: 1264, 128>}, {transform_indices = @transform_1, window_bounds = array<i64: 1, 128, 64>}, {transform_indices = @transform_2, window_bounds = array<i64: 2, 1264, 16>}, {transform_indices = @transform_3, window_bounds = array<i64: 1264, 64>}]} {
    %get3A = arith.constant 0 : index
    %get3A_0 = arith.constant 0 : index
    %get3A_1 = arith.constant 0 : index
    %get3A_2 = vector.load %arg4[%get3A, %get3A_0, %get3A_1] : memref<2x1264x16xf32, #tpu.memory_space<vmem>>, vector<2x1264x16xf32>
    %slice3A = vector.extract_strided_slice %get3A_2 {offsets = [0, 0, 0], sizes = [1, 1264, 1], strides = [1, 1, 1]} : vector<2x1264x16xf32> to vector<1x1264x1xf32>
    %squeeze3A = vector.shape_cast %slice3A : vector<1x1264x1xf32> to vector<1264xf32>
    %add3A = arith.constant 1.000000e+00 : f32
    %add3A_3 = vector.broadcast %add3A : f32 to vector<1264xf32>
    %add3A_4 = arith.addf %add3A_3, %squeeze3A : vector<1264xf32>
    %slice3A_5 = vector.extract_strided_slice %get3A_2 {offsets = [1, 0, 0], sizes = [1, 1264, 1], strides = [1, 1, 1]} : vector<2x1264x16xf32> to vector<1x1264x1xf32>
    %squeeze3A_6 = vector.shape_cast %slice3A_5 : vector<1x1264x1xf32> to vector<1264xf32>
    %add3A_7 = arith.addf %add3A_4, %squeeze3A_6 : vector<1264xf32>
    %get3A_8 = arith.constant 0 : index
    %get3A_9 = arith.constant 0 : index
    %get3A_10 = vector.load %arg2[%get3A_8, %get3A_9] : memref<1264x128xf32, #tpu.memory_space<vmem>>, vector<1264x128xf32>
    %get3A_11 = arith.constant 0 : index
    %get3A_12 = arith.constant 0 : index
    %get3A_13 = arith.constant 0 : index
    %get3A_14 = vector.load %arg3[%get3A_11, %get3A_12, %get3A_13] : memref<1x128x64xf32, #tpu.memory_space<vmem>>, vector<1x128x64xf32>
    %squeeze3A_15 = vector.shape_cast %get3A_14 : vector<1x128x64xf32> to vector<128x64xf32>
    %dot_general3A = arith.constant dense<0.000000e+00> : vector<1264x64xf32>
    %dot_general3A_16 = tpu.matmul %get3A_10, %squeeze3A_15, %dot_general3A {dimension_numbers = #tpu.dot_dimension_numbers<[1], [0], [0], [1], [0, 0, 1, 1], [], []>, precision = #tpu.contract_precision<fp32>, transpose_lhs_hint = false} : vector<1264x128xf32>, vector<128x64xf32>, vector<1264x64xf32> -> vector<1264x64xf32>
    %rsqrt3A = math.rsqrt %add3A_7 : vector<1264xf32>
    %broadcast_in_dim3A = vector.shape_cast %rsqrt3A : vector<1264xf32> to vector<1264x1xf32>
    %mul3A = vector.broadcast %broadcast_in_dim3A : vector<1264x1xf32> to vector<1264x64xf32>
    %mul3A_17 = arith.mulf %dot_general3A_16, %mul3A : vector<1264x64xf32>
    %swap3A = arith.constant 0 : index
    %swap3A_18 = arith.constant 0 : index
    %swap3A_19 = vector.load %arg5[%swap3A, %swap3A_18] : memref<1264x64xf32, #tpu.memory_space<vmem>>, vector<1264x64xf32>
    tpu.vector_store %arg5[%swap3A, %swap3A_18], %mul3A_17 {strides = array<i32>} : memref<1264x64xf32, #tpu.memory_space<vmem>>, vector<1264x64xf32>,
    return
  }
  func.func @transform_0(%arg0: i32, %arg1: i32) -> (i32, i32) {
    %c0_i32 = arith.constant 0 : i32
    %c0_i32_0 = arith.constant 0 : i32
    return %arg1, %c0_i32 : i32, i32
  }
  func.func @transform_1(%arg0: i32, %arg1: i32) -> (i32, i32, i32) {
    %c0_i32 = arith.constant 0 : i32
    %c0_i32_0 = arith.constant 0 : i32
    %c0_i32_1 = arith.constant 0 : i32
    return %arg0, %c0_i32, %c0_i32_0 : i32, i32, i32
  }
  func.func @transform_2(%arg0: i32, %arg1: i32) -> (i32, i32, i32) {
    %c0_i32 = arith.constant 0 : i32
    %c0_i32_0 = arith.constant 0 : i32
    %c0_i32_1 = arith.constant 0 : i32
    return %c0_i32, %arg1, %c0_i32_0 : i32, i32, i32
  }
  func.func @transform_3(%arg0: i32, %arg1: i32) -> (i32, i32) {
    %mul3A = arith.constant 8 : i32
    %mul3A_0 = arith.muli %arg0, %mul3A : i32
    %add3A = arith.addi %mul3A_0, %arg1 : i32
    %c0_i32 = arith.constant 0 : i32
    %c0_i32_1 = arith.constant 0 : i32
    return %add3A, %c0_i32 : i32, i32
  }
}

module attributes {stable_mosaic.version = 14 : i64} {
  func.func @_tc_mid(%arg0: i32, %arg1: memref<2x1264x64xf32, #tpu.memory_space<vmem>>, %arg2: memref<1264x64xf32, #tpu.memory_space<vmem>>, %arg3: memref<1264x64xf32, #tpu.memory_space<vmem>>, %arg4: memref<2x1264x16xf32, #tpu.memory_space<vmem>>, %arg5: memref<2x1264x16xf32, #tpu.memory_space<vmem>>, %arg6: memref<1x128xf32, #tpu.memory_space<vmem>>, %arg7: memref<1x128xf32, #tpu.memory_space<vmem>>, %arg8: memref<1264x16xf32, #tpu.memory_space<vmem>>) attributes {dimension_semantics = [#tpu.dimension_semantics<arbitrary>], iteration_bounds = array<i64: 8>, scalar_prefetch = 0 : i64, scratch_operands = 0 : i64, tpu.core_type = #tpu.core_type<tc>, window_params = [{transform_indices = @transform_0, window_bounds = array<i64: 2, 1264, 64>}, {transform_indices = @transform_1, window_bounds = array<i64: 1264, 64>}, {transform_indices = @transform_2, window_bounds = array<i64: 1264, 64>}, {transform_indices = @transform_3, window_bounds = array<i64: 2, 1264, 16>}, {transform_indices = @transform_4, window_bounds = array<i64: 2, 1264, 16>}, {pipeline_mode = #tpu.pipeline_mode<synchronous>, transform_indices = @transform_5, window_bounds = array<i64: 1, 128>}, {pipeline_mode = #tpu.pipeline_mode<synchronous>, transform_indices = @transform_6, window_bounds = array<i64: 1, 128>}, {transform_indices = @transform_7, window_bounds = array<i64: 1264, 16>}]} {
    %get3A = arith.constant 0 : index
    %get3A_0 = arith.constant 0 : index
    %get3A_1 = arith.constant 0 : index
    %get3A_2 = vector.load %arg1[%get3A, %get3A_0, %get3A_1] : memref<2x1264x64xf32, #tpu.memory_space<vmem>>, vector<2x1264x64xf32>
    %get3A_3 = arith.constant 0 : index
    %get3A_4 = arith.constant 0 : index
    %get3A_5 = vector.load %arg2[%get3A_3, %get3A_4] : memref<1264x64xf32, #tpu.memory_space<vmem>>, vector<1264x64xf32>
    %get3A_6 = arith.constant 0 : index
    %get3A_7 = arith.constant 0 : index
    %get3A_8 = vector.load %arg3[%get3A_6, %get3A_7] : memref<1264x64xf32, #tpu.memory_space<vmem>>, vector<1264x64xf32>
    %concatenate3A = tpu.concatenate %get3A_5, %get3A_8 in 1 : vector<1264x64xf32>, vector<1264x64xf32> -> vector<1264x128xf32>
    %slice3A = vector.extract_strided_slice %get3A_2 {offsets = [0, 0, 0], sizes = [1, 1264, 64], strides = [1, 1, 1]} : vector<2x1264x64xf32> to vector<1x1264x64xf32>
    %squeeze3A = vector.shape_cast %slice3A : vector<1x1264x64xf32> to vector<1264x64xf32>
    %slice3A_9 = vector.extract_strided_slice %get3A_2 {offsets = [1, 0, 0], sizes = [1, 1264, 64], strides = [1, 1, 1]} : vector<2x1264x64xf32> to vector<1x1264x64xf32>
    %squeeze3A_10 = vector.shape_cast %slice3A_9 : vector<1x1264x64xf32> to vector<1264x64xf32>
    %concatenate3A_11 = tpu.concatenate %squeeze3A, %squeeze3A_10 in 1 : vector<1264x64xf32>, vector<1264x64xf32> -> vector<1264x128xf32>
    %add3A = arith.addf %concatenate3A_11, %concatenate3A : vector<1264x128xf32>
    %get3A_12 = arith.constant 0 : index
    %get3A_13 = arith.constant 0 : index
    %get3A_14 = arith.constant 0 : index
    %get3A_15 = vector.load %arg5[%get3A_12, %get3A_13, %get3A_14] : memref<2x1264x16xf32, #tpu.memory_space<vmem>>, vector<2x1264x16xf32>
    %slice3A_16 = vector.extract_strided_slice %get3A_15 {offsets = [0, 0, 0], sizes = [1, 1264, 1], strides = [1, 1, 1]} : vector<2x1264x16xf32> to vector<1x1264x1xf32>
    %squeeze3A_17 = vector.shape_cast %slice3A_16 : vector<1x1264x1xf32> to vector<1264xf32>
    %add3A_18 = arith.constant 1.000000e+00 : f32
    %add3A_19 = vector.broadcast %add3A_18 : f32 to vector<1264xf32>
    %add3A_20 = arith.addf %add3A_19, %squeeze3A_17 : vector<1264xf32>
    %slice3A_21 = vector.extract_strided_slice %get3A_15 {offsets = [1, 0, 0], sizes = [1, 1264, 1], strides = [1, 1, 1]} : vector<2x1264x16xf32> to vector<1x1264x1xf32>
    %squeeze3A_22 = vector.shape_cast %slice3A_21 : vector<1x1264x1xf32> to vector<1264xf32>
    %add3A_23 = arith.addf %add3A_20, %squeeze3A_22 : vector<1264xf32>
    %rsqrt3A = math.rsqrt %add3A_23 : vector<1264xf32>
    %broadcast_in_dim3A = vector.shape_cast %rsqrt3A : vector<1264xf32> to vector<1264x1xf32>
    %mul3A = vector.broadcast %broadcast_in_dim3A : vector<1264x1xf32> to vector<1264x128xf32>
    %mul3A_24 = arith.mulf %add3A, %mul3A : vector<1264x128xf32>
    %get3A_25 = arith.constant 0 : index
    %get3A_26 = arith.constant 0 : index
    %get3A_27 = vector.load %arg6[%get3A_25, %get3A_26] : memref<1x128xf32, #tpu.memory_space<vmem>>, vector<1x128xf32>
    %add3A_28 = vector.broadcast %get3A_27 : vector<1x128xf32> to vector<1264x128xf32>
    %add3A_29 = arith.addf %mul3A_24, %add3A_28 : vector<1264x128xf32>
    %max3A = arith.constant 0.000000e+00 : f32
    %max3A_30 = vector.broadcast %max3A : f32 to vector<1264x128xf32>
    %max3A_31 = arith.maximumf %add3A_29, %max3A_30 : vector<1264x128xf32>
    %get3A_32 = arith.constant 0 : index
    %get3A_33 = arith.constant 0 : index
    %get3A_34 = vector.load %arg7[%get3A_32, %get3A_33] : memref<1x128xf32, #tpu.memory_space<vmem>>, vector<1x128xf32>
    %mul3A_35 = vector.broadcast %get3A_34 : vector<1x128xf32> to vector<1264x128xf32>
    %mul3A_36 = arith.mulf %max3A_31, %mul3A_35 : vector<1264x128xf32>
    %reduce_sum3A = arith.constant dense<0.000000e+00> : vector<1264xf32>
    %reduce_sum3A_37 = vector.multi_reduction <add>, %mul3A_36, %reduce_sum3A [1] : vector<1264x128xf32> to vector<1264xf32>
    %get3A_38 = arith.constant 0 : index
    %get3A_39 = arith.constant 0 : index
    %get3A_40 = arith.constant 0 : index
    %get3A_41 = vector.load %arg4[%get3A_38, %get3A_39, %get3A_40] : memref<2x1264x16xf32, #tpu.memory_space<vmem>>, vector<2x1264x16xf32>
    %slice3A_42 = vector.extract_strided_slice %get3A_41 {offsets = [0, 0, 0], sizes = [1, 1264, 1], strides = [1, 1, 1]} : vector<2x1264x16xf32> to vector<1x1264x1xf32>
    %squeeze3A_43 = vector.shape_cast %slice3A_42 : vector<1x1264x1xf32> to vector<1264xf32>
    %add3A_44 = arith.constant 1.000000e+00 : f32
    %add3A_45 = vector.broadcast %add3A_44 : f32 to vector<1264xf32>
    %add3A_46 = arith.addf %add3A_45, %squeeze3A_43 : vector<1264xf32>
    %slice3A_47 = vector.extract_strided_slice %get3A_41 {offsets = [1, 0, 0], sizes = [1, 1264, 1], strides = [1, 1, 1]} : vector<2x1264x16xf32> to vector<1x1264x1xf32>
    %squeeze3A_48 = vector.shape_cast %slice3A_47 : vector<1x1264x1xf32> to vector<1264xf32>
    %add3A_49 = arith.addf %add3A_46, %squeeze3A_48 : vector<1264xf32>
    %rsqrt3A_50 = math.rsqrt %add3A_49 : vector<1264xf32>
    %mul3A_51 = arith.mulf %reduce_sum3A_37, %rsqrt3A_50 : vector<1264xf32>
    %iota3A = tpu.iota {dimensions = array<i32: 1>} : vector<1264x16xi32>
    %eq3A = arith.constant 0 : i32
    %eq3A_52 = vector.broadcast %eq3A : i32 to vector<1264x16xi32>
    %eq3A_53 = arith.cmpi eq, %iota3A, %eq3A_52 : vector<1264x16xi32>
    %broadcast_in_dim3A_54 = vector.shape_cast %mul3A_51 : vector<1264xf32> to vector<1264x1xf32>
    %jit3A = arith.constant 0.000000e+00 : f32
    %broadcast_in_dim3A_55 = vector.shape_cast %broadcast_in_dim3A_54 : vector<1264x1xf32> to vector<1264x1xf32>
    %broadcast_in_dim3A_56 = vector.broadcast %broadcast_in_dim3A_55 : vector<1264x1xf32> to vector<1264x16xf32>
    %broadcast_in_dim3A_57 = vector.broadcast %jit3A : f32 to vector<1264x16xf32>
    %select_n3A = arith.select %eq3A_53, %broadcast_in_dim3A_56, %broadcast_in_dim3A_57 : vector<1264x16xi1>, vector<1264x16xf32>
    %swap3A = arith.constant 0 : index
    %swap3A_58 = arith.constant 0 : index
    %swap3A_59 = vector.load %arg8[%swap3A, %swap3A_58] : memref<1264x16xf32, #tpu.memory_space<vmem>>, vector<1264x16xf32>
    tpu.vector_store %arg8[%swap3A, %swap3A_58], %select_n3A {strides = array<i32>} : memref<1264x16xf32, #tpu.memory_space<vmem>>, vector<1264x16xf32>,
    return
  }
  func.func @transform_0(%arg0: i32) -> (i32, i32, i32) {
    %c0_i32 = arith.constant 0 : i32
    %c0_i32_0 = arith.constant 0 : i32
    %c0_i32_1 = arith.constant 0 : i32
    return %c0_i32, %arg0, %c0_i32_0 : i32, i32, i32
  }
  func.func @transform_1(%arg0: i32) -> (i32, i32) {
    %c0_i32 = arith.constant 0 : i32
    %c0_i32_0 = arith.constant 0 : i32
    return %arg0, %c0_i32 : i32, i32
  }
  func.func @transform_2(%arg0: i32) -> (i32, i32) {
    %add3A = arith.constant 8 : i32
    %add3A_0 = arith.addi %add3A, %arg0 : i32
    %c0_i32 = arith.constant 0 : i32
    %c0_i32_1 = arith.constant 0 : i32
    return %add3A_0, %c0_i32 : i32, i32
  }
  func.func @transform_3(%arg0: i32) -> (i32, i32, i32) {
    %c0_i32 = arith.constant 0 : i32
    %c0_i32_0 = arith.constant 0 : i32
    %c0_i32_1 = arith.constant 0 : i32
    return %c0_i32, %arg0, %c0_i32_0 : i32, i32, i32
  }
  func.func @transform_4(%arg0: i32) -> (i32, i32, i32) {
    %c0_i32 = arith.constant 0 : i32
    %c0_i32_0 = arith.constant 0 : i32
    %c0_i32_1 = arith.constant 0 : i32
    return %c0_i32, %arg0, %c0_i32_0 : i32, i32, i32
  }
  func.func @transform_5(%arg0: i32) -> (i32, i32) {
    %c0_i32 = arith.constant 0 : i32
    %c0_i32_0 = arith.constant 0 : i32
    %c0_i32_1 = arith.constant 0 : i32
    return %c0_i32, %c0_i32_0 : i32, i32
  }
  func.func @transform_6(%arg0: i32) -> (i32, i32) {
    %c0_i32 = arith.constant 0 : i32
    %c0_i32_0 = arith.constant 0 : i32
    %c0_i32_1 = arith.constant 0 : i32
    return %c0_i32, %c0_i32_0 : i32, i32
  }
  func.func @transform_7(%arg0: i32) -> (i32, i32) {
    %c0_i32 = arith.constant 0 : i32
    %c0_i32_0 = arith.constant 0 : i32
    return %arg0, %c0_i32 : i32, i32
  }
}

module attributes {stable_mosaic.version = 14 : i64} {
  func.func @_tc_out(%arg0: memref<2x10112x16xf32, #tpu.memory_space<vmem>>, %arg1: memref<10112x16xf32, #tpu.memory_space<vmem>>, %arg2: memref<2x10112x16xf32, #tpu.memory_space<vmem>>, %arg3: memref<1x1xf32, #tpu.memory_space<vmem>>, %arg4: memref<10000x1xf32, #tpu.memory_space<vmem>>) attributes {dimension_semantics = [], scalar_prefetch = 0 : i64, scratch_operands = 0 : i64, tpu.core_type = #tpu.core_type<tc>} {
    %get3A = arith.constant 0 : index
    %get3A_0 = arith.constant 0 : index
    %get3A_1 = arith.constant 0 : index
    %get3A_2 = vector.load %arg0[%get3A, %get3A_0, %get3A_1] : memref<2x10112x16xf32, #tpu.memory_space<vmem>>, vector<2x10112x16xf32>
    %slice3A = vector.extract_strided_slice %get3A_2 {offsets = [0, 0, 0], sizes = [1, 10112, 1], strides = [1, 1, 1]} : vector<2x10112x16xf32> to vector<1x10112x1xf32>
    %squeeze3A = vector.shape_cast %slice3A : vector<1x10112x1xf32> to vector<10112xf32>
    %slice3A_3 = vector.extract_strided_slice %get3A_2 {offsets = [1, 0, 0], sizes = [1, 10112, 1], strides = [1, 1, 1]} : vector<2x10112x16xf32> to vector<1x10112x1xf32>
    %squeeze3A_4 = vector.shape_cast %slice3A_3 : vector<1x10112x1xf32> to vector<10112xf32>
    %add3A = arith.addf %squeeze3A, %squeeze3A_4 : vector<10112xf32>
    %get3A_5 = arith.constant 0 : index
    %get3A_6 = arith.constant 0 : index
    %get3A_7 = vector.load %arg1[%get3A_5, %get3A_6] : memref<10112x16xf32, #tpu.memory_space<vmem>>, vector<10112x16xf32>
    %slice3A_8 = vector.extract_strided_slice %get3A_7 {offsets = [0, 0], sizes = [10112, 1], strides = [1, 1]} : vector<10112x16xf32> to vector<10112x1xf32>
    %squeeze3A_9 = vector.shape_cast %slice3A_8 : vector<10112x1xf32> to vector<10112xf32>
    %add3A_10 = arith.addf %add3A, %squeeze3A_9 : vector<10112xf32>
    %get3A_11 = arith.constant 0 : index
    %get3A_12 = arith.constant 0 : index
    %get3A_13 = arith.constant 0 : index
    %get3A_14 = vector.load %arg2[%get3A_11, %get3A_12, %get3A_13] : memref<2x10112x16xf32, #tpu.memory_space<vmem>>, vector<2x10112x16xf32>
    %slice3A_15 = vector.extract_strided_slice %get3A_14 {offsets = [0, 0, 0], sizes = [1, 10112, 1], strides = [1, 1, 1]} : vector<2x10112x16xf32> to vector<1x10112x1xf32>
    %squeeze3A_16 = vector.shape_cast %slice3A_15 : vector<1x10112x1xf32> to vector<10112xf32>
    %add3A_17 = arith.constant 1.000000e+00 : f32
    %add3A_18 = vector.broadcast %add3A_17 : f32 to vector<10112xf32>
    %add3A_19 = arith.addf %add3A_18, %squeeze3A_16 : vector<10112xf32>
    %slice3A_20 = vector.extract_strided_slice %get3A_14 {offsets = [1, 0, 0], sizes = [1, 10112, 1], strides = [1, 1, 1]} : vector<2x10112x16xf32> to vector<1x10112x1xf32>
    %squeeze3A_21 = vector.shape_cast %slice3A_20 : vector<1x10112x1xf32> to vector<10112xf32>
    %add3A_22 = arith.addf %add3A_19, %squeeze3A_21 : vector<10112xf32>
    %rsqrt3A = math.rsqrt %add3A_22 : vector<10112xf32>
    %mul3A = arith.mulf %add3A_10, %rsqrt3A : vector<10112xf32>
    %slice3A_23 = vector.extract_strided_slice %mul3A {offsets = [0], sizes = [10000], strides = [1]} : vector<10112xf32> to vector<10000xf32>
    %broadcast_in_dim3A = vector.shape_cast %slice3A_23 : vector<10000xf32> to vector<10000x1xf32>
    %get3A_24 = arith.constant 0 : index
    %get3A_25 = arith.constant 0 : index
    %get3A_26 = vector.load %arg3[%get3A_24, %get3A_25] : memref<1x1xf32, #tpu.memory_space<vmem>>, vector<1x1xf32>
    %add3A_27 = vector.broadcast %get3A_26 : vector<1x1xf32> to vector<10000x1xf32>
    %add3A_28 = arith.addf %broadcast_in_dim3A, %add3A_27 : vector<10000x1xf32>
    %swap3A = arith.constant 0 : index
    %swap3A_29 = arith.constant 0 : index
    %swap3A_30 = vector.load %arg4[%swap3A, %swap3A_29] : memref<10000x1xf32, #tpu.memory_space<vmem>>, vector<10000x1xf32>
    tpu.vector_store %arg4[%swap3A, %swap3A_29], %add3A_28 {strides = array<i32>} : memref<10000x1xf32, #tpu.memory_space<vmem>>, vector<10000x1xf32>,
    return
  }
}

</mosaic_0001>

<sc_bundles>
// kernel: kernel.11.cloned.1.call-start
scs
__scs_entry_jumppad:
0x0: {  	(pc) =	sbr.rel $0x88, $3  }
0x1: {  	(tag) =	ssettag $0x0;
	lr =	simm.s32 $0x1  }
0x2: {  	[smem:$0x3F9B] =	sst lr;
	_ =	strace $0xD0000000  }
0x3: {  	_ = 	snop  }
0x4: {  	_ = 	snop  }
0x5: {  	_ = 	snop  }
0x6: {  	_ = 	snop  }
0x7: {  	_ = 	snop  }
__scs_overlays_trampoline_lowered:
0x8: {  	[smem:$0x3FAA] =	sst s0  }
0x9: {  	[smem:$0x3FAB] =	sst s1  }
0xa: {  	[smem:$0x3FAC] =	sst s2  }
0xb: {  	[smem:$0x3FAD] =	sst s3  }
0xc: {  	[smem:$0x3FAE] =	sst s4  }
0xd: {  	[smem:$0x3FAF] =	sst s5  }
0xe: {  	[smem:$0x3FB0] =	sst s6  }
0xf: {  	[smem:$0x3FB1] =	sst s7  }
0x10: {  	[smem:$0x3FB2] =	sst s8  }
0x11: {  	[smem:$0x3FB3] =	sst s9;
	s0 =	simm.s32 @!p0 $0x0  }
0x12: {  	s1 =	sld [smem:$0x3F99];
	s0 =	simm.s32 @p0 $0x1  }
0x13: {  	[smem:$0x3FB4] =	sst s0;
	s0 =	simm.s32 @!p1 $0x0  }
0x14: {  	s2 =	sld [smem:$0x3F98];
	s0 =	simm.s32 @p1 $0x1  }
0x15: {  	[smem:$0x3FB5] =	sst s0;
	s0 =	simm.s32 @!p2 $0x0  }
0x16: {  	s3 =	sld [smem:$0x3FDB];
	s0 =	simm.s32 @p2 $0x1  }
0x17: {  	s4 =	simm.s32 $0x1BF5;
	[smem:$0x3FB7] =	sst s0  }
0x18: {  	s0 =	sld [smem:$0x3F9A];
	_ =	swait.ge [sflag:s4], $0x0  }
0x19: {  	s7 =	sld [smem:$0x3F9B]  }
0x1a: {  	s8 =	sadd.s32 $0xFFFFE003, lr  }
0x1b: {  	s9 =	sadd.s32 $0xFFFFFEF7, lr;
	s5 =	simm.s32 $0xFFFFFFFF;
	p2 =	slt.u32 s8, $0xFFFFF086  }
0x1c: {  	p1 =	slt.u32 s9, $0xF7A;
	s5 =	simm.s32 @!p2 $0x0  }
0x1d: {  	s5 =	simm.s32 @p1 $0x1;
	p0 =	seq.s32 s7, s2  }
0x1e: {  	s7 =	smul.u32 @!p0 $0xF7A, s2;
	p2 =	seq.s32 @!p0 s5, $0x0  }
0x1f: {  	s9 =	smul.u32 $0xF7A, s1;
	s8 =	simm.s32 @!p0 $0x1BF5;
	p2 =	por !p2, p0  }
0x20: {  	[sflag:s8] =	ssyncset.s32 @!p0 $0xFFFFF086;
	s6 =	sadd.s32 @!p0 s3, s7;
	s7 =	simm.s32 @!p0 $0x108  }
0x21: {  	s3 =	sadd.s32 s3, s9;
	s6 =	sadd.s32 @!p0 $0x88, s6;
	s7 =	simm.s32 @p2 $0x1082  }
0x22: {  	[simem:s7], [sflag:s8] =	dma.local @!p0 [hbm:s6], $0xF7A  }
0x23: {  	s9 =	sor.u32 $0xD0000000, s2;
	s6 =	simm.s32 $0x108;
	_ =	swait.ge @!p0 [sflag:s8], $0x0  }
0x24: {  	s3 =	sadd.s32 $0x88, s3;
	s6 =	simm.s32 @!p1 $0x1082;
	[sflag:s4] =	ssyncset.s32 $0xFFFFF086  }
0x25: {  	[simem:s6], [sflag:s4] =	dma.local [hbm:s3], $0xF7A  }
0x26: {  	[smem:$0x3F9B] =	sst s1;
	(tag) =	ssettag s2;
	_ =	strace s9  }
0x27: {  	s1 =	sld [smem:$0x3FAB]  }
0x28: {  	s2 =	sld [smem:$0x3FAC]  }
0x29: {  	s4 =	sld [smem:$0x3FAE]  }
0x2a: {  	p0 =	seq.s32 s5, $0x0;
	s5 =	sld [smem:$0x3FAF]  }
0x2b: {  	s6 =	sld [smem:$0x3FB0]  }
0x2c: {  	s7 =	sld [smem:$0x3FB1]  }
0x2d: {  	s3 =	simm.s32 $0x108;
	s8 =	sld [smem:$0x3FB2]  }
0x2e: {  	s3 =	simm.s32 @!p0 $0x1082;
	s9 =	sld [smem:$0x3FB3]  }
0x2f: {  	lr =	sadd.s32 s0, s3;
	s0 =	sld [smem:$0x3FAA]  }
0x30: {  	s3 =	sld [smem:$0x3FAD]  }
0x31: {  	[smem:$0x3FB6] =	sst s10  }
0x32: {  	s10 =	sld [smem:$0x3FB4];
	_ =	sdelay $0x3  }
0x33: {  	p0 =	seq.s32 s10, $0x1;
	s10 =	sld [smem:$0x3FB6];
	_ =	sdelay $0x3  }
0x34: {  	[smem:$0x3FB6] =	sst s10  }
0x35: {  	s10 =	sld [smem:$0x3FB5];
	_ =	sdelay $0x3  }
0x36: {  	p1 =	seq.s32 s10, $0x1;
	s10 =	sld [smem:$0x3FB6];
	_ =	sdelay $0x3  }
0x37: {  	[smem:$0x3FB6] =	sst s10  }
0x38: {  	s10 =	sld [smem:$0x3FB7]  }
0x39: {  	_ = 	snop;
	(pc) =	sbr.ind lr, $3  }
0x3a: {  	_ = 	snop  }
0x3b: {  	_ = 	snop  }
0x3c: {  	p2 =	seq.s32 s10, $0x1;
	s10 =	sld [smem:$0x3FB6]  }
0x3d: {  	_ =	shalt  }
0x3e: {  	_ =	shalt  }
0x3f: {  	_ =	shalt  }
0x40: {  	_ =	shalt  }
0x41: {  	_ =	shalt  }
0x42: {  	_ =	shalt  }
0x43: {  	_ =	shalt  }
0x44: {  	_ =	shalt  }
0x45: {  	_ =	shalt  }
0x46: {  	_ =	shalt  }
0x47: {  	_ =	shalt  }
0x48: {  	_ =	shalt  }
0x49: {  	_ =	shalt  }
0x4a: {  	_ =	shalt  }
0x4b: {  	_ =	shalt  }
0x4c: {  	_ =	shalt  }
0x4d: {  	_ =	shalt  }
0x4e: {  	_ =	shalt  }
0x4f: {  	_ =	shalt  }
0x50: {  	_ =	shalt  }
0x51: {  	_ =	shalt  }
0x52: {  	_ =	shalt  }
0x53: {  	_ =	shalt  }
0x54: {  	_ =	shalt  }
0x55: {  	_ =	shalt  }
0x56: {  	_ =	shalt  }
0x57: {  	_ =	shalt  }
0x58: {  	_ =	shalt  }
0x59: {  	_ =	shalt  }
0x5a: {  	_ =	shalt  }
0x5b: {  	_ =	shalt  }
0x5c: {  	_ =	shalt  }
0x5d: {  	_ =	shalt  }
0x5e: {  	_ =	shalt  }
0x5f: {  	_ =	shalt  }
0x60: {  	_ =	shalt  }
0x61: {  	_ =	shalt  }
0x62: {  	_ =	shalt  }
0x63: {  	_ =	shalt  }
0x64: {  	_ =	shalt  }
0x65: {  	_ =	shalt  }
0x66: {  	_ =	shalt  }
0x67: {  	_ =	shalt  }
0x68: {  	_ =	shalt  }
0x69: {  	_ =	shalt  }
0x6a: {  	_ =	shalt  }
0x6b: {  	_ =	shalt  }
0x6c: {  	_ =	shalt  }
0x6d: {  	_ =	shalt  }
0x6e: {  	_ =	shalt  }
0x6f: {  	_ =	shalt  }
0x70: {  	_ =	shalt  }
0x71: {  	_ =	shalt  }
0x72: {  	_ =	shalt  }
0x73: {  	_ =	shalt  }
0x74: {  	_ =	shalt  }
0x75: {  	_ =	shalt  }
0x76: {  	_ =	shalt  }
0x77: {  	_ =	shalt  }
0x78: {  	_ =	shalt  }
0x79: {  	_ =	shalt  }
0x7a: {  	_ =	shalt  }
0x7b: {  	_ =	shalt  }
0x7c: {  	_ =	shalt  }
0x7d: {  	_ =	shalt  }
0x7e: {  	_ =	shalt  }
0x7f: {  	_ =	shalt  }
0x80: {  	_ =	shalt  }
0x81: {  	_ =	shalt  }
0x82: {  	_ =	shalt  }
0x83: {  	_ =	shalt  }
0x84: {  	_ =	shalt  }
0x85: {  	_ =	shalt  }
0x86: {  	_ =	shalt  }
0x87: {  	_ =	shalt  }
.Lfunc_end0:
.L_simem_size_0:
called_computation.1_lowered:
.L_overlay_start_0:
0x88: {  	s2 =	sld [smem:$0x3FD9]  }
0x89: {  	s3 =	sld [smem:$0x3FFE];
	_ =	sdelay $0x1  }
0x8a: {  	s1 =	srdreg.scid  }
0x8b: {  	s0 =	sand.u32 $0x1, s1  }
0x8c: {  	s16 =	sshll.u32 s0, $0xA;
	s2 =	sadd.s32 s3, s2  }
0x8d: {  	s2 =	sadd.s32 s2, s16  }
0x8e: {  	[smem:$0x3FC2] =	sst s2  }
0x8f: {  	_ = 	snop  }
0x90: {  	(tm) =	ssettm $0x1  }
0x91: {  	s17 =	sld [smem:$0x3FFB];
	_ =	sdelay $0x3  }
0x92: {  	_ =	strace s17  }
0x93: {  	s2 =	sld [smem:$0x3FFC];
	_ =	sdelay $0x3  }
0x94: {  	_ =	strace s2  }
0x95: {  	s2 =	sld [smem:$0x3FFD];
	_ =	sdelay $0x3  }
0x96: {  	_ =	strace s2  }
0x97: {  	_ =	strace $0x8FFFFFFF  }
0x98: {  	s18 =	sld [smem:$0x3FDB];
	_ =	sdelay $0x1  }
0x99: {  	s19 =	simm.s32 $_scs_section_size  }
0x9a: {  	s4 =	simm.s32 $_size__tile_overlayer_lowered;
	s5 =	simm.s32 $_tile_overlayer_lowered  }
0x9b: {  	s22 =	simm.s32 $0x1BFF;
	s21 =	sshll.u32 s5, $0x1;
	s2 =	sadd.s32 s19, s18  }
0x9c: {  	s6 =	simm.s32 $0x0;
	s20 =	sshll.u32 s4, $0x1;
	s4 =	sadd.s32 s21, s2  }
0x9d: {  	[timem:s6], [sflag:s22] =	dma.local [hbm:s4], s20  }
0x9e: {  	_ =	swait.ge [sflag:s22], s20  }
0x9f: {  	s3 =	ssub.s32 $0x0, s20;
	[sflag:s22] =	ssyncset.done $0x0  }
0xa0: {  	[sflag:s22] =	ssyncadd.s32 s3;
	_ =	sdelay $0x1  }
0xa1: {  	s23 =	simm.s32 $0x1B8B  }
0xa2: {  	_ =	swait.ge [sflag:s23], $0x1  }
0xa3: {  	[sflag:s23] =	ssyncset.done $0x0  }
0xa4: {  	s25 =	simm.s32 $0x1B8E;
	s24 =	sld [smem:$0x3FFE];
	[sflag:s23] =	ssyncadd.s32 $0xFFFFFFFF  }
0xa5: {  	s26 =	simm.s32 $execute0_lowered;
	[smem:$0x3FD2] =	sst s25  }
0xa6: {  	s4 =	sshll.u32 s26, $0x1;
	_ =	strace $0x80000049;
	[dreg:$0x1] =	wrdreg $0xFFFFFFFF  }
0xa7: {  	s28 =	simm.s32 $_size_execute0_lowered;
	s2 =	sadd.s32 s2, s4;
	[dreg:$0x0] =	wrdreg $0x0  }
0xa8: {  	s4 =	sshll.u32 s28, $0x1;
	[dreg:$0x2] =	wrdreg s2  }
0xa9: {  	[dreg:$0x3] =	wrdreg s4  }
0xaa: {  	[dreg:$0x4] =	wrdreg $0xC0  }
0xab: {  	_ =	task [dreg:s6], $0x5FFFF  }
0xac: {  	[dreg:$0x1] =	wrdreg $0xFFFFFFFF  }
0xad: {  	[dreg:$0x0] =	wrdreg $0x60  }
0xae: {  	[dreg:$0x2] =	wrdreg s24  }
0xaf: {  	[dreg:$0x3] =	wrdreg $0x140000  }
0xb0: {  	[dreg:$0x4] =	wrdreg $0x9  }
0xb1: {  	_ =	task.clear_ibuf [dreg:s6], $0x5FFFF;
	_ =	strace $0x90000049  }
0xb2: {  	s29 =	simm.s32 $0x9;
	_ =	strace $0x8000004B  }
0xb3: {  	_ =	swait.ge [sflag:s29], $0x1  }
0xb4: {  	[sflag:s29] =	ssyncadd.s32 $0xFFFFFFFF  }
0xb5: {  	_ =	strace $0x9000004B  }
0xb6: {  	_ =	sfence  }
0xb7: {  	s30 =	sld [smem:$0x0];
	_ =	sdelay $0x2  }
0xb8: {  	s31 =	sshll.u32 s1, $0xD;
	s1 =	sshrl.u32 s1, $0x2  }
0xb9: {  	s3 =	sand.u32 $0x4000, s31;
	s1 =	sadd.s32 s1, s30  }
0xba: {  	s0 =	sor.u32 s3, s0;
	s1 =	sshll.u32 s1, $0x11  }
0xbb: {  	s0 =	sor.u32 s1, s0  }
0xbc: {  	s0 =	sadd.s32 $0x8F2B, s0  }
0xbd: {  	[sflag:s0] =	ssyncadd.remote.s32 $0x1  }
0xbe: {  	_ =	sfence.sel $0xFFFF  }
0xbf: {  	[dreg:$0x0] =	wrdreg $0xFFFFFFFF;
	(pc) =	sbr.abs _section_cstart, $3  }
0xc0: {  	[dreg:$0x1] =	wrdreg $0xFFFFFFFF  }
0xc1: {  	_ =	task.clear_ibuf [dreg:s6], $0x2FFFF;
	_ =	strace $0x9FFFFFFF  }
0xc2: {  	(tm) =	ssettm $0x7FFFFFFF  }
0xc3: {  	_ =	shalt  }
tec
execute0_lowered:
.L_overlay_start_1:
0x0: {  	(tag) =	ssettag $0x1  }
0x1: {  	s0 =	srdreg.scid;
	s1 =	rddreg [dreg:$0x0]  }
0x2: {  	s11 =	stileid.u32;
	s2 =	rddreg [dreg:$0x1]  }
0x3: {  	s3 =	simm.s32 $0x0;
	s13 =	simm.s32 $0xB;
	s14 =	simm.s32 $0x1  }
0x4: {  	s15 =	simm.s32 $0x2;
	s16 =	simm.s32 $0x80;
	s17 =	simm.s32 $0xA000  }
0x5: {  	s18 =	simm.s32 $0xC000;
	s20 =	simm.s32 $0xE000;
	s22 =	simm.s32 $0x10000  }
0x6: {  	s29 =	simm.s32 $0x6;
	s31 =	simm.s32 $0x4;
	s21 =	simm.s32 $0x5  }
0x7: {  	s30 =	simm.s32 $0x9;
	s19 =	simm.s32 $0x0;
	s4 =	smul.u32 $0x5000, s11  }
0x8: {  	s0 =	sand.u32 $0x1, s0;
	[smem:$0x7FF] =	sst s3;
	s8 =	smul.u32 $0x9E00, s11  }
0x9: {  	s24 =	sadd.s32 $0x16400, s1;
	s28 =	sshll.u32 s11, $0x6;
	s5 =	smul.u32 $0x50000, s0  }
0xa: {  	s6 =	smul.u32 $0x9E000, s0;
	_ =	strace $0x8000004A;
	s0 =	ssub.s32 $0x2, s0  }
0xb: {  	[dreg:$0x3] =	wrdreg s24;
	s24 =	simm.s32 $0x8;
	s10 =	sshrl.u32 s0, $0x1  }
0xc: {  	s12 =	sadd.s32 s8, s2;
	s5 =	sadd.s32 s4, s5;
	s4 =	sshrl.u32 s4, $0x3  }
0xd: {  	s6 =	sadd.s32 s8, s6;
	s0 =	ssub.s32 s0, s10;
	s8 =	sor.u32 $0x1C0B, s28  }
0xe: {  	s12 =	sshrl.u32 s12, $0x3;
	s5 =	sshrl.u32 s5, $0x3;
	s9 =	sadd.s32 s4, s1  }
.Ltmp0:
0xf: {  	s4 =	sadd.s32 $0xDC000, s1;
	s6 =	sshrl.u32 s6, $0x3;
	(pc) =	sbr.rel .LBB2_1-.Ltmp0, $4  }
0x10: {  	s10 =	smax.u32 s0, $0x1;
	s0 =	simm.s32 $0x7;
	s7 =	sadd.s32 s5, s1  }
0x11: {  	s1 =	sadd.s32 s6, s1;
	s26 =	sadd.s32 $0x1E00, s9;
	s25 =	sadd.s32 $0x2A000, s7  }
0x12: {  	[dreg:$0x5] =	wrdreg s26;
	s9 =	sadd.s32 $0x103800, s1;
	s26 =	simm.s32 $0x3  }
0x13: {  	s1 =	simm.s32 $0xA;
	[dreg:$0x4] =	wrdreg s25;
	s25 =	simm.s32 $0x12000  }
.LBB2_4:
0x14: {  	_ =	swait.ge [sflag:s29], $0x2000  }
0x15: {  	[sflag:s29] =	ssyncset.done $0x0  }
0x16: {  	[sflag:s29] =	ssyncadd.s32 $0xFFFFE000  }
0x17: {  	_ =	swait.ge [sflag:s0], $0x2000  }
0x18: {  	[sflag:s0] =	ssyncset.done $0x0  }
0x19: {  	[sflag:s0] =	ssyncadd.s32 $0xFFFFE000  }
0x1a: {  	_ =	swait.ge [sflag:s24], $0x2000  }
0x1b: {  	[sflag:s24] =	ssyncset.done $0x0  }
0x1c: {  	[sflag:s24] =	ssyncadd.s32 $0xFFFFE000  }
0x1d: {  	_ =	swait.ge [sflag:s30], $0x2000  }
0x1e: {  	[sflag:s30] =	ssyncset.done $0x0  }
0x1f: {  	[sflag:s30] =	ssyncadd.s32 $0xFFFFE000  }
0x20: {  	_ =	swait.ge [sflag:s1], $0x2000  }
0x21: {  	s19 =	sadd.s32 $0x1, s19;
	[sflag:s1] =	ssyncset.done $0x0  }
0x22: {  	p0 =	sne.s32 s19, s10;
	[sflag:s1] =	ssyncadd.s32 $0xFFFFE000  }
.Ltmp1:
0x23: {  	[bflag:$0x0] =	sbarrier.arrive $0xFFFF;
	(pc) =	sbr.rel @!p0 .LBB2_5-.Ltmp1, $4  }
0x24: {  	[hbm:s9], [sflag:s8] =	dma.local [spmem:s12], $0x13C0  }
0x25: {  	_ =	swait.ge [sflag:s13], $0x13C0  }
0x26: {  	[sflag:s13] =	ssyncset.done $0x0  }
0x27: {  	[sflag:s13] =	ssyncadd.s32 $0xFFFFEC40  }
.LBB2_1:
0x28: {  	s5 =	rddreg [dreg:$0x4]  }
0x29: {  	s11 =	rddreg [dreg:$0x5]  }
0x2a: {  	[tilespmem:s3], [sflag:$0x1] =	stream.linear.gather [hbm4b:s5+s3], $0x5000, $0x38;
	[tilespmem:$0x1DE00] =	vst v63  }
0x2b: {  	s6 =	simm.s32 $0x5000;
	s23 =	rddreg [dreg:$0x3]  }
0x2c: {  	[tilespmem:s6], [sflag:$0x2] =	stream.linear.gather [hbm4b:s11+s3], $0x5000, $0x38;
	[tilespmem:$0x1DE00] =	vst v63  }
0x2d: {  	[spmem:s12], [sflag:s8] =	dma.local [hbm:s23], $0x13C0  }
0x2e: {  	_ =	swait.ge [sflag:s13], $0x13C0  }
0x2f: {  	[sflag:s13] =	ssyncset.done $0x0  }
0x30: {  	[sflag:s13] =	ssyncadd.s32 $0xFFFFEC40  }
0x31: {  	_ =	swait.ge [sflag:s14], $0x5000  }
0x32: {  	[sflag:s14] =	ssyncset.done $0x0  }
0x33: {  	[sflag:s14] =	ssyncadd.s32 $0xFFFFB000  }
0x34: {  	_ =	swait.ge [sflag:s15], $0x5000  }
0x35: {  	[sflag:s15] =	ssyncset.done $0x0  }
0x36: {  	[sflag:s15] =	ssyncadd.s32 $0xFFFFB000  }
0x37: {  	[bflag:$0x0] =	sbarrier.arrive $0xFFFF  }
0x38: {  	[tilespmem:s17], [sflag:$0x1] =	stream.indirect.gather [hbm4b:s4+s16], $0x40, s3, s16, $0xb8;
	[tilespmem:$0x1DE00] =	vst v63  }
0x39: {  	_ = 	snop  }
0x3a: {  	[tilespmem:s18], [sflag:$0x2] =	stream.indirect.gather [hbm4b:s4+s16], $0x40, s16, s16, $0xb8;
	[tilespmem:$0x1DE00] =	vst v63  }
0x3b: {  	s28 =	simm.s32 $0x100  }
0x3c: {  	[tilespmem:s20], [sflag:$0x3] =	stream.indirect.gather [hbm4b:s4+s16], $0x40, s28, s16, $0xb8;
	[tilespmem:$0x1DE00] =	vst v63  }
0x3d: {  	_ =	swait.ge [sflag:s14], $0x2000  }
0x3e: {  	[sflag:s14] =	ssyncset.done $0x0  }
0x3f: {  	[sflag:s14] =	ssyncadd.s32 $0xFFFFE000  }
0x40: {  	[spmem:s2] =	stream.indirect.scatter.add.f32 [tilespmem:s17], [sflag:$0x6], $0x40, s6, s16, $0xb8;
	[tilespmem:$0x1DE00] =	vst v63  }
0x41: {  	s7 =	simm.s32 $0x180  }
0x42: {  	[tilespmem:s22], [sflag:$0x4] =	stream.indirect.gather [hbm4b:s4+s16], $0x40, s7, s16, $0xb8;
	[tilespmem:$0x1DE00] =	vst v63  }
0x43: {  	_ =	swait.ge [sflag:s15], $0x2000  }
0x44: {  	[sflag:s15] =	ssyncset.done $0x0  }
0x45: {  	s11 =	simm.s32 $0x5080;
	[sflag:s15] =	ssyncadd.s32 $0xFFFFE000  }
0x46: {  	[spmem:s2] =	stream.indirect.scatter.add.f32 [tilespmem:s18], [sflag:$0x7], $0x40, s11, s16, $0xb8;
	[tilespmem:$0x1DE00] =	vst v63  }
0x47: {  	s23 =	simm.s32 $0x200  }
0x48: {  	[tilespmem:s25], [sflag:$0x5] =	stream.indirect.gather [hbm4b:s4+s16], $0x40, s23, s16, $0xb8;
	[tilespmem:$0x1DE00] =	vst v63  }
0x49: {  	_ =	swait.ge [sflag:s26], $0x2000  }
0x4a: {  	[sflag:s26] =	ssyncset.done $0x0  }
0x4b: {  	s28 =	simm.s32 $0x5100;
	[sflag:s26] =	ssyncadd.s32 $0xFFFFE000  }
0x4c: {  	[spmem:s2] =	stream.indirect.scatter.add.f32 [tilespmem:s20], [sflag:$0x8], $0x40, s28, s16, $0xb8;
	[tilespmem:$0x1DE00] =	vst v63  }
0x4d: {  	_ =	swait.ge [sflag:s29], $0x2000  }
0x4e: {  	[sflag:s29] =	ssyncset.done $0x0  }
0x4f: {  	s6 =	simm.s32 $0x280;
	[sflag:s29] =	ssyncadd.s32 $0xFFFFE000  }
0x50: {  	[tilespmem:s17], [sflag:$0x1] =	stream.indirect.gather [hbm4b:s4+s16], $0x40, s6, s16, $0xb8;
	[tilespmem:$0x1DE00] =	vst v63  }
0x51: {  	_ =	swait.ge [sflag:s31], $0x2000  }
0x52: {  	[sflag:s31] =	ssyncset.done $0x0  }
0x53: {  	s7 =	simm.s32 $0x5180;
	[sflag:s31] =	ssyncadd.s32 $0xFFFFE000  }
0x54: {  	[spmem:s2] =	stream.indirect.scatter.add.f32 [tilespmem:s22], [sflag:$0x9], $0x40, s7, s16, $0xb8;
	[tilespmem:$0x1DE00] =	vst v63  }
0x55: {  	_ =	swait.ge [sflag:s0], $0x2000  }
0x56: {  	[sflag:s0] =	ssyncset.done $0x0  }
0x57: {  	s11 =	simm.s32 $0x300;
	[sflag:s0] =	ssyncadd.s32 $0xFFFFE000  }
0x58: {  	[tilespmem:s18], [sflag:$0x2] =	stream.indirect.gather [hbm4b:s4+s16], $0x40, s11, s16, $0xb8;
	[tilespmem:$0x1DE00] =	vst v63  }
0x59: {  	_ =	swait.ge [sflag:s21], $0x2000  }
0x5a: {  	[sflag:s21] =	ssyncset.done $0x0  }
0x5b: {  	s23 =	simm.s32 $0x5200;
	[sflag:s21] =	ssyncadd.s32 $0xFFFFE000  }
0x5c: {  	[spmem:s2] =	stream.indirect.scatter.add.f32 [tilespmem:s25], [sflag:$0xA], $0x40, s23, s16, $0xb8;
	[tilespmem:$0x1DE00] =	vst v63  }
0x5d: {  	_ =	swait.ge [sflag:s24], $0x2000  }
0x5e: {  	[sflag:s24] =	ssyncset.done $0x0  }
0x5f: {  	s28 =	simm.s32 $0x380;
	s23 =	simm.s32 $0x0;
	[sflag:s24] =	ssyncadd.s32 $0xFFFFE000  }
0x60: {  	[tilespmem:s20], [sflag:$0x3] =	stream.indirect.gather [hbm4b:s4+s16], $0x40, s28, s16, $0xb8;
	[tilespmem:$0x1DE00] =	vst v63  }
.LBB2_2:
0x61: {  	_ =	swait.ge [sflag:s14], $0x2000  }
0x62: {  	s28 =	sshra.s32 s23, $0x2;
	[sflag:s14] =	ssyncset.done $0x0  }
0x63: {  	s5 =	sadd.s32 $0x5280, s28;
	[sflag:s14] =	ssyncadd.s32 $0xFFFFE000  }
0x64: {  	[spmem:s2] =	stream.indirect.scatter.add.f32 [tilespmem:s17], [sflag:$0x6], $0x40, s5, s16, $0xb8;
	[tilespmem:$0x1DE00] =	vst v63  }
0x65: {  	_ =	swait.ge [sflag:s30], $0x2000  }
0x66: {  	[sflag:s30] =	ssyncset.done $0x0  }
0x67: {  	s7 =	sadd.s32 $0x400, s28;
	[sflag:s30] =	ssyncadd.s32 $0xFFFFE000  }
0x68: {  	[tilespmem:s22], [sflag:$0x4] =	stream.indirect.gather [hbm4b:s4+s16], $0x40, s7, s16, $0xb8;
	[tilespmem:$0x1DE00] =	vst v63  }
0x69: {  	_ =	swait.ge [sflag:s15], $0x2000  }
0x6a: {  	[sflag:s15] =	ssyncset.done $0x0  }
0x6b: {  	s11 =	sadd.s32 $0x5300, s28;
	[sflag:s15] =	ssyncadd.s32 $0xFFFFE000  }
0x6c: {  	[spmem:s2] =	stream.indirect.scatter.add.f32 [tilespmem:s18], [sflag:$0x7], $0x40, s11, s16, $0xb8;
	[tilespmem:$0x1DE00] =	vst v63  }
0x6d: {  	_ =	swait.ge [sflag:s1], $0x2000  }
0x6e: {  	[sflag:s1] =	ssyncset.done $0x0  }
0x6f: {  	s6 =	sadd.s32 $0x480, s28;
	[sflag:s1] =	ssyncadd.s32 $0xFFFFE000  }
0x70: {  	[tilespmem:s25], [sflag:$0x5] =	stream.indirect.gather [hbm4b:s4+s16], $0x40, s6, s16, $0xb8;
	[tilespmem:$0x1DE00] =	vst v63  }
0x71: {  	_ =	swait.ge [sflag:s26], $0x2000  }
0x72: {  	p0 =	seq.s32 s23, $0x12C00;
	[sflag:s26] =	ssyncset.done $0x0  }
0x73: {  	s5 =	simm.s32 @p0 $0x4;
	s7 =	sadd.s32 $0x5380, s28;
	[sflag:s26] =	ssyncadd.s32 $0xFFFFE000  }
0x74: {  	[spmem:s2] =	stream.indirect.scatter.add.f32 [tilespmem:s20], [sflag:$0x8], $0x40, s7, s16, $0xb8;
	[tilespmem:$0x1DE00] =	vst v63  }
0x75: {  	_ =	swait.ge @p0 [sflag:s5], $0x2000  }
0x76: {  	[sflag:s5] =	ssyncset.done @p0 $0x0  }
0x77: {  	[sflag:s5] =	ssyncadd.s32 @p0 $0xFFFFE000;
	s5 =	sshra.s32 @p0 s23, $0x2  }
0x78: {  	s6 =	simm.s32 @p0 $0x80;
	s7 =	simm.s32 @p0 $0x10000;
	s5 =	sadd.s32 @p0 $0x5400, s5  }
0x79: {  	[spmem:s2] =	stream.indirect.scatter.add.f32 @p0 [tilespmem:s7], [sflag:$0x9], $0x40, s5, s6, $0xb8;
	[tilespmem:$0x1DE00] =	vst v63  }
0x7a: {  	s5 =	simm.s32 @!p0 $0x6  }
0x7b: {  	_ =	swait.ge @!p0 [sflag:s5], $0x2000  }
0x7c: {  	[sflag:s5] =	ssyncset.done @!p0 $0x0  }
0x7d: {  	[sflag:s5] =	ssyncadd.s32 @!p0 $0xFFFFE000;
	s5 =	sshra.s32 @!p0 s23, $0x2  }
0x7e: {  	s11 =	simm.s32 @!p0 $0xA000;
	s7 =	simm.s32 @!p0 $0x80;
	s6 =	sadd.s32 @!p0 $0x500, s5  }
0x7f: {  	[tilespmem:s11], [sflag:$0x1] =	stream.indirect.gather @!p0 [hbm4b:s4+s7], $0x40, s6, s7, $0xb8;
	[tilespmem:$0x1DE00] =	vst v63  }
0x80: {  	s6 =	simm.s32 @!p0 $0x4  }
0x81: {  	_ =	swait.ge @!p0 [sflag:s6], $0x2000  }
0x82: {  	[sflag:s6] =	ssyncset.done @!p0 $0x0  }
0x83: {  	s11 =	simm.s32 @!p0 $0x10000;
	[sflag:s6] =	ssyncadd.s32 @!p0 $0xFFFFE000;
	s6 =	sadd.s32 @!p0 $0x5400, s5  }
0x84: {  	[spmem:s2] =	stream.indirect.scatter.add.f32 @!p0 [tilespmem:s11], [sflag:$0x9], $0x40, s6, s7, $0xb8;
	[tilespmem:$0x1DE00] =	vst v63  }
0x85: {  	s6 =	simm.s32 @!p0 $0x7  }
0x86: {  	_ =	swait.ge @!p0 [sflag:s6], $0x2000  }
0x87: {  	[sflag:s6] =	ssyncset.done @!p0 $0x0  }
0x88: {  	s5 =	sadd.s32 @!p0 $0x580, s5;
	[sflag:s6] =	ssyncadd.s32 @!p0 $0xFFFFE000;
	s6 =	simm.s32 @!p0 $0xC000  }
0x89: {  	[tilespmem:s6], [sflag:$0x2] =	stream.indirect.gather @!p0 [hbm4b:s4+s7], $0x40, s5, s7, $0xb8;
	[tilespmem:$0x1DE00] =	vst v63  }
.Ltmp2:
0x8a: {  	_ = 	snop;
	(pc) =	sbr.rel @p0 .LBB2_4-.Ltmp2, $4  }
0x8b: {  	_ =	swait.ge [sflag:s21], $0x2000  }
0x8c: {  	[sflag:s21] =	ssyncset.done $0x0  }
0x8d: {  	s11 =	sadd.s32 $0x5480, s28;
	[sflag:s21] =	ssyncadd.s32 $0xFFFFE000  }
0x8e: {  	[spmem:s2] =	stream.indirect.scatter.add.f32 [tilespmem:s25], [sflag:$0xA], $0x40, s11, s16, $0xb8;
	[tilespmem:$0x1DE00] =	vst v63  }
.Ltmp3:
0x8f: {  	(pc) =	sbr.rel .LBB2_2-.Ltmp3, $4  }
0x90: {  	_ =	swait.ge [sflag:s24], $0x2000  }
0x91: {  	[sflag:s24] =	ssyncset.done $0x0  }
0x92: {  	s5 =	sadd.s32 $0x600, s28;
	s23 =	sadd.s32 $0xA00, s23;
	[sflag:s24] =	ssyncadd.s32 $0xFFFFE000  }
0x93: {  	[tilespmem:s20], [sflag:$0x3] =	stream.indirect.gather [hbm4b:s4+s16], $0x40, s5, s16, $0xb8;
	[tilespmem:$0x1DE00] =	vst v63  }
.LBB2_5:
0x94: {  	_ =	sfence.sel $0x180000  }
0x95: {  	[bflag:$0x0] =	sbarrier.arrive $0xFFFF  }
0x96: {  	_ =	strace $0x9000004A  }
0x97: {  	s0 =	stileid.u32;
	[bflag:$0x2] =	sbarrier.arrive $0xFFFF  }
0x98: {  	p0 =	sne.s32 s0, $0x0;
	s0 =	rddreg [dreg:$0x2]  }
0x99: {  	s0 =	sadd.s32 @!p0 $0x100000, s0  }
0x9a: {  	[sflag:s0] =	ssyncadd.tile.s32 @!p0 $0x1;
	_ =	shalt  }
.Lfunc_end2:
_tile_overlayer_lowered:
.L_overlay_start_2:
0x9b: {  	(tag) =	ssettag $0x2  }
0x9c: {  	s0 =	rddreg [dreg:$0x0];
	s2 =	stileid.u32  }
0x9d: {  	s1 =	rddreg [dreg:$0x1];
	p0 =	sne.s32 s2, $0x0  }
0x9e: {  	s3 =	rddreg [dreg:$0x2];
	[bflag:$0x3] =	sbarrier.arrive $0xFFFF;
	s2 =	simm.s32 @!p0 $0x1C0B  }
0x9f: {  	[timem:s3], [sflag:s2] =	dma.local @!p0 [hbm:s0], s1  }
0xa0: {  	s0 =	simm.s32 @!p0 $0xB  }
0xa1: {  	_ =	swait.ge @!p0 [sflag:s0], s1  }
0xa2: {  	s1 =	ssub.s32 @!p0 $0x0, s1;
	[sflag:s0] =	ssyncset.done @!p0 $0x0  }
0xa3: {  	[sflag:s0] =	ssyncadd.s32 @!p0 s1  }
0xa4: {  	[bflag:$0x3] =	sbarrier.arrive $0xFFFF  }
0xa5: {  	_ =	shalt  }

// kernel: kernel.14.cloned.1.call-start
scs
__scs_entry_jumppad:
0x0: {  	(pc) =	sbr.rel $0x88, $3  }
0x1: {  	(tag) =	ssettag $0x0;
	lr =	simm.s32 $0x1  }
0x2: {  	[smem:$0x3F9B] =	sst lr;
	_ =	strace $0xD0000000  }
0x3: {  	_ = 	snop  }
0x4: {  	_ = 	snop  }
0x5: {  	_ = 	snop  }
0x6: {  	_ = 	snop  }
0x7: {  	_ = 	snop  }
__scs_overlays_trampoline_lowered:
0x8: {  	[smem:$0x3FAA] =	sst s0  }
0x9: {  	[smem:$0x3FAB] =	sst s1  }
0xa: {  	[smem:$0x3FAC] =	sst s2  }
0xb: {  	[smem:$0x3FAD] =	sst s3  }
0xc: {  	[smem:$0x3FAE] =	sst s4  }
0xd: {  	[smem:$0x3FAF] =	sst s5  }
0xe: {  	[smem:$0x3FB0] =	sst s6  }
0xf: {  	[smem:$0x3FB1] =	sst s7  }
0x10: {  	[smem:$0x3FB2] =	sst s8  }
0x11: {  	[smem:$0x3FB3] =	sst s9;
	s0 =	simm.s32 @!p0 $0x0  }
0x12: {  	s1 =	sld [smem:$0x3F99];
	s0 =	simm.s32 @p0 $0x1  }
0x13: {  	[smem:$0x3FB4] =	sst s0;
	s0 =	simm.s32 @!p1 $0x0  }
0x14: {  	s2 =	sld [smem:$0x3F98];
	s0 =	simm.s32 @p1 $0x1  }
0x15: {  	[smem:$0x3FB5] =	sst s0;
	s0 =	simm.s32 @!p2 $0x0  }
0x16: {  	s3 =	sld [smem:$0x3FDB];
	s0 =	simm.s32 @p2 $0x1  }
0x17: {  	s4 =	simm.s32 $0x1BF5;
	[smem:$0x3FB7] =	sst s0  }
0x18: {  	s0 =	sld [smem:$0x3F9A];
	_ =	swait.ge [sflag:s4], $0x0  }
0x19: {  	s7 =	sld [smem:$0x3F9B]  }
0x1a: {  	s8 =	sadd.s32 $0xFFFFE003, lr  }
0x1b: {  	s9 =	sadd.s32 $0xFFFFFEF7, lr;
	s5 =	simm.s32 $0xFFFFFFFF;
	p2 =	slt.u32 s8, $0xFFFFF086  }
0x1c: {  	p1 =	slt.u32 s9, $0xF7A;
	s5 =	simm.s32 @!p2 $0x0  }
0x1d: {  	s5 =	simm.s32 @p1 $0x1;
	p0 =	seq.s32 s7, s2  }
0x1e: {  	s7 =	smul.u32 @!p0 $0xF7A, s2;
	p2 =	seq.s32 @!p0 s5, $0x0  }
0x1f: {  	s9 =	smul.u32 $0xF7A, s1;
	s8 =	simm.s32 @!p0 $0x1BF5;
	p2 =	por !p2, p0  }
0x20: {  	[sflag:s8] =	ssyncset.s32 @!p0 $0xFFFFF086;
	s6 =	sadd.s32 @!p0 s3, s7;
	s7 =	simm.s32 @!p0 $0x108  }
0x21: {  	s3 =	sadd.s32 s3, s9;
	s6 =	sadd.s32 @!p0 $0x88, s6;
	s7 =	simm.s32 @p2 $0x1082  }
0x22: {  	[simem:s7], [sflag:s8] =	dma.local @!p0 [hbm:s6], $0xF7A  }
0x23: {  	s9 =	sor.u32 $0xD0000000, s2;
	s6 =	simm.s32 $0x108;
	_ =	swait.ge @!p0 [sflag:s8], $0x0  }
0x24: {  	s3 =	sadd.s32 $0x88, s3;
	s6 =	simm.s32 @!p1 $0x1082;
	[sflag:s4] =	ssyncset.s32 $0xFFFFF086  }
0x25: {  	[simem:s6], [sflag:s4] =	dma.local [hbm:s3], $0xF7A  }
0x26: {  	[smem:$0x3F9B] =	sst s1;
	(tag) =	ssettag s2;
	_ =	strace s9  }
0x27: {  	s1 =	sld [smem:$0x3FAB]  }
0x28: {  	s2 =	sld [smem:$0x3FAC]  }
0x29: {  	s4 =	sld [smem:$0x3FAE]  }
0x2a: {  	p0 =	seq.s32 s5, $0x0;
	s5 =	sld [smem:$0x3FAF]  }
0x2b: {  	s6 =	sld [smem:$0x3FB0]  }
0x2c: {  	s7 =	sld [smem:$0x3FB1]  }
0x2d: {  	s3 =	simm.s32 $0x108;
	s8 =	sld [smem:$0x3FB2]  }
0x2e: {  	s3 =	simm.s32 @!p0 $0x1082;
	s9 =	sld [smem:$0x3FB3]  }
0x2f: {  	lr =	sadd.s32 s0, s3;
	s0 =	sld [smem:$0x3FAA]  }
0x30: {  	s3 =	sld [smem:$0x3FAD]  }
0x31: {  	[smem:$0x3FB6] =	sst s10  }
0x32: {  	s10 =	sld [smem:$0x3FB4];
	_ =	sdelay $0x3  }
0x33: {  	p0 =	seq.s32 s10, $0x1;
	s10 =	sld [smem:$0x3FB6];
	_ =	sdelay $0x3  }
0x34: {  	[smem:$0x3FB6] =	sst s10  }
0x35: {  	s10 =	sld [smem:$0x3FB5];
	_ =	sdelay $0x3  }
0x36: {  	p1 =	seq.s32 s10, $0x1;
	s10 =	sld [smem:$0x3FB6];
	_ =	sdelay $0x3  }
0x37: {  	[smem:$0x3FB6] =	sst s10  }
0x38: {  	s10 =	sld [smem:$0x3FB7]  }
0x39: {  	_ = 	snop;
	(pc) =	sbr.ind lr, $3  }
0x3a: {  	_ = 	snop  }
0x3b: {  	_ = 	snop  }
0x3c: {  	p2 =	seq.s32 s10, $0x1;
	s10 =	sld [smem:$0x3FB6]  }
0x3d: {  	_ =	shalt  }
0x3e: {  	_ =	shalt  }
0x3f: {  	_ =	shalt  }
0x40: {  	_ =	shalt  }
0x41: {  	_ =	shalt  }
0x42: {  	_ =	shalt  }
0x43: {  	_ =	shalt  }
0x44: {  	_ =	shalt  }
0x45: {  	_ =	shalt  }
0x46: {  	_ =	shalt  }
0x47: {  	_ =	shalt  }
0x48: {  	_ =	shalt  }
0x49: {  	_ =	shalt  }
0x4a: {  	_ =	shalt  }
0x4b: {  	_ =	shalt  }
0x4c: {  	_ =	shalt  }
0x4d: {  	_ =	shalt  }
0x4e: {  	_ =	shalt  }
0x4f: {  	_ =	shalt  }
0x50: {  	_ =	shalt  }
0x51: {  	_ =	shalt  }
0x52: {  	_ =	shalt  }
0x53: {  	_ =	shalt  }
0x54: {  	_ =	shalt  }
0x55: {  	_ =	shalt  }
0x56: {  	_ =	shalt  }
0x57: {  	_ =	shalt  }
0x58: {  	_ =	shalt  }
0x59: {  	_ =	shalt  }
0x5a: {  	_ =	shalt  }
0x5b: {  	_ =	shalt  }
0x5c: {  	_ =	shalt  }
0x5d: {  	_ =	shalt  }
0x5e: {  	_ =	shalt  }
0x5f: {  	_ =	shalt  }
0x60: {  	_ =	shalt  }
0x61: {  	_ =	shalt  }
0x62: {  	_ =	shalt  }
0x63: {  	_ =	shalt  }
0x64: {  	_ =	shalt  }
0x65: {  	_ =	shalt  }
0x66: {  	_ =	shalt  }
0x67: {  	_ =	shalt  }
0x68: {  	_ =	shalt  }
0x69: {  	_ =	shalt  }
0x6a: {  	_ =	shalt  }
0x6b: {  	_ =	shalt  }
0x6c: {  	_ =	shalt  }
0x6d: {  	_ =	shalt  }
0x6e: {  	_ =	shalt  }
0x6f: {  	_ =	shalt  }
0x70: {  	_ =	shalt  }
0x71: {  	_ =	shalt  }
0x72: {  	_ =	shalt  }
0x73: {  	_ =	shalt  }
0x74: {  	_ =	shalt  }
0x75: {  	_ =	shalt  }
0x76: {  	_ =	shalt  }
0x77: {  	_ =	shalt  }
0x78: {  	_ =	shalt  }
0x79: {  	_ =	shalt  }
0x7a: {  	_ =	shalt  }
0x7b: {  	_ =	shalt  }
0x7c: {  	_ =	shalt  }
0x7d: {  	_ =	shalt  }
0x7e: {  	_ =	shalt  }
0x7f: {  	_ =	shalt  }
0x80: {  	_ =	shalt  }
0x81: {  	_ =	shalt  }
0x82: {  	_ =	shalt  }
0x83: {  	_ =	shalt  }
0x84: {  	_ =	shalt  }
0x85: {  	_ =	shalt  }
0x86: {  	_ =	shalt  }
0x87: {  	_ =	shalt  }
.Lfunc_end0:
.L_simem_size_0:
called_computation.2_lowered:
.L_overlay_start_0:
0x88: {  	s2 =	sld [smem:$0x3FD9]  }
0x89: {  	s3 =	sld [smem:$0x3FFE];
	_ =	sdelay $0x1  }
0x8a: {  	s1 =	srdreg.scid  }
0x8b: {  	s0 =	sand.u32 $0x1, s1  }
0x8c: {  	s16 =	sshll.u32 s0, $0xA;
	s2 =	sadd.s32 s3, s2  }
0x8d: {  	s2 =	sadd.s32 s2, s16  }
0x8e: {  	[smem:$0x3FC2] =	sst s2  }
0x8f: {  	_ = 	snop  }
0x90: {  	(tm) =	ssettm $0x1  }
0x91: {  	s17 =	sld [smem:$0x3FFB];
	_ =	sdelay $0x3  }
0x92: {  	_ =	strace s17  }
0x93: {  	s2 =	sld [smem:$0x3FFC];
	_ =	sdelay $0x3  }
0x94: {  	_ =	strace s2  }
0x95: {  	s2 =	sld [smem:$0x3FFD];
	_ =	sdelay $0x3  }
0x96: {  	_ =	strace s2  }
0x97: {  	_ =	strace $0x8FFFFFFF  }
0x98: {  	s18 =	sld [smem:$0x3FDB];
	_ =	sdelay $0x1  }
0x99: {  	s19 =	simm.s32 $_scs_section_size  }
0x9a: {  	s4 =	simm.s32 $_size__tile_overlayer_lowered;
	s5 =	simm.s32 $_tile_overlayer_lowered  }
0x9b: {  	s22 =	simm.s32 $0x1BFF;
	s21 =	sshll.u32 s5, $0x1;
	s2 =	sadd.s32 s19, s18  }
0x9c: {  	s6 =	simm.s32 $0x0;
	s20 =	sshll.u32 s4, $0x1;
	s4 =	sadd.s32 s21, s2  }
0x9d: {  	[timem:s6], [sflag:s22] =	dma.local [hbm:s4], s20  }
0x9e: {  	_ =	swait.ge [sflag:s22], s20  }
0x9f: {  	s3 =	ssub.s32 $0x0, s20;
	[sflag:s22] =	ssyncset.done $0x0  }
0xa0: {  	[sflag:s22] =	ssyncadd.s32 s3;
	_ =	sdelay $0x1  }
0xa1: {  	s23 =	simm.s32 $0x1B8B  }
0xa2: {  	_ =	swait.ge [sflag:s23], $0x1  }
0xa3: {  	[sflag:s23] =	ssyncset.done $0x0  }
0xa4: {  	s25 =	simm.s32 $0x1B8E;
	s24 =	sld [smem:$0x3FFE];
	[sflag:s23] =	ssyncadd.s32 $0xFFFFFFFF  }
0xa5: {  	s26 =	simm.s32 $execute0_lowered;
	[smem:$0x3FD2] =	sst s25  }
0xa6: {  	s4 =	sshll.u32 s26, $0x1;
	_ =	strace $0x8000004C;
	[dreg:$0x1] =	wrdreg $0xFFFFFFFF  }
0xa7: {  	s28 =	simm.s32 $_size_execute0_lowered;
	s2 =	sadd.s32 s2, s4;
	[dreg:$0x0] =	wrdreg $0x0  }
0xa8: {  	s4 =	sshll.u32 s28, $0x1;
	[dreg:$0x2] =	wrdreg s2  }
0xa9: {  	[dreg:$0x3] =	wrdreg s4  }
0xaa: {  	[dreg:$0x4] =	wrdreg $0xC0  }
0xab: {  	_ =	task [dreg:s6], $0x5FFFF  }
0xac: {  	[dreg:$0x1] =	wrdreg $0xFFFFFFFF  }
0xad: {  	[dreg:$0x0] =	wrdreg $0x60  }
0xae: {  	[dreg:$0x2] =	wrdreg s24  }
0xaf: {  	[dreg:$0x3] =	wrdreg $0xB0000  }
0xb0: {  	[dreg:$0x4] =	wrdreg $0x9  }
0xb1: {  	_ =	task.clear_ibuf [dreg:s6], $0x5FFFF;
	_ =	strace $0x9000004C  }
0xb2: {  	s29 =	simm.s32 $0x9;
	_ =	strace $0x8000004E  }
0xb3: {  	_ =	swait.ge [sflag:s29], $0x1  }
0xb4: {  	[sflag:s29] =	ssyncadd.s32 $0xFFFFFFFF  }
0xb5: {  	_ =	strace $0x9000004E  }
0xb6: {  	_ =	sfence  }
0xb7: {  	s30 =	sld [smem:$0x0];
	_ =	sdelay $0x2  }
0xb8: {  	s31 =	sshll.u32 s1, $0xD;
	s1 =	sshrl.u32 s1, $0x2  }
0xb9: {  	s3 =	sand.u32 $0x4000, s31;
	s1 =	sadd.s32 s1, s30  }
0xba: {  	s0 =	sor.u32 s3, s0;
	s1 =	sshll.u32 s1, $0x11  }
0xbb: {  	s0 =	sor.u32 s1, s0  }
0xbc: {  	s0 =	sadd.s32 $0x8F2B, s0  }
0xbd: {  	[sflag:s0] =	ssyncadd.remote.s32 $0x1  }
0xbe: {  	_ =	sfence.sel $0xFFFF  }
0xbf: {  	[dreg:$0x0] =	wrdreg $0xFFFFFFFF;
	(pc) =	sbr.abs _section_cstart, $3  }
0xc0: {  	[dreg:$0x1] =	wrdreg $0xFFFFFFFF  }
0xc1: {  	_ =	task.clear_ibuf [dreg:s6], $0x2FFFF;
	_ =	strace $0x9FFFFFFF  }
0xc2: {  	(tm) =	ssettm $0x7FFFFFFF  }
0xc3: {  	_ =	shalt  }
tec
execute0_lowered:
.L_overlay_start_1:
0x0: {  	(tag) =	ssettag $0x1  }
0x1: {  	s0 =	rddreg [dreg:$0x0]  }
0x2: {  	s2 =	rddreg [dreg:$0x1];
	s1 =	srdreg.scid  }
0x3: {  	s12 =	stileid.u32;
	s4 =	simm.s32 $0x0;
	s14 =	simm.s32 $0x9  }
0x4: {  	s15 =	simm.s32 $0x80;
	s16 =	simm.s32 $0x7000;
	s17 =	simm.s32 $0x7800  }
0x5: {  	s19 =	simm.s32 $0x8000;
	s21 =	simm.s32 $0x8800;
	s28 =	simm.s32 $0xA000  }
0x6: {  	s30 =	simm.s32 $0xA800;
	s31 =	simm.s32 $0x1;
	s18 =	simm.s32 $0x5  }
0x7: {  	s20 =	simm.s32 $0x6;
	s22 =	simm.s32 $0x7;
	s1 =	sand.u32 $0x1, s1  }
0x8: {  	s3 =	smul.u32 $0x2780, s12;
	[smem:$0x7FF] =	sst s4;
	s6 =	sadd.s32 $0xBE00, s0  }
0x9: {  	s7 =	sadd.s32 $0x1E00, s0;
	s4 =	sadd.s32 $0x16400, s0;
	s8 =	smul.u32 $0x5000, s12  }
0xa: {  	s9 =	sadd.s32 $0x15E00, s0;
	s11 =	smul.u32 $0xA00, s12;
	s29 =	sshll.u32 s12, $0x6  }
0xb: {  	s5 =	smul.u32 $0x27800, s1;
	_ =	strace $0x8000004D;
	[dreg:$0x4] =	wrdreg s9  }
0xc: {  	s23 =	ssub.s32 $0x2, s1;
	p0 =	sne.s32 s1, $0x0;
	s12 =	sor.u32 $0x1C09, s29  }
0xd: {  	s1 =	simm.s32 $0x3;
	s10 =	sshrl.u32 s23, $0x1;
	s8 =	sshrl.u32 s8, $0x3  }
0xe: {  	s26 =	sadd.s32 s7, s11;
	s5 =	sadd.s32 s3, s5;
	s24 =	ssub.s32 s23, s10  }
0xf: {  	s8 =	sadd.s32 $0x700, s8;
	[dreg:$0x8] =	wrdreg s26;
	s3 =	sadd.s32 s3, s2  }
0x10: {  	s23 =	simm.s32 $0x9000;
	s26 =	simm.s32 $0x0;
	s5 =	sshrl.u32 s5, $0x3  }
0x11: {  	s25 =	sadd.s32 s6, s8;
	s8 =	sadd.s32 s7, s8;
	s6 =	sadd.s32 s6, s11  }
0x12: {  	s11 =	smax.u32 s24, $0x1;
	s13 =	sshrl.u32 s3, $0x3;
	[dreg:$0x5] =	wrdreg s25  }
0x13: {  	s3 =	simm.s32 $0x4;
	s0 =	sadd.s32 s5, s0;
	[dreg:$0x6] =	wrdreg s8  }
0x14: {  	s24 =	simm.s32 $0x8;
	[dreg:$0x7] =	wrdreg s6;
	s0 =	sadd.s32 $0x1B400, s0  }
0x15: {  	s25 =	simm.s32 $0x9800;
	[dreg:$0x9] =	wrdreg s0;
	s0 =	simm.s32 $0x2  }
.LBB2_1:
0x16: {  	s5 =	simm.s32 @p0 $0x0;
	s6 =	rddreg [dreg:$0x5]  }
0x17: {  	[tilespmem:s5], [sflag:$0x1] =	stream.linear.gather @p0 [hbm4b:s6+s5], $0x1800, $0x38;
	[tilespmem:$0xD780] =	vst v63  }
0x18: {  	s7 =	rddreg [dreg:$0x6];
	s6 =	simm.s32 @p0 $0x3800  }
0x19: {  	[tilespmem:s6], [sflag:$0x2] =	stream.linear.gather @p0 [hbm4b:s7+s5], $0x1800, $0x38;
	[tilespmem:$0xD780] =	vst v63  }
0x1a: {  	s5 =	simm.s32 @!p0 $0x0;
	s6 =	rddreg [dreg:$0x7]  }
0x1b: {  	[tilespmem:s5], [sflag:$0x1] =	stream.linear.gather @!p0 [hbm4b:s6+s5], $0x3800, $0x38;
	[tilespmem:$0xD780] =	vst v63  }
0x1c: {  	s7 =	rddreg [dreg:$0x8];
	s6 =	simm.s32 @!p0 $0x3800  }
0x1d: {  	[tilespmem:s6], [sflag:$0x2] =	stream.linear.gather @!p0 [hbm4b:s7+s5], $0x3800, $0x38;
	[tilespmem:$0xD780] =	vst v63  }
0x1e: {  	s7 =	rddreg [dreg:$0x4]  }
0x1f: {  	[spmem:s13], [sflag:s12] =	dma.local [hbm:s7], $0x4F0  }
0x20: {  	_ =	swait.ge [sflag:s14], $0x4F0  }
0x21: {  	[sflag:s14] =	ssyncset.done $0x0  }
0x22: {  	s5 =	simm.s32 @p0 $0x1;
	[sflag:s14] =	ssyncadd.s32 $0xFFFFFB10  }
0x23: {  	_ =	swait.ge @p0 [sflag:s5], $0x1800  }
0x24: {  	[sflag:s5] =	ssyncset.done @p0 $0x0  }
0x25: {  	[sflag:s5] =	ssyncadd.s32 @p0 $0xFFFFE800;
	s5 =	simm.s32 @p0 $0x2  }
0x26: {  	_ =	swait.ge @p0 [sflag:s5], $0x1800  }
0x27: {  	[sflag:s5] =	ssyncset.done @p0 $0x0  }
0x28: {  	[sflag:s5] =	ssyncadd.s32 @p0 $0xFFFFE800;
	s5 =	simm.s32 @!p0 $0x1  }
0x29: {  	_ =	swait.ge @!p0 [sflag:s5], $0x3800  }
0x2a: {  	[sflag:s5] =	ssyncset.done @!p0 $0x0  }
0x2b: {  	[sflag:s5] =	ssyncadd.s32 @!p0 $0xFFFFC800;
	s5 =	simm.s32 @!p0 $0x2  }
0x2c: {  	_ =	swait.ge @!p0 [sflag:s5], $0x3800  }
0x2d: {  	[sflag:s5] =	ssyncset.done @!p0 $0x0  }
0x2e: {  	[sflag:s5] =	ssyncadd.s32 @!p0 $0xFFFFC800  }
0x2f: {  	s8 =	simm.s32 $0x0;
	[bflag:$0x0] =	sbarrier.arrive $0xFFFF  }
0x30: {  	[tilespmem:s16], [sflag:$0x1] =	stream.indirect.gather [hbm4b:s4+s15], $0x10, s8, s15, $0xb8;
	[tilespmem:$0xD780] =	vst v63  }
0x31: {  	_ = 	snop  }
0x32: {  	[tilespmem:s17], [sflag:$0x2] =	stream.indirect.gather [hbm4b:s4+s15], $0x10, s15, s15, $0xb8;
	[tilespmem:$0xD780] =	vst v63  }
0x33: {  	s9 =	simm.s32 $0x100  }
0x34: {  	[tilespmem:s19], [sflag:$0x3] =	stream.indirect.gather [hbm4b:s4+s15], $0x10, s9, s15, $0xb8;
	[tilespmem:$0xD780] =	vst v63  }
0x35: {  	s10 =	simm.s32 $0x180;
	s29 =	simm.s32 @!p0 $0x70  }
0x36: {  	[tilespmem:s21], [sflag:$0x4] =	stream.indirect.gather [hbm4b:s4+s15], $0x10, s10, s15, $0xb8;
	[tilespmem:$0xD780] =	vst v63  }
0x37: {  	s29 =	simm.s32 @p0 $0x30;
	s6 =	simm.s32 $0x200  }
0x38: {  	[tilespmem:s23], [sflag:$0x5] =	stream.indirect.gather [hbm4b:s4+s15], $0x10, s6, s15, $0xb8;
	[tilespmem:$0xD780] =	vst v63  }
0x39: {  	s7 =	simm.s32 $0x280;
	s10 =	sshll.u32 s29, $0x9  }
0x3a: {  	[tilespmem:s25], [sflag:$0x6] =	stream.indirect.gather [hbm4b:s4+s15], $0x10, s7, s15, $0xb8;
	[tilespmem:$0xD780] =	vst v63  }
0x3b: {  	s8 =	simm.s32 $0x300;
	s9 =	simm.s32 $0x380;
	s5 =	sand.u32 $0xF000, s10  }
0x3c: {  	[tilespmem:s28], [sflag:$0x7] =	stream.indirect.gather [hbm4b:s4+s15], $0x10, s8, s15, $0xb8;
	[tilespmem:$0xD780] =	vst v63  }
0x3d: {  	[dreg:$0x3] =	wrdreg s5;
	s5 =	simm.s32 $0x8;
	s6 =	simm.s32 $0x0  }
0x3e: {  	[tilespmem:s30], [sflag:$0x8] =	stream.indirect.gather [hbm4b:s4+s15], $0x10, s9, s15, $0xb8;
	[tilespmem:$0xD780] =	vst v63  }
.LBB2_2:
0x3f: {  	_ =	swait.ge [sflag:s31], $0x800  }
0x40: {  	s7 =	sshra.s32 s6, $0x2;
	[sflag:s31] =	ssyncset.done $0x0  }
0x41: {  	s8 =	sadd.s32 $0x3800, s7;
	[sflag:s31] =	ssyncadd.s32 $0xFFFFF800  }
0x42: {  	[spmem:s2] =	stream.indirect.scatter.add.f32 [tilespmem:s16], [sflag:$0x9], $0x10, s8, s15, $0xb8;
	[tilespmem:$0xD780] =	vst v63  }
0x43: {  	p1 =	sge.u32 s5, s29;
	_ =	swait.ge [sflag:s14], $0x800  }
0x44: {  	s9 =	simm.s32 @!p1 $0x80;
	s8 =	sshra.s32 @!p1 s6, $0x2;
	[sflag:s14] =	ssyncset.done $0x0  }
0x45: {  	s10 =	simm.s32 @!p1 $0x7000;
	s8 =	sadd.s32 @!p1 $0x400, s8;
	[sflag:s14] =	ssyncadd.s32 $0xFFFFF800  }
0x46: {  	[tilespmem:s10], [sflag:$0x1] =	stream.indirect.gather @!p1 [hbm4b:s4+s9], $0x10, s8, s9, $0xb8;
	[tilespmem:$0xD780] =	vst v63  }
0x47: {  	_ =	swait.ge [sflag:s0], $0x800  }
0x48: {  	[sflag:s0] =	ssyncset.done $0x0  }
0x49: {  	s10 =	sadd.s32 $0x3880, s7;
	s9 =	sadd.s32 $0x1, s5;
	[sflag:s0] =	ssyncadd.s32 $0xFFFFF800  }
0x4a: {  	[spmem:s2] =	stream.indirect.scatter.add.f32 [tilespmem:s17], [sflag:$0x9], $0x10, s10, s15, $0xb8;
	[tilespmem:$0xD780] =	vst v63  }
0x4b: {  	p1 =	sge.u32 s9, s29;
	_ =	swait.ge [sflag:s14], $0x800  }
0x4c: {  	s8 =	sshra.s32 @!p1 s6, $0x2;
	s9 =	simm.s32 @!p1 $0x80;
	[sflag:s14] =	ssyncset.done $0x0  }
0x4d: {  	s8 =	sadd.s32 @!p1 $0x480, s8;
	s10 =	simm.s32 @!p1 $0x7800;
	[sflag:s14] =	ssyncadd.s32 $0xFFFFF800  }
0x4e: {  	[tilespmem:s10], [sflag:$0x2] =	stream.indirect.gather @!p1 [hbm4b:s4+s9], $0x10, s8, s9, $0xb8;
	[tilespmem:$0xD780] =	vst v63  }
0x4f: {  	_ =	swait.ge [sflag:s1], $0x800  }
0x50: {  	[sflag:s1] =	ssyncset.done $0x0  }
0x51: {  	s10 =	sadd.s32 $0x3900, s7;
	s9 =	sadd.s32 $0x2, s5;
	[sflag:s1] =	ssyncadd.s32 $0xFFFFF800  }
0x52: {  	[spmem:s2] =	stream.indirect.scatter.add.f32 [tilespmem:s19], [sflag:$0x9], $0x10, s10, s15, $0xb8;
	[tilespmem:$0xD780] =	vst v63  }
0x53: {  	p1 =	sge.u32 s9, s29;
	_ =	swait.ge [sflag:s14], $0x800  }
0x54: {  	s8 =	sshra.s32 @!p1 s6, $0x2;
	s9 =	simm.s32 @!p1 $0x80;
	[sflag:s14] =	ssyncset.done $0x0  }
0x55: {  	s8 =	sadd.s32 @!p1 $0x500, s8;
	s10 =	simm.s32 @!p1 $0x8000;
	[sflag:s14] =	ssyncadd.s32 $0xFFFFF800  }
0x56: {  	[tilespmem:s10], [sflag:$0x3] =	stream.indirect.gather @!p1 [hbm4b:s4+s9], $0x10, s8, s9, $0xb8;
	[tilespmem:$0xD780] =	vst v63  }
0x57: {  	_ =	swait.ge [sflag:s3], $0x800  }
0x58: {  	[sflag:s3] =	ssyncset.done $0x0  }
0x59: {  	s10 =	sadd.s32 $0x3980, s7;
	s9 =	sadd.s32 $0x3, s5;
	[sflag:s3] =	ssyncadd.s32 $0xFFFFF800  }
0x5a: {  	[spmem:s2] =	stream.indirect.scatter.add.f32 [tilespmem:s21], [sflag:$0x9], $0x10, s10, s15, $0xb8;
	[tilespmem:$0xD780] =	vst v63  }
0x5b: {  	p1 =	sge.u32 s9, s29;
	_ =	swait.ge [sflag:s14], $0x800  }
0x5c: {  	s8 =	sshra.s32 @!p1 s6, $0x2;
	s9 =	simm.s32 @!p1 $0x80;
	[sflag:s14] =	ssyncset.done $0x0  }
0x5d: {  	s8 =	sadd.s32 @!p1 $0x580, s8;
	s10 =	simm.s32 @!p1 $0x8800;
	[sflag:s14] =	ssyncadd.s32 $0xFFFFF800  }
0x5e: {  	[tilespmem:s10], [sflag:$0x4] =	stream.indirect.gather @!p1 [hbm4b:s4+s9], $0x10, s8, s9, $0xb8;
	[tilespmem:$0xD780] =	vst v63  }
0x5f: {  	_ =	swait.ge [sflag:s18], $0x800  }
0x60: {  	[sflag:s18] =	ssyncset.done $0x0  }
0x61: {  	s10 =	sadd.s32 $0x3A00, s7;
	s9 =	sadd.s32 $0x4, s5;
	[sflag:s18] =	ssyncadd.s32 $0xFFFFF800  }
0x62: {  	[spmem:s2] =	stream.indirect.scatter.add.f32 [tilespmem:s23], [sflag:$0x9], $0x10, s10, s15, $0xb8;
	[tilespmem:$0xD780] =	vst v63  }
0x63: {  	p1 =	sge.u32 s9, s29;
	_ =	swait.ge [sflag:s14], $0x800  }
0x64: {  	s8 =	sshra.s32 @!p1 s6, $0x2;
	s9 =	simm.s32 @!p1 $0x80;
	[sflag:s14] =	ssyncset.done $0x0  }
0x65: {  	s8 =	sadd.s32 @!p1 $0x600, s8;
	s10 =	simm.s32 @!p1 $0x9000;
	[sflag:s14] =	ssyncadd.s32 $0xFFFFF800  }
0x66: {  	[tilespmem:s10], [sflag:$0x5] =	stream.indirect.gather @!p1 [hbm4b:s4+s9], $0x10, s8, s9, $0xb8;
	[tilespmem:$0xD780] =	vst v63  }
0x67: {  	_ =	swait.ge [sflag:s20], $0x800  }
0x68: {  	[sflag:s20] =	ssyncset.done $0x0  }
0x69: {  	s10 =	sadd.s32 $0x3A80, s7;
	s9 =	sadd.s32 $0x5, s5;
	[sflag:s20] =	ssyncadd.s32 $0xFFFFF800  }
0x6a: {  	[spmem:s2] =	stream.indirect.scatter.add.f32 [tilespmem:s25], [sflag:$0x9], $0x10, s10, s15, $0xb8;
	[tilespmem:$0xD780] =	vst v63  }
0x6b: {  	p1 =	sge.u32 s9, s29;
	_ =	swait.ge [sflag:s14], $0x800  }
0x6c: {  	s8 =	sshra.s32 @!p1 s6, $0x2;
	s9 =	simm.s32 @!p1 $0x80;
	[sflag:s14] =	ssyncset.done $0x0  }
0x6d: {  	s8 =	sadd.s32 @!p1 $0x680, s8;
	s10 =	simm.s32 @!p1 $0x9800;
	[sflag:s14] =	ssyncadd.s32 $0xFFFFF800  }
0x6e: {  	[tilespmem:s10], [sflag:$0x6] =	stream.indirect.gather @!p1 [hbm4b:s4+s9], $0x10, s8, s9, $0xb8;
	[tilespmem:$0xD780] =	vst v63  }
0x6f: {  	_ =	swait.ge [sflag:s22], $0x800  }
0x70: {  	[sflag:s22] =	ssyncset.done $0x0  }
0x71: {  	s10 =	sadd.s32 $0x3B00, s7;
	s9 =	sadd.s32 $0x6, s5;
	[sflag:s22] =	ssyncadd.s32 $0xFFFFF800  }
0x72: {  	[spmem:s2] =	stream.indirect.scatter.add.f32 [tilespmem:s28], [sflag:$0x9], $0x10, s10, s15, $0xb8;
	[tilespmem:$0xD780] =	vst v63  }
0x73: {  	p1 =	sge.u32 s9, s29;
	_ =	swait.ge [sflag:s14], $0x800  }
0x74: {  	s8 =	sshra.s32 @!p1 s6, $0x2;
	s9 =	simm.s32 @!p1 $0x80;
	[sflag:s14] =	ssyncset.done $0x0  }
0x75: {  	s8 =	sadd.s32 @!p1 $0x700, s8;
	s10 =	simm.s32 @!p1 $0xA000;
	[sflag:s14] =	ssyncadd.s32 $0xFFFFF800  }
0x76: {  	[tilespmem:s10], [sflag:$0x7] =	stream.indirect.gather @!p1 [hbm4b:s4+s9], $0x10, s8, s9, $0xb8;
	[tilespmem:$0xD780] =	vst v63  }
0x77: {  	_ =	swait.ge [sflag:s24], $0x800  }
0x78: {  	s10 =	sadd.s32 $0x7, s5;
	[sflag:s24] =	ssyncset.done $0x0  }
0x79: {  	s7 =	sadd.s32 $0x3B80, s7;
	p1 =	sge.u32 s10, s29;
	[sflag:s24] =	ssyncadd.s32 $0xFFFFF800  }
0x7a: {  	[spmem:s2] =	stream.indirect.scatter.add.f32 [tilespmem:s30], [sflag:$0x9], $0x10, s7, s15, $0xb8;
	[tilespmem:$0xD780] =	vst v63  }
0x7b: {  	s8 =	simm.s32 @!p1 $0x80;
	s9 =	simm.s32 @!p1 $0xA800;
	_ =	swait.ge [sflag:s14], $0x800  }
0x7c: {  	s7 =	sshra.s32 @!p1 s6, $0x2;
	s6 =	sadd.s32 $0x1000, s6;
	[sflag:s14] =	ssyncset.done $0x0  }
0x7d: {  	s7 =	sadd.s32 @!p1 $0x780, s7;
	s10 =	rddreg [dreg:$0x3];
	[sflag:s14] =	ssyncadd.s32 $0xFFFFF800  }
0x7e: {  	[tilespmem:s9], [sflag:$0x8] =	stream.indirect.gather @!p1 [hbm4b:s4+s8], $0x10, s7, s8, $0xb8;
	[tilespmem:$0xD780] =	vst v63  }
0x7f: {  	p1 =	sne.s32 s10, s6  }
.Ltmp0:
0x80: {  	_ = 	snop;
	(pc) =	sbr.rel @p1 .LBB2_2-.Ltmp0, $2  }
0x81: {  	_ =	sdelay $0x2  }
0x82: {  	s5 =	sadd.s32 $0x8, s5  }
0x83: {  	s26 =	sadd.s32 $0x1, s26  }
0x84: {  	[bflag:$0x0] =	sbarrier.arrive $0xFFFF;
	p1 =	sne.s32 s26, s11  }
.Ltmp1:
0x85: {  	s5 =	rddreg [dreg:$0x9];
	(pc) =	sbr.rel @p1 .LBB2_1-.Ltmp1, $4  }
0x86: {  	[hbm:s5], [sflag:s12] =	dma.local [spmem:s13], $0x4F0  }
0x87: {  	_ =	swait.ge [sflag:s14], $0x4F0  }
0x88: {  	[sflag:s14] =	ssyncset.done $0x0  }
0x89: {  	[sflag:s14] =	ssyncadd.s32 $0xFFFFFB10  }
0x8a: {  	_ =	sfence.sel $0x180000  }
0x8b: {  	[bflag:$0x0] =	sbarrier.arrive $0xFFFF  }
0x8c: {  	_ =	strace $0x9000004D  }
0x8d: {  	s0 =	stileid.u32;
	[bflag:$0x2] =	sbarrier.arrive $0xFFFF  }
0x8e: {  	p0 =	sne.s32 s0, $0x0;
	s0 =	rddreg [dreg:$0x2]  }
0x8f: {  	s0 =	sadd.s32 @!p0 $0x100000, s0  }
0x90: {  	[sflag:s0] =	ssyncadd.tile.s32 @!p0 $0x1;
	_ =	shalt  }
.Lfunc_end2:
_tile_overlayer_lowered:
.L_overlay_start_2:
0x91: {  	(tag) =	ssettag $0x2  }
0x92: {  	s0 =	rddreg [dreg:$0x0];
	s2 =	stileid.u32  }
0x93: {  	s1 =	rddreg [dreg:$0x1];
	p0 =	sne.s32 s2, $0x0  }
0x94: {  	s3 =	rddreg [dreg:$0x2];
	[bflag:$0x3] =	sbarrier.arrive $0xFFFF;
	s2 =	simm.s32 @!p0 $0x1C09  }
0x95: {  	[timem:s3], [sflag:s2] =	dma.local @!p0 [hbm:s0], s1  }
0x96: {  	s0 =	simm.s32 @!p0 $0x9  }
0x97: {  	_ =	swait.ge @!p0 [sflag:s0], s1  }
0x98: {  	s1 =	ssub.s32 @!p0 $0x0, s1;
	[sflag:s0] =	ssyncset.done @!p0 $0x0  }
0x99: {  	[sflag:s0] =	ssyncadd.s32 @!p0 s1  }
0x9a: {  	[bflag:$0x3] =	sbarrier.arrive $0xFFFF  }
0x9b: {  	_ =	shalt  }

// kernel: kernel.8.cloned.1.call-start
scs
__scs_entry_jumppad:
0x0: {  	(pc) =	sbr.rel $0x88, $3  }
0x1: {  	(tag) =	ssettag $0x0;
	lr =	simm.s32 $0x1  }
0x2: {  	[smem:$0x3F9B] =	sst lr;
	_ =	strace $0xD0000000  }
0x3: {  	_ = 	snop  }
0x4: {  	_ = 	snop  }
0x5: {  	_ = 	snop  }
0x6: {  	_ = 	snop  }
0x7: {  	_ = 	snop  }
__scs_overlays_trampoline_lowered:
0x8: {  	[smem:$0x3FAA] =	sst s0  }
0x9: {  	[smem:$0x3FAB] =	sst s1  }
0xa: {  	[smem:$0x3FAC] =	sst s2  }
0xb: {  	[smem:$0x3FAD] =	sst s3  }
0xc: {  	[smem:$0x3FAE] =	sst s4  }
0xd: {  	[smem:$0x3FAF] =	sst s5  }
0xe: {  	[smem:$0x3FB0] =	sst s6  }
0xf: {  	[smem:$0x3FB1] =	sst s7  }
0x10: {  	[smem:$0x3FB2] =	sst s8  }
0x11: {  	[smem:$0x3FB3] =	sst s9;
	s0 =	simm.s32 @!p0 $0x0  }
0x12: {  	s1 =	sld [smem:$0x3F99];
	s0 =	simm.s32 @p0 $0x1  }
0x13: {  	[smem:$0x3FB4] =	sst s0;
	s0 =	simm.s32 @!p1 $0x0  }
0x14: {  	s2 =	sld [smem:$0x3F98];
	s0 =	simm.s32 @p1 $0x1  }
0x15: {  	[smem:$0x3FB5] =	sst s0;
	s0 =	simm.s32 @!p2 $0x0  }
0x16: {  	s3 =	sld [smem:$0x3FDB];
	s0 =	simm.s32 @p2 $0x1  }
0x17: {  	s4 =	simm.s32 $0x1BF5;
	[smem:$0x3FB7] =	sst s0  }
0x18: {  	s0 =	sld [smem:$0x3F9A];
	_ =	swait.ge [sflag:s4], $0x0  }
0x19: {  	s7 =	sld [smem:$0x3F9B]  }
0x1a: {  	s8 =	sadd.s32 $0xFFFFE003, lr  }
0x1b: {  	s9 =	sadd.s32 $0xFFFFFEF7, lr;
	s5 =	simm.s32 $0xFFFFFFFF;
	p2 =	slt.u32 s8, $0xFFFFF086  }
0x1c: {  	p1 =	slt.u32 s9, $0xF7A;
	s5 =	simm.s32 @!p2 $0x0  }
0x1d: {  	s5 =	simm.s32 @p1 $0x1;
	p0 =	seq.s32 s7, s2  }
0x1e: {  	s7 =	smul.u32 @!p0 $0xF7A, s2;
	p2 =	seq.s32 @!p0 s5, $0x0  }
0x1f: {  	s9 =	smul.u32 $0xF7A, s1;
	s8 =	simm.s32 @!p0 $0x1BF5;
	p2 =	por !p2, p0  }
0x20: {  	[sflag:s8] =	ssyncset.s32 @!p0 $0xFFFFF086;
	s6 =	sadd.s32 @!p0 s3, s7;
	s7 =	simm.s32 @!p0 $0x108  }
0x21: {  	s3 =	sadd.s32 s3, s9;
	s6 =	sadd.s32 @!p0 $0x88, s6;
	s7 =	simm.s32 @p2 $0x1082  }
0x22: {  	[simem:s7], [sflag:s8] =	dma.local @!p0 [hbm:s6], $0xF7A  }
0x23: {  	s9 =	sor.u32 $0xD0000000, s2;
	s6 =	simm.s32 $0x108;
	_ =	swait.ge @!p0 [sflag:s8], $0x0  }
0x24: {  	s3 =	sadd.s32 $0x88, s3;
	s6 =	simm.s32 @!p1 $0x1082;
	[sflag:s4] =	ssyncset.s32 $0xFFFFF086  }
0x25: {  	[simem:s6], [sflag:s4] =	dma.local [hbm:s3], $0xF7A  }
0x26: {  	[smem:$0x3F9B] =	sst s1;
	(tag) =	ssettag s2;
	_ =	strace s9  }
0x27: {  	s1 =	sld [smem:$0x3FAB]  }
0x28: {  	s2 =	sld [smem:$0x3FAC]  }
0x29: {  	s4 =	sld [smem:$0x3FAE]  }
0x2a: {  	p0 =	seq.s32 s5, $0x0;
	s5 =	sld [smem:$0x3FAF]  }
0x2b: {  	s6 =	sld [smem:$0x3FB0]  }
0x2c: {  	s7 =	sld [smem:$0x3FB1]  }
0x2d: {  	s3 =	simm.s32 $0x108;
	s8 =	sld [smem:$0x3FB2]  }
0x2e: {  	s3 =	simm.s32 @!p0 $0x1082;
	s9 =	sld [smem:$0x3FB3]  }
0x2f: {  	lr =	sadd.s32 s0, s3;
	s0 =	sld [smem:$0x3FAA]  }
0x30: {  	s3 =	sld [smem:$0x3FAD]  }
0x31: {  	[smem:$0x3FB6] =	sst s10  }
0x32: {  	s10 =	sld [smem:$0x3FB4];
	_ =	sdelay $0x3  }
0x33: {  	p0 =	seq.s32 s10, $0x1;
	s10 =	sld [smem:$0x3FB6];
	_ =	sdelay $0x3  }
0x34: {  	[smem:$0x3FB6] =	sst s10  }
0x35: {  	s10 =	sld [smem:$0x3FB5];
	_ =	sdelay $0x3  }
0x36: {  	p1 =	seq.s32 s10, $0x1;
	s10 =	sld [smem:$0x3FB6];
	_ =	sdelay $0x3  }
0x37: {  	[smem:$0x3FB6] =	sst s10  }
0x38: {  	s10 =	sld [smem:$0x3FB7]  }
0x39: {  	_ = 	snop;
	(pc) =	sbr.ind lr, $3  }
0x3a: {  	_ = 	snop  }
0x3b: {  	_ = 	snop  }
0x3c: {  	p2 =	seq.s32 s10, $0x1;
	s10 =	sld [smem:$0x3FB6]  }
0x3d: {  	_ =	shalt  }
0x3e: {  	_ =	shalt  }
0x3f: {  	_ =	shalt  }
0x40: {  	_ =	shalt  }
0x41: {  	_ =	shalt  }
0x42: {  	_ =	shalt  }
0x43: {  	_ =	shalt  }
0x44: {  	_ =	shalt  }
0x45: {  	_ =	shalt  }
0x46: {  	_ =	shalt  }
0x47: {  	_ =	shalt  }
0x48: {  	_ =	shalt  }
0x49: {  	_ =	shalt  }
0x4a: {  	_ =	shalt  }
0x4b: {  	_ =	shalt  }
0x4c: {  	_ =	shalt  }
0x4d: {  	_ =	shalt  }
0x4e: {  	_ =	shalt  }
0x4f: {  	_ =	shalt  }
0x50: {  	_ =	shalt  }
0x51: {  	_ =	shalt  }
0x52: {  	_ =	shalt  }
0x53: {  	_ =	shalt  }
0x54: {  	_ =	shalt  }
0x55: {  	_ =	shalt  }
0x56: {  	_ =	shalt  }
0x57: {  	_ =	shalt  }
0x58: {  	_ =	shalt  }
0x59: {  	_ =	shalt  }
0x5a: {  	_ =	shalt  }
0x5b: {  	_ =	shalt  }
0x5c: {  	_ =	shalt  }
0x5d: {  	_ =	shalt  }
0x5e: {  	_ =	shalt  }
0x5f: {  	_ =	shalt  }
0x60: {  	_ =	shalt  }
0x61: {  	_ =	shalt  }
0x62: {  	_ =	shalt  }
0x63: {  	_ =	shalt  }
0x64: {  	_ =	shalt  }
0x65: {  	_ =	shalt  }
0x66: {  	_ =	shalt  }
0x67: {  	_ =	shalt  }
0x68: {  	_ =	shalt  }
0x69: {  	_ =	shalt  }
0x6a: {  	_ =	shalt  }
0x6b: {  	_ =	shalt  }
0x6c: {  	_ =	shalt  }
0x6d: {  	_ =	shalt  }
0x6e: {  	_ =	shalt  }
0x6f: {  	_ =	shalt  }
0x70: {  	_ =	shalt  }
0x71: {  	_ =	shalt  }
0x72: {  	_ =	shalt  }
0x73: {  	_ =	shalt  }
0x74: {  	_ =	shalt  }
0x75: {  	_ =	shalt  }
0x76: {  	_ =	shalt  }
0x77: {  	_ =	shalt  }
0x78: {  	_ =	shalt  }
0x79: {  	_ =	shalt  }
0x7a: {  	_ =	shalt  }
0x7b: {  	_ =	shalt  }
0x7c: {  	_ =	shalt  }
0x7d: {  	_ =	shalt  }
0x7e: {  	_ =	shalt  }
0x7f: {  	_ =	shalt  }
0x80: {  	_ =	shalt  }
0x81: {  	_ =	shalt  }
0x82: {  	_ =	shalt  }
0x83: {  	_ =	shalt  }
0x84: {  	_ =	shalt  }
0x85: {  	_ =	shalt  }
0x86: {  	_ =	shalt  }
0x87: {  	_ =	shalt  }
.Lfunc_end0:
.L_simem_size_0:
called_computation_lowered:
.L_overlay_start_0:
0x88: {  	s2 =	sld [smem:$0x3FD9]  }
0x89: {  	s3 =	sld [smem:$0x3FFE];
	_ =	sdelay $0x1  }
0x8a: {  	s1 =	srdreg.scid  }
0x8b: {  	s0 =	sand.u32 $0x1, s1  }
0x8c: {  	s17 =	sshll.u32 s0, $0xA;
	s2 =	sadd.s32 s3, s2  }
0x8d: {  	s2 =	sadd.s32 s2, s17  }
0x8e: {  	[smem:$0x3FC2] =	sst s2  }
0x8f: {  	_ = 	snop  }
0x90: {  	s2 =	sld [smem:$0x3FD0];
	(tm) =	ssettm $0x1  }
0x91: {  	s18 =	sld [smem:$0x3FFB];
	_ =	sdelay $0x3  }
0x92: {  	_ =	strace s18  }
0x93: {  	s3 =	sld [smem:$0x3FFC];
	_ =	sdelay $0x3  }
0x94: {  	_ =	strace s3  }
0x95: {  	s3 =	sld [smem:$0x3FFD];
	_ =	sdelay $0x3  }
0x96: {  	_ =	strace s3  }
0x97: {  	_ =	strace $0x8FFFFFFF  }
0x98: {  	s19 =	sld [smem:$0x3FDB];
	_ =	sdelay $0x1  }
0x99: {  	s4 =	simm.s32 $_scs_section_size  }
0x9a: {  	s5 =	simm.s32 $_size__tile_overlayer_lowered;
	s6 =	simm.s32 $_tile_overlayer_lowered  }
0x9b: {  	s22 =	simm.s32 $0x1BFF;
	s21 =	sshll.u32 s6, $0x1;
	s3 =	sadd.s32 s4, s19  }
0x9c: {  	s7 =	simm.s32 $0x0;
	s20 =	sshll.u32 s5, $0x1;
	s5 =	sadd.s32 s21, s3  }
0x9d: {  	[timem:s7], [sflag:s22] =	dma.local [hbm:s5], s20  }
0x9e: {  	_ =	swait.ge [sflag:s22], s20  }
0x9f: {  	s4 =	ssub.s32 $0x0, s20;
	[sflag:s22] =	ssyncset.done $0x0  }
0xa0: {  	[sflag:s22] =	ssyncadd.s32 s4;
	_ =	sdelay $0x1  }
0xa1: {  	s23 =	simm.s32 $0x1B8B  }
0xa2: {  	_ =	swait.ge [sflag:s23], $0x1  }
0xa3: {  	[sflag:s23] =	ssyncset.done $0x0  }
0xa4: {  	s25 =	simm.s32 $0x1B8E;
	s24 =	sld [smem:$0x3FFE];
	[sflag:s23] =	ssyncadd.s32 $0xFFFFFFFF  }
0xa5: {  	s26 =	simm.s32 $execute0_lowered;
	[smem:$0x3FD2] =	sst s25  }
0xa6: {  	s5 =	sshll.u32 s26, $0x1;
	_ =	strace $0x80000046;
	[dreg:$0x1] =	wrdreg $0xFFFFFFFF  }
0xa7: {  	s28 =	simm.s32 $_size_execute0_lowered;
	s3 =	sadd.s32 s3, s5;
	[dreg:$0x0] =	wrdreg $0x0  }
0xa8: {  	s5 =	sshll.u32 s28, $0x1;
	[dreg:$0x2] =	wrdreg s3  }
0xa9: {  	[dreg:$0x3] =	wrdreg s5  }
0xaa: {  	[dreg:$0x4] =	wrdreg $0xC0  }
0xab: {  	_ =	task [dreg:s7], $0x5FFFF  }
0xac: {  	[dreg:$0x1] =	wrdreg $0xFFFFFFFF  }
0xad: {  	[dreg:$0x0] =	wrdreg $0x60  }
0xae: {  	[dreg:$0x2] =	wrdreg s24  }
0xaf: {  	[dreg:$0x3] =	wrdreg s2  }
0xb0: {  	[dreg:$0x4] =	wrdreg $0x60000  }
0xb1: {  	[dreg:$0x5] =	wrdreg $0x87800  }
0xb2: {  	[dreg:$0x6] =	wrdreg $0x9  }
0xb3: {  	_ =	task.clear_ibuf [dreg:s7], $0x7FFFF;
	_ =	strace $0x90000046  }
0xb4: {  	s29 =	simm.s32 $0x9;
	_ =	strace $0x80000048  }
0xb5: {  	_ =	swait.ge [sflag:s29], $0x1  }
0xb6: {  	[sflag:s29] =	ssyncadd.s32 $0xFFFFFFFF  }
0xb7: {  	_ =	strace $0x90000048  }
0xb8: {  	_ =	sfence  }
0xb9: {  	s30 =	sld [smem:$0x0];
	_ =	sdelay $0x2  }
0xba: {  	s31 =	sshll.u32 s1, $0xD;
	s1 =	sshrl.u32 s1, $0x2  }
0xbb: {  	s3 =	sand.u32 $0x4000, s31;
	s1 =	sadd.s32 s1, s30  }
0xbc: {  	s0 =	sor.u32 s3, s0;
	s1 =	sshll.u32 s1, $0x11  }
0xbd: {  	s0 =	sor.u32 s1, s0  }
0xbe: {  	s0 =	sadd.s32 $0x8F2B, s0  }
0xbf: {  	[sflag:s0] =	ssyncadd.remote.s32 $0x1  }
0xc0: {  	_ =	sfence.sel $0xFFFF  }
0xc1: {  	[dreg:$0x0] =	wrdreg $0xFFFFFFFF;
	(pc) =	sbr.abs _section_cstart, $3  }
0xc2: {  	[dreg:$0x1] =	wrdreg $0xFFFFFFFF  }
0xc3: {  	_ =	task.clear_ibuf [dreg:s7], $0x2FFFF;
	_ =	strace $0x9FFFFFFF  }
0xc4: {  	(tm) =	ssettm $0x7FFFFFFF  }
0xc5: {  	_ =	shalt  }
tec
execute0_lowered:
.L_overlay_start_1:
0x0: {  	(tag) =	ssettag $0x1  }
0x1: {  	s7 =	rddreg [dreg:$0x0]  }
0x2: {  	s1 =	rddreg [dreg:$0x1]  }
0x3: {  	s3 =	rddreg [dreg:$0x2]  }
0x4: {  	s4 =	rddreg [dreg:$0x3]  }
0x5: {  	s0 =	rddreg [dreg:$0x4]  }
0x6: {  	s6 =	srdreg.scid;
	s2 =	stileid.u32  }
0x7: {  	s5 =	simm.s32 $0x0;
	s19 =	simm.s32 $0x80;
	s20 =	simm.s32 $0x1  }
0x8: {  	s21 =	simm.s32 $0x2;
	s22 =	simm.s32 $0x0;
	s11 =	smul.u32 $0x2780, s2  }
0x9: {  	s14 =	sand.u32 $0x1, s6;
	[smem:$0x7FF] =	sst s5;
	s10 =	smul.u32 $0x5000, s2  }
0xa: {  	s9 =	sadd.s32 $0xBE00, s7;
	s12 =	sadd.s32 $0x1E00, s7;
	s15 =	smul.u32 $0xA00, s2  }
0xb: {  	s31 =	sshll.u32 s2, $0x6;
	s6 =	smul.u32 $0x27800, s14;
	_ =	strace $0x80000047  }
0xc: {  	s28 =	ssub.s32 $0x2, s14;
	p0 =	sne.s32 s14, $0x0;
	s14 =	simm.s32 $0x5800  }
0xd: {  	s29 =	sshrl.u32 s10, $0x3;
	s30 =	sshrl.u32 s28, $0x1;
	s10 =	sadd.s32 s12, s15  }
0xe: {  	s17 =	sadd.s32 s11, s3;
	s18 =	sadd.s32 s11, s4;
	s8 =	sadd.s32 s11, s6  }
0xf: {  	s6 =	sadd.s32 $0x15E00, s7;
	s16 =	ssub.s32 s28, s30;
	s8 =	sshrl.u32 s8, $0x3  }
0x10: {  	s17 =	sshrl.u32 s17, $0x3;
	s13 =	sadd.s32 s8, s7;
	s8 =	sadd.s32 $0x580, s29  }
0x11: {  	s18 =	sshrl.u32 s18, $0x3;
	s7 =	sadd.s32 s9, s8;
	s8 =	sadd.s32 s12, s8  }
0x12: {  	s9 =	sadd.s32 s9, s15;
	s11 =	sadd.s32 $0x16400, s13;
	s12 =	sadd.s32 $0x20200, s13  }
0x13: {  	s13 =	smax.u32 s16, $0x1;
	s15 =	simm.s32 $0x3;
	s16 =	sor.u32 $0x1C03, s31  }
.LBB2_1:
0x14: {  	s23 =	simm.s32 @p0 $0x0  }
0x15: {  	[tilespmem:s23], [sflag:$0x1] =	stream.linear.gather @p0 [hbm4b:s7+s23], $0x2400, $0x38;
	[tilespmem:$0xAF00] =	vst v63  }
0x16: {  	s24 =	simm.s32 @p0 $0x2C00  }
0x17: {  	[tilespmem:s24], [sflag:$0x2] =	stream.linear.gather @p0 [hbm4b:s8+s23], $0x2400, $0x38;
	[tilespmem:$0xAF00] =	vst v63  }
0x18: {  	s23 =	simm.s32 @!p0 $0x0  }
0x19: {  	[tilespmem:s23], [sflag:$0x1] =	stream.linear.gather @!p0 [hbm4b:s9+s23], $0x2C00, $0x38;
	[tilespmem:$0xAF00] =	vst v63  }
0x1a: {  	s24 =	simm.s32 @!p0 $0x2C00  }
0x1b: {  	[tilespmem:s24], [sflag:$0x2] =	stream.linear.gather @!p0 [hbm4b:s10+s23], $0x2C00, $0x38;
	[tilespmem:$0xAF00] =	vst v63  }
0x1c: {  	_ = 	snop  }
0x1d: {  	[tilespmem:s14], [sflag:$0x3] =	stream.linear.gather [hbm4b:s1+s5], $0x800, $0x38;
	[tilespmem:$0xAF00] =	vst v63  }
0x1e: {  	_ =	swait.ge [sflag:s15], $0x800  }
0x1f: {  	[sflag:s15] =	ssyncset.done $0x0  }
0x20: {  	[sflag:s15] =	ssyncadd.s32 $0xFFFFF800  }
0x21: {  	[spmem:s17], [sflag:s16] =	dma.local [hbm:s6], $0x4F0  }
0x22: {  	_ =	swait.ge [sflag:s15], $0x4F0  }
0x23: {  	[sflag:s15] =	ssyncset.done $0x0  }
0x24: {  	[sflag:s15] =	ssyncadd.s32 $0xFFFFFB10  }
0x25: {  	[spmem:s18], [sflag:s16] =	dma.local [hbm:s6], $0x4F0  }
0x26: {  	_ =	swait.ge [sflag:s15], $0x4F0  }
0x27: {  	[sflag:s15] =	ssyncset.done $0x0  }
0x28: {  	s23 =	simm.s32 @p0 $0x1;
	[sflag:s15] =	ssyncadd.s32 $0xFFFFFB10  }
0x29: {  	_ =	swait.ge @p0 [sflag:s23], $0x2400  }
0x2a: {  	[sflag:s23] =	ssyncset.done @p0 $0x0  }
0x2b: {  	[sflag:s23] =	ssyncadd.s32 @p0 $0xFFFFDC00;
	s23 =	simm.s32 @p0 $0x2  }
0x2c: {  	_ =	swait.ge @p0 [sflag:s23], $0x2400  }
0x2d: {  	[sflag:s23] =	ssyncset.done @p0 $0x0  }
0x2e: {  	[sflag:s23] =	ssyncadd.s32 @p0 $0xFFFFDC00;
	s23 =	simm.s32 @!p0 $0x1  }
0x2f: {  	_ =	swait.ge @!p0 [sflag:s23], $0x2C00  }
0x30: {  	[sflag:s23] =	ssyncset.done @!p0 $0x0  }
0x31: {  	[sflag:s23] =	ssyncadd.s32 @!p0 $0xFFFFD400;
	s23 =	simm.s32 @!p0 $0x2  }
0x32: {  	_ =	swait.ge @!p0 [sflag:s23], $0x2C00  }
0x33: {  	[sflag:s23] =	ssyncset.done @!p0 $0x0  }
0x34: {  	s24 =	simm.s32 @!p0 $0x58;
	[sflag:s23] =	ssyncadd.s32 @!p0 $0xFFFFD400  }
0x35: {  	s24 =	simm.s32 @p0 $0x48;
	[bflag:$0x0] =	sbarrier.arrive $0xFFFF  }
0x36: {  	[spmem:s3] =	stream.indirect.scatter.add.f32 [tilespmem:s14], [sflag:$0x1], $0x10, s5, s19, $0xb8;
	[tilespmem:$0xAF00] =	vst v63  }
0x37: {  	p1 =	sne.s32 s24, $0x1;
	s23 =	simm.s32 $0x2C00  }
0x38: {  	[spmem:s4] =	stream.indirect.scatter.add.f32 [tilespmem:s14], [sflag:$0x2], $0x10, s23, s19, $0xb8;
	[tilespmem:$0xAF00] =	vst v63  }
.Ltmp0:
0x39: {  	_ =	swait.ge [sflag:s20], $0x800;
	(pc) =	sbr.rel @!p1 .LBB2_3-.Ltmp0, $4  }
0x3a: {  	[sflag:s20] =	ssyncset.done $0x0  }
0x3b: {  	[sflag:s20] =	ssyncadd.s32 $0xFFFFF800  }
0x3c: {  	_ =	swait.ge [sflag:s21], $0x800  }
0x3d: {  	s25 =	simm.s32 $0x0;
	s24 =	sadd.s32 $0xFFFFFFFF, s24;
	[sflag:s21] =	ssyncset.done $0x0  }
.LBB2_2:
0x3e: {  	[sflag:s21] =	ssyncadd.s32 $0xFFFFF800;
	s25 =	sadd.s32 $0x80, s25;
	s23 =	sadd.s32 $0x80, s23  }
0x3f: {  	[spmem:s3] =	stream.indirect.scatter.add.f32 [tilespmem:s14], [sflag:$0x1], $0x10, s25, s19, $0xb8;
	[tilespmem:$0xAF00] =	vst v63  }
0x40: {  	p1 =	sne.s32 s24, $0x1;
	s24 =	sadd.s32 $0xFFFFFFFF, s24  }
0x41: {  	[spmem:s4] =	stream.indirect.scatter.add.f32 [tilespmem:s14], [sflag:$0x2], $0x10, s23, s19, $0xb8;
	[tilespmem:$0xAF00] =	vst v63  }
.Ltmp1:
0x42: {  	_ =	swait.ge [sflag:s20], $0x800;
	(pc) =	sbr.rel @p1 .LBB2_2-.Ltmp1, $4  }
0x43: {  	[sflag:s20] =	ssyncset.done $0x0  }
0x44: {  	[sflag:s20] =	ssyncadd.s32 $0xFFFFF800  }
0x45: {  	_ =	swait.ge [sflag:s21], $0x800  }
0x46: {  	[sflag:s21] =	ssyncset.done $0x0  }
.LBB2_3:
0x47: {  	[sflag:s21] =	ssyncadd.s32 $0xFFFFF800  }
0x48: {  	[bflag:$0x0] =	sbarrier.arrive $0xFFFF  }
0x49: {  	[hbm:s11], [sflag:s16] =	dma.local [spmem:s17], $0x4F0  }
0x4a: {  	s22 =	sadd.s32 $0x1, s22;
	_ =	swait.ge [sflag:s15], $0x4F0  }
0x4b: {  	p1 =	sne.s32 s22, s13;
	[sflag:s15] =	ssyncset.done $0x0  }
.Ltmp2:
0x4c: {  	[sflag:s15] =	ssyncadd.s32 $0xFFFFFB10;
	(pc) =	sbr.rel @p1 .LBB2_1-.Ltmp2, $4  }
0x4d: {  	[hbm:s12], [sflag:s16] =	dma.local [spmem:s18], $0x4F0  }
0x4e: {  	_ =	swait.ge [sflag:s15], $0x4F0  }
0x4f: {  	[sflag:s15] =	ssyncset.done $0x0  }
0x50: {  	[sflag:s15] =	ssyncadd.s32 $0xFFFFFB10  }
0x51: {  	_ =	sfence.sel $0x180000  }
0x52: {  	[bflag:$0x0] =	sbarrier.arrive $0xFFFF  }
0x53: {  	p0 =	sne.s32 s2, $0x0;
	_ =	strace $0x90000047  }
0x54: {  	s0 =	sadd.s32 @!p0 $0x100000, s0;
	[bflag:$0x2] =	sbarrier.arrive $0xFFFF  }
0x55: {  	[sflag:s0] =	ssyncadd.tile.s32 @!p0 $0x1;
	_ =	shalt  }
.Lfunc_end2:
_tile_overlayer_lowered:
.L_overlay_start_2:
0x56: {  	(tag) =	ssettag $0x2  }
0x57: {  	s0 =	rddreg [dreg:$0x0];
	s2 =	stileid.u32  }
0x58: {  	s1 =	rddreg [dreg:$0x1];
	p0 =	sne.s32 s2, $0x0  }
0x59: {  	s3 =	rddreg [dreg:$0x2];
	[bflag:$0x3] =	sbarrier.arrive $0xFFFF;
	s2 =	simm.s32 @!p0 $0x1C03  }
0x5a: {  	[timem:s3], [sflag:s2] =	dma.local @!p0 [hbm:s0], s1  }
0x5b: {  	s0 =	simm.s32 @!p0 $0x3  }
0x5c: {  	_ =	swait.ge @!p0 [sflag:s0], s1  }
0x5d: {  	s1 =	ssub.s32 @!p0 $0x0, s1;
	[sflag:s0] =	ssyncset.done @!p0 $0x0  }
0x5e: {  	[sflag:s0] =	ssyncadd.s32 @!p0 s1  }
0x5f: {  	[bflag:$0x3] =	sbarrier.arrive $0xFFFF  }
0x60: {  	_ =	shalt  }

</sc_bundles>
